<compile_context>
chip_gen: v7x
topology: tpu7x:2x2x1
jax: 0.10.2.dev20260603
libtpu: 0.0.44.dev20260713+nightly
codegen_flags: <defaults>
</compile_context>

<pallas_src>
import functools

import jax
import jax.numpy as jnp
from jax import lax
from jax.experimental import pallas as pl
from jax.experimental.pallas import tpu as pltpu
from jax.experimental.pallas import tpu_sc as plsc

N = 10000
E = 320000
D = 128
L = 16
NT = 16
NPAD = 10240
ROWS = NPAD // L
ROWS_PER_TILE = ROWS // NT
EDGES_PER_TILE = E // NT
EVECS_PER_TILE = EDGES_PER_TILE // L
XROWS_PER_TILE = N // NT
XCHUNK = 125
NCHUNKS = XROWS_PER_TILE // XCHUNK
IDX_CHUNK = 128


def _zero_rows(ref, nrows):
    zeros = jnp.zeros((L,), jnp.float32)

    @plsc.parallel_loop(0, nrows, unroll=8)
    def _(i):
        ref[i] = zeros


def _gnn_body(x_hbm, edge_hbm, attr_hbm, out_hbm,
              src_v, dst_v, attr_v, w_v, wnew_v, xbuf0, xbuf1, idx_v, acc_v,
              part_v, zbuf, w_sh, part_sh, sem):
    cid = lax.axis_index("c")
    sid = lax.axis_index("s")

    @pl.when(cid == 0)
    def _():
        ebase = sid * EDGES_PER_TILE
        pltpu.async_copy(edge_hbm.at[0, pl.ds(ebase, EDGES_PER_TILE)],
                         src_v, sem)
        pltpu.async_copy(attr_hbm.at[pl.ds(ebase, EDGES_PER_TILE)],
                         attr_v, sem)
        pltpu.async_copy(edge_hbm.at[1, pl.ds(ebase, EDGES_PER_TILE)],
                         dst_v, sem)

        for j in range(ROWS // IDX_CHUNK):
            for k in range(IDX_CHUNK // L):
                idx_v[j, pl.ds(k * L, L)] = (
                    lax.iota(jnp.int32, L) + (j * IDX_CHUNK + k * L))

        pltpu.make_async_copy(edge_hbm.at[0, pl.ds(ebase, EDGES_PER_TILE)],
                              src_v, sem).wait()
        pltpu.make_async_copy(attr_hbm.at[pl.ds(ebase, EDGES_PER_TILE)],
                              attr_v, sem).wait()

        def edge_pass(first):
            @plsc.parallel_loop(0, EVECS_PER_TILE, unroll=4)
            def _(i):
                s = src_v[pl.ds(i * L, L)]
                a = attr_v[pl.ds(i * L, L)]
                if first:
                    m = a
                else:
                    d = dst_v[pl.ds(i * L, L)]
                    wd = plsc.load_gather(
                        w_v, [lax.shift_right_logical(d, 4),
                              jnp.bitwise_and(d, 15)])
                    m = wd * a
                plsc.addupdate_scatter(
                    wnew_v, [lax.shift_right_logical(s, 4),
                             jnp.bitwise_and(s, 15)], m)

        _zero_rows(zbuf, ROWS_PER_TILE)

        node0 = sid * XROWS_PER_TILE
        bufs = [xbuf0, xbuf1]

        def x_slice(c):
            return x_hbm.at[pl.ds(node0 + c * XCHUNK, XCHUNK)]

        _zero_rows(wnew_v, ROWS)
        for p in range(3):
            edge_pass(first=(p == 0))
            if p == 0:
                pltpu.make_async_copy(
                    edge_hbm.at[1, pl.ds(ebase, EDGES_PER_TILE)],
                    dst_v, sem).wait()

            pltpu.sync_copy(zbuf, w_sh.at[pl.ds(sid * ROWS_PER_TILE,
                                                ROWS_PER_TILE)])
            plsc.subcore_barrier()
            nj = ROWS // IDX_CHUNK
            for jj in range(nj):
                j = lax.rem(sid + jj, nj)
                pltpu.sync_copy(wnew_v.at[pl.ds(j * IDX_CHUNK, IDX_CHUNK)],
                                w_sh.at[idx_v.at[j]], add=True)
            if p < 2:
                _zero_rows(wnew_v, ROWS)
            plsc.subcore_barrier()
            if p == 2:
                pltpu.async_copy(x_slice(0), bufs[0], sem)
                pltpu.async_copy(x_slice(1), bufs[1], sem)
            pltpu.sync_copy(w_sh, w_v)
            plsc.subcore_barrier()

        acc = tuple(jnp.zeros((L,), jnp.float32) for _ in range(D // L))
        for c in range(NCHUNKS):
            buf = bufs[c % 2]
            pltpu.make_async_copy(x_slice(c), buf, sem).wait()

            @plsc.parallel_loop(0, XCHUNK, unroll=5, carry=acc)
            def row_body(r, acc):
                ln = node0 + c * XCHUNK + r
                wi = plsc.load_gather(
                    w_v, [jnp.full((L,), lax.shift_right_logical(ln, 4),
                                   jnp.int32),
                          jnp.full((L,), jnp.bitwise_and(ln, 15), jnp.int32)])
                return tuple(acc[k] + wi * buf[r, pl.ds(k * L, L)]
                             for k in range(D // L))

            acc = row_body
            if c + 2 < NCHUNKS:
                pltpu.async_copy(x_slice(c + 2), bufs[c % 2], sem)

        scale = jnp.float32(1.0 / N)
        for k in range(D // L):
            acc_v[0, pl.ds(k * L, L)] = acc[k] * scale
        pltpu.sync_copy(acc_v, part_sh.at[pl.ds(sid, 1)])
        plsc.subcore_barrier()

        @pl.when(sid == 0)
        def _():
            pltpu.sync_copy(part_sh, part_v)
            for k in range(D // L):
                tot = part_v[0, pl.ds(k * L, L)]
                for r in range(1, NT):
                    tot = tot + part_v[r, pl.ds(k * L, L)]
                acc_v[0, pl.ds(k * L, L)] = tot
            pltpu.sync_copy(acc_v, out_hbm)


@functools.lru_cache(maxsize=1)
def _build_gnn_sc():
    return functools.partial(
        pl.kernel,
        out_type=jax.ShapeDtypeStruct((1, D), jnp.float32),
        mesh=plsc.VectorSubcoreMesh(core_axis_name="c", subcore_axis_name="s",
                                    num_cores=2, num_subcores=NT),
        compiler_params=pltpu.CompilerParams(use_tc_tiling_on_sc=False,
                                             needs_layout_passes=False),
        scratch_types=[
            pltpu.VMEM((EDGES_PER_TILE,), jnp.int32),
            pltpu.VMEM((EDGES_PER_TILE,), jnp.int32),
            pltpu.VMEM((EDGES_PER_TILE,), jnp.float32),
            pltpu.VMEM((ROWS, L), jnp.float32),
            pltpu.VMEM((ROWS, L), jnp.float32),
            pltpu.VMEM((XCHUNK, D), jnp.float32),
            pltpu.VMEM((XCHUNK, D), jnp.float32),
            pltpu.VMEM((ROWS // IDX_CHUNK, IDX_CHUNK), jnp.int32),
            pltpu.VMEM((1, D), jnp.float32),
            pltpu.VMEM((NT, D), jnp.float32),
            pltpu.VMEM((ROWS_PER_TILE, L), jnp.float32),
            pltpu.VMEM_SHARED((ROWS, L), jnp.float32),
            pltpu.VMEM_SHARED((NT, D), jnp.float32),
            pltpu.SemaphoreType.DMA,
        ],
    )(_gnn_body)


def kernel(x, edge_index, edge_attr, batch):
    del batch
    return _build_gnn_sc()(x, edge_index, edge_attr)

# --- scband reference (transcript-rebuilt; emitter-appended) ---
"""Pipeline reference for scband-modular-gnn-42820823941536 (READ-ONLY COPY).

The authoritative reference and input builder live on the scoring server;
editing this copy changes nothing except your own understanding.
"""

import jax, jax.numpy as jnp
import numpy as np

N = 10000
E = 320000
D = 128


def setup_inputs(seed: int = 0) -> dict:
    key = jax.random.key(seed)
    k1, k2, k3 = jax.random.split(key, 3)
    x = jax.random.normal(k1, (N, D), dtype=jnp.float32)
    edge_index = jax.random.randint(k2, (2, E), 0, N, dtype=jnp.int32)
    edge_attr = jax.random.normal(k3, (E,), dtype=jnp.float32)
    batch = jnp.zeros((N,), dtype=jnp.int32)
    return {"x": x, "edge_index": edge_index, "edge_attr": edge_attr, "batch": batch}


def reference(x, edge_index, edge_attr, batch):
    # ModularGNN with layer_modes=[False,False,False], pathway_groups=None,
    # pathway_tensor=None -> each ModularPathwayConv layer just runs
    # propagate(edge_index, x=x, edge_attr=edge_attr) with 'sum' aggregation.
    # message(x_j, edge_attr) = x_j * edge_attr.view(-1, 1)
    # NOTE: self.linear is defined in __init__ but never applied in forward,
    # so feature dim stays constant across layers (faithful to the torch code).
    x = x.astype(jnp.float32)
    src = edge_index[0]
    dst = edge_index[1]

    def conv(h):
        msg = jnp.take(h, src, axis=0) * edge_attr[:, None]
        return jnp.zeros_like(h).at[dst].add(msg)

    h = x
    for _ in range(3):
        h = conv(h)

    # pooling_mode=None -> global_mean_pool(x, batch) then view(batch_size, -1)
    num_graphs = 1  # batch is all zeros (single graph)
    sums = jnp.zeros((num_graphs, h.shape[1]), dtype=h.dtype).at[batch].add(h)
    counts = jnp.zeros((num_graphs,), dtype=h.dtype).at[batch].add(1.0)
    pooled = sums / counts[:, None]
    return pooled.reshape(num_graphs, -1)

if __name__ == "__main__":
    import jax
    _d = setup_inputs()
    print(jax.jit(kernel)(*tuple(_d.values())))

</pallas_src>

<mosaic_0001>
#map = affine_map<(d0, d1) -> (0, 0)>
#map1 = affine_map<(d0, d1) -> (0)>
module attributes {stable_mosaic.version = 14 : i64} {
  func.func @_gnn_body(%arg0: i32, %arg1: i32, %arg2: memref<10000x128xf32, #tpu.memory_space<hbm>>, %arg3: memref<2x320000xi32, #tpu.memory_space<hbm>>, %arg4: memref<320000xf32, #tpu.memory_space<hbm>>, %arg5: memref<1x128xf32, #tpu.memory_space<hbm>>, %arg6: memref<20000xi32, #tpu.memory_space<vmem>>, %arg7: memref<20000xi32, #tpu.memory_space<vmem>>, %arg8: memref<20000xf32, #tpu.memory_space<vmem>>, %arg9: memref<640x16xf32, #tpu.memory_space<vmem>>, %arg10: memref<640x16xf32, #tpu.memory_space<vmem>>, %arg11: memref<125x128xf32, #tpu.memory_space<vmem>>, %arg12: memref<125x128xf32, #tpu.memory_space<vmem>>, %arg13: memref<5x128xi32, #tpu.memory_space<vmem>>, %arg14: memref<1x128xf32, #tpu.memory_space<vmem>>, %arg15: memref<16x128xf32, #tpu.memory_space<vmem>>, %arg16: memref<40x16xf32, #tpu.memory_space<vmem>>, %arg17: memref<640x16xf32, #tpu.memory_space<vmem_shared>>, %arg18: memref<16x128xf32, #tpu.memory_space<vmem_shared>>, %arg19: memref<!tpu.dma_semaphore, #tpu.memory_space<semaphore_mem>>) attributes {dimension_semantics = [#tpu.dimension_semantics<core_parallel>, #tpu.dimension_semantics<subcore_parallel>], iteration_bounds = array<i64: 2, 16>, scalar_prefetch = 0 : i64, scratch_operands = 14 : i64, tpu.core_type = #tpu.core_type<sc_vector_subcore>, window_params = [{transform_indices = #map}, {transform_indices = #map}, {transform_indices = #map1}, {transform_indices = #map}]} {
    %eq3A = arith.constant 0 : i32
    %eq3A_0 = arith.cmpi eq, %arg0, %eq3A : i32
    %convert_element_type3A = arith.extui %eq3A_0 : i1 to i32
    %cond3A = arith.constant 0 : i32
    %cond3A_1 = arith.cmpi ne, %convert_element_type3A, %cond3A : i32
    scf.if %cond3A_1 {
      %mul3A = arith.constant 20000 : i32
      %mul3A_2 = arith.muli %arg1, %mul3A : i32
      %dma_start3A = arith.constant 0 : i32
      %dma_start3A_3 = tpu.memref_slice %arg3[%dma_start3A, %mul3A_2] : memref<2x320000xi32, #tpu.memory_space<hbm>> -> memref<1x20000xi32, #tpu.memory_space<hbm>>
      %dma_start3A_4 = tpu.memref_squeeze %dma_start3A_3 : memref<1x20000xi32, #tpu.memory_space<hbm>> -> memref<20000xi32, #tpu.memory_space<hbm>>
      %dma_start3A_5 = tpu.memref_slice %arg3[%dma_start3A, %mul3A_2] : memref<2x320000xi32, #tpu.memory_space<hbm>> -> memref<1x20000xi32, #tpu.memory_space<hbm>>
      %dma_start3A_6 = tpu.memref_squeeze %dma_start3A_5 : memref<1x20000xi32, #tpu.memory_space<hbm>> -> memref<20000xi32, #tpu.memory_space<hbm>>
      tpu.enqueue_dma source(%dma_start3A_6 : memref<20000xi32, #tpu.memory_space<hbm>>) target(%arg6 : memref<20000xi32, #tpu.memory_space<vmem>>) target_semaphore(%arg19 : memref<!tpu.dma_semaphore, #tpu.memory_space<semaphore_mem>>)
      %dma_start3A_7 = tpu.memref_slice %arg4[%mul3A_2] : memref<320000xf32, #tpu.memory_space<hbm>> -> memref<20000xf32, #tpu.memory_space<hbm>>
      %dma_start3A_8 = tpu.memref_slice %arg4[%mul3A_2] : memref<320000xf32, #tpu.memory_space<hbm>> -> memref<20000xf32, #tpu.memory_space<hbm>>
      tpu.enqueue_dma source(%dma_start3A_8 : memref<20000xf32, #tpu.memory_space<hbm>>) target(%arg8 : memref<20000xf32, #tpu.memory_space<vmem>>) target_semaphore(%arg19 : memref<!tpu.dma_semaphore, #tpu.memory_space<semaphore_mem>>)
      %dma_start3A_9 = arith.constant 1 : i32
      %dma_start3A_10 = tpu.memref_slice %arg3[%dma_start3A_9, %mul3A_2] : memref<2x320000xi32, #tpu.memory_space<hbm>> -> memref<1x20000xi32, #tpu.memory_space<hbm>>
      %dma_start3A_11 = tpu.memref_squeeze %dma_start3A_10 : memref<1x20000xi32, #tpu.memory_space<hbm>> -> memref<20000xi32, #tpu.memory_space<hbm>>
      %dma_start3A_12 = tpu.memref_slice %arg3[%dma_start3A_9, %mul3A_2] : memref<2x320000xi32, #tpu.memory_space<hbm>> -> memref<1x20000xi32, #tpu.memory_space<hbm>>
      %dma_start3A_13 = tpu.memref_squeeze %dma_start3A_12 : memref<1x20000xi32, #tpu.memory_space<hbm>> -> memref<20000xi32, #tpu.memory_space<hbm>>
      tpu.enqueue_dma source(%dma_start3A_13 : memref<20000xi32, #tpu.memory_space<hbm>>) target(%arg7 : memref<20000xi32, #tpu.memory_space<vmem>>) target_semaphore(%arg19 : memref<!tpu.dma_semaphore, #tpu.memory_space<semaphore_mem>>)
      %iota3A = tpu.iota {dimensions = array<i32: 0>} : vector<16xi32>
      %add3A = arith.constant 0 : i32
      %add3A_14 = vector.broadcast %add3A : i32 to vector<16xi32>
      %add3A_15 = arith.addi %iota3A, %add3A_14 : vector<16xi32>
      %swap3A = arith.constant 0 : i32
      %swap3A_16 = arith.index_cast %swap3A : i32 to index
      %swap3A_17 = arith.constant 0 : index
      %swap3A_18 = tpu.vector_load %arg13[%swap3A_16, %swap3A_17] {strides = array<i32>} : memref<5x128xi32, #tpu.memory_space<vmem>>, vector<16xi32>,
      tpu.vector_store %arg13[%swap3A_16, %swap3A_17], %add3A_15 {strides = array<i32>} : memref<5x128xi32, #tpu.memory_space<vmem>>, vector<16xi32>,
      %iota3A_19 = tpu.iota {dimensions = array<i32: 0>} : vector<16xi32>
      %add3A_20 = arith.constant 16 : i32
      %add3A_21 = vector.broadcast %add3A_20 : i32 to vector<16xi32>
      %add3A_22 = arith.addi %iota3A_19, %add3A_21 : vector<16xi32>
      %swap3A_23 = arith.constant 0 : i32
      %swap3A_24 = arith.index_cast %swap3A_23 : i32 to index
      %swap3A_25 = arith.constant 16 : index
      %swap3A_26 = tpu.vector_load %arg13[%swap3A_24, %swap3A_25] {strides = array<i32>} : memref<5x128xi32, #tpu.memory_space<vmem>>, vector<16xi32>,
      tpu.vector_store %arg13[%swap3A_24, %swap3A_25], %add3A_22 {strides = array<i32>} : memref<5x128xi32, #tpu.memory_space<vmem>>, vector<16xi32>,
      %iota3A_27 = tpu.iota {dimensions = array<i32: 0>} : vector<16xi32>
      %add3A_28 = arith.constant 32 : i32
      %add3A_29 = vector.broadcast %add3A_28 : i32 to vector<16xi32>
      %add3A_30 = arith.addi %iota3A_27, %add3A_29 : vector<16xi32>
      %swap3A_31 = arith.constant 0 : i32
      %swap3A_32 = arith.index_cast %swap3A_31 : i32 to index
      %swap3A_33 = arith.constant 32 : index
      %swap3A_34 = tpu.vector_load %arg13[%swap3A_32, %swap3A_33] {strides = array<i32>} : memref<5x128xi32, #tpu.memory_space<vmem>>, vector<16xi32>,
      tpu.vector_store %arg13[%swap3A_32, %swap3A_33], %add3A_30 {strides = array<i32>} : memref<5x128xi32, #tpu.memory_space<vmem>>, vector<16xi32>,
      %iota3A_35 = tpu.iota {dimensions = array<i32: 0>} : vector<16xi32>
      %add3A_36 = arith.constant 48 : i32
      %add3A_37 = vector.broadcast %add3A_36 : i32 to vector<16xi32>
      %add3A_38 = arith.addi %iota3A_35, %add3A_37 : vector<16xi32>
      %swap3A_39 = arith.constant 0 : i32
      %swap3A_40 = arith.index_cast %swap3A_39 : i32 to index
      %swap3A_41 = arith.constant 48 : index
      %swap3A_42 = tpu.vector_load %arg13[%swap3A_40, %swap3A_41] {strides = array<i32>} : memref<5x128xi32, #tpu.memory_space<vmem>>, vector<16xi32>,
      tpu.vector_store %arg13[%swap3A_40, %swap3A_41], %add3A_38 {strides = array<i32>} : memref<5x128xi32, #tpu.memory_space<vmem>>, vector<16xi32>,
      %iota3A_43 = tpu.iota {dimensions = array<i32: 0>} : vector<16xi32>
      %add3A_44 = arith.constant 64 : i32
      %add3A_45 = vector.broadcast %add3A_44 : i32 to vector<16xi32>
      %add3A_46 = arith.addi %iota3A_43, %add3A_45 : vector<16xi32>
      %swap3A_47 = arith.constant 0 : i32
      %swap3A_48 = arith.index_cast %swap3A_47 : i32 to index
      %swap3A_49 = arith.constant 64 : index
      %swap3A_50 = tpu.vector_load %arg13[%swap3A_48, %swap3A_49] {strides = array<i32>} : memref<5x128xi32, #tpu.memory_space<vmem>>, vector<16xi32>,
      tpu.vector_store %arg13[%swap3A_48, %swap3A_49], %add3A_46 {strides = array<i32>} : memref<5x128xi32, #tpu.memory_space<vmem>>, vector<16xi32>,
      %iota3A_51 = tpu.iota {dimensions = array<i32: 0>} : vector<16xi32>
      %add3A_52 = arith.constant 80 : i32
      %add3A_53 = vector.broadcast %add3A_52 : i32 to vector<16xi32>
      %add3A_54 = arith.addi %iota3A_51, %add3A_53 : vector<16xi32>
      %swap3A_55 = arith.constant 0 : i32
      %swap3A_56 = arith.index_cast %swap3A_55 : i32 to index
      %swap3A_57 = arith.constant 80 : index
      %swap3A_58 = tpu.vector_load %arg13[%swap3A_56, %swap3A_57] {strides = array<i32>} : memref<5x128xi32, #tpu.memory_space<vmem>>, vector<16xi32>,
      tpu.vector_store %arg13[%swap3A_56, %swap3A_57], %add3A_54 {strides = array<i32>} : memref<5x128xi32, #tpu.memory_space<vmem>>, vector<16xi32>,
      %iota3A_59 = tpu.iota {dimensions = array<i32: 0>} : vector<16xi32>
      %add3A_60 = arith.constant 96 : i32
      %add3A_61 = vector.broadcast %add3A_60 : i32 to vector<16xi32>
      %add3A_62 = arith.addi %iota3A_59, %add3A_61 : vector<16xi32>
      %swap3A_63 = arith.constant 0 : i32
      %swap3A_64 = arith.index_cast %swap3A_63 : i32 to index
      %swap3A_65 = arith.constant 96 : index
      %swap3A_66 = tpu.vector_load %arg13[%swap3A_64, %swap3A_65] {strides = array<i32>} : memref<5x128xi32, #tpu.memory_space<vmem>>, vector<16xi32>,
      tpu.vector_store %arg13[%swap3A_64, %swap3A_65], %add3A_62 {strides = array<i32>} : memref<5x128xi32, #tpu.memory_space<vmem>>, vector<16xi32>,
      %iota3A_67 = tpu.iota {dimensions = array<i32: 0>} : vector<16xi32>
      %add3A_68 = arith.constant 112 : i32
      %add3A_69 = vector.broadcast %add3A_68 : i32 to vector<16xi32>
      %add3A_70 = arith.addi %iota3A_67, %add3A_69 : vector<16xi32>
      %swap3A_71 = arith.constant 0 : i32
      %swap3A_72 = arith.index_cast %swap3A_71 : i32 to index
      %swap3A_73 = arith.constant 112 : index
      %swap3A_74 = tpu.vector_load %arg13[%swap3A_72, %swap3A_73] {strides = array<i32>} : memref<5x128xi32, #tpu.memory_space<vmem>>, vector<16xi32>,
      tpu.vector_store %arg13[%swap3A_72, %swap3A_73], %add3A_70 {strides = array<i32>} : memref<5x128xi32, #tpu.memory_space<vmem>>, vector<16xi32>,
      %iota3A_75 = tpu.iota {dimensions = array<i32: 0>} : vector<16xi32>
      %add3A_76 = arith.constant 128 : i32
      %add3A_77 = vector.broadcast %add3A_76 : i32 to vector<16xi32>
      %add3A_78 = arith.addi %iota3A_75, %add3A_77 : vector<16xi32>
      %swap3A_79 = arith.constant 1 : i32
      %swap3A_80 = arith.index_cast %swap3A_79 : i32 to index
      %swap3A_81 = arith.constant 0 : index
      %swap3A_82 = tpu.vector_load %arg13[%swap3A_80, %swap3A_81] {strides = array<i32>} : memref<5x128xi32, #tpu.memory_space<vmem>>, vector<16xi32>,
      tpu.vector_store %arg13[%swap3A_80, %swap3A_81], %add3A_78 {strides = array<i32>} : memref<5x128xi32, #tpu.memory_space<vmem>>, vector<16xi32>,
      %iota3A_83 = tpu.iota {dimensions = array<i32: 0>} : vector<16xi32>
      %add3A_84 = arith.constant 144 : i32
      %add3A_85 = vector.broadcast %add3A_84 : i32 to vector<16xi32>
      %add3A_86 = arith.addi %iota3A_83, %add3A_85 : vector<16xi32>
      %swap3A_87 = arith.constant 1 : i32
      %swap3A_88 = arith.index_cast %swap3A_87 : i32 to index
      %swap3A_89 = arith.constant 16 : index
      %swap3A_90 = tpu.vector_load %arg13[%swap3A_88, %swap3A_89] {strides = array<i32>} : memref<5x128xi32, #tpu.memory_space<vmem>>, vector<16xi32>,
      tpu.vector_store %arg13[%swap3A_88, %swap3A_89], %add3A_86 {strides = array<i32>} : memref<5x128xi32, #tpu.memory_space<vmem>>, vector<16xi32>,
      %iota3A_91 = tpu.iota {dimensions = array<i32: 0>} : vector<16xi32>
      %add3A_92 = arith.constant 160 : i32
      %add3A_93 = vector.broadcast %add3A_92 : i32 to vector<16xi32>
      %add3A_94 = arith.addi %iota3A_91, %add3A_93 : vector<16xi32>
      %swap3A_95 = arith.constant 1 : i32
      %swap3A_96 = arith.index_cast %swap3A_95 : i32 to index
      %swap3A_97 = arith.constant 32 : index
      %swap3A_98 = tpu.vector_load %arg13[%swap3A_96, %swap3A_97] {strides = array<i32>} : memref<5x128xi32, #tpu.memory_space<vmem>>, vector<16xi32>,
      tpu.vector_store %arg13[%swap3A_96, %swap3A_97], %add3A_94 {strides = array<i32>} : memref<5x128xi32, #tpu.memory_space<vmem>>, vector<16xi32>,
      %iota3A_99 = tpu.iota {dimensions = array<i32: 0>} : vector<16xi32>
      %add3A_100 = arith.constant 176 : i32
      %add3A_101 = vector.broadcast %add3A_100 : i32 to vector<16xi32>
      %add3A_102 = arith.addi %iota3A_99, %add3A_101 : vector<16xi32>
      %swap3A_103 = arith.constant 1 : i32
      %swap3A_104 = arith.index_cast %swap3A_103 : i32 to index
      %swap3A_105 = arith.constant 48 : index
      %swap3A_106 = tpu.vector_load %arg13[%swap3A_104, %swap3A_105] {strides = array<i32>} : memref<5x128xi32, #tpu.memory_space<vmem>>, vector<16xi32>,
      tpu.vector_store %arg13[%swap3A_104, %swap3A_105], %add3A_102 {strides = array<i32>} : memref<5x128xi32, #tpu.memory_space<vmem>>, vector<16xi32>,
      %iota3A_107 = tpu.iota {dimensions = array<i32: 0>} : vector<16xi32>
      %add3A_108 = arith.constant 192 : i32
      %add3A_109 = vector.broadcast %add3A_108 : i32 to vector<16xi32>
      %add3A_110 = arith.addi %iota3A_107, %add3A_109 : vector<16xi32>
      %swap3A_111 = arith.constant 1 : i32
      %swap3A_112 = arith.index_cast %swap3A_111 : i32 to index
      %swap3A_113 = arith.constant 64 : index
      %swap3A_114 = tpu.vector_load %arg13[%swap3A_112, %swap3A_113] {strides = array<i32>} : memref<5x128xi32, #tpu.memory_space<vmem>>, vector<16xi32>,
      tpu.vector_store %arg13[%swap3A_112, %swap3A_113], %add3A_110 {strides = array<i32>} : memref<5x128xi32, #tpu.memory_space<vmem>>, vector<16xi32>,
      %iota3A_115 = tpu.iota {dimensions = array<i32: 0>} : vector<16xi32>
      %add3A_116 = arith.constant 208 : i32
      %add3A_117 = vector.broadcast %add3A_116 : i32 to vector<16xi32>
      %add3A_118 = arith.addi %iota3A_115, %add3A_117 : vector<16xi32>
      %swap3A_119 = arith.constant 1 : i32
      %swap3A_120 = arith.index_cast %swap3A_119 : i32 to index
      %swap3A_121 = arith.constant 80 : index
      %swap3A_122 = tpu.vector_load %arg13[%swap3A_120, %swap3A_121] {strides = array<i32>} : memref<5x128xi32, #tpu.memory_space<vmem>>, vector<16xi32>,
      tpu.vector_store %arg13[%swap3A_120, %swap3A_121], %add3A_118 {strides = array<i32>} : memref<5x128xi32, #tpu.memory_space<vmem>>, vector<16xi32>,
      %iota3A_123 = tpu.iota {dimensions = array<i32: 0>} : vector<16xi32>
      %add3A_124 = arith.constant 224 : i32
      %add3A_125 = vector.broadcast %add3A_124 : i32 to vector<16xi32>
      %add3A_126 = arith.addi %iota3A_123, %add3A_125 : vector<16xi32>
      %swap3A_127 = arith.constant 1 : i32
      %swap3A_128 = arith.index_cast %swap3A_127 : i32 to index
      %swap3A_129 = arith.constant 96 : index
      %swap3A_130 = tpu.vector_load %arg13[%swap3A_128, %swap3A_129] {strides = array<i32>} : memref<5x128xi32, #tpu.memory_space<vmem>>, vector<16xi32>,
      tpu.vector_store %arg13[%swap3A_128, %swap3A_129], %add3A_126 {strides = array<i32>} : memref<5x128xi32, #tpu.memory_space<vmem>>, vector<16xi32>,
      %iota3A_131 = tpu.iota {dimensions = array<i32: 0>} : vector<16xi32>
      %add3A_132 = arith.constant 240 : i32
      %add3A_133 = vector.broadcast %add3A_132 : i32 to vector<16xi32>
      %add3A_134 = arith.addi %iota3A_131, %add3A_133 : vector<16xi32>
      %swap3A_135 = arith.constant 1 : i32
      %swap3A_136 = arith.index_cast %swap3A_135 : i32 to index
      %swap3A_137 = arith.constant 112 : index
      %swap3A_138 = tpu.vector_load %arg13[%swap3A_136, %swap3A_137] {strides = array<i32>} : memref<5x128xi32, #tpu.memory_space<vmem>>, vector<16xi32>,
      tpu.vector_store %arg13[%swap3A_136, %swap3A_137], %add3A_134 {strides = array<i32>} : memref<5x128xi32, #tpu.memory_space<vmem>>, vector<16xi32>,
      %iota3A_139 = tpu.iota {dimensions = array<i32: 0>} : vector<16xi32>
      %add3A_140 = arith.constant 256 : i32
      %add3A_141 = vector.broadcast %add3A_140 : i32 to vector<16xi32>
      %add3A_142 = arith.addi %iota3A_139, %add3A_141 : vector<16xi32>
      %swap3A_143 = arith.constant 2 : i32
      %swap3A_144 = arith.index_cast %swap3A_143 : i32 to index
      %swap3A_145 = arith.constant 0 : index
      %swap3A_146 = tpu.vector_load %arg13[%swap3A_144, %swap3A_145] {strides = array<i32>} : memref<5x128xi32, #tpu.memory_space<vmem>>, vector<16xi32>,
      tpu.vector_store %arg13[%swap3A_144, %swap3A_145], %add3A_142 {strides = array<i32>} : memref<5x128xi32, #tpu.memory_space<vmem>>, vector<16xi32>,
      %iota3A_147 = tpu.iota {dimensions = array<i32: 0>} : vector<16xi32>
      %add3A_148 = arith.constant 272 : i32
      %add3A_149 = vector.broadcast %add3A_148 : i32 to vector<16xi32>
      %add3A_150 = arith.addi %iota3A_147, %add3A_149 : vector<16xi32>
      %swap3A_151 = arith.constant 2 : i32
      %swap3A_152 = arith.index_cast %swap3A_151 : i32 to index
      %swap3A_153 = arith.constant 16 : index
      %swap3A_154 = tpu.vector_load %arg13[%swap3A_152, %swap3A_153] {strides = array<i32>} : memref<5x128xi32, #tpu.memory_space<vmem>>, vector<16xi32>,
      tpu.vector_store %arg13[%swap3A_152, %swap3A_153], %add3A_150 {strides = array<i32>} : memref<5x128xi32, #tpu.memory_space<vmem>>, vector<16xi32>,
      %iota3A_155 = tpu.iota {dimensions = array<i32: 0>} : vector<16xi32>
      %add3A_156 = arith.constant 288 : i32
      %add3A_157 = vector.broadcast %add3A_156 : i32 to vector<16xi32>
      %add3A_158 = arith.addi %iota3A_155, %add3A_157 : vector<16xi32>
      %swap3A_159 = arith.constant 2 : i32
      %swap3A_160 = arith.index_cast %swap3A_159 : i32 to index
      %swap3A_161 = arith.constant 32 : index
      %swap3A_162 = tpu.vector_load %arg13[%swap3A_160, %swap3A_161] {strides = array<i32>} : memref<5x128xi32, #tpu.memory_space<vmem>>, vector<16xi32>,
      tpu.vector_store %arg13[%swap3A_160, %swap3A_161], %add3A_158 {strides = array<i32>} : memref<5x128xi32, #tpu.memory_space<vmem>>, vector<16xi32>,
      %iota3A_163 = tpu.iota {dimensions = array<i32: 0>} : vector<16xi32>
      %add3A_164 = arith.constant 304 : i32
      %add3A_165 = vector.broadcast %add3A_164 : i32 to vector<16xi32>
      %add3A_166 = arith.addi %iota3A_163, %add3A_165 : vector<16xi32>
      %swap3A_167 = arith.constant 2 : i32
      %swap3A_168 = arith.index_cast %swap3A_167 : i32 to index
      %swap3A_169 = arith.constant 48 : index
      %swap3A_170 = tpu.vector_load %arg13[%swap3A_168, %swap3A_169] {strides = array<i32>} : memref<5x128xi32, #tpu.memory_space<vmem>>, vector<16xi32>,
      tpu.vector_store %arg13[%swap3A_168, %swap3A_169], %add3A_166 {strides = array<i32>} : memref<5x128xi32, #tpu.memory_space<vmem>>, vector<16xi32>,
      %iota3A_171 = tpu.iota {dimensions = array<i32: 0>} : vector<16xi32>
      %add3A_172 = arith.constant 320 : i32
      %add3A_173 = vector.broadcast %add3A_172 : i32 to vector<16xi32>
      %add3A_174 = arith.addi %iota3A_171, %add3A_173 : vector<16xi32>
      %swap3A_175 = arith.constant 2 : i32
      %swap3A_176 = arith.index_cast %swap3A_175 : i32 to index
      %swap3A_177 = arith.constant 64 : index
      %swap3A_178 = tpu.vector_load %arg13[%swap3A_176, %swap3A_177] {strides = array<i32>} : memref<5x128xi32, #tpu.memory_space<vmem>>, vector<16xi32>,
      tpu.vector_store %arg13[%swap3A_176, %swap3A_177], %add3A_174 {strides = array<i32>} : memref<5x128xi32, #tpu.memory_space<vmem>>, vector<16xi32>,
      %iota3A_179 = tpu.iota {dimensions = array<i32: 0>} : vector<16xi32>
      %add3A_180 = arith.constant 336 : i32
      %add3A_181 = vector.broadcast %add3A_180 : i32 to vector<16xi32>
      %add3A_182 = arith.addi %iota3A_179, %add3A_181 : vector<16xi32>
      %swap3A_183 = arith.constant 2 : i32
      %swap3A_184 = arith.index_cast %swap3A_183 : i32 to index
      %swap3A_185 = arith.constant 80 : index
      %swap3A_186 = tpu.vector_load %arg13[%swap3A_184, %swap3A_185] {strides = array<i32>} : memref<5x128xi32, #tpu.memory_space<vmem>>, vector<16xi32>,
      tpu.vector_store %arg13[%swap3A_184, %swap3A_185], %add3A_182 {strides = array<i32>} : memref<5x128xi32, #tpu.memory_space<vmem>>, vector<16xi32>,
      %iota3A_187 = tpu.iota {dimensions = array<i32: 0>} : vector<16xi32>
      %add3A_188 = arith.constant 352 : i32
      %add3A_189 = vector.broadcast %add3A_188 : i32 to vector<16xi32>
      %add3A_190 = arith.addi %iota3A_187, %add3A_189 : vector<16xi32>
      %swap3A_191 = arith.constant 2 : i32
      %swap3A_192 = arith.index_cast %swap3A_191 : i32 to index
      %swap3A_193 = arith.constant 96 : index
      %swap3A_194 = tpu.vector_load %arg13[%swap3A_192, %swap3A_193] {strides = array<i32>} : memref<5x128xi32, #tpu.memory_space<vmem>>, vector<16xi32>,
      tpu.vector_store %arg13[%swap3A_192, %swap3A_193], %add3A_190 {strides = array<i32>} : memref<5x128xi32, #tpu.memory_space<vmem>>, vector<16xi32>,
      %iota3A_195 = tpu.iota {dimensions = array<i32: 0>} : vector<16xi32>
      %add3A_196 = arith.constant 368 : i32
      %add3A_197 = vector.broadcast %add3A_196 : i32 to vector<16xi32>
      %add3A_198 = arith.addi %iota3A_195, %add3A_197 : vector<16xi32>
      %swap3A_199 = arith.constant 2 : i32
      %swap3A_200 = arith.index_cast %swap3A_199 : i32 to index
      %swap3A_201 = arith.constant 112 : index
      %swap3A_202 = tpu.vector_load %arg13[%swap3A_200, %swap3A_201] {strides = array<i32>} : memref<5x128xi32, #tpu.memory_space<vmem>>, vector<16xi32>,
      tpu.vector_store %arg13[%swap3A_200, %swap3A_201], %add3A_198 {strides = array<i32>} : memref<5x128xi32, #tpu.memory_space<vmem>>, vector<16xi32>,
      %iota3A_203 = tpu.iota {dimensions = array<i32: 0>} : vector<16xi32>
      %add3A_204 = arith.constant 384 : i32
      %add3A_205 = vector.broadcast %add3A_204 : i32 to vector<16xi32>
      %add3A_206 = arith.addi %iota3A_203, %add3A_205 : vector<16xi32>
      %swap3A_207 = arith.constant 3 : i32
      %swap3A_208 = arith.index_cast %swap3A_207 : i32 to index
      %swap3A_209 = arith.constant 0 : index
      %swap3A_210 = tpu.vector_load %arg13[%swap3A_208, %swap3A_209] {strides = array<i32>} : memref<5x128xi32, #tpu.memory_space<vmem>>, vector<16xi32>,
      tpu.vector_store %arg13[%swap3A_208, %swap3A_209], %add3A_206 {strides = array<i32>} : memref<5x128xi32, #tpu.memory_space<vmem>>, vector<16xi32>,
      %iota3A_211 = tpu.iota {dimensions = array<i32: 0>} : vector<16xi32>
      %add3A_212 = arith.constant 400 : i32
      %add3A_213 = vector.broadcast %add3A_212 : i32 to vector<16xi32>
      %add3A_214 = arith.addi %iota3A_211, %add3A_213 : vector<16xi32>
      %swap3A_215 = arith.constant 3 : i32
      %swap3A_216 = arith.index_cast %swap3A_215 : i32 to index
      %swap3A_217 = arith.constant 16 : index
      %swap3A_218 = tpu.vector_load %arg13[%swap3A_216, %swap3A_217] {strides = array<i32>} : memref<5x128xi32, #tpu.memory_space<vmem>>, vector<16xi32>,
      tpu.vector_store %arg13[%swap3A_216, %swap3A_217], %add3A_214 {strides = array<i32>} : memref<5x128xi32, #tpu.memory_space<vmem>>, vector<16xi32>,
      %iota3A_219 = tpu.iota {dimensions = array<i32: 0>} : vector<16xi32>
      %add3A_220 = arith.constant 416 : i32
      %add3A_221 = vector.broadcast %add3A_220 : i32 to vector<16xi32>
      %add3A_222 = arith.addi %iota3A_219, %add3A_221 : vector<16xi32>
      %swap3A_223 = arith.constant 3 : i32
      %swap3A_224 = arith.index_cast %swap3A_223 : i32 to index
      %swap3A_225 = arith.constant 32 : index
      %swap3A_226 = tpu.vector_load %arg13[%swap3A_224, %swap3A_225] {strides = array<i32>} : memref<5x128xi32, #tpu.memory_space<vmem>>, vector<16xi32>,
      tpu.vector_store %arg13[%swap3A_224, %swap3A_225], %add3A_222 {strides = array<i32>} : memref<5x128xi32, #tpu.memory_space<vmem>>, vector<16xi32>,
      %iota3A_227 = tpu.iota {dimensions = array<i32: 0>} : vector<16xi32>
      %add3A_228 = arith.constant 432 : i32
      %add3A_229 = vector.broadcast %add3A_228 : i32 to vector<16xi32>
      %add3A_230 = arith.addi %iota3A_227, %add3A_229 : vector<16xi32>
      %swap3A_231 = arith.constant 3 : i32
      %swap3A_232 = arith.index_cast %swap3A_231 : i32 to index
      %swap3A_233 = arith.constant 48 : index
      %swap3A_234 = tpu.vector_load %arg13[%swap3A_232, %swap3A_233] {strides = array<i32>} : memref<5x128xi32, #tpu.memory_space<vmem>>, vector<16xi32>,
      tpu.vector_store %arg13[%swap3A_232, %swap3A_233], %add3A_230 {strides = array<i32>} : memref<5x128xi32, #tpu.memory_space<vmem>>, vector<16xi32>,
      %iota3A_235 = tpu.iota {dimensions = array<i32: 0>} : vector<16xi32>
      %add3A_236 = arith.constant 448 : i32
      %add3A_237 = vector.broadcast %add3A_236 : i32 to vector<16xi32>
      %add3A_238 = arith.addi %iota3A_235, %add3A_237 : vector<16xi32>
      %swap3A_239 = arith.constant 3 : i32
      %swap3A_240 = arith.index_cast %swap3A_239 : i32 to index
      %swap3A_241 = arith.constant 64 : index
      %swap3A_242 = tpu.vector_load %arg13[%swap3A_240, %swap3A_241] {strides = array<i32>} : memref<5x128xi32, #tpu.memory_space<vmem>>, vector<16xi32>,
      tpu.vector_store %arg13[%swap3A_240, %swap3A_241], %add3A_238 {strides = array<i32>} : memref<5x128xi32, #tpu.memory_space<vmem>>, vector<16xi32>,
      %iota3A_243 = tpu.iota {dimensions = array<i32: 0>} : vector<16xi32>
      %add3A_244 = arith.constant 464 : i32
      %add3A_245 = vector.broadcast %add3A_244 : i32 to vector<16xi32>
      %add3A_246 = arith.addi %iota3A_243, %add3A_245 : vector<16xi32>
      %swap3A_247 = arith.constant 3 : i32
      %swap3A_248 = arith.index_cast %swap3A_247 : i32 to index
      %swap3A_249 = arith.constant 80 : index
      %swap3A_250 = tpu.vector_load %arg13[%swap3A_248, %swap3A_249] {strides = array<i32>} : memref<5x128xi32, #tpu.memory_space<vmem>>, vector<16xi32>,
      tpu.vector_store %arg13[%swap3A_248, %swap3A_249], %add3A_246 {strides = array<i32>} : memref<5x128xi32, #tpu.memory_space<vmem>>, vector<16xi32>,
      %iota3A_251 = tpu.iota {dimensions = array<i32: 0>} : vector<16xi32>
      %add3A_252 = arith.constant 480 : i32
      %add3A_253 = vector.broadcast %add3A_252 : i32 to vector<16xi32>
      %add3A_254 = arith.addi %iota3A_251, %add3A_253 : vector<16xi32>
      %swap3A_255 = arith.constant 3 : i32
      %swap3A_256 = arith.index_cast %swap3A_255 : i32 to index
      %swap3A_257 = arith.constant 96 : index
      %swap3A_258 = tpu.vector_load %arg13[%swap3A_256, %swap3A_257] {strides = array<i32>} : memref<5x128xi32, #tpu.memory_space<vmem>>, vector<16xi32>,
      tpu.vector_store %arg13[%swap3A_256, %swap3A_257], %add3A_254 {strides = array<i32>} : memref<5x128xi32, #tpu.memory_space<vmem>>, vector<16xi32>,
      %iota3A_259 = tpu.iota {dimensions = array<i32: 0>} : vector<16xi32>
      %add3A_260 = arith.constant 496 : i32
      %add3A_261 = vector.broadcast %add3A_260 : i32 to vector<16xi32>
      %add3A_262 = arith.addi %iota3A_259, %add3A_261 : vector<16xi32>
      %swap3A_263 = arith.constant 3 : i32
      %swap3A_264 = arith.index_cast %swap3A_263 : i32 to index
      %swap3A_265 = arith.constant 112 : index
      %swap3A_266 = tpu.vector_load %arg13[%swap3A_264, %swap3A_265] {strides = array<i32>} : memref<5x128xi32, #tpu.memory_space<vmem>>, vector<16xi32>,
      tpu.vector_store %arg13[%swap3A_264, %swap3A_265], %add3A_262 {strides = array<i32>} : memref<5x128xi32, #tpu.memory_space<vmem>>, vector<16xi32>,
      %iota3A_267 = tpu.iota {dimensions = array<i32: 0>} : vector<16xi32>
      %add3A_268 = arith.constant 512 : i32
      %add3A_269 = vector.broadcast %add3A_268 : i32 to vector<16xi32>
      %add3A_270 = arith.addi %iota3A_267, %add3A_269 : vector<16xi32>
      %swap3A_271 = arith.constant 4 : i32
      %swap3A_272 = arith.index_cast %swap3A_271 : i32 to index
      %swap3A_273 = arith.constant 0 : index
      %swap3A_274 = tpu.vector_load %arg13[%swap3A_272, %swap3A_273] {strides = array<i32>} : memref<5x128xi32, #tpu.memory_space<vmem>>, vector<16xi32>,
      tpu.vector_store %arg13[%swap3A_272, %swap3A_273], %add3A_270 {strides = array<i32>} : memref<5x128xi32, #tpu.memory_space<vmem>>, vector<16xi32>,
      %iota3A_275 = tpu.iota {dimensions = array<i32: 0>} : vector<16xi32>
      %add3A_276 = arith.constant 528 : i32
      %add3A_277 = vector.broadcast %add3A_276 : i32 to vector<16xi32>
      %add3A_278 = arith.addi %iota3A_275, %add3A_277 : vector<16xi32>
      %swap3A_279 = arith.constant 4 : i32
      %swap3A_280 = arith.index_cast %swap3A_279 : i32 to index
      %swap3A_281 = arith.constant 16 : index
      %swap3A_282 = tpu.vector_load %arg13[%swap3A_280, %swap3A_281] {strides = array<i32>} : memref<5x128xi32, #tpu.memory_space<vmem>>, vector<16xi32>,
      tpu.vector_store %arg13[%swap3A_280, %swap3A_281], %add3A_278 {strides = array<i32>} : memref<5x128xi32, #tpu.memory_space<vmem>>, vector<16xi32>,
      %iota3A_283 = tpu.iota {dimensions = array<i32: 0>} : vector<16xi32>
      %add3A_284 = arith.constant 544 : i32
      %add3A_285 = vector.broadcast %add3A_284 : i32 to vector<16xi32>
      %add3A_286 = arith.addi %iota3A_283, %add3A_285 : vector<16xi32>
      %swap3A_287 = arith.constant 4 : i32
      %swap3A_288 = arith.index_cast %swap3A_287 : i32 to index
      %swap3A_289 = arith.constant 32 : index
      %swap3A_290 = tpu.vector_load %arg13[%swap3A_288, %swap3A_289] {strides = array<i32>} : memref<5x128xi32, #tpu.memory_space<vmem>>, vector<16xi32>,
      tpu.vector_store %arg13[%swap3A_288, %swap3A_289], %add3A_286 {strides = array<i32>} : memref<5x128xi32, #tpu.memory_space<vmem>>, vector<16xi32>,
      %iota3A_291 = tpu.iota {dimensions = array<i32: 0>} : vector<16xi32>
      %add3A_292 = arith.constant 560 : i32
      %add3A_293 = vector.broadcast %add3A_292 : i32 to vector<16xi32>
      %add3A_294 = arith.addi %iota3A_291, %add3A_293 : vector<16xi32>
      %swap3A_295 = arith.constant 4 : i32
      %swap3A_296 = arith.index_cast %swap3A_295 : i32 to index
      %swap3A_297 = arith.constant 48 : index
      %swap3A_298 = tpu.vector_load %arg13[%swap3A_296, %swap3A_297] {strides = array<i32>} : memref<5x128xi32, #tpu.memory_space<vmem>>, vector<16xi32>,
      tpu.vector_store %arg13[%swap3A_296, %swap3A_297], %add3A_294 {strides = array<i32>} : memref<5x128xi32, #tpu.memory_space<vmem>>, vector<16xi32>,
      %iota3A_299 = tpu.iota {dimensions = array<i32: 0>} : vector<16xi32>
      %add3A_300 = arith.constant 576 : i32
      %add3A_301 = vector.broadcast %add3A_300 : i32 to vector<16xi32>
      %add3A_302 = arith.addi %iota3A_299, %add3A_301 : vector<16xi32>
      %swap3A_303 = arith.constant 4 : i32
      %swap3A_304 = arith.index_cast %swap3A_303 : i32 to index
      %swap3A_305 = arith.constant 64 : index
      %swap3A_306 = tpu.vector_load %arg13[%swap3A_304, %swap3A_305] {strides = array<i32>} : memref<5x128xi32, #tpu.memory_space<vmem>>, vector<16xi32>,
      tpu.vector_store %arg13[%swap3A_304, %swap3A_305], %add3A_302 {strides = array<i32>} : memref<5x128xi32, #tpu.memory_space<vmem>>, vector<16xi32>,
      %iota3A_307 = tpu.iota {dimensions = array<i32: 0>} : vector<16xi32>
      %add3A_308 = arith.constant 592 : i32
      %add3A_309 = vector.broadcast %add3A_308 : i32 to vector<16xi32>
      %add3A_310 = arith.addi %iota3A_307, %add3A_309 : vector<16xi32>
      %swap3A_311 = arith.constant 4 : i32
      %swap3A_312 = arith.index_cast %swap3A_311 : i32 to index
      %swap3A_313 = arith.constant 80 : index
      %swap3A_314 = tpu.vector_load %arg13[%swap3A_312, %swap3A_313] {strides = array<i32>} : memref<5x128xi32, #tpu.memory_space<vmem>>, vector<16xi32>,
      tpu.vector_store %arg13[%swap3A_312, %swap3A_313], %add3A_310 {strides = array<i32>} : memref<5x128xi32, #tpu.memory_space<vmem>>, vector<16xi32>,
      %iota3A_315 = tpu.iota {dimensions = array<i32: 0>} : vector<16xi32>
      %add3A_316 = arith.constant 608 : i32
      %add3A_317 = vector.broadcast %add3A_316 : i32 to vector<16xi32>
      %add3A_318 = arith.addi %iota3A_315, %add3A_317 : vector<16xi32>
      %swap3A_319 = arith.constant 4 : i32
      %swap3A_320 = arith.index_cast %swap3A_319 : i32 to index
      %swap3A_321 = arith.constant 96 : index
      %swap3A_322 = tpu.vector_load %arg13[%swap3A_320, %swap3A_321] {strides = array<i32>} : memref<5x128xi32, #tpu.memory_space<vmem>>, vector<16xi32>,
      tpu.vector_store %arg13[%swap3A_320, %swap3A_321], %add3A_318 {strides = array<i32>} : memref<5x128xi32, #tpu.memory_space<vmem>>, vector<16xi32>,
      %iota3A_323 = tpu.iota {dimensions = array<i32: 0>} : vector<16xi32>
      %add3A_324 = arith.constant 624 : i32
      %add3A_325 = vector.broadcast %add3A_324 : i32 to vector<16xi32>
      %add3A_326 = arith.addi %iota3A_323, %add3A_325 : vector<16xi32>
      %swap3A_327 = arith.constant 4 : i32
      %swap3A_328 = arith.index_cast %swap3A_327 : i32 to index
      %swap3A_329 = arith.constant 112 : index
      %swap3A_330 = tpu.vector_load %arg13[%swap3A_328, %swap3A_329] {strides = array<i32>} : memref<5x128xi32, #tpu.memory_space<vmem>>, vector<16xi32>,
      tpu.vector_store %arg13[%swap3A_328, %swap3A_329], %add3A_326 {strides = array<i32>} : memref<5x128xi32, #tpu.memory_space<vmem>>, vector<16xi32>,
      %dma_wait3A = arith.constant 0 : i32
      %dma_wait3A_331 = tpu.memref_slice %arg3[%dma_wait3A, %mul3A_2] : memref<2x320000xi32, #tpu.memory_space<hbm>> -> memref<1x20000xi32, #tpu.memory_space<hbm>>
      %dma_wait3A_332 = tpu.memref_squeeze %dma_wait3A_331 : memref<1x20000xi32, #tpu.memory_space<hbm>> -> memref<20000xi32, #tpu.memory_space<hbm>>
      %dma_wait3A_333 = tpu.memref_slice %arg3[%dma_wait3A, %mul3A_2] : memref<2x320000xi32, #tpu.memory_space<hbm>> -> memref<1x20000xi32, #tpu.memory_space<hbm>>
      %dma_wait3A_334 = tpu.memref_squeeze %dma_wait3A_333 : memref<1x20000xi32, #tpu.memory_space<hbm>> -> memref<20000xi32, #tpu.memory_space<hbm>>
      tpu.wait_dma2 semaphore(%arg19 : memref<!tpu.dma_semaphore, #tpu.memory_space<semaphore_mem>>) src(%dma_wait3A_334 : memref<20000xi32, #tpu.memory_space<hbm>>) dst(%arg6 : memref<20000xi32, #tpu.memory_space<vmem>>)
      %dma_wait3A_335 = tpu.memref_slice %arg4[%mul3A_2] : memref<320000xf32, #tpu.memory_space<hbm>> -> memref<20000xf32, #tpu.memory_space<hbm>>
      %dma_wait3A_336 = tpu.memref_slice %arg4[%mul3A_2] : memref<320000xf32, #tpu.memory_space<hbm>> -> memref<20000xf32, #tpu.memory_space<hbm>>
      tpu.wait_dma2 semaphore(%arg19 : memref<!tpu.dma_semaphore, #tpu.memory_space<semaphore_mem>>) src(%dma_wait3A_336 : memref<20000xf32, #tpu.memory_space<hbm>>) dst(%arg8 : memref<20000xf32, #tpu.memory_space<vmem>>)
      %broadcast_in_dim3A = arith.constant 0.000000e+00 : f32
      %broadcast_in_dim3A_337 = vector.broadcast %broadcast_in_dim3A : f32 to vector<16xf32>
      %parallel_loop3A = arith.constant 0 : i32
      %parallel_loop3A_338 = arith.constant 40 : i32
      %parallel_loop3A_339 = arith.constant 1 : i32
      scf.for %parallel_loop3A_632 = %parallel_loop3A to %parallel_loop3A_338 step %parallel_loop3A_339  : i32 {
        %parallel_loop3A_633 = arith.index_cast %parallel_loop3A_632 : i32 to index
        %parallel_loop3A_634 = arith.constant 0 : index
        %parallel_loop3A_635 = tpu.vector_load %arg16[%parallel_loop3A_633, %parallel_loop3A_634] {strides = array<i32>} : memref<40x16xf32, #tpu.memory_space<vmem>>, vector<16xf32>,
        tpu.vector_store %arg16[%parallel_loop3A_633, %parallel_loop3A_634], %broadcast_in_dim3A_337 {strides = array<i32>} : memref<40x16xf32, #tpu.memory_space<vmem>>, vector<16xf32>,
      } {sc.loop_unroll_factor = 8 : i64, sc.parallel_access}
      %mul3A_340 = arith.constant 625 : i32
      %mul3A_341 = arith.muli %arg1, %mul3A_340 : i32
      %broadcast_in_dim3A_342 = arith.constant 0.000000e+00 : f32
      %broadcast_in_dim3A_343 = vector.broadcast %broadcast_in_dim3A_342 : f32 to vector<16xf32>
      %parallel_loop3A_344 = arith.constant 0 : i32
      %parallel_loop3A_345 = arith.constant 640 : i32
      %parallel_loop3A_346 = arith.constant 1 : i32
      scf.for %parallel_loop3A_632 = %parallel_loop3A_344 to %parallel_loop3A_345 step %parallel_loop3A_346  : i32 {
        %parallel_loop3A_633 = arith.index_cast %parallel_loop3A_632 : i32 to index
        %parallel_loop3A_634 = arith.constant 0 : index
        %parallel_loop3A_635 = tpu.vector_load %arg10[%parallel_loop3A_633, %parallel_loop3A_634] {strides = array<i32>} : memref<640x16xf32, #tpu.memory_space<vmem>>, vector<16xf32>,
        tpu.vector_store %arg10[%parallel_loop3A_633, %parallel_loop3A_634], %broadcast_in_dim3A_343 {strides = array<i32>} : memref<640x16xf32, #tpu.memory_space<vmem>>, vector<16xf32>,
      } {sc.loop_unroll_factor = 8 : i64, sc.parallel_access}
      %parallel_loop3A_347 = arith.constant 0 : i32
      %parallel_loop3A_348 = arith.constant 1250 : i32
      %parallel_loop3A_349 = arith.constant 1 : i32
      scf.for %parallel_loop3A_632 = %parallel_loop3A_347 to %parallel_loop3A_348 step %parallel_loop3A_349  : i32 {
        %parallel_loop3A_633 = arith.constant 16 : i32
        %parallel_loop3A_634 = arith.muli %parallel_loop3A_632, %parallel_loop3A_633 : i32
        %parallel_loop3A_635 = arith.index_cast %parallel_loop3A_634 : i32 to index
        %parallel_loop3A_636 = tpu.vector_load %arg6[%parallel_loop3A_635] {strides = array<i32>} : memref<20000xi32, #tpu.memory_space<vmem>>, vector<16xi32>,
        %parallel_loop3A_637 = arith.constant 16 : i32
        %parallel_loop3A_638 = arith.muli %parallel_loop3A_632, %parallel_loop3A_637 : i32
        %parallel_loop3A_639 = arith.index_cast %parallel_loop3A_638 : i32 to index
        %parallel_loop3A_640 = tpu.vector_load %arg8[%parallel_loop3A_639] {strides = array<i32>} : memref<20000xf32, #tpu.memory_space<vmem>>, vector<16xf32>,
        %parallel_loop3A_641 = arith.constant 4 : i32
        %parallel_loop3A_642 = vector.broadcast %parallel_loop3A_641 : i32 to vector<16xi32>
        %parallel_loop3A_643 = arith.shrui %parallel_loop3A_636, %parallel_loop3A_642 : vector<16xi32>
        %parallel_loop3A_644 = arith.constant 15 : i32
        %parallel_loop3A_645 = vector.broadcast %parallel_loop3A_644 : i32 to vector<16xi32>
        %parallel_loop3A_646 = arith.andi %parallel_loop3A_636, %parallel_loop3A_645 : vector<16xi32>
        tpu.vector_store_idx %arg10[%parallel_loop3A_643, %parallel_loop3A_646], %parallel_loop3A_640 {add = true} : memref<640x16xf32, #tpu.memory_space<vmem>>[vector<16xi32>, vector<16xi32>], vector<16xf32>,
      } {sc.loop_unroll_factor = 4 : i64, sc.parallel_access}
      %dma_wait3A_350 = arith.constant 1 : i32
      %dma_wait3A_351 = tpu.memref_slice %arg3[%dma_wait3A_350, %mul3A_2] : memref<2x320000xi32, #tpu.memory_space<hbm>> -> memref<1x20000xi32, #tpu.memory_space<hbm>>
      %dma_wait3A_352 = tpu.memref_squeeze %dma_wait3A_351 : memref<1x20000xi32, #tpu.memory_space<hbm>> -> memref<20000xi32, #tpu.memory_space<hbm>>
      %dma_wait3A_353 = tpu.memref_slice %arg3[%dma_wait3A_350, %mul3A_2] : memref<2x320000xi32, #tpu.memory_space<hbm>> -> memref<1x20000xi32, #tpu.memory_space<hbm>>
      %dma_wait3A_354 = tpu.memref_squeeze %dma_wait3A_353 : memref<1x20000xi32, #tpu.memory_space<hbm>> -> memref<20000xi32, #tpu.memory_space<hbm>>
      tpu.wait_dma2 semaphore(%arg19 : memref<!tpu.dma_semaphore, #tpu.memory_space<semaphore_mem>>) src(%dma_wait3A_354 : memref<20000xi32, #tpu.memory_space<hbm>>) dst(%arg7 : memref<20000xi32, #tpu.memory_space<vmem>>)
      %mul3A_355 = arith.constant 40 : i32
      %mul3A_356 = arith.muli %arg1, %mul3A_355 : i32
      "tpu.region"() ({
        %run_scoped3A = tpu.sem_alloc : memref<!tpu.dma_semaphore, #tpu.memory_space<semaphore_mem>>
        %dma_start3A_632 = arith.constant 0 : i32
        %dma_start3A_633 = tpu.memref_slice %arg17[%mul3A_356, %dma_start3A_632] : memref<640x16xf32, #tpu.memory_space<vmem_shared>> -> memref<40x16xf32, #tpu.memory_space<vmem_shared>>
        %dma_start3A_634 = arith.constant 0 : i32
        %dma_start3A_635 = tpu.memref_slice %arg17[%mul3A_356, %dma_start3A_634] : memref<640x16xf32, #tpu.memory_space<vmem_shared>> -> memref<40x16xf32, #tpu.memory_space<vmem_shared>>
        tpu.enqueue_dma source(%arg16 : memref<40x16xf32, #tpu.memory_space<vmem>>) target(%dma_start3A_635 : memref<40x16xf32, #tpu.memory_space<vmem_shared>>) target_semaphore(%run_scoped3A : memref<!tpu.dma_semaphore, #tpu.memory_space<semaphore_mem>>)
        %dma_wait3A_636 = arith.constant 0 : i32
        %dma_wait3A_637 = tpu.memref_slice %arg17[%mul3A_356, %dma_wait3A_636] : memref<640x16xf32, #tpu.memory_space<vmem_shared>> -> memref<40x16xf32, #tpu.memory_space<vmem_shared>>
        %dma_wait3A_638 = arith.constant 0 : i32
        %dma_wait3A_639 = tpu.memref_slice %arg17[%mul3A_356, %dma_wait3A_638] : memref<640x16xf32, #tpu.memory_space<vmem_shared>> -> memref<40x16xf32, #tpu.memory_space<vmem_shared>>
        tpu.wait_dma2 semaphore(%run_scoped3A : memref<!tpu.dma_semaphore, #tpu.memory_space<semaphore_mem>>) src(%arg16 : memref<40x16xf32, #tpu.memory_space<vmem>>) dst(%dma_wait3A_639 : memref<40x16xf32, #tpu.memory_space<vmem_shared>>)
        tpu.yield
      }) : () -> ()
      %barrier3A = arith.constant 0 : index
      tpu.barrier barrier_id(%barrier3A)
      %add3A_357 = arith.constant 0 : i32
      %add3A_358 = arith.addi %arg1, %add3A_357 : i32
      %rem3A = arith.constant 5 : i32
      %rem3A_359 = arith.remsi %add3A_358, %rem3A : i32
      %mul3A_360 = arith.constant 128 : i32
      %mul3A_361 = arith.muli %rem3A_359, %mul3A_360 : i32
      "tpu.region"() ({
        %run_scoped3A = tpu.sem_alloc : memref<!tpu.dma_semaphore, #tpu.memory_space<semaphore_mem>>
        %dma_start3A_632 = arith.constant 0 : i32
        %dma_start3A_633 = tpu.memref_slice %arg10[%mul3A_361, %dma_start3A_632] : memref<640x16xf32, #tpu.memory_space<vmem>> -> memref<128x16xf32, #tpu.memory_space<vmem>>
        %dma_start3A_634 = arith.constant 0 : i32
        %dma_start3A_635 = tpu.memref_slice %arg13[%rem3A_359, %dma_start3A_634] : memref<5x128xi32, #tpu.memory_space<vmem>> -> memref<1x128xi32, #tpu.memory_space<vmem>>
        %dma_start3A_636 = tpu.memref_squeeze %dma_start3A_635 : memref<1x128xi32, #tpu.memory_space<vmem>> -> memref<128xi32, #tpu.memory_space<vmem>>
        %dma_start3A_637 = arith.constant 0 : i32
        %dma_start3A_638 = arith.constant 0 : i32
        %dma_start3A_639 = tpu.memref_slice %arg17[%dma_start3A_637, %dma_start3A_638] : memref<640x16xf32, #tpu.memory_space<vmem_shared>> -> memref<640x16xf32, #tpu.memory_space<vmem_shared>>
        tpu.enqueue_indirect_dma source(%dma_start3A_633 : memref<128x16xf32, #tpu.memory_space<vmem>>) target(%dma_start3A_639 : memref<640x16xf32, #tpu.memory_space<vmem_shared>>) offsets(%dma_start3A_636 : memref<128xi32, #tpu.memory_space<vmem>>) semaphore(%run_scoped3A : memref<!tpu.dma_semaphore, #tpu.memory_space<semaphore_mem>>) {add = true}
        %dma_wait3A_640 = arith.constant 0 : i32
        %dma_wait3A_641 = tpu.memref_slice %arg10[%mul3A_361, %dma_wait3A_640] : memref<640x16xf32, #tpu.memory_space<vmem>> -> memref<128x16xf32, #tpu.memory_space<vmem>>
        %dma_wait3A_642 = arith.constant 0 : i32
        %dma_wait3A_643 = tpu.memref_slice %arg13[%rem3A_359, %dma_wait3A_642] : memref<5x128xi32, #tpu.memory_space<vmem>> -> memref<1x128xi32, #tpu.memory_space<vmem>>
        %dma_wait3A_644 = tpu.memref_squeeze %dma_wait3A_643 : memref<1x128xi32, #tpu.memory_space<vmem>> -> memref<128xi32, #tpu.memory_space<vmem>>
        %dma_wait3A_645 = arith.constant 0 : i32
        %dma_wait3A_646 = arith.constant 0 : i32
        %dma_wait3A_647 = tpu.memref_slice %arg17[%dma_wait3A_645, %dma_wait3A_646] : memref<640x16xf32, #tpu.memory_space<vmem_shared>> -> memref<640x16xf32, #tpu.memory_space<vmem_shared>>
        tpu.wait_indirect_dma semaphore(%run_scoped3A : memref<!tpu.dma_semaphore, #tpu.memory_space<semaphore_mem>>) src(%dma_wait3A_641 : memref<128x16xf32, #tpu.memory_space<vmem>>) dst(%dma_wait3A_647 : memref<640x16xf32, #tpu.memory_space<vmem_shared>>)
        tpu.yield
      }) : () -> ()
      %add3A_362 = arith.constant 1 : i32
      %add3A_363 = arith.addi %arg1, %add3A_362 : i32
      %rem3A_364 = arith.constant 5 : i32
      %rem3A_365 = arith.remsi %add3A_363, %rem3A_364 : i32
      %mul3A_366 = arith.constant 128 : i32
      %mul3A_367 = arith.muli %rem3A_365, %mul3A_366 : i32
      "tpu.region"() ({
        %run_scoped3A = tpu.sem_alloc : memref<!tpu.dma_semaphore, #tpu.memory_space<semaphore_mem>>
        %dma_start3A_632 = arith.constant 0 : i32
        %dma_start3A_633 = tpu.memref_slice %arg10[%mul3A_367, %dma_start3A_632] : memref<640x16xf32, #tpu.memory_space<vmem>> -> memref<128x16xf32, #tpu.memory_space<vmem>>
        %dma_start3A_634 = arith.constant 0 : i32
        %dma_start3A_635 = tpu.memref_slice %arg13[%rem3A_365, %dma_start3A_634] : memref<5x128xi32, #tpu.memory_space<vmem>> -> memref<1x128xi32, #tpu.memory_space<vmem>>
        %dma_start3A_636 = tpu.memref_squeeze %dma_start3A_635 : memref<1x128xi32, #tpu.memory_space<vmem>> -> memref<128xi32, #tpu.memory_space<vmem>>
        %dma_start3A_637 = arith.constant 0 : i32
        %dma_start3A_638 = arith.constant 0 : i32
        %dma_start3A_639 = tpu.memref_slice %arg17[%dma_start3A_637, %dma_start3A_638] : memref<640x16xf32, #tpu.memory_space<vmem_shared>> -> memref<640x16xf32, #tpu.memory_space<vmem_shared>>
        tpu.enqueue_indirect_dma source(%dma_start3A_633 : memref<128x16xf32, #tpu.memory_space<vmem>>) target(%dma_start3A_639 : memref<640x16xf32, #tpu.memory_space<vmem_shared>>) offsets(%dma_start3A_636 : memref<128xi32, #tpu.memory_space<vmem>>) semaphore(%run_scoped3A : memref<!tpu.dma_semaphore, #tpu.memory_space<semaphore_mem>>) {add = true}
        %dma_wait3A_640 = arith.constant 0 : i32
        %dma_wait3A_641 = tpu.memref_slice %arg10[%mul3A_367, %dma_wait3A_640] : memref<640x16xf32, #tpu.memory_space<vmem>> -> memref<128x16xf32, #tpu.memory_space<vmem>>
        %dma_wait3A_642 = arith.constant 0 : i32
        %dma_wait3A_643 = tpu.memref_slice %arg13[%rem3A_365, %dma_wait3A_642] : memref<5x128xi32, #tpu.memory_space<vmem>> -> memref<1x128xi32, #tpu.memory_space<vmem>>
        %dma_wait3A_644 = tpu.memref_squeeze %dma_wait3A_643 : memref<1x128xi32, #tpu.memory_space<vmem>> -> memref<128xi32, #tpu.memory_space<vmem>>
        %dma_wait3A_645 = arith.constant 0 : i32
        %dma_wait3A_646 = arith.constant 0 : i32
        %dma_wait3A_647 = tpu.memref_slice %arg17[%dma_wait3A_645, %dma_wait3A_646] : memref<640x16xf32, #tpu.memory_space<vmem_shared>> -> memref<640x16xf32, #tpu.memory_space<vmem_shared>>
        tpu.wait_indirect_dma semaphore(%run_scoped3A : memref<!tpu.dma_semaphore, #tpu.memory_space<semaphore_mem>>) src(%dma_wait3A_641 : memref<128x16xf32, #tpu.memory_space<vmem>>) dst(%dma_wait3A_647 : memref<640x16xf32, #tpu.memory_space<vmem_shared>>)
        tpu.yield
      }) : () -> ()
      %add3A_368 = arith.constant 2 : i32
      %add3A_369 = arith.addi %arg1, %add3A_368 : i32
      %rem3A_370 = arith.constant 5 : i32
      %rem3A_371 = arith.remsi %add3A_369, %rem3A_370 : i32
      %mul3A_372 = arith.constant 128 : i32
      %mul3A_373 = arith.muli %rem3A_371, %mul3A_372 : i32
      "tpu.region"() ({
        %run_scoped3A = tpu.sem_alloc : memref<!tpu.dma_semaphore, #tpu.memory_space<semaphore_mem>>
        %dma_start3A_632 = arith.constant 0 : i32
        %dma_start3A_633 = tpu.memref_slice %arg10[%mul3A_373, %dma_start3A_632] : memref<640x16xf32, #tpu.memory_space<vmem>> -> memref<128x16xf32, #tpu.memory_space<vmem>>
        %dma_start3A_634 = arith.constant 0 : i32
        %dma_start3A_635 = tpu.memref_slice %arg13[%rem3A_371, %dma_start3A_634] : memref<5x128xi32, #tpu.memory_space<vmem>> -> memref<1x128xi32, #tpu.memory_space<vmem>>
        %dma_start3A_636 = tpu.memref_squeeze %dma_start3A_635 : memref<1x128xi32, #tpu.memory_space<vmem>> -> memref<128xi32, #tpu.memory_space<vmem>>
        %dma_start3A_637 = arith.constant 0 : i32
        %dma_start3A_638 = arith.constant 0 : i32
        %dma_start3A_639 = tpu.memref_slice %arg17[%dma_start3A_637, %dma_start3A_638] : memref<640x16xf32, #tpu.memory_space<vmem_shared>> -> memref<640x16xf32, #tpu.memory_space<vmem_shared>>
        tpu.enqueue_indirect_dma source(%dma_start3A_633 : memref<128x16xf32, #tpu.memory_space<vmem>>) target(%dma_start3A_639 : memref<640x16xf32, #tpu.memory_space<vmem_shared>>) offsets(%dma_start3A_636 : memref<128xi32, #tpu.memory_space<vmem>>) semaphore(%run_scoped3A : memref<!tpu.dma_semaphore, #tpu.memory_space<semaphore_mem>>) {add = true}
        %dma_wait3A_640 = arith.constant 0 : i32
        %dma_wait3A_641 = tpu.memref_slice %arg10[%mul3A_373, %dma_wait3A_640] : memref<640x16xf32, #tpu.memory_space<vmem>> -> memref<128x16xf32, #tpu.memory_space<vmem>>
        %dma_wait3A_642 = arith.constant 0 : i32
        %dma_wait3A_643 = tpu.memref_slice %arg13[%rem3A_371, %dma_wait3A_642] : memref<5x128xi32, #tpu.memory_space<vmem>> -> memref<1x128xi32, #tpu.memory_space<vmem>>
        %dma_wait3A_644 = tpu.memref_squeeze %dma_wait3A_643 : memref<1x128xi32, #tpu.memory_space<vmem>> -> memref<128xi32, #tpu.memory_space<vmem>>
        %dma_wait3A_645 = arith.constant 0 : i32
        %dma_wait3A_646 = arith.constant 0 : i32
        %dma_wait3A_647 = tpu.memref_slice %arg17[%dma_wait3A_645, %dma_wait3A_646] : memref<640x16xf32, #tpu.memory_space<vmem_shared>> -> memref<640x16xf32, #tpu.memory_space<vmem_shared>>
        tpu.wait_indirect_dma semaphore(%run_scoped3A : memref<!tpu.dma_semaphore, #tpu.memory_space<semaphore_mem>>) src(%dma_wait3A_641 : memref<128x16xf32, #tpu.memory_space<vmem>>) dst(%dma_wait3A_647 : memref<640x16xf32, #tpu.memory_space<vmem_shared>>)
        tpu.yield
      }) : () -> ()
      %add3A_374 = arith.constant 3 : i32
      %add3A_375 = arith.addi %arg1, %add3A_374 : i32
      %rem3A_376 = arith.constant 5 : i32
      %rem3A_377 = arith.remsi %add3A_375, %rem3A_376 : i32
      %mul3A_378 = arith.constant 128 : i32
      %mul3A_379 = arith.muli %rem3A_377, %mul3A_378 : i32
      "tpu.region"() ({
        %run_scoped3A = tpu.sem_alloc : memref<!tpu.dma_semaphore, #tpu.memory_space<semaphore_mem>>
        %dma_start3A_632 = arith.constant 0 : i32
        %dma_start3A_633 = tpu.memref_slice %arg10[%mul3A_379, %dma_start3A_632] : memref<640x16xf32, #tpu.memory_space<vmem>> -> memref<128x16xf32, #tpu.memory_space<vmem>>
        %dma_start3A_634 = arith.constant 0 : i32
        %dma_start3A_635 = tpu.memref_slice %arg13[%rem3A_377, %dma_start3A_634] : memref<5x128xi32, #tpu.memory_space<vmem>> -> memref<1x128xi32, #tpu.memory_space<vmem>>
        %dma_start3A_636 = tpu.memref_squeeze %dma_start3A_635 : memref<1x128xi32, #tpu.memory_space<vmem>> -> memref<128xi32, #tpu.memory_space<vmem>>
        %dma_start3A_637 = arith.constant 0 : i32
        %dma_start3A_638 = arith.constant 0 : i32
        %dma_start3A_639 = tpu.memref_slice %arg17[%dma_start3A_637, %dma_start3A_638] : memref<640x16xf32, #tpu.memory_space<vmem_shared>> -> memref<640x16xf32, #tpu.memory_space<vmem_shared>>
        tpu.enqueue_indirect_dma source(%dma_start3A_633 : memref<128x16xf32, #tpu.memory_space<vmem>>) target(%dma_start3A_639 : memref<640x16xf32, #tpu.memory_space<vmem_shared>>) offsets(%dma_start3A_636 : memref<128xi32, #tpu.memory_space<vmem>>) semaphore(%run_scoped3A : memref<!tpu.dma_semaphore, #tpu.memory_space<semaphore_mem>>) {add = true}
        %dma_wait3A_640 = arith.constant 0 : i32
        %dma_wait3A_641 = tpu.memref_slice %arg10[%mul3A_379, %dma_wait3A_640] : memref<640x16xf32, #tpu.memory_space<vmem>> -> memref<128x16xf32, #tpu.memory_space<vmem>>
        %dma_wait3A_642 = arith.constant 0 : i32
        %dma_wait3A_643 = tpu.memref_slice %arg13[%rem3A_377, %dma_wait3A_642] : memref<5x128xi32, #tpu.memory_space<vmem>> -> memref<1x128xi32, #tpu.memory_space<vmem>>
        %dma_wait3A_644 = tpu.memref_squeeze %dma_wait3A_643 : memref<1x128xi32, #tpu.memory_space<vmem>> -> memref<128xi32, #tpu.memory_space<vmem>>
        %dma_wait3A_645 = arith.constant 0 : i32
        %dma_wait3A_646 = arith.constant 0 : i32
        %dma_wait3A_647 = tpu.memref_slice %arg17[%dma_wait3A_645, %dma_wait3A_646] : memref<640x16xf32, #tpu.memory_space<vmem_shared>> -> memref<640x16xf32, #tpu.memory_space<vmem_shared>>
        tpu.wait_indirect_dma semaphore(%run_scoped3A : memref<!tpu.dma_semaphore, #tpu.memory_space<semaphore_mem>>) src(%dma_wait3A_641 : memref<128x16xf32, #tpu.memory_space<vmem>>) dst(%dma_wait3A_647 : memref<640x16xf32, #tpu.memory_space<vmem_shared>>)
        tpu.yield
      }) : () -> ()
      %add3A_380 = arith.constant 4 : i32
      %add3A_381 = arith.addi %arg1, %add3A_380 : i32
      %rem3A_382 = arith.constant 5 : i32
      %rem3A_383 = arith.remsi %add3A_381, %rem3A_382 : i32
      %mul3A_384 = arith.constant 128 : i32
      %mul3A_385 = arith.muli %rem3A_383, %mul3A_384 : i32
      "tpu.region"() ({
        %run_scoped3A = tpu.sem_alloc : memref<!tpu.dma_semaphore, #tpu.memory_space<semaphore_mem>>
        %dma_start3A_632 = arith.constant 0 : i32
        %dma_start3A_633 = tpu.memref_slice %arg10[%mul3A_385, %dma_start3A_632] : memref<640x16xf32, #tpu.memory_space<vmem>> -> memref<128x16xf32, #tpu.memory_space<vmem>>
        %dma_start3A_634 = arith.constant 0 : i32
        %dma_start3A_635 = tpu.memref_slice %arg13[%rem3A_383, %dma_start3A_634] : memref<5x128xi32, #tpu.memory_space<vmem>> -> memref<1x128xi32, #tpu.memory_space<vmem>>
        %dma_start3A_636 = tpu.memref_squeeze %dma_start3A_635 : memref<1x128xi32, #tpu.memory_space<vmem>> -> memref<128xi32, #tpu.memory_space<vmem>>
        %dma_start3A_637 = arith.constant 0 : i32
        %dma_start3A_638 = arith.constant 0 : i32
        %dma_start3A_639 = tpu.memref_slice %arg17[%dma_start3A_637, %dma_start3A_638] : memref<640x16xf32, #tpu.memory_space<vmem_shared>> -> memref<640x16xf32, #tpu.memory_space<vmem_shared>>
        tpu.enqueue_indirect_dma source(%dma_start3A_633 : memref<128x16xf32, #tpu.memory_space<vmem>>) target(%dma_start3A_639 : memref<640x16xf32, #tpu.memory_space<vmem_shared>>) offsets(%dma_start3A_636 : memref<128xi32, #tpu.memory_space<vmem>>) semaphore(%run_scoped3A : memref<!tpu.dma_semaphore, #tpu.memory_space<semaphore_mem>>) {add = true}
        %dma_wait3A_640 = arith.constant 0 : i32
        %dma_wait3A_641 = tpu.memref_slice %arg10[%mul3A_385, %dma_wait3A_640] : memref<640x16xf32, #tpu.memory_space<vmem>> -> memref<128x16xf32, #tpu.memory_space<vmem>>
        %dma_wait3A_642 = arith.constant 0 : i32
        %dma_wait3A_643 = tpu.memref_slice %arg13[%rem3A_383, %dma_wait3A_642] : memref<5x128xi32, #tpu.memory_space<vmem>> -> memref<1x128xi32, #tpu.memory_space<vmem>>
        %dma_wait3A_644 = tpu.memref_squeeze %dma_wait3A_643 : memref<1x128xi32, #tpu.memory_space<vmem>> -> memref<128xi32, #tpu.memory_space<vmem>>
        %dma_wait3A_645 = arith.constant 0 : i32
        %dma_wait3A_646 = arith.constant 0 : i32
        %dma_wait3A_647 = tpu.memref_slice %arg17[%dma_wait3A_645, %dma_wait3A_646] : memref<640x16xf32, #tpu.memory_space<vmem_shared>> -> memref<640x16xf32, #tpu.memory_space<vmem_shared>>
        tpu.wait_indirect_dma semaphore(%run_scoped3A : memref<!tpu.dma_semaphore, #tpu.memory_space<semaphore_mem>>) src(%dma_wait3A_641 : memref<128x16xf32, #tpu.memory_space<vmem>>) dst(%dma_wait3A_647 : memref<640x16xf32, #tpu.memory_space<vmem_shared>>)
        tpu.yield
      }) : () -> ()
      %broadcast_in_dim3A_386 = arith.constant 0.000000e+00 : f32
      %broadcast_in_dim3A_387 = vector.broadcast %broadcast_in_dim3A_386 : f32 to vector<16xf32>
      %parallel_loop3A_388 = arith.constant 0 : i32
      %parallel_loop3A_389 = arith.constant 640 : i32
      %parallel_loop3A_390 = arith.constant 1 : i32
      scf.for %parallel_loop3A_632 = %parallel_loop3A_388 to %parallel_loop3A_389 step %parallel_loop3A_390  : i32 {
        %parallel_loop3A_633 = arith.index_cast %parallel_loop3A_632 : i32 to index
        %parallel_loop3A_634 = arith.constant 0 : index
        %parallel_loop3A_635 = tpu.vector_load %arg10[%parallel_loop3A_633, %parallel_loop3A_634] {strides = array<i32>} : memref<640x16xf32, #tpu.memory_space<vmem>>, vector<16xf32>,
        tpu.vector_store %arg10[%parallel_loop3A_633, %parallel_loop3A_634], %broadcast_in_dim3A_387 {strides = array<i32>} : memref<640x16xf32, #tpu.memory_space<vmem>>, vector<16xf32>,
      } {sc.loop_unroll_factor = 8 : i64, sc.parallel_access}
      %barrier3A_391 = arith.constant 0 : index
      tpu.barrier barrier_id(%barrier3A_391)
      "tpu.region"() ({
        %run_scoped3A = tpu.sem_alloc : memref<!tpu.dma_semaphore, #tpu.memory_space<semaphore_mem>>
        tpu.enqueue_dma source(%arg17 : memref<640x16xf32, #tpu.memory_space<vmem_shared>>) target(%arg9 : memref<640x16xf32, #tpu.memory_space<vmem>>) target_semaphore(%run_scoped3A : memref<!tpu.dma_semaphore, #tpu.memory_space<semaphore_mem>>)
        tpu.wait_dma2 semaphore(%run_scoped3A : memref<!tpu.dma_semaphore, #tpu.memory_space<semaphore_mem>>) src(%arg17 : memref<640x16xf32, #tpu.memory_space<vmem_shared>>) dst(%arg9 : memref<640x16xf32, #tpu.memory_space<vmem>>)
        tpu.yield
      }) : () -> ()
      %barrier3A_392 = arith.constant 0 : index
      tpu.barrier barrier_id(%barrier3A_392)
      %parallel_loop3A_393 = arith.constant 0 : i32
      %parallel_loop3A_394 = arith.constant 1250 : i32
      %parallel_loop3A_395 = arith.constant 1 : i32
      scf.for %parallel_loop3A_632 = %parallel_loop3A_393 to %parallel_loop3A_394 step %parallel_loop3A_395  : i32 {
        %parallel_loop3A_633 = arith.constant 16 : i32
        %parallel_loop3A_634 = arith.muli %parallel_loop3A_632, %parallel_loop3A_633 : i32
        %parallel_loop3A_635 = arith.index_cast %parallel_loop3A_634 : i32 to index
        %parallel_loop3A_636 = tpu.vector_load %arg6[%parallel_loop3A_635] {strides = array<i32>} : memref<20000xi32, #tpu.memory_space<vmem>>, vector<16xi32>,
        %parallel_loop3A_637 = arith.constant 16 : i32
        %parallel_loop3A_638 = arith.muli %parallel_loop3A_632, %parallel_loop3A_637 : i32
        %parallel_loop3A_639 = arith.index_cast %parallel_loop3A_638 : i32 to index
        %parallel_loop3A_640 = tpu.vector_load %arg8[%parallel_loop3A_639] {strides = array<i32>} : memref<20000xf32, #tpu.memory_space<vmem>>, vector<16xf32>,
        %parallel_loop3A_641 = arith.constant 16 : i32
        %parallel_loop3A_642 = arith.muli %parallel_loop3A_632, %parallel_loop3A_641 : i32
        %parallel_loop3A_643 = arith.index_cast %parallel_loop3A_642 : i32 to index
        %parallel_loop3A_644 = tpu.vector_load %arg7[%parallel_loop3A_643] {strides = array<i32>} : memref<20000xi32, #tpu.memory_space<vmem>>, vector<16xi32>,
        %parallel_loop3A_645 = arith.constant 4 : i32
        %parallel_loop3A_646 = vector.broadcast %parallel_loop3A_645 : i32 to vector<16xi32>
        %parallel_loop3A_647 = arith.shrui %parallel_loop3A_644, %parallel_loop3A_646 : vector<16xi32>
        %parallel_loop3A_648 = arith.constant 15 : i32
        %parallel_loop3A_649 = vector.broadcast %parallel_loop3A_648 : i32 to vector<16xi32>
        %parallel_loop3A_650 = arith.andi %parallel_loop3A_644, %parallel_loop3A_649 : vector<16xi32>
        %parallel_loop3A_651 = tpu.vector_load_idx %arg9[%parallel_loop3A_647, %parallel_loop3A_650] : memref<640x16xf32, #tpu.memory_space<vmem>>[vector<16xi32>, vector<16xi32>], vector<16xf32>,
        %parallel_loop3A_652 = arith.mulf %parallel_loop3A_651, %parallel_loop3A_640 : vector<16xf32>
        %parallel_loop3A_653 = arith.constant 4 : i32
        %parallel_loop3A_654 = vector.broadcast %parallel_loop3A_653 : i32 to vector<16xi32>
        %parallel_loop3A_655 = arith.shrui %parallel_loop3A_636, %parallel_loop3A_654 : vector<16xi32>
        %parallel_loop3A_656 = arith.constant 15 : i32
        %parallel_loop3A_657 = vector.broadcast %parallel_loop3A_656 : i32 to vector<16xi32>
        %parallel_loop3A_658 = arith.andi %parallel_loop3A_636, %parallel_loop3A_657 : vector<16xi32>
        tpu.vector_store_idx %arg10[%parallel_loop3A_655, %parallel_loop3A_658], %parallel_loop3A_652 {add = true} : memref<640x16xf32, #tpu.memory_space<vmem>>[vector<16xi32>, vector<16xi32>], vector<16xf32>,
      } {sc.loop_unroll_factor = 4 : i64, sc.parallel_access}
      %mul3A_396 = arith.constant 40 : i32
      %mul3A_397 = arith.muli %arg1, %mul3A_396 : i32
      "tpu.region"() ({
        %run_scoped3A = tpu.sem_alloc : memref<!tpu.dma_semaphore, #tpu.memory_space<semaphore_mem>>
        %dma_start3A_632 = arith.constant 0 : i32
        %dma_start3A_633 = tpu.memref_slice %arg17[%mul3A_397, %dma_start3A_632] : memref<640x16xf32, #tpu.memory_space<vmem_shared>> -> memref<40x16xf32, #tpu.memory_space<vmem_shared>>
        %dma_start3A_634 = arith.constant 0 : i32
        %dma_start3A_635 = tpu.memref_slice %arg17[%mul3A_397, %dma_start3A_634] : memref<640x16xf32, #tpu.memory_space<vmem_shared>> -> memref<40x16xf32, #tpu.memory_space<vmem_shared>>
        tpu.enqueue_dma source(%arg16 : memref<40x16xf32, #tpu.memory_space<vmem>>) target(%dma_start3A_635 : memref<40x16xf32, #tpu.memory_space<vmem_shared>>) target_semaphore(%run_scoped3A : memref<!tpu.dma_semaphore, #tpu.memory_space<semaphore_mem>>)
        %dma_wait3A_636 = arith.constant 0 : i32
        %dma_wait3A_637 = tpu.memref_slice %arg17[%mul3A_397, %dma_wait3A_636] : memref<640x16xf32, #tpu.memory_space<vmem_shared>> -> memref<40x16xf32, #tpu.memory_space<vmem_shared>>
        %dma_wait3A_638 = arith.constant 0 : i32
        %dma_wait3A_639 = tpu.memref_slice %arg17[%mul3A_397, %dma_wait3A_638] : memref<640x16xf32, #tpu.memory_space<vmem_shared>> -> memref<40x16xf32, #tpu.memory_space<vmem_shared>>
        tpu.wait_dma2 semaphore(%run_scoped3A : memref<!tpu.dma_semaphore, #tpu.memory_space<semaphore_mem>>) src(%arg16 : memref<40x16xf32, #tpu.memory_space<vmem>>) dst(%dma_wait3A_639 : memref<40x16xf32, #tpu.memory_space<vmem_shared>>)
        tpu.yield
      }) : () -> ()
      %barrier3A_398 = arith.constant 0 : index
      tpu.barrier barrier_id(%barrier3A_398)
      %add3A_399 = arith.constant 0 : i32
      %add3A_400 = arith.addi %arg1, %add3A_399 : i32
      %rem3A_401 = arith.constant 5 : i32
      %rem3A_402 = arith.remsi %add3A_400, %rem3A_401 : i32
      %mul3A_403 = arith.constant 128 : i32
      %mul3A_404 = arith.muli %rem3A_402, %mul3A_403 : i32
      "tpu.region"() ({
        %run_scoped3A = tpu.sem_alloc : memref<!tpu.dma_semaphore, #tpu.memory_space<semaphore_mem>>
        %dma_start3A_632 = arith.constant 0 : i32
        %dma_start3A_633 = tpu.memref_slice %arg10[%mul3A_404, %dma_start3A_632] : memref<640x16xf32, #tpu.memory_space<vmem>> -> memref<128x16xf32, #tpu.memory_space<vmem>>
        %dma_start3A_634 = arith.constant 0 : i32
        %dma_start3A_635 = tpu.memref_slice %arg13[%rem3A_402, %dma_start3A_634] : memref<5x128xi32, #tpu.memory_space<vmem>> -> memref<1x128xi32, #tpu.memory_space<vmem>>
        %dma_start3A_636 = tpu.memref_squeeze %dma_start3A_635 : memref<1x128xi32, #tpu.memory_space<vmem>> -> memref<128xi32, #tpu.memory_space<vmem>>
        %dma_start3A_637 = arith.constant 0 : i32
        %dma_start3A_638 = arith.constant 0 : i32
        %dma_start3A_639 = tpu.memref_slice %arg17[%dma_start3A_637, %dma_start3A_638] : memref<640x16xf32, #tpu.memory_space<vmem_shared>> -> memref<640x16xf32, #tpu.memory_space<vmem_shared>>
        tpu.enqueue_indirect_dma source(%dma_start3A_633 : memref<128x16xf32, #tpu.memory_space<vmem>>) target(%dma_start3A_639 : memref<640x16xf32, #tpu.memory_space<vmem_shared>>) offsets(%dma_start3A_636 : memref<128xi32, #tpu.memory_space<vmem>>) semaphore(%run_scoped3A : memref<!tpu.dma_semaphore, #tpu.memory_space<semaphore_mem>>) {add = true}
        %dma_wait3A_640 = arith.constant 0 : i32
        %dma_wait3A_641 = tpu.memref_slice %arg10[%mul3A_404, %dma_wait3A_640] : memref<640x16xf32, #tpu.memory_space<vmem>> -> memref<128x16xf32, #tpu.memory_space<vmem>>
        %dma_wait3A_642 = arith.constant 0 : i32
        %dma_wait3A_643 = tpu.memref_slice %arg13[%rem3A_402, %dma_wait3A_642] : memref<5x128xi32, #tpu.memory_space<vmem>> -> memref<1x128xi32, #tpu.memory_space<vmem>>
        %dma_wait3A_644 = tpu.memref_squeeze %dma_wait3A_643 : memref<1x128xi32, #tpu.memory_space<vmem>> -> memref<128xi32, #tpu.memory_space<vmem>>
        %dma_wait3A_645 = arith.constant 0 : i32
        %dma_wait3A_646 = arith.constant 0 : i32
        %dma_wait3A_647 = tpu.memref_slice %arg17[%dma_wait3A_645, %dma_wait3A_646] : memref<640x16xf32, #tpu.memory_space<vmem_shared>> -> memref<640x16xf32, #tpu.memory_space<vmem_shared>>
        tpu.wait_indirect_dma semaphore(%run_scoped3A : memref<!tpu.dma_semaphore, #tpu.memory_space<semaphore_mem>>) src(%dma_wait3A_641 : memref<128x16xf32, #tpu.memory_space<vmem>>) dst(%dma_wait3A_647 : memref<640x16xf32, #tpu.memory_space<vmem_shared>>)
        tpu.yield
      }) : () -> ()
      %add3A_405 = arith.constant 1 : i32
      %add3A_406 = arith.addi %arg1, %add3A_405 : i32
      %rem3A_407 = arith.constant 5 : i32
      %rem3A_408 = arith.remsi %add3A_406, %rem3A_407 : i32
      %mul3A_409 = arith.constant 128 : i32
      %mul3A_410 = arith.muli %rem3A_408, %mul3A_409 : i32
      "tpu.region"() ({
        %run_scoped3A = tpu.sem_alloc : memref<!tpu.dma_semaphore, #tpu.memory_space<semaphore_mem>>
        %dma_start3A_632 = arith.constant 0 : i32
        %dma_start3A_633 = tpu.memref_slice %arg10[%mul3A_410, %dma_start3A_632] : memref<640x16xf32, #tpu.memory_space<vmem>> -> memref<128x16xf32, #tpu.memory_space<vmem>>
        %dma_start3A_634 = arith.constant 0 : i32
        %dma_start3A_635 = tpu.memref_slice %arg13[%rem3A_408, %dma_start3A_634] : memref<5x128xi32, #tpu.memory_space<vmem>> -> memref<1x128xi32, #tpu.memory_space<vmem>>
        %dma_start3A_636 = tpu.memref_squeeze %dma_start3A_635 : memref<1x128xi32, #tpu.memory_space<vmem>> -> memref<128xi32, #tpu.memory_space<vmem>>
        %dma_start3A_637 = arith.constant 0 : i32
        %dma_start3A_638 = arith.constant 0 : i32
        %dma_start3A_639 = tpu.memref_slice %arg17[%dma_start3A_637, %dma_start3A_638] : memref<640x16xf32, #tpu.memory_space<vmem_shared>> -> memref<640x16xf32, #tpu.memory_space<vmem_shared>>
        tpu.enqueue_indirect_dma source(%dma_start3A_633 : memref<128x16xf32, #tpu.memory_space<vmem>>) target(%dma_start3A_639 : memref<640x16xf32, #tpu.memory_space<vmem_shared>>) offsets(%dma_start3A_636 : memref<128xi32, #tpu.memory_space<vmem>>) semaphore(%run_scoped3A : memref<!tpu.dma_semaphore, #tpu.memory_space<semaphore_mem>>) {add = true}
        %dma_wait3A_640 = arith.constant 0 : i32
        %dma_wait3A_641 = tpu.memref_slice %arg10[%mul3A_410, %dma_wait3A_640] : memref<640x16xf32, #tpu.memory_space<vmem>> -> memref<128x16xf32, #tpu.memory_space<vmem>>
        %dma_wait3A_642 = arith.constant 0 : i32
        %dma_wait3A_643 = tpu.memref_slice %arg13[%rem3A_408, %dma_wait3A_642] : memref<5x128xi32, #tpu.memory_space<vmem>> -> memref<1x128xi32, #tpu.memory_space<vmem>>
        %dma_wait3A_644 = tpu.memref_squeeze %dma_wait3A_643 : memref<1x128xi32, #tpu.memory_space<vmem>> -> memref<128xi32, #tpu.memory_space<vmem>>
        %dma_wait3A_645 = arith.constant 0 : i32
        %dma_wait3A_646 = arith.constant 0 : i32
        %dma_wait3A_647 = tpu.memref_slice %arg17[%dma_wait3A_645, %dma_wait3A_646] : memref<640x16xf32, #tpu.memory_space<vmem_shared>> -> memref<640x16xf32, #tpu.memory_space<vmem_shared>>
        tpu.wait_indirect_dma semaphore(%run_scoped3A : memref<!tpu.dma_semaphore, #tpu.memory_space<semaphore_mem>>) src(%dma_wait3A_641 : memref<128x16xf32, #tpu.memory_space<vmem>>) dst(%dma_wait3A_647 : memref<640x16xf32, #tpu.memory_space<vmem_shared>>)
        tpu.yield
      }) : () -> ()
      %add3A_411 = arith.constant 2 : i32
      %add3A_412 = arith.addi %arg1, %add3A_411 : i32
      %rem3A_413 = arith.constant 5 : i32
      %rem3A_414 = arith.remsi %add3A_412, %rem3A_413 : i32
      %mul3A_415 = arith.constant 128 : i32
      %mul3A_416 = arith.muli %rem3A_414, %mul3A_415 : i32
      "tpu.region"() ({
        %run_scoped3A = tpu.sem_alloc : memref<!tpu.dma_semaphore, #tpu.memory_space<semaphore_mem>>
        %dma_start3A_632 = arith.constant 0 : i32
        %dma_start3A_633 = tpu.memref_slice %arg10[%mul3A_416, %dma_start3A_632] : memref<640x16xf32, #tpu.memory_space<vmem>> -> memref<128x16xf32, #tpu.memory_space<vmem>>
        %dma_start3A_634 = arith.constant 0 : i32
        %dma_start3A_635 = tpu.memref_slice %arg13[%rem3A_414, %dma_start3A_634] : memref<5x128xi32, #tpu.memory_space<vmem>> -> memref<1x128xi32, #tpu.memory_space<vmem>>
        %dma_start3A_636 = tpu.memref_squeeze %dma_start3A_635 : memref<1x128xi32, #tpu.memory_space<vmem>> -> memref<128xi32, #tpu.memory_space<vmem>>
        %dma_start3A_637 = arith.constant 0 : i32
        %dma_start3A_638 = arith.constant 0 : i32
        %dma_start3A_639 = tpu.memref_slice %arg17[%dma_start3A_637, %dma_start3A_638] : memref<640x16xf32, #tpu.memory_space<vmem_shared>> -> memref<640x16xf32, #tpu.memory_space<vmem_shared>>
        tpu.enqueue_indirect_dma source(%dma_start3A_633 : memref<128x16xf32, #tpu.memory_space<vmem>>) target(%dma_start3A_639 : memref<640x16xf32, #tpu.memory_space<vmem_shared>>) offsets(%dma_start3A_636 : memref<128xi32, #tpu.memory_space<vmem>>) semaphore(%run_scoped3A : memref<!tpu.dma_semaphore, #tpu.memory_space<semaphore_mem>>) {add = true}
        %dma_wait3A_640 = arith.constant 0 : i32
        %dma_wait3A_641 = tpu.memref_slice %arg10[%mul3A_416, %dma_wait3A_640] : memref<640x16xf32, #tpu.memory_space<vmem>> -> memref<128x16xf32, #tpu.memory_space<vmem>>
        %dma_wait3A_642 = arith.constant 0 : i32
        %dma_wait3A_643 = tpu.memref_slice %arg13[%rem3A_414, %dma_wait3A_642] : memref<5x128xi32, #tpu.memory_space<vmem>> -> memref<1x128xi32, #tpu.memory_space<vmem>>
        %dma_wait3A_644 = tpu.memref_squeeze %dma_wait3A_643 : memref<1x128xi32, #tpu.memory_space<vmem>> -> memref<128xi32, #tpu.memory_space<vmem>>
        %dma_wait3A_645 = arith.constant 0 : i32
        %dma_wait3A_646 = arith.constant 0 : i32
        %dma_wait3A_647 = tpu.memref_slice %arg17[%dma_wait3A_645, %dma_wait3A_646] : memref<640x16xf32, #tpu.memory_space<vmem_shared>> -> memref<640x16xf32, #tpu.memory_space<vmem_shared>>
        tpu.wait_indirect_dma semaphore(%run_scoped3A : memref<!tpu.dma_semaphore, #tpu.memory_space<semaphore_mem>>) src(%dma_wait3A_641 : memref<128x16xf32, #tpu.memory_space<vmem>>) dst(%dma_wait3A_647 : memref<640x16xf32, #tpu.memory_space<vmem_shared>>)
        tpu.yield
      }) : () -> ()
      %add3A_417 = arith.constant 3 : i32
      %add3A_418 = arith.addi %arg1, %add3A_417 : i32
      %rem3A_419 = arith.constant 5 : i32
      %rem3A_420 = arith.remsi %add3A_418, %rem3A_419 : i32
      %mul3A_421 = arith.constant 128 : i32
      %mul3A_422 = arith.muli %rem3A_420, %mul3A_421 : i32
      "tpu.region"() ({
        %run_scoped3A = tpu.sem_alloc : memref<!tpu.dma_semaphore, #tpu.memory_space<semaphore_mem>>
        %dma_start3A_632 = arith.constant 0 : i32
        %dma_start3A_633 = tpu.memref_slice %arg10[%mul3A_422, %dma_start3A_632] : memref<640x16xf32, #tpu.memory_space<vmem>> -> memref<128x16xf32, #tpu.memory_space<vmem>>
        %dma_start3A_634 = arith.constant 0 : i32
        %dma_start3A_635 = tpu.memref_slice %arg13[%rem3A_420, %dma_start3A_634] : memref<5x128xi32, #tpu.memory_space<vmem>> -> memref<1x128xi32, #tpu.memory_space<vmem>>
        %dma_start3A_636 = tpu.memref_squeeze %dma_start3A_635 : memref<1x128xi32, #tpu.memory_space<vmem>> -> memref<128xi32, #tpu.memory_space<vmem>>
        %dma_start3A_637 = arith.constant 0 : i32
        %dma_start3A_638 = arith.constant 0 : i32
        %dma_start3A_639 = tpu.memref_slice %arg17[%dma_start3A_637, %dma_start3A_638] : memref<640x16xf32, #tpu.memory_space<vmem_shared>> -> memref<640x16xf32, #tpu.memory_space<vmem_shared>>
        tpu.enqueue_indirect_dma source(%dma_start3A_633 : memref<128x16xf32, #tpu.memory_space<vmem>>) target(%dma_start3A_639 : memref<640x16xf32, #tpu.memory_space<vmem_shared>>) offsets(%dma_start3A_636 : memref<128xi32, #tpu.memory_space<vmem>>) semaphore(%run_scoped3A : memref<!tpu.dma_semaphore, #tpu.memory_space<semaphore_mem>>) {add = true}
        %dma_wait3A_640 = arith.constant 0 : i32
        %dma_wait3A_641 = tpu.memref_slice %arg10[%mul3A_422, %dma_wait3A_640] : memref<640x16xf32, #tpu.memory_space<vmem>> -> memref<128x16xf32, #tpu.memory_space<vmem>>
        %dma_wait3A_642 = arith.constant 0 : i32
        %dma_wait3A_643 = tpu.memref_slice %arg13[%rem3A_420, %dma_wait3A_642] : memref<5x128xi32, #tpu.memory_space<vmem>> -> memref<1x128xi32, #tpu.memory_space<vmem>>
        %dma_wait3A_644 = tpu.memref_squeeze %dma_wait3A_643 : memref<1x128xi32, #tpu.memory_space<vmem>> -> memref<128xi32, #tpu.memory_space<vmem>>
        %dma_wait3A_645 = arith.constant 0 : i32
        %dma_wait3A_646 = arith.constant 0 : i32
        %dma_wait3A_647 = tpu.memref_slice %arg17[%dma_wait3A_645, %dma_wait3A_646] : memref<640x16xf32, #tpu.memory_space<vmem_shared>> -> memref<640x16xf32, #tpu.memory_space<vmem_shared>>
        tpu.wait_indirect_dma semaphore(%run_scoped3A : memref<!tpu.dma_semaphore, #tpu.memory_space<semaphore_mem>>) src(%dma_wait3A_641 : memref<128x16xf32, #tpu.memory_space<vmem>>) dst(%dma_wait3A_647 : memref<640x16xf32, #tpu.memory_space<vmem_shared>>)
        tpu.yield
      }) : () -> ()
      %add3A_423 = arith.constant 4 : i32
      %add3A_424 = arith.addi %arg1, %add3A_423 : i32
      %rem3A_425 = arith.constant 5 : i32
      %rem3A_426 = arith.remsi %add3A_424, %rem3A_425 : i32
      %mul3A_427 = arith.constant 128 : i32
      %mul3A_428 = arith.muli %rem3A_426, %mul3A_427 : i32
      "tpu.region"() ({
        %run_scoped3A = tpu.sem_alloc : memref<!tpu.dma_semaphore, #tpu.memory_space<semaphore_mem>>
        %dma_start3A_632 = arith.constant 0 : i32
        %dma_start3A_633 = tpu.memref_slice %arg10[%mul3A_428, %dma_start3A_632] : memref<640x16xf32, #tpu.memory_space<vmem>> -> memref<128x16xf32, #tpu.memory_space<vmem>>
        %dma_start3A_634 = arith.constant 0 : i32
        %dma_start3A_635 = tpu.memref_slice %arg13[%rem3A_426, %dma_start3A_634] : memref<5x128xi32, #tpu.memory_space<vmem>> -> memref<1x128xi32, #tpu.memory_space<vmem>>
        %dma_start3A_636 = tpu.memref_squeeze %dma_start3A_635 : memref<1x128xi32, #tpu.memory_space<vmem>> -> memref<128xi32, #tpu.memory_space<vmem>>
        %dma_start3A_637 = arith.constant 0 : i32
        %dma_start3A_638 = arith.constant 0 : i32
        %dma_start3A_639 = tpu.memref_slice %arg17[%dma_start3A_637, %dma_start3A_638] : memref<640x16xf32, #tpu.memory_space<vmem_shared>> -> memref<640x16xf32, #tpu.memory_space<vmem_shared>>
        tpu.enqueue_indirect_dma source(%dma_start3A_633 : memref<128x16xf32, #tpu.memory_space<vmem>>) target(%dma_start3A_639 : memref<640x16xf32, #tpu.memory_space<vmem_shared>>) offsets(%dma_start3A_636 : memref<128xi32, #tpu.memory_space<vmem>>) semaphore(%run_scoped3A : memref<!tpu.dma_semaphore, #tpu.memory_space<semaphore_mem>>) {add = true}
        %dma_wait3A_640 = arith.constant 0 : i32
        %dma_wait3A_641 = tpu.memref_slice %arg10[%mul3A_428, %dma_wait3A_640] : memref<640x16xf32, #tpu.memory_space<vmem>> -> memref<128x16xf32, #tpu.memory_space<vmem>>
        %dma_wait3A_642 = arith.constant 0 : i32
        %dma_wait3A_643 = tpu.memref_slice %arg13[%rem3A_426, %dma_wait3A_642] : memref<5x128xi32, #tpu.memory_space<vmem>> -> memref<1x128xi32, #tpu.memory_space<vmem>>
        %dma_wait3A_644 = tpu.memref_squeeze %dma_wait3A_643 : memref<1x128xi32, #tpu.memory_space<vmem>> -> memref<128xi32, #tpu.memory_space<vmem>>
        %dma_wait3A_645 = arith.constant 0 : i32
        %dma_wait3A_646 = arith.constant 0 : i32
        %dma_wait3A_647 = tpu.memref_slice %arg17[%dma_wait3A_645, %dma_wait3A_646] : memref<640x16xf32, #tpu.memory_space<vmem_shared>> -> memref<640x16xf32, #tpu.memory_space<vmem_shared>>
        tpu.wait_indirect_dma semaphore(%run_scoped3A : memref<!tpu.dma_semaphore, #tpu.memory_space<semaphore_mem>>) src(%dma_wait3A_641 : memref<128x16xf32, #tpu.memory_space<vmem>>) dst(%dma_wait3A_647 : memref<640x16xf32, #tpu.memory_space<vmem_shared>>)
        tpu.yield
      }) : () -> ()
      %broadcast_in_dim3A_429 = arith.constant 0.000000e+00 : f32
      %broadcast_in_dim3A_430 = vector.broadcast %broadcast_in_dim3A_429 : f32 to vector<16xf32>
      %parallel_loop3A_431 = arith.constant 0 : i32
      %parallel_loop3A_432 = arith.constant 640 : i32
      %parallel_loop3A_433 = arith.constant 1 : i32
      scf.for %parallel_loop3A_632 = %parallel_loop3A_431 to %parallel_loop3A_432 step %parallel_loop3A_433  : i32 {
        %parallel_loop3A_633 = arith.index_cast %parallel_loop3A_632 : i32 to index
        %parallel_loop3A_634 = arith.constant 0 : index
        %parallel_loop3A_635 = tpu.vector_load %arg10[%parallel_loop3A_633, %parallel_loop3A_634] {strides = array<i32>} : memref<640x16xf32, #tpu.memory_space<vmem>>, vector<16xf32>,
        tpu.vector_store %arg10[%parallel_loop3A_633, %parallel_loop3A_634], %broadcast_in_dim3A_430 {strides = array<i32>} : memref<640x16xf32, #tpu.memory_space<vmem>>, vector<16xf32>,
      } {sc.loop_unroll_factor = 8 : i64, sc.parallel_access}
      %barrier3A_434 = arith.constant 0 : index
      tpu.barrier barrier_id(%barrier3A_434)
      "tpu.region"() ({
        %run_scoped3A = tpu.sem_alloc : memref<!tpu.dma_semaphore, #tpu.memory_space<semaphore_mem>>
        tpu.enqueue_dma source(%arg17 : memref<640x16xf32, #tpu.memory_space<vmem_shared>>) target(%arg9 : memref<640x16xf32, #tpu.memory_space<vmem>>) target_semaphore(%run_scoped3A : memref<!tpu.dma_semaphore, #tpu.memory_space<semaphore_mem>>)
        tpu.wait_dma2 semaphore(%run_scoped3A : memref<!tpu.dma_semaphore, #tpu.memory_space<semaphore_mem>>) src(%arg17 : memref<640x16xf32, #tpu.memory_space<vmem_shared>>) dst(%arg9 : memref<640x16xf32, #tpu.memory_space<vmem>>)
        tpu.yield
      }) : () -> ()
      %barrier3A_435 = arith.constant 0 : index
      tpu.barrier barrier_id(%barrier3A_435)
      %parallel_loop3A_436 = arith.constant 0 : i32
      %parallel_loop3A_437 = arith.constant 1250 : i32
      %parallel_loop3A_438 = arith.constant 1 : i32
      scf.for %parallel_loop3A_632 = %parallel_loop3A_436 to %parallel_loop3A_437 step %parallel_loop3A_438  : i32 {
        %parallel_loop3A_633 = arith.constant 16 : i32
        %parallel_loop3A_634 = arith.muli %parallel_loop3A_632, %parallel_loop3A_633 : i32
        %parallel_loop3A_635 = arith.index_cast %parallel_loop3A_634 : i32 to index
        %parallel_loop3A_636 = tpu.vector_load %arg6[%parallel_loop3A_635] {strides = array<i32>} : memref<20000xi32, #tpu.memory_space<vmem>>, vector<16xi32>,
        %parallel_loop3A_637 = arith.constant 16 : i32
        %parallel_loop3A_638 = arith.muli %parallel_loop3A_632, %parallel_loop3A_637 : i32
        %parallel_loop3A_639 = arith.index_cast %parallel_loop3A_638 : i32 to index
        %parallel_loop3A_640 = tpu.vector_load %arg8[%parallel_loop3A_639] {strides = array<i32>} : memref<20000xf32, #tpu.memory_space<vmem>>, vector<16xf32>,
        %parallel_loop3A_641 = arith.constant 16 : i32
        %parallel_loop3A_642 = arith.muli %parallel_loop3A_632, %parallel_loop3A_641 : i32
        %parallel_loop3A_643 = arith.index_cast %parallel_loop3A_642 : i32 to index
        %parallel_loop3A_644 = tpu.vector_load %arg7[%parallel_loop3A_643] {strides = array<i32>} : memref<20000xi32, #tpu.memory_space<vmem>>, vector<16xi32>,
        %parallel_loop3A_645 = arith.constant 4 : i32
        %parallel_loop3A_646 = vector.broadcast %parallel_loop3A_645 : i32 to vector<16xi32>
        %parallel_loop3A_647 = arith.shrui %parallel_loop3A_644, %parallel_loop3A_646 : vector<16xi32>
        %parallel_loop3A_648 = arith.constant 15 : i32
        %parallel_loop3A_649 = vector.broadcast %parallel_loop3A_648 : i32 to vector<16xi32>
        %parallel_loop3A_650 = arith.andi %parallel_loop3A_644, %parallel_loop3A_649 : vector<16xi32>
        %parallel_loop3A_651 = tpu.vector_load_idx %arg9[%parallel_loop3A_647, %parallel_loop3A_650] : memref<640x16xf32, #tpu.memory_space<vmem>>[vector<16xi32>, vector<16xi32>], vector<16xf32>,
        %parallel_loop3A_652 = arith.mulf %parallel_loop3A_651, %parallel_loop3A_640 : vector<16xf32>
        %parallel_loop3A_653 = arith.constant 4 : i32
        %parallel_loop3A_654 = vector.broadcast %parallel_loop3A_653 : i32 to vector<16xi32>
        %parallel_loop3A_655 = arith.shrui %parallel_loop3A_636, %parallel_loop3A_654 : vector<16xi32>
        %parallel_loop3A_656 = arith.constant 15 : i32
        %parallel_loop3A_657 = vector.broadcast %parallel_loop3A_656 : i32 to vector<16xi32>
        %parallel_loop3A_658 = arith.andi %parallel_loop3A_636, %parallel_loop3A_657 : vector<16xi32>
        tpu.vector_store_idx %arg10[%parallel_loop3A_655, %parallel_loop3A_658], %parallel_loop3A_652 {add = true} : memref<640x16xf32, #tpu.memory_space<vmem>>[vector<16xi32>, vector<16xi32>], vector<16xf32>,
      } {sc.loop_unroll_factor = 4 : i64, sc.parallel_access}
      %mul3A_439 = arith.constant 40 : i32
      %mul3A_440 = arith.muli %arg1, %mul3A_439 : i32
      "tpu.region"() ({
        %run_scoped3A = tpu.sem_alloc : memref<!tpu.dma_semaphore, #tpu.memory_space<semaphore_mem>>
        %dma_start3A_632 = arith.constant 0 : i32
        %dma_start3A_633 = tpu.memref_slice %arg17[%mul3A_440, %dma_start3A_632] : memref<640x16xf32, #tpu.memory_space<vmem_shared>> -> memref<40x16xf32, #tpu.memory_space<vmem_shared>>
        %dma_start3A_634 = arith.constant 0 : i32
        %dma_start3A_635 = tpu.memref_slice %arg17[%mul3A_440, %dma_start3A_634] : memref<640x16xf32, #tpu.memory_space<vmem_shared>> -> memref<40x16xf32, #tpu.memory_space<vmem_shared>>
        tpu.enqueue_dma source(%arg16 : memref<40x16xf32, #tpu.memory_space<vmem>>) target(%dma_start3A_635 : memref<40x16xf32, #tpu.memory_space<vmem_shared>>) target_semaphore(%run_scoped3A : memref<!tpu.dma_semaphore, #tpu.memory_space<semaphore_mem>>)
        %dma_wait3A_636 = arith.constant 0 : i32
        %dma_wait3A_637 = tpu.memref_slice %arg17[%mul3A_440, %dma_wait3A_636] : memref<640x16xf32, #tpu.memory_space<vmem_shared>> -> memref<40x16xf32, #tpu.memory_space<vmem_shared>>
        %dma_wait3A_638 = arith.constant 0 : i32
        %dma_wait3A_639 = tpu.memref_slice %arg17[%mul3A_440, %dma_wait3A_638] : memref<640x16xf32, #tpu.memory_space<vmem_shared>> -> memref<40x16xf32, #tpu.memory_space<vmem_shared>>
        tpu.wait_dma2 semaphore(%run_scoped3A : memref<!tpu.dma_semaphore, #tpu.memory_space<semaphore_mem>>) src(%arg16 : memref<40x16xf32, #tpu.memory_space<vmem>>) dst(%dma_wait3A_639 : memref<40x16xf32, #tpu.memory_space<vmem_shared>>)
        tpu.yield
      }) : () -> ()
      %barrier3A_441 = arith.constant 0 : index
      tpu.barrier barrier_id(%barrier3A_441)
      %add3A_442 = arith.constant 0 : i32
      %add3A_443 = arith.addi %arg1, %add3A_442 : i32
      %rem3A_444 = arith.constant 5 : i32
      %rem3A_445 = arith.remsi %add3A_443, %rem3A_444 : i32
      %mul3A_446 = arith.constant 128 : i32
      %mul3A_447 = arith.muli %rem3A_445, %mul3A_446 : i32
      "tpu.region"() ({
        %run_scoped3A = tpu.sem_alloc : memref<!tpu.dma_semaphore, #tpu.memory_space<semaphore_mem>>
        %dma_start3A_632 = arith.constant 0 : i32
        %dma_start3A_633 = tpu.memref_slice %arg10[%mul3A_447, %dma_start3A_632] : memref<640x16xf32, #tpu.memory_space<vmem>> -> memref<128x16xf32, #tpu.memory_space<vmem>>
        %dma_start3A_634 = arith.constant 0 : i32
        %dma_start3A_635 = tpu.memref_slice %arg13[%rem3A_445, %dma_start3A_634] : memref<5x128xi32, #tpu.memory_space<vmem>> -> memref<1x128xi32, #tpu.memory_space<vmem>>
        %dma_start3A_636 = tpu.memref_squeeze %dma_start3A_635 : memref<1x128xi32, #tpu.memory_space<vmem>> -> memref<128xi32, #tpu.memory_space<vmem>>
        %dma_start3A_637 = arith.constant 0 : i32
        %dma_start3A_638 = arith.constant 0 : i32
        %dma_start3A_639 = tpu.memref_slice %arg17[%dma_start3A_637, %dma_start3A_638] : memref<640x16xf32, #tpu.memory_space<vmem_shared>> -> memref<640x16xf32, #tpu.memory_space<vmem_shared>>
        tpu.enqueue_indirect_dma source(%dma_start3A_633 : memref<128x16xf32, #tpu.memory_space<vmem>>) target(%dma_start3A_639 : memref<640x16xf32, #tpu.memory_space<vmem_shared>>) offsets(%dma_start3A_636 : memref<128xi32, #tpu.memory_space<vmem>>) semaphore(%run_scoped3A : memref<!tpu.dma_semaphore, #tpu.memory_space<semaphore_mem>>) {add = true}
        %dma_wait3A_640 = arith.constant 0 : i32
        %dma_wait3A_641 = tpu.memref_slice %arg10[%mul3A_447, %dma_wait3A_640] : memref<640x16xf32, #tpu.memory_space<vmem>> -> memref<128x16xf32, #tpu.memory_space<vmem>>
        %dma_wait3A_642 = arith.constant 0 : i32
        %dma_wait3A_643 = tpu.memref_slice %arg13[%rem3A_445, %dma_wait3A_642] : memref<5x128xi32, #tpu.memory_space<vmem>> -> memref<1x128xi32, #tpu.memory_space<vmem>>
        %dma_wait3A_644 = tpu.memref_squeeze %dma_wait3A_643 : memref<1x128xi32, #tpu.memory_space<vmem>> -> memref<128xi32, #tpu.memory_space<vmem>>
        %dma_wait3A_645 = arith.constant 0 : i32
        %dma_wait3A_646 = arith.constant 0 : i32
        %dma_wait3A_647 = tpu.memref_slice %arg17[%dma_wait3A_645, %dma_wait3A_646] : memref<640x16xf32, #tpu.memory_space<vmem_shared>> -> memref<640x16xf32, #tpu.memory_space<vmem_shared>>
        tpu.wait_indirect_dma semaphore(%run_scoped3A : memref<!tpu.dma_semaphore, #tpu.memory_space<semaphore_mem>>) src(%dma_wait3A_641 : memref<128x16xf32, #tpu.memory_space<vmem>>) dst(%dma_wait3A_647 : memref<640x16xf32, #tpu.memory_space<vmem_shared>>)
        tpu.yield
      }) : () -> ()
      %add3A_448 = arith.constant 1 : i32
      %add3A_449 = arith.addi %arg1, %add3A_448 : i32
      %rem3A_450 = arith.constant 5 : i32
      %rem3A_451 = arith.remsi %add3A_449, %rem3A_450 : i32
      %mul3A_452 = arith.constant 128 : i32
      %mul3A_453 = arith.muli %rem3A_451, %mul3A_452 : i32
      "tpu.region"() ({
        %run_scoped3A = tpu.sem_alloc : memref<!tpu.dma_semaphore, #tpu.memory_space<semaphore_mem>>
        %dma_start3A_632 = arith.constant 0 : i32
        %dma_start3A_633 = tpu.memref_slice %arg10[%mul3A_453, %dma_start3A_632] : memref<640x16xf32, #tpu.memory_space<vmem>> -> memref<128x16xf32, #tpu.memory_space<vmem>>
        %dma_start3A_634 = arith.constant 0 : i32
        %dma_start3A_635 = tpu.memref_slice %arg13[%rem3A_451, %dma_start3A_634] : memref<5x128xi32, #tpu.memory_space<vmem>> -> memref<1x128xi32, #tpu.memory_space<vmem>>
        %dma_start3A_636 = tpu.memref_squeeze %dma_start3A_635 : memref<1x128xi32, #tpu.memory_space<vmem>> -> memref<128xi32, #tpu.memory_space<vmem>>
        %dma_start3A_637 = arith.constant 0 : i32
        %dma_start3A_638 = arith.constant 0 : i32
        %dma_start3A_639 = tpu.memref_slice %arg17[%dma_start3A_637, %dma_start3A_638] : memref<640x16xf32, #tpu.memory_space<vmem_shared>> -> memref<640x16xf32, #tpu.memory_space<vmem_shared>>
        tpu.enqueue_indirect_dma source(%dma_start3A_633 : memref<128x16xf32, #tpu.memory_space<vmem>>) target(%dma_start3A_639 : memref<640x16xf32, #tpu.memory_space<vmem_shared>>) offsets(%dma_start3A_636 : memref<128xi32, #tpu.memory_space<vmem>>) semaphore(%run_scoped3A : memref<!tpu.dma_semaphore, #tpu.memory_space<semaphore_mem>>) {add = true}
        %dma_wait3A_640 = arith.constant 0 : i32
        %dma_wait3A_641 = tpu.memref_slice %arg10[%mul3A_453, %dma_wait3A_640] : memref<640x16xf32, #tpu.memory_space<vmem>> -> memref<128x16xf32, #tpu.memory_space<vmem>>
        %dma_wait3A_642 = arith.constant 0 : i32
        %dma_wait3A_643 = tpu.memref_slice %arg13[%rem3A_451, %dma_wait3A_642] : memref<5x128xi32, #tpu.memory_space<vmem>> -> memref<1x128xi32, #tpu.memory_space<vmem>>
        %dma_wait3A_644 = tpu.memref_squeeze %dma_wait3A_643 : memref<1x128xi32, #tpu.memory_space<vmem>> -> memref<128xi32, #tpu.memory_space<vmem>>
        %dma_wait3A_645 = arith.constant 0 : i32
        %dma_wait3A_646 = arith.constant 0 : i32
        %dma_wait3A_647 = tpu.memref_slice %arg17[%dma_wait3A_645, %dma_wait3A_646] : memref<640x16xf32, #tpu.memory_space<vmem_shared>> -> memref<640x16xf32, #tpu.memory_space<vmem_shared>>
        tpu.wait_indirect_dma semaphore(%run_scoped3A : memref<!tpu.dma_semaphore, #tpu.memory_space<semaphore_mem>>) src(%dma_wait3A_641 : memref<128x16xf32, #tpu.memory_space<vmem>>) dst(%dma_wait3A_647 : memref<640x16xf32, #tpu.memory_space<vmem_shared>>)
        tpu.yield
      }) : () -> ()
      %add3A_454 = arith.constant 2 : i32
      %add3A_455 = arith.addi %arg1, %add3A_454 : i32
      %rem3A_456 = arith.constant 5 : i32
      %rem3A_457 = arith.remsi %add3A_455, %rem3A_456 : i32
      %mul3A_458 = arith.constant 128 : i32
      %mul3A_459 = arith.muli %rem3A_457, %mul3A_458 : i32
      "tpu.region"() ({
        %run_scoped3A = tpu.sem_alloc : memref<!tpu.dma_semaphore, #tpu.memory_space<semaphore_mem>>
        %dma_start3A_632 = arith.constant 0 : i32
        %dma_start3A_633 = tpu.memref_slice %arg10[%mul3A_459, %dma_start3A_632] : memref<640x16xf32, #tpu.memory_space<vmem>> -> memref<128x16xf32, #tpu.memory_space<vmem>>
        %dma_start3A_634 = arith.constant 0 : i32
        %dma_start3A_635 = tpu.memref_slice %arg13[%rem3A_457, %dma_start3A_634] : memref<5x128xi32, #tpu.memory_space<vmem>> -> memref<1x128xi32, #tpu.memory_space<vmem>>
        %dma_start3A_636 = tpu.memref_squeeze %dma_start3A_635 : memref<1x128xi32, #tpu.memory_space<vmem>> -> memref<128xi32, #tpu.memory_space<vmem>>
        %dma_start3A_637 = arith.constant 0 : i32
        %dma_start3A_638 = arith.constant 0 : i32
        %dma_start3A_639 = tpu.memref_slice %arg17[%dma_start3A_637, %dma_start3A_638] : memref<640x16xf32, #tpu.memory_space<vmem_shared>> -> memref<640x16xf32, #tpu.memory_space<vmem_shared>>
        tpu.enqueue_indirect_dma source(%dma_start3A_633 : memref<128x16xf32, #tpu.memory_space<vmem>>) target(%dma_start3A_639 : memref<640x16xf32, #tpu.memory_space<vmem_shared>>) offsets(%dma_start3A_636 : memref<128xi32, #tpu.memory_space<vmem>>) semaphore(%run_scoped3A : memref<!tpu.dma_semaphore, #tpu.memory_space<semaphore_mem>>) {add = true}
        %dma_wait3A_640 = arith.constant 0 : i32
        %dma_wait3A_641 = tpu.memref_slice %arg10[%mul3A_459, %dma_wait3A_640] : memref<640x16xf32, #tpu.memory_space<vmem>> -> memref<128x16xf32, #tpu.memory_space<vmem>>
        %dma_wait3A_642 = arith.constant 0 : i32
        %dma_wait3A_643 = tpu.memref_slice %arg13[%rem3A_457, %dma_wait3A_642] : memref<5x128xi32, #tpu.memory_space<vmem>> -> memref<1x128xi32, #tpu.memory_space<vmem>>
        %dma_wait3A_644 = tpu.memref_squeeze %dma_wait3A_643 : memref<1x128xi32, #tpu.memory_space<vmem>> -> memref<128xi32, #tpu.memory_space<vmem>>
        %dma_wait3A_645 = arith.constant 0 : i32
        %dma_wait3A_646 = arith.constant 0 : i32
        %dma_wait3A_647 = tpu.memref_slice %arg17[%dma_wait3A_645, %dma_wait3A_646] : memref<640x16xf32, #tpu.memory_space<vmem_shared>> -> memref<640x16xf32, #tpu.memory_space<vmem_shared>>
        tpu.wait_indirect_dma semaphore(%run_scoped3A : memref<!tpu.dma_semaphore, #tpu.memory_space<semaphore_mem>>) src(%dma_wait3A_641 : memref<128x16xf32, #tpu.memory_space<vmem>>) dst(%dma_wait3A_647 : memref<640x16xf32, #tpu.memory_space<vmem_shared>>)
        tpu.yield
      }) : () -> ()
      %add3A_460 = arith.constant 3 : i32
      %add3A_461 = arith.addi %arg1, %add3A_460 : i32
      %rem3A_462 = arith.constant 5 : i32
      %rem3A_463 = arith.remsi %add3A_461, %rem3A_462 : i32
      %mul3A_464 = arith.constant 128 : i32
      %mul3A_465 = arith.muli %rem3A_463, %mul3A_464 : i32
      "tpu.region"() ({
        %run_scoped3A = tpu.sem_alloc : memref<!tpu.dma_semaphore, #tpu.memory_space<semaphore_mem>>
        %dma_start3A_632 = arith.constant 0 : i32
        %dma_start3A_633 = tpu.memref_slice %arg10[%mul3A_465, %dma_start3A_632] : memref<640x16xf32, #tpu.memory_space<vmem>> -> memref<128x16xf32, #tpu.memory_space<vmem>>
        %dma_start3A_634 = arith.constant 0 : i32
        %dma_start3A_635 = tpu.memref_slice %arg13[%rem3A_463, %dma_start3A_634] : memref<5x128xi32, #tpu.memory_space<vmem>> -> memref<1x128xi32, #tpu.memory_space<vmem>>
        %dma_start3A_636 = tpu.memref_squeeze %dma_start3A_635 : memref<1x128xi32, #tpu.memory_space<vmem>> -> memref<128xi32, #tpu.memory_space<vmem>>
        %dma_start3A_637 = arith.constant 0 : i32
        %dma_start3A_638 = arith.constant 0 : i32
        %dma_start3A_639 = tpu.memref_slice %arg17[%dma_start3A_637, %dma_start3A_638] : memref<640x16xf32, #tpu.memory_space<vmem_shared>> -> memref<640x16xf32, #tpu.memory_space<vmem_shared>>
        tpu.enqueue_indirect_dma source(%dma_start3A_633 : memref<128x16xf32, #tpu.memory_space<vmem>>) target(%dma_start3A_639 : memref<640x16xf32, #tpu.memory_space<vmem_shared>>) offsets(%dma_start3A_636 : memref<128xi32, #tpu.memory_space<vmem>>) semaphore(%run_scoped3A : memref<!tpu.dma_semaphore, #tpu.memory_space<semaphore_mem>>) {add = true}
        %dma_wait3A_640 = arith.constant 0 : i32
        %dma_wait3A_641 = tpu.memref_slice %arg10[%mul3A_465, %dma_wait3A_640] : memref<640x16xf32, #tpu.memory_space<vmem>> -> memref<128x16xf32, #tpu.memory_space<vmem>>
        %dma_wait3A_642 = arith.constant 0 : i32
        %dma_wait3A_643 = tpu.memref_slice %arg13[%rem3A_463, %dma_wait3A_642] : memref<5x128xi32, #tpu.memory_space<vmem>> -> memref<1x128xi32, #tpu.memory_space<vmem>>
        %dma_wait3A_644 = tpu.memref_squeeze %dma_wait3A_643 : memref<1x128xi32, #tpu.memory_space<vmem>> -> memref<128xi32, #tpu.memory_space<vmem>>
        %dma_wait3A_645 = arith.constant 0 : i32
        %dma_wait3A_646 = arith.constant 0 : i32
        %dma_wait3A_647 = tpu.memref_slice %arg17[%dma_wait3A_645, %dma_wait3A_646] : memref<640x16xf32, #tpu.memory_space<vmem_shared>> -> memref<640x16xf32, #tpu.memory_space<vmem_shared>>
        tpu.wait_indirect_dma semaphore(%run_scoped3A : memref<!tpu.dma_semaphore, #tpu.memory_space<semaphore_mem>>) src(%dma_wait3A_641 : memref<128x16xf32, #tpu.memory_space<vmem>>) dst(%dma_wait3A_647 : memref<640x16xf32, #tpu.memory_space<vmem_shared>>)
        tpu.yield
      }) : () -> ()
      %add3A_466 = arith.constant 4 : i32
      %add3A_467 = arith.addi %arg1, %add3A_466 : i32
      %rem3A_468 = arith.constant 5 : i32
      %rem3A_469 = arith.remsi %add3A_467, %rem3A_468 : i32
      %mul3A_470 = arith.constant 128 : i32
      %mul3A_471 = arith.muli %rem3A_469, %mul3A_470 : i32
      "tpu.region"() ({
        %run_scoped3A = tpu.sem_alloc : memref<!tpu.dma_semaphore, #tpu.memory_space<semaphore_mem>>
        %dma_start3A_632 = arith.constant 0 : i32
        %dma_start3A_633 = tpu.memref_slice %arg10[%mul3A_471, %dma_start3A_632] : memref<640x16xf32, #tpu.memory_space<vmem>> -> memref<128x16xf32, #tpu.memory_space<vmem>>
        %dma_start3A_634 = arith.constant 0 : i32
        %dma_start3A_635 = tpu.memref_slice %arg13[%rem3A_469, %dma_start3A_634] : memref<5x128xi32, #tpu.memory_space<vmem>> -> memref<1x128xi32, #tpu.memory_space<vmem>>
        %dma_start3A_636 = tpu.memref_squeeze %dma_start3A_635 : memref<1x128xi32, #tpu.memory_space<vmem>> -> memref<128xi32, #tpu.memory_space<vmem>>
        %dma_start3A_637 = arith.constant 0 : i32
        %dma_start3A_638 = arith.constant 0 : i32
        %dma_start3A_639 = tpu.memref_slice %arg17[%dma_start3A_637, %dma_start3A_638] : memref<640x16xf32, #tpu.memory_space<vmem_shared>> -> memref<640x16xf32, #tpu.memory_space<vmem_shared>>
        tpu.enqueue_indirect_dma source(%dma_start3A_633 : memref<128x16xf32, #tpu.memory_space<vmem>>) target(%dma_start3A_639 : memref<640x16xf32, #tpu.memory_space<vmem_shared>>) offsets(%dma_start3A_636 : memref<128xi32, #tpu.memory_space<vmem>>) semaphore(%run_scoped3A : memref<!tpu.dma_semaphore, #tpu.memory_space<semaphore_mem>>) {add = true}
        %dma_wait3A_640 = arith.constant 0 : i32
        %dma_wait3A_641 = tpu.memref_slice %arg10[%mul3A_471, %dma_wait3A_640] : memref<640x16xf32, #tpu.memory_space<vmem>> -> memref<128x16xf32, #tpu.memory_space<vmem>>
        %dma_wait3A_642 = arith.constant 0 : i32
        %dma_wait3A_643 = tpu.memref_slice %arg13[%rem3A_469, %dma_wait3A_642] : memref<5x128xi32, #tpu.memory_space<vmem>> -> memref<1x128xi32, #tpu.memory_space<vmem>>
        %dma_wait3A_644 = tpu.memref_squeeze %dma_wait3A_643 : memref<1x128xi32, #tpu.memory_space<vmem>> -> memref<128xi32, #tpu.memory_space<vmem>>
        %dma_wait3A_645 = arith.constant 0 : i32
        %dma_wait3A_646 = arith.constant 0 : i32
        %dma_wait3A_647 = tpu.memref_slice %arg17[%dma_wait3A_645, %dma_wait3A_646] : memref<640x16xf32, #tpu.memory_space<vmem_shared>> -> memref<640x16xf32, #tpu.memory_space<vmem_shared>>
        tpu.wait_indirect_dma semaphore(%run_scoped3A : memref<!tpu.dma_semaphore, #tpu.memory_space<semaphore_mem>>) src(%dma_wait3A_641 : memref<128x16xf32, #tpu.memory_space<vmem>>) dst(%dma_wait3A_647 : memref<640x16xf32, #tpu.memory_space<vmem_shared>>)
        tpu.yield
      }) : () -> ()
      %barrier3A_472 = arith.constant 0 : index
      tpu.barrier barrier_id(%barrier3A_472)
      %add3A_473 = arith.constant 0 : i32
      %add3A_474 = arith.addi %mul3A_341, %add3A_473 : i32
      %dma_start3A_475 = arith.constant 0 : i32
      %dma_start3A_476 = tpu.memref_slice %arg2[%add3A_474, %dma_start3A_475] : memref<10000x128xf32, #tpu.memory_space<hbm>> -> memref<125x128xf32, #tpu.memory_space<hbm>>
      %dma_start3A_477 = arith.constant 0 : i32
      %dma_start3A_478 = tpu.memref_slice %arg2[%add3A_474, %dma_start3A_477] : memref<10000x128xf32, #tpu.memory_space<hbm>> -> memref<125x128xf32, #tpu.memory_space<hbm>>
      tpu.enqueue_dma source(%dma_start3A_478 : memref<125x128xf32, #tpu.memory_space<hbm>>) target(%arg11 : memref<125x128xf32, #tpu.memory_space<vmem>>) target_semaphore(%arg19 : memref<!tpu.dma_semaphore, #tpu.memory_space<semaphore_mem>>)
      %add3A_479 = arith.constant 125 : i32
      %add3A_480 = arith.addi %mul3A_341, %add3A_479 : i32
      %dma_start3A_481 = arith.constant 0 : i32
      %dma_start3A_482 = tpu.memref_slice %arg2[%add3A_480, %dma_start3A_481] : memref<10000x128xf32, #tpu.memory_space<hbm>> -> memref<125x128xf32, #tpu.memory_space<hbm>>
      %dma_start3A_483 = arith.constant 0 : i32
      %dma_start3A_484 = tpu.memref_slice %arg2[%add3A_480, %dma_start3A_483] : memref<10000x128xf32, #tpu.memory_space<hbm>> -> memref<125x128xf32, #tpu.memory_space<hbm>>
      tpu.enqueue_dma source(%dma_start3A_484 : memref<125x128xf32, #tpu.memory_space<hbm>>) target(%arg12 : memref<125x128xf32, #tpu.memory_space<vmem>>) target_semaphore(%arg19 : memref<!tpu.dma_semaphore, #tpu.memory_space<semaphore_mem>>)
      "tpu.region"() ({
        %run_scoped3A = tpu.sem_alloc : memref<!tpu.dma_semaphore, #tpu.memory_space<semaphore_mem>>
        tpu.enqueue_dma source(%arg17 : memref<640x16xf32, #tpu.memory_space<vmem_shared>>) target(%arg9 : memref<640x16xf32, #tpu.memory_space<vmem>>) target_semaphore(%run_scoped3A : memref<!tpu.dma_semaphore, #tpu.memory_space<semaphore_mem>>)
        tpu.wait_dma2 semaphore(%run_scoped3A : memref<!tpu.dma_semaphore, #tpu.memory_space<semaphore_mem>>) src(%arg17 : memref<640x16xf32, #tpu.memory_space<vmem_shared>>) dst(%arg9 : memref<640x16xf32, #tpu.memory_space<vmem>>)
        tpu.yield
      }) : () -> ()
      %barrier3A_485 = arith.constant 0 : index
      tpu.barrier barrier_id(%barrier3A_485)
      %broadcast_in_dim3A_486 = arith.constant 0.000000e+00 : f32
      %broadcast_in_dim3A_487 = vector.broadcast %broadcast_in_dim3A_486 : f32 to vector<16xf32>
      %broadcast_in_dim3A_488 = arith.constant 0.000000e+00 : f32
      %broadcast_in_dim3A_489 = vector.broadcast %broadcast_in_dim3A_488 : f32 to vector<16xf32>
      %broadcast_in_dim3A_490 = arith.constant 0.000000e+00 : f32
      %broadcast_in_dim3A_491 = vector.broadcast %broadcast_in_dim3A_490 : f32 to vector<16xf32>
      %broadcast_in_dim3A_492 = arith.constant 0.000000e+00 : f32
      %broadcast_in_dim3A_493 = vector.broadcast %broadcast_in_dim3A_492 : f32 to vector<16xf32>
      %broadcast_in_dim3A_494 = arith.constant 0.000000e+00 : f32
      %broadcast_in_dim3A_495 = vector.broadcast %broadcast_in_dim3A_494 : f32 to vector<16xf32>
      %broadcast_in_dim3A_496 = arith.constant 0.000000e+00 : f32
      %broadcast_in_dim3A_497 = vector.broadcast %broadcast_in_dim3A_496 : f32 to vector<16xf32>
      %broadcast_in_dim3A_498 = arith.constant 0.000000e+00 : f32
      %broadcast_in_dim3A_499 = vector.broadcast %broadcast_in_dim3A_498 : f32 to vector<16xf32>
      %broadcast_in_dim3A_500 = arith.constant 0.000000e+00 : f32
      %broadcast_in_dim3A_501 = vector.broadcast %broadcast_in_dim3A_500 : f32 to vector<16xf32>
      %add3A_502 = arith.constant 0 : i32
      %add3A_503 = arith.addi %mul3A_341, %add3A_502 : i32
      %dma_wait3A_504 = arith.constant 0 : i32
      %dma_wait3A_505 = tpu.memref_slice %arg2[%add3A_503, %dma_wait3A_504] : memref<10000x128xf32, #tpu.memory_space<hbm>> -> memref<125x128xf32, #tpu.memory_space<hbm>>
      %dma_wait3A_506 = arith.constant 0 : i32
      %dma_wait3A_507 = tpu.memref_slice %arg2[%add3A_503, %dma_wait3A_506] : memref<10000x128xf32, #tpu.memory_space<hbm>> -> memref<125x128xf32, #tpu.memory_space<hbm>>
      tpu.wait_dma2 semaphore(%arg19 : memref<!tpu.dma_semaphore, #tpu.memory_space<semaphore_mem>>) src(%dma_wait3A_507 : memref<125x128xf32, #tpu.memory_space<hbm>>) dst(%arg11 : memref<125x128xf32, #tpu.memory_space<vmem>>)
      %parallel_loop3A_508 = arith.constant 0 : i32
      %parallel_loop3A_509 = arith.constant 125 : i32
      %parallel_loop3A_510 = arith.constant 1 : i32
      %parallel_loop3A_511:8 = scf.for %parallel_loop3A_632 = %parallel_loop3A_508 to %parallel_loop3A_509 step %parallel_loop3A_510 iter_args(%parallel_loop3A_633 = %broadcast_in_dim3A_487, %parallel_loop3A_634 = %broadcast_in_dim3A_489, %parallel_loop3A_635 = %broadcast_in_dim3A_491, %parallel_loop3A_636 = %broadcast_in_dim3A_493, %parallel_loop3A_637 = %broadcast_in_dim3A_495, %parallel_loop3A_638 = %broadcast_in_dim3A_497, %parallel_loop3A_639 = %broadcast_in_dim3A_499, %parallel_loop3A_640 = %broadcast_in_dim3A_501) -> (vector<16xf32>, vector<16xf32>, vector<16xf32>, vector<16xf32>, vector<16xf32>, vector<16xf32>, vector<16xf32>, vector<16xf32>)  : i32 {
        %parallel_loop3A_641 = arith.constant 0 : i32
        %parallel_loop3A_642 = arith.addi %mul3A_341, %parallel_loop3A_641 : i32
        %parallel_loop3A_643 = arith.addi %parallel_loop3A_642, %parallel_loop3A_632 : i32
        %parallel_loop3A_644 = arith.constant 4 : i32
        %parallel_loop3A_645 = arith.shrui %parallel_loop3A_643, %parallel_loop3A_644 : i32
        %parallel_loop3A_646 = vector.broadcast %parallel_loop3A_645 : i32 to vector<16xi32>
        %parallel_loop3A_647 = arith.constant 15 : i32
        %parallel_loop3A_648 = arith.andi %parallel_loop3A_643, %parallel_loop3A_647 : i32
        %parallel_loop3A_649 = vector.broadcast %parallel_loop3A_648 : i32 to vector<16xi32>
        %parallel_loop3A_650 = tpu.vector_load_idx %arg9[%parallel_loop3A_646, %parallel_loop3A_649] : memref<640x16xf32, #tpu.memory_space<vmem>>[vector<16xi32>, vector<16xi32>], vector<16xf32>,
        %parallel_loop3A_651 = arith.index_cast %parallel_loop3A_632 : i32 to index
        %parallel_loop3A_652 = arith.constant 0 : index
        %parallel_loop3A_653 = tpu.vector_load %arg11[%parallel_loop3A_651, %parallel_loop3A_652] {strides = array<i32>} : memref<125x128xf32, #tpu.memory_space<vmem>>, vector<16xf32>,
        %parallel_loop3A_654 = arith.mulf %parallel_loop3A_650, %parallel_loop3A_653 : vector<16xf32>
        %parallel_loop3A_655 = arith.addf %parallel_loop3A_633, %parallel_loop3A_654 : vector<16xf32>
        %parallel_loop3A_656 = arith.index_cast %parallel_loop3A_632 : i32 to index
        %parallel_loop3A_657 = arith.constant 16 : index
        %parallel_loop3A_658 = tpu.vector_load %arg11[%parallel_loop3A_656, %parallel_loop3A_657] {strides = array<i32>} : memref<125x128xf32, #tpu.memory_space<vmem>>, vector<16xf32>,
        %parallel_loop3A_659 = arith.mulf %parallel_loop3A_650, %parallel_loop3A_658 : vector<16xf32>
        %parallel_loop3A_660 = arith.addf %parallel_loop3A_634, %parallel_loop3A_659 : vector<16xf32>
        %parallel_loop3A_661 = arith.index_cast %parallel_loop3A_632 : i32 to index
        %parallel_loop3A_662 = arith.constant 32 : index
        %parallel_loop3A_663 = tpu.vector_load %arg11[%parallel_loop3A_661, %parallel_loop3A_662] {strides = array<i32>} : memref<125x128xf32, #tpu.memory_space<vmem>>, vector<16xf32>,
        %parallel_loop3A_664 = arith.mulf %parallel_loop3A_650, %parallel_loop3A_663 : vector<16xf32>
        %parallel_loop3A_665 = arith.addf %parallel_loop3A_635, %parallel_loop3A_664 : vector<16xf32>
        %parallel_loop3A_666 = arith.index_cast %parallel_loop3A_632 : i32 to index
        %parallel_loop3A_667 = arith.constant 48 : index
        %parallel_loop3A_668 = tpu.vector_load %arg11[%parallel_loop3A_666, %parallel_loop3A_667] {strides = array<i32>} : memref<125x128xf32, #tpu.memory_space<vmem>>, vector<16xf32>,
        %parallel_loop3A_669 = arith.mulf %parallel_loop3A_650, %parallel_loop3A_668 : vector<16xf32>
        %parallel_loop3A_670 = arith.addf %parallel_loop3A_636, %parallel_loop3A_669 : vector<16xf32>
        %parallel_loop3A_671 = arith.index_cast %parallel_loop3A_632 : i32 to index
        %parallel_loop3A_672 = arith.constant 64 : index
        %parallel_loop3A_673 = tpu.vector_load %arg11[%parallel_loop3A_671, %parallel_loop3A_672] {strides = array<i32>} : memref<125x128xf32, #tpu.memory_space<vmem>>, vector<16xf32>,
        %parallel_loop3A_674 = arith.mulf %parallel_loop3A_650, %parallel_loop3A_673 : vector<16xf32>
        %parallel_loop3A_675 = arith.addf %parallel_loop3A_637, %parallel_loop3A_674 : vector<16xf32>
        %parallel_loop3A_676 = arith.index_cast %parallel_loop3A_632 : i32 to index
        %parallel_loop3A_677 = arith.constant 80 : index
        %parallel_loop3A_678 = tpu.vector_load %arg11[%parallel_loop3A_676, %parallel_loop3A_677] {strides = array<i32>} : memref<125x128xf32, #tpu.memory_space<vmem>>, vector<16xf32>,
        %parallel_loop3A_679 = arith.mulf %parallel_loop3A_650, %parallel_loop3A_678 : vector<16xf32>
        %parallel_loop3A_680 = arith.addf %parallel_loop3A_638, %parallel_loop3A_679 : vector<16xf32>
        %parallel_loop3A_681 = arith.index_cast %parallel_loop3A_632 : i32 to index
        %parallel_loop3A_682 = arith.constant 96 : index
        %parallel_loop3A_683 = tpu.vector_load %arg11[%parallel_loop3A_681, %parallel_loop3A_682] {strides = array<i32>} : memref<125x128xf32, #tpu.memory_space<vmem>>, vector<16xf32>,
        %parallel_loop3A_684 = arith.mulf %parallel_loop3A_650, %parallel_loop3A_683 : vector<16xf32>
        %parallel_loop3A_685 = arith.addf %parallel_loop3A_639, %parallel_loop3A_684 : vector<16xf32>
        %parallel_loop3A_686 = arith.index_cast %parallel_loop3A_632 : i32 to index
        %parallel_loop3A_687 = arith.constant 112 : index
        %parallel_loop3A_688 = tpu.vector_load %arg11[%parallel_loop3A_686, %parallel_loop3A_687] {strides = array<i32>} : memref<125x128xf32, #tpu.memory_space<vmem>>, vector<16xf32>,
        %parallel_loop3A_689 = arith.mulf %parallel_loop3A_650, %parallel_loop3A_688 : vector<16xf32>
        %parallel_loop3A_690 = arith.addf %parallel_loop3A_640, %parallel_loop3A_689 : vector<16xf32>
        scf.yield %parallel_loop3A_655, %parallel_loop3A_660, %parallel_loop3A_665, %parallel_loop3A_670, %parallel_loop3A_675, %parallel_loop3A_680, %parallel_loop3A_685, %parallel_loop3A_690 : vector<16xf32>, vector<16xf32>, vector<16xf32>, vector<16xf32>, vector<16xf32>, vector<16xf32>, vector<16xf32>, vector<16xf32>
      } {sc.loop_unroll_factor = 5 : i64, sc.parallel_access}
      %add3A_512 = arith.constant 250 : i32
      %add3A_513 = arith.addi %mul3A_341, %add3A_512 : i32
      %dma_start3A_514 = arith.constant 0 : i32
      %dma_start3A_515 = tpu.memref_slice %arg2[%add3A_513, %dma_start3A_514] : memref<10000x128xf32, #tpu.memory_space<hbm>> -> memref<125x128xf32, #tpu.memory_space<hbm>>
      %dma_start3A_516 = arith.constant 0 : i32
      %dma_start3A_517 = tpu.memref_slice %arg2[%add3A_513, %dma_start3A_516] : memref<10000x128xf32, #tpu.memory_space<hbm>> -> memref<125x128xf32, #tpu.memory_space<hbm>>
      tpu.enqueue_dma source(%dma_start3A_517 : memref<125x128xf32, #tpu.memory_space<hbm>>) target(%arg11 : memref<125x128xf32, #tpu.memory_space<vmem>>) target_semaphore(%arg19 : memref<!tpu.dma_semaphore, #tpu.memory_space<semaphore_mem>>)
      %add3A_518 = arith.constant 125 : i32
      %add3A_519 = arith.addi %mul3A_341, %add3A_518 : i32
      %dma_wait3A_520 = arith.constant 0 : i32
      %dma_wait3A_521 = tpu.memref_slice %arg2[%add3A_519, %dma_wait3A_520] : memref<10000x128xf32, #tpu.memory_space<hbm>> -> memref<125x128xf32, #tpu.memory_space<hbm>>
      %dma_wait3A_522 = arith.constant 0 : i32
      %dma_wait3A_523 = tpu.memref_slice %arg2[%add3A_519, %dma_wait3A_522] : memref<10000x128xf32, #tpu.memory_space<hbm>> -> memref<125x128xf32, #tpu.memory_space<hbm>>
      tpu.wait_dma2 semaphore(%arg19 : memref<!tpu.dma_semaphore, #tpu.memory_space<semaphore_mem>>) src(%dma_wait3A_523 : memref<125x128xf32, #tpu.memory_space<hbm>>) dst(%arg12 : memref<125x128xf32, #tpu.memory_space<vmem>>)
      %parallel_loop3A_524 = arith.constant 0 : i32
      %parallel_loop3A_525 = arith.constant 125 : i32
      %parallel_loop3A_526 = arith.constant 1 : i32
      %parallel_loop3A_527:8 = scf.for %parallel_loop3A_632 = %parallel_loop3A_524 to %parallel_loop3A_525 step %parallel_loop3A_526 iter_args(%parallel_loop3A_633 = %parallel_loop3A_511#0, %parallel_loop3A_634 = %parallel_loop3A_511#1, %parallel_loop3A_635 = %parallel_loop3A_511#2, %parallel_loop3A_636 = %parallel_loop3A_511#3, %parallel_loop3A_637 = %parallel_loop3A_511#4, %parallel_loop3A_638 = %parallel_loop3A_511#5, %parallel_loop3A_639 = %parallel_loop3A_511#6, %parallel_loop3A_640 = %parallel_loop3A_511#7) -> (vector<16xf32>, vector<16xf32>, vector<16xf32>, vector<16xf32>, vector<16xf32>, vector<16xf32>, vector<16xf32>, vector<16xf32>)  : i32 {
        %parallel_loop3A_641 = arith.constant 125 : i32
        %parallel_loop3A_642 = arith.addi %mul3A_341, %parallel_loop3A_641 : i32
        %parallel_loop3A_643 = arith.addi %parallel_loop3A_642, %parallel_loop3A_632 : i32
        %parallel_loop3A_644 = arith.constant 4 : i32
        %parallel_loop3A_645 = arith.shrui %parallel_loop3A_643, %parallel_loop3A_644 : i32
        %parallel_loop3A_646 = vector.broadcast %parallel_loop3A_645 : i32 to vector<16xi32>
        %parallel_loop3A_647 = arith.constant 15 : i32
        %parallel_loop3A_648 = arith.andi %parallel_loop3A_643, %parallel_loop3A_647 : i32
        %parallel_loop3A_649 = vector.broadcast %parallel_loop3A_648 : i32 to vector<16xi32>
        %parallel_loop3A_650 = tpu.vector_load_idx %arg9[%parallel_loop3A_646, %parallel_loop3A_649] : memref<640x16xf32, #tpu.memory_space<vmem>>[vector<16xi32>, vector<16xi32>], vector<16xf32>,
        %parallel_loop3A_651 = arith.index_cast %parallel_loop3A_632 : i32 to index
        %parallel_loop3A_652 = arith.constant 0 : index
        %parallel_loop3A_653 = tpu.vector_load %arg12[%parallel_loop3A_651, %parallel_loop3A_652] {strides = array<i32>} : memref<125x128xf32, #tpu.memory_space<vmem>>, vector<16xf32>,
        %parallel_loop3A_654 = arith.mulf %parallel_loop3A_650, %parallel_loop3A_653 : vector<16xf32>
        %parallel_loop3A_655 = arith.addf %parallel_loop3A_633, %parallel_loop3A_654 : vector<16xf32>
        %parallel_loop3A_656 = arith.index_cast %parallel_loop3A_632 : i32 to index
        %parallel_loop3A_657 = arith.constant 16 : index
        %parallel_loop3A_658 = tpu.vector_load %arg12[%parallel_loop3A_656, %parallel_loop3A_657] {strides = array<i32>} : memref<125x128xf32, #tpu.memory_space<vmem>>, vector<16xf32>,
        %parallel_loop3A_659 = arith.mulf %parallel_loop3A_650, %parallel_loop3A_658 : vector<16xf32>
        %parallel_loop3A_660 = arith.addf %parallel_loop3A_634, %parallel_loop3A_659 : vector<16xf32>
        %parallel_loop3A_661 = arith.index_cast %parallel_loop3A_632 : i32 to index
        %parallel_loop3A_662 = arith.constant 32 : index
        %parallel_loop3A_663 = tpu.vector_load %arg12[%parallel_loop3A_661, %parallel_loop3A_662] {strides = array<i32>} : memref<125x128xf32, #tpu.memory_space<vmem>>, vector<16xf32>,
        %parallel_loop3A_664 = arith.mulf %parallel_loop3A_650, %parallel_loop3A_663 : vector<16xf32>
        %parallel_loop3A_665 = arith.addf %parallel_loop3A_635, %parallel_loop3A_664 : vector<16xf32>
        %parallel_loop3A_666 = arith.index_cast %parallel_loop3A_632 : i32 to index
        %parallel_loop3A_667 = arith.constant 48 : index
        %parallel_loop3A_668 = tpu.vector_load %arg12[%parallel_loop3A_666, %parallel_loop3A_667] {strides = array<i32>} : memref<125x128xf32, #tpu.memory_space<vmem>>, vector<16xf32>,
        %parallel_loop3A_669 = arith.mulf %parallel_loop3A_650, %parallel_loop3A_668 : vector<16xf32>
        %parallel_loop3A_670 = arith.addf %parallel_loop3A_636, %parallel_loop3A_669 : vector<16xf32>
        %parallel_loop3A_671 = arith.index_cast %parallel_loop3A_632 : i32 to index
        %parallel_loop3A_672 = arith.constant 64 : index
        %parallel_loop3A_673 = tpu.vector_load %arg12[%parallel_loop3A_671, %parallel_loop3A_672] {strides = array<i32>} : memref<125x128xf32, #tpu.memory_space<vmem>>, vector<16xf32>,
        %parallel_loop3A_674 = arith.mulf %parallel_loop3A_650, %parallel_loop3A_673 : vector<16xf32>
        %parallel_loop3A_675 = arith.addf %parallel_loop3A_637, %parallel_loop3A_674 : vector<16xf32>
        %parallel_loop3A_676 = arith.index_cast %parallel_loop3A_632 : i32 to index
        %parallel_loop3A_677 = arith.constant 80 : index
        %parallel_loop3A_678 = tpu.vector_load %arg12[%parallel_loop3A_676, %parallel_loop3A_677] {strides = array<i32>} : memref<125x128xf32, #tpu.memory_space<vmem>>, vector<16xf32>,
        %parallel_loop3A_679 = arith.mulf %parallel_loop3A_650, %parallel_loop3A_678 : vector<16xf32>
        %parallel_loop3A_680 = arith.addf %parallel_loop3A_638, %parallel_loop3A_679 : vector<16xf32>
        %parallel_loop3A_681 = arith.index_cast %parallel_loop3A_632 : i32 to index
        %parallel_loop3A_682 = arith.constant 96 : index
        %parallel_loop3A_683 = tpu.vector_load %arg12[%parallel_loop3A_681, %parallel_loop3A_682] {strides = array<i32>} : memref<125x128xf32, #tpu.memory_space<vmem>>, vector<16xf32>,
        %parallel_loop3A_684 = arith.mulf %parallel_loop3A_650, %parallel_loop3A_683 : vector<16xf32>
        %parallel_loop3A_685 = arith.addf %parallel_loop3A_639, %parallel_loop3A_684 : vector<16xf32>
        %parallel_loop3A_686 = arith.index_cast %parallel_loop3A_632 : i32 to index
        %parallel_loop3A_687 = arith.constant 112 : index
        %parallel_loop3A_688 = tpu.vector_load %arg12[%parallel_loop3A_686, %parallel_loop3A_687] {strides = array<i32>} : memref<125x128xf32, #tpu.memory_space<vmem>>, vector<16xf32>,
        %parallel_loop3A_689 = arith.mulf %parallel_loop3A_650, %parallel_loop3A_688 : vector<16xf32>
        %parallel_loop3A_690 = arith.addf %parallel_loop3A_640, %parallel_loop3A_689 : vector<16xf32>
        scf.yield %parallel_loop3A_655, %parallel_loop3A_660, %parallel_loop3A_665, %parallel_loop3A_670, %parallel_loop3A_675, %parallel_loop3A_680, %parallel_loop3A_685, %parallel_loop3A_690 : vector<16xf32>, vector<16xf32>, vector<16xf32>, vector<16xf32>, vector<16xf32>, vector<16xf32>, vector<16xf32>, vector<16xf32>
      } {sc.loop_unroll_factor = 5 : i64, sc.parallel_access}
      %add3A_528 = arith.constant 375 : i32
      %add3A_529 = arith.addi %mul3A_341, %add3A_528 : i32
      %dma_start3A_530 = arith.constant 0 : i32
      %dma_start3A_531 = tpu.memref_slice %arg2[%add3A_529, %dma_start3A_530] : memref<10000x128xf32, #tpu.memory_space<hbm>> -> memref<125x128xf32, #tpu.memory_space<hbm>>
      %dma_start3A_532 = arith.constant 0 : i32
      %dma_start3A_533 = tpu.memref_slice %arg2[%add3A_529, %dma_start3A_532] : memref<10000x128xf32, #tpu.memory_space<hbm>> -> memref<125x128xf32, #tpu.memory_space<hbm>>
      tpu.enqueue_dma source(%dma_start3A_533 : memref<125x128xf32, #tpu.memory_space<hbm>>) target(%arg12 : memref<125x128xf32, #tpu.memory_space<vmem>>) target_semaphore(%arg19 : memref<!tpu.dma_semaphore, #tpu.memory_space<semaphore_mem>>)
      %add3A_534 = arith.constant 250 : i32
      %add3A_535 = arith.addi %mul3A_341, %add3A_534 : i32
      %dma_wait3A_536 = arith.constant 0 : i32
      %dma_wait3A_537 = tpu.memref_slice %arg2[%add3A_535, %dma_wait3A_536] : memref<10000x128xf32, #tpu.memory_space<hbm>> -> memref<125x128xf32, #tpu.memory_space<hbm>>
      %dma_wait3A_538 = arith.constant 0 : i32
      %dma_wait3A_539 = tpu.memref_slice %arg2[%add3A_535, %dma_wait3A_538] : memref<10000x128xf32, #tpu.memory_space<hbm>> -> memref<125x128xf32, #tpu.memory_space<hbm>>
      tpu.wait_dma2 semaphore(%arg19 : memref<!tpu.dma_semaphore, #tpu.memory_space<semaphore_mem>>) src(%dma_wait3A_539 : memref<125x128xf32, #tpu.memory_space<hbm>>) dst(%arg11 : memref<125x128xf32, #tpu.memory_space<vmem>>)
      %parallel_loop3A_540 = arith.constant 0 : i32
      %parallel_loop3A_541 = arith.constant 125 : i32
      %parallel_loop3A_542 = arith.constant 1 : i32
      %parallel_loop3A_543:8 = scf.for %parallel_loop3A_632 = %parallel_loop3A_540 to %parallel_loop3A_541 step %parallel_loop3A_542 iter_args(%parallel_loop3A_633 = %parallel_loop3A_527#0, %parallel_loop3A_634 = %parallel_loop3A_527#1, %parallel_loop3A_635 = %parallel_loop3A_527#2, %parallel_loop3A_636 = %parallel_loop3A_527#3, %parallel_loop3A_637 = %parallel_loop3A_527#4, %parallel_loop3A_638 = %parallel_loop3A_527#5, %parallel_loop3A_639 = %parallel_loop3A_527#6, %parallel_loop3A_640 = %parallel_loop3A_527#7) -> (vector<16xf32>, vector<16xf32>, vector<16xf32>, vector<16xf32>, vector<16xf32>, vector<16xf32>, vector<16xf32>, vector<16xf32>)  : i32 {
        %parallel_loop3A_641 = arith.constant 250 : i32
        %parallel_loop3A_642 = arith.addi %mul3A_341, %parallel_loop3A_641 : i32
        %parallel_loop3A_643 = arith.addi %parallel_loop3A_642, %parallel_loop3A_632 : i32
        %parallel_loop3A_644 = arith.constant 4 : i32
        %parallel_loop3A_645 = arith.shrui %parallel_loop3A_643, %parallel_loop3A_644 : i32
        %parallel_loop3A_646 = vector.broadcast %parallel_loop3A_645 : i32 to vector<16xi32>
        %parallel_loop3A_647 = arith.constant 15 : i32
        %parallel_loop3A_648 = arith.andi %parallel_loop3A_643, %parallel_loop3A_647 : i32
        %parallel_loop3A_649 = vector.broadcast %parallel_loop3A_648 : i32 to vector<16xi32>
        %parallel_loop3A_650 = tpu.vector_load_idx %arg9[%parallel_loop3A_646, %parallel_loop3A_649] : memref<640x16xf32, #tpu.memory_space<vmem>>[vector<16xi32>, vector<16xi32>], vector<16xf32>,
        %parallel_loop3A_651 = arith.index_cast %parallel_loop3A_632 : i32 to index
        %parallel_loop3A_652 = arith.constant 0 : index
        %parallel_loop3A_653 = tpu.vector_load %arg11[%parallel_loop3A_651, %parallel_loop3A_652] {strides = array<i32>} : memref<125x128xf32, #tpu.memory_space<vmem>>, vector<16xf32>,
        %parallel_loop3A_654 = arith.mulf %parallel_loop3A_650, %parallel_loop3A_653 : vector<16xf32>
        %parallel_loop3A_655 = arith.addf %parallel_loop3A_633, %parallel_loop3A_654 : vector<16xf32>
        %parallel_loop3A_656 = arith.index_cast %parallel_loop3A_632 : i32 to index
        %parallel_loop3A_657 = arith.constant 16 : index
        %parallel_loop3A_658 = tpu.vector_load %arg11[%parallel_loop3A_656, %parallel_loop3A_657] {strides = array<i32>} : memref<125x128xf32, #tpu.memory_space<vmem>>, vector<16xf32>,
        %parallel_loop3A_659 = arith.mulf %parallel_loop3A_650, %parallel_loop3A_658 : vector<16xf32>
        %parallel_loop3A_660 = arith.addf %parallel_loop3A_634, %parallel_loop3A_659 : vector<16xf32>
        %parallel_loop3A_661 = arith.index_cast %parallel_loop3A_632 : i32 to index
        %parallel_loop3A_662 = arith.constant 32 : index
        %parallel_loop3A_663 = tpu.vector_load %arg11[%parallel_loop3A_661, %parallel_loop3A_662] {strides = array<i32>} : memref<125x128xf32, #tpu.memory_space<vmem>>, vector<16xf32>,
        %parallel_loop3A_664 = arith.mulf %parallel_loop3A_650, %parallel_loop3A_663 : vector<16xf32>
        %parallel_loop3A_665 = arith.addf %parallel_loop3A_635, %parallel_loop3A_664 : vector<16xf32>
        %parallel_loop3A_666 = arith.index_cast %parallel_loop3A_632 : i32 to index
        %parallel_loop3A_667 = arith.constant 48 : index
        %parallel_loop3A_668 = tpu.vector_load %arg11[%parallel_loop3A_666, %parallel_loop3A_667] {strides = array<i32>} : memref<125x128xf32, #tpu.memory_space<vmem>>, vector<16xf32>,
        %parallel_loop3A_669 = arith.mulf %parallel_loop3A_650, %parallel_loop3A_668 : vector<16xf32>
        %parallel_loop3A_670 = arith.addf %parallel_loop3A_636, %parallel_loop3A_669 : vector<16xf32>
        %parallel_loop3A_671 = arith.index_cast %parallel_loop3A_632 : i32 to index
        %parallel_loop3A_672 = arith.constant 64 : index
        %parallel_loop3A_673 = tpu.vector_load %arg11[%parallel_loop3A_671, %parallel_loop3A_672] {strides = array<i32>} : memref<125x128xf32, #tpu.memory_space<vmem>>, vector<16xf32>,
        %parallel_loop3A_674 = arith.mulf %parallel_loop3A_650, %parallel_loop3A_673 : vector<16xf32>
        %parallel_loop3A_675 = arith.addf %parallel_loop3A_637, %parallel_loop3A_674 : vector<16xf32>
        %parallel_loop3A_676 = arith.index_cast %parallel_loop3A_632 : i32 to index
        %parallel_loop3A_677 = arith.constant 80 : index
        %parallel_loop3A_678 = tpu.vector_load %arg11[%parallel_loop3A_676, %parallel_loop3A_677] {strides = array<i32>} : memref<125x128xf32, #tpu.memory_space<vmem>>, vector<16xf32>,
        %parallel_loop3A_679 = arith.mulf %parallel_loop3A_650, %parallel_loop3A_678 : vector<16xf32>
        %parallel_loop3A_680 = arith.addf %parallel_loop3A_638, %parallel_loop3A_679 : vector<16xf32>
        %parallel_loop3A_681 = arith.index_cast %parallel_loop3A_632 : i32 to index
        %parallel_loop3A_682 = arith.constant 96 : index
        %parallel_loop3A_683 = tpu.vector_load %arg11[%parallel_loop3A_681, %parallel_loop3A_682] {strides = array<i32>} : memref<125x128xf32, #tpu.memory_space<vmem>>, vector<16xf32>,
        %parallel_loop3A_684 = arith.mulf %parallel_loop3A_650, %parallel_loop3A_683 : vector<16xf32>
        %parallel_loop3A_685 = arith.addf %parallel_loop3A_639, %parallel_loop3A_684 : vector<16xf32>
        %parallel_loop3A_686 = arith.index_cast %parallel_loop3A_632 : i32 to index
        %parallel_loop3A_687 = arith.constant 112 : index
        %parallel_loop3A_688 = tpu.vector_load %arg11[%parallel_loop3A_686, %parallel_loop3A_687] {strides = array<i32>} : memref<125x128xf32, #tpu.memory_space<vmem>>, vector<16xf32>,
        %parallel_loop3A_689 = arith.mulf %parallel_loop3A_650, %parallel_loop3A_688 : vector<16xf32>
        %parallel_loop3A_690 = arith.addf %parallel_loop3A_640, %parallel_loop3A_689 : vector<16xf32>
        scf.yield %parallel_loop3A_655, %parallel_loop3A_660, %parallel_loop3A_665, %parallel_loop3A_670, %parallel_loop3A_675, %parallel_loop3A_680, %parallel_loop3A_685, %parallel_loop3A_690 : vector<16xf32>, vector<16xf32>, vector<16xf32>, vector<16xf32>, vector<16xf32>, vector<16xf32>, vector<16xf32>, vector<16xf32>
      } {sc.loop_unroll_factor = 5 : i64, sc.parallel_access}
      %add3A_544 = arith.constant 500 : i32
      %add3A_545 = arith.addi %mul3A_341, %add3A_544 : i32
      %dma_start3A_546 = arith.constant 0 : i32
      %dma_start3A_547 = tpu.memref_slice %arg2[%add3A_545, %dma_start3A_546] : memref<10000x128xf32, #tpu.memory_space<hbm>> -> memref<125x128xf32, #tpu.memory_space<hbm>>
      %dma_start3A_548 = arith.constant 0 : i32
      %dma_start3A_549 = tpu.memref_slice %arg2[%add3A_545, %dma_start3A_548] : memref<10000x128xf32, #tpu.memory_space<hbm>> -> memref<125x128xf32, #tpu.memory_space<hbm>>
      tpu.enqueue_dma source(%dma_start3A_549 : memref<125x128xf32, #tpu.memory_space<hbm>>) target(%arg11 : memref<125x128xf32, #tpu.memory_space<vmem>>) target_semaphore(%arg19 : memref<!tpu.dma_semaphore, #tpu.memory_space<semaphore_mem>>)
      %add3A_550 = arith.constant 375 : i32
      %add3A_551 = arith.addi %mul3A_341, %add3A_550 : i32
      %dma_wait3A_552 = arith.constant 0 : i32
      %dma_wait3A_553 = tpu.memref_slice %arg2[%add3A_551, %dma_wait3A_552] : memref<10000x128xf32, #tpu.memory_space<hbm>> -> memref<125x128xf32, #tpu.memory_space<hbm>>
      %dma_wait3A_554 = arith.constant 0 : i32
      %dma_wait3A_555 = tpu.memref_slice %arg2[%add3A_551, %dma_wait3A_554] : memref<10000x128xf32, #tpu.memory_space<hbm>> -> memref<125x128xf32, #tpu.memory_space<hbm>>
      tpu.wait_dma2 semaphore(%arg19 : memref<!tpu.dma_semaphore, #tpu.memory_space<semaphore_mem>>) src(%dma_wait3A_555 : memref<125x128xf32, #tpu.memory_space<hbm>>) dst(%arg12 : memref<125x128xf32, #tpu.memory_space<vmem>>)
      %parallel_loop3A_556 = arith.constant 0 : i32
      %parallel_loop3A_557 = arith.constant 125 : i32
      %parallel_loop3A_558 = arith.constant 1 : i32
      %parallel_loop3A_559:8 = scf.for %parallel_loop3A_632 = %parallel_loop3A_556 to %parallel_loop3A_557 step %parallel_loop3A_558 iter_args(%parallel_loop3A_633 = %parallel_loop3A_543#0, %parallel_loop3A_634 = %parallel_loop3A_543#1, %parallel_loop3A_635 = %parallel_loop3A_543#2, %parallel_loop3A_636 = %parallel_loop3A_543#3, %parallel_loop3A_637 = %parallel_loop3A_543#4, %parallel_loop3A_638 = %parallel_loop3A_543#5, %parallel_loop3A_639 = %parallel_loop3A_543#6, %parallel_loop3A_640 = %parallel_loop3A_543#7) -> (vector<16xf32>, vector<16xf32>, vector<16xf32>, vector<16xf32>, vector<16xf32>, vector<16xf32>, vector<16xf32>, vector<16xf32>)  : i32 {
        %parallel_loop3A_641 = arith.constant 375 : i32
        %parallel_loop3A_642 = arith.addi %mul3A_341, %parallel_loop3A_641 : i32
        %parallel_loop3A_643 = arith.addi %parallel_loop3A_642, %parallel_loop3A_632 : i32
        %parallel_loop3A_644 = arith.constant 4 : i32
        %parallel_loop3A_645 = arith.shrui %parallel_loop3A_643, %parallel_loop3A_644 : i32
        %parallel_loop3A_646 = vector.broadcast %parallel_loop3A_645 : i32 to vector<16xi32>
        %parallel_loop3A_647 = arith.constant 15 : i32
        %parallel_loop3A_648 = arith.andi %parallel_loop3A_643, %parallel_loop3A_647 : i32
        %parallel_loop3A_649 = vector.broadcast %parallel_loop3A_648 : i32 to vector<16xi32>
        %parallel_loop3A_650 = tpu.vector_load_idx %arg9[%parallel_loop3A_646, %parallel_loop3A_649] : memref<640x16xf32, #tpu.memory_space<vmem>>[vector<16xi32>, vector<16xi32>], vector<16xf32>,
        %parallel_loop3A_651 = arith.index_cast %parallel_loop3A_632 : i32 to index
        %parallel_loop3A_652 = arith.constant 0 : index
        %parallel_loop3A_653 = tpu.vector_load %arg12[%parallel_loop3A_651, %parallel_loop3A_652] {strides = array<i32>} : memref<125x128xf32, #tpu.memory_space<vmem>>, vector<16xf32>,
        %parallel_loop3A_654 = arith.mulf %parallel_loop3A_650, %parallel_loop3A_653 : vector<16xf32>
        %parallel_loop3A_655 = arith.addf %parallel_loop3A_633, %parallel_loop3A_654 : vector<16xf32>
        %parallel_loop3A_656 = arith.index_cast %parallel_loop3A_632 : i32 to index
        %parallel_loop3A_657 = arith.constant 16 : index
        %parallel_loop3A_658 = tpu.vector_load %arg12[%parallel_loop3A_656, %parallel_loop3A_657] {strides = array<i32>} : memref<125x128xf32, #tpu.memory_space<vmem>>, vector<16xf32>,
        %parallel_loop3A_659 = arith.mulf %parallel_loop3A_650, %parallel_loop3A_658 : vector<16xf32>
        %parallel_loop3A_660 = arith.addf %parallel_loop3A_634, %parallel_loop3A_659 : vector<16xf32>
        %parallel_loop3A_661 = arith.index_cast %parallel_loop3A_632 : i32 to index
        %parallel_loop3A_662 = arith.constant 32 : index
        %parallel_loop3A_663 = tpu.vector_load %arg12[%parallel_loop3A_661, %parallel_loop3A_662] {strides = array<i32>} : memref<125x128xf32, #tpu.memory_space<vmem>>, vector<16xf32>,
        %parallel_loop3A_664 = arith.mulf %parallel_loop3A_650, %parallel_loop3A_663 : vector<16xf32>
        %parallel_loop3A_665 = arith.addf %parallel_loop3A_635, %parallel_loop3A_664 : vector<16xf32>
        %parallel_loop3A_666 = arith.index_cast %parallel_loop3A_632 : i32 to index
        %parallel_loop3A_667 = arith.constant 48 : index
        %parallel_loop3A_668 = tpu.vector_load %arg12[%parallel_loop3A_666, %parallel_loop3A_667] {strides = array<i32>} : memref<125x128xf32, #tpu.memory_space<vmem>>, vector<16xf32>,
        %parallel_loop3A_669 = arith.mulf %parallel_loop3A_650, %parallel_loop3A_668 : vector<16xf32>
        %parallel_loop3A_670 = arith.addf %parallel_loop3A_636, %parallel_loop3A_669 : vector<16xf32>
        %parallel_loop3A_671 = arith.index_cast %parallel_loop3A_632 : i32 to index
        %parallel_loop3A_672 = arith.constant 64 : index
        %parallel_loop3A_673 = tpu.vector_load %arg12[%parallel_loop3A_671, %parallel_loop3A_672] {strides = array<i32>} : memref<125x128xf32, #tpu.memory_space<vmem>>, vector<16xf32>,
        %parallel_loop3A_674 = arith.mulf %parallel_loop3A_650, %parallel_loop3A_673 : vector<16xf32>
        %parallel_loop3A_675 = arith.addf %parallel_loop3A_637, %parallel_loop3A_674 : vector<16xf32>
        %parallel_loop3A_676 = arith.index_cast %parallel_loop3A_632 : i32 to index
        %parallel_loop3A_677 = arith.constant 80 : index
        %parallel_loop3A_678 = tpu.vector_load %arg12[%parallel_loop3A_676, %parallel_loop3A_677] {strides = array<i32>} : memref<125x128xf32, #tpu.memory_space<vmem>>, vector<16xf32>,
        %parallel_loop3A_679 = arith.mulf %parallel_loop3A_650, %parallel_loop3A_678 : vector<16xf32>
        %parallel_loop3A_680 = arith.addf %parallel_loop3A_638, %parallel_loop3A_679 : vector<16xf32>
        %parallel_loop3A_681 = arith.index_cast %parallel_loop3A_632 : i32 to index
        %parallel_loop3A_682 = arith.constant 96 : index
        %parallel_loop3A_683 = tpu.vector_load %arg12[%parallel_loop3A_681, %parallel_loop3A_682] {strides = array<i32>} : memref<125x128xf32, #tpu.memory_space<vmem>>, vector<16xf32>,
        %parallel_loop3A_684 = arith.mulf %parallel_loop3A_650, %parallel_loop3A_683 : vector<16xf32>
        %parallel_loop3A_685 = arith.addf %parallel_loop3A_639, %parallel_loop3A_684 : vector<16xf32>
        %parallel_loop3A_686 = arith.index_cast %parallel_loop3A_632 : i32 to index
        %parallel_loop3A_687 = arith.constant 112 : index
        %parallel_loop3A_688 = tpu.vector_load %arg12[%parallel_loop3A_686, %parallel_loop3A_687] {strides = array<i32>} : memref<125x128xf32, #tpu.memory_space<vmem>>, vector<16xf32>,
        %parallel_loop3A_689 = arith.mulf %parallel_loop3A_650, %parallel_loop3A_688 : vector<16xf32>
        %parallel_loop3A_690 = arith.addf %parallel_loop3A_640, %parallel_loop3A_689 : vector<16xf32>
        scf.yield %parallel_loop3A_655, %parallel_loop3A_660, %parallel_loop3A_665, %parallel_loop3A_670, %parallel_loop3A_675, %parallel_loop3A_680, %parallel_loop3A_685, %parallel_loop3A_690 : vector<16xf32>, vector<16xf32>, vector<16xf32>, vector<16xf32>, vector<16xf32>, vector<16xf32>, vector<16xf32>, vector<16xf32>
      } {sc.loop_unroll_factor = 5 : i64, sc.parallel_access}
      %add3A_560 = arith.constant 500 : i32
      %add3A_561 = arith.addi %mul3A_341, %add3A_560 : i32
      %dma_wait3A_562 = arith.constant 0 : i32
      %dma_wait3A_563 = tpu.memref_slice %arg2[%add3A_561, %dma_wait3A_562] : memref<10000x128xf32, #tpu.memory_space<hbm>> -> memref<125x128xf32, #tpu.memory_space<hbm>>
      %dma_wait3A_564 = arith.constant 0 : i32
      %dma_wait3A_565 = tpu.memref_slice %arg2[%add3A_561, %dma_wait3A_564] : memref<10000x128xf32, #tpu.memory_space<hbm>> -> memref<125x128xf32, #tpu.memory_space<hbm>>
      tpu.wait_dma2 semaphore(%arg19 : memref<!tpu.dma_semaphore, #tpu.memory_space<semaphore_mem>>) src(%dma_wait3A_565 : memref<125x128xf32, #tpu.memory_space<hbm>>) dst(%arg11 : memref<125x128xf32, #tpu.memory_space<vmem>>)
      %parallel_loop3A_566 = arith.constant 0 : i32
      %parallel_loop3A_567 = arith.constant 125 : i32
      %parallel_loop3A_568 = arith.constant 1 : i32
      %parallel_loop3A_569:8 = scf.for %parallel_loop3A_632 = %parallel_loop3A_566 to %parallel_loop3A_567 step %parallel_loop3A_568 iter_args(%parallel_loop3A_633 = %parallel_loop3A_559#0, %parallel_loop3A_634 = %parallel_loop3A_559#1, %parallel_loop3A_635 = %parallel_loop3A_559#2, %parallel_loop3A_636 = %parallel_loop3A_559#3, %parallel_loop3A_637 = %parallel_loop3A_559#4, %parallel_loop3A_638 = %parallel_loop3A_559#5, %parallel_loop3A_639 = %parallel_loop3A_559#6, %parallel_loop3A_640 = %parallel_loop3A_559#7) -> (vector<16xf32>, vector<16xf32>, vector<16xf32>, vector<16xf32>, vector<16xf32>, vector<16xf32>, vector<16xf32>, vector<16xf32>)  : i32 {
        %parallel_loop3A_641 = arith.constant 500 : i32
        %parallel_loop3A_642 = arith.addi %mul3A_341, %parallel_loop3A_641 : i32
        %parallel_loop3A_643 = arith.addi %parallel_loop3A_642, %parallel_loop3A_632 : i32
        %parallel_loop3A_644 = arith.constant 4 : i32
        %parallel_loop3A_645 = arith.shrui %parallel_loop3A_643, %parallel_loop3A_644 : i32
        %parallel_loop3A_646 = vector.broadcast %parallel_loop3A_645 : i32 to vector<16xi32>
        %parallel_loop3A_647 = arith.constant 15 : i32
        %parallel_loop3A_648 = arith.andi %parallel_loop3A_643, %parallel_loop3A_647 : i32
        %parallel_loop3A_649 = vector.broadcast %parallel_loop3A_648 : i32 to vector<16xi32>
        %parallel_loop3A_650 = tpu.vector_load_idx %arg9[%parallel_loop3A_646, %parallel_loop3A_649] : memref<640x16xf32, #tpu.memory_space<vmem>>[vector<16xi32>, vector<16xi32>], vector<16xf32>,
        %parallel_loop3A_651 = arith.index_cast %parallel_loop3A_632 : i32 to index
        %parallel_loop3A_652 = arith.constant 0 : index
        %parallel_loop3A_653 = tpu.vector_load %arg11[%parallel_loop3A_651, %parallel_loop3A_652] {strides = array<i32>} : memref<125x128xf32, #tpu.memory_space<vmem>>, vector<16xf32>,
        %parallel_loop3A_654 = arith.mulf %parallel_loop3A_650, %parallel_loop3A_653 : vector<16xf32>
        %parallel_loop3A_655 = arith.addf %parallel_loop3A_633, %parallel_loop3A_654 : vector<16xf32>
        %parallel_loop3A_656 = arith.index_cast %parallel_loop3A_632 : i32 to index
        %parallel_loop3A_657 = arith.constant 16 : index
        %parallel_loop3A_658 = tpu.vector_load %arg11[%parallel_loop3A_656, %parallel_loop3A_657] {strides = array<i32>} : memref<125x128xf32, #tpu.memory_space<vmem>>, vector<16xf32>,
        %parallel_loop3A_659 = arith.mulf %parallel_loop3A_650, %parallel_loop3A_658 : vector<16xf32>
        %parallel_loop3A_660 = arith.addf %parallel_loop3A_634, %parallel_loop3A_659 : vector<16xf32>
        %parallel_loop3A_661 = arith.index_cast %parallel_loop3A_632 : i32 to index
        %parallel_loop3A_662 = arith.constant 32 : index
        %parallel_loop3A_663 = tpu.vector_load %arg11[%parallel_loop3A_661, %parallel_loop3A_662] {strides = array<i32>} : memref<125x128xf32, #tpu.memory_space<vmem>>, vector<16xf32>,
        %parallel_loop3A_664 = arith.mulf %parallel_loop3A_650, %parallel_loop3A_663 : vector<16xf32>
        %parallel_loop3A_665 = arith.addf %parallel_loop3A_635, %parallel_loop3A_664 : vector<16xf32>
        %parallel_loop3A_666 = arith.index_cast %parallel_loop3A_632 : i32 to index
        %parallel_loop3A_667 = arith.constant 48 : index
        %parallel_loop3A_668 = tpu.vector_load %arg11[%parallel_loop3A_666, %parallel_loop3A_667] {strides = array<i32>} : memref<125x128xf32, #tpu.memory_space<vmem>>, vector<16xf32>,
        %parallel_loop3A_669 = arith.mulf %parallel_loop3A_650, %parallel_loop3A_668 : vector<16xf32>
        %parallel_loop3A_670 = arith.addf %parallel_loop3A_636, %parallel_loop3A_669 : vector<16xf32>
        %parallel_loop3A_671 = arith.index_cast %parallel_loop3A_632 : i32 to index
        %parallel_loop3A_672 = arith.constant 64 : index
        %parallel_loop3A_673 = tpu.vector_load %arg11[%parallel_loop3A_671, %parallel_loop3A_672] {strides = array<i32>} : memref<125x128xf32, #tpu.memory_space<vmem>>, vector<16xf32>,
        %parallel_loop3A_674 = arith.mulf %parallel_loop3A_650, %parallel_loop3A_673 : vector<16xf32>
        %parallel_loop3A_675 = arith.addf %parallel_loop3A_637, %parallel_loop3A_674 : vector<16xf32>
        %parallel_loop3A_676 = arith.index_cast %parallel_loop3A_632 : i32 to index
        %parallel_loop3A_677 = arith.constant 80 : index
        %parallel_loop3A_678 = tpu.vector_load %arg11[%parallel_loop3A_676, %parallel_loop3A_677] {strides = array<i32>} : memref<125x128xf32, #tpu.memory_space<vmem>>, vector<16xf32>,
        %parallel_loop3A_679 = arith.mulf %parallel_loop3A_650, %parallel_loop3A_678 : vector<16xf32>
        %parallel_loop3A_680 = arith.addf %parallel_loop3A_638, %parallel_loop3A_679 : vector<16xf32>
        %parallel_loop3A_681 = arith.index_cast %parallel_loop3A_632 : i32 to index
        %parallel_loop3A_682 = arith.constant 96 : index
        %parallel_loop3A_683 = tpu.vector_load %arg11[%parallel_loop3A_681, %parallel_loop3A_682] {strides = array<i32>} : memref<125x128xf32, #tpu.memory_space<vmem>>, vector<16xf32>,
        %parallel_loop3A_684 = arith.mulf %parallel_loop3A_650, %parallel_loop3A_683 : vector<16xf32>
        %parallel_loop3A_685 = arith.addf %parallel_loop3A_639, %parallel_loop3A_684 : vector<16xf32>
        %parallel_loop3A_686 = arith.index_cast %parallel_loop3A_632 : i32 to index
        %parallel_loop3A_687 = arith.constant 112 : index
        %parallel_loop3A_688 = tpu.vector_load %arg11[%parallel_loop3A_686, %parallel_loop3A_687] {strides = array<i32>} : memref<125x128xf32, #tpu.memory_space<vmem>>, vector<16xf32>,
        %parallel_loop3A_689 = arith.mulf %parallel_loop3A_650, %parallel_loop3A_688 : vector<16xf32>
        %parallel_loop3A_690 = arith.addf %parallel_loop3A_640, %parallel_loop3A_689 : vector<16xf32>
        scf.yield %parallel_loop3A_655, %parallel_loop3A_660, %parallel_loop3A_665, %parallel_loop3A_670, %parallel_loop3A_675, %parallel_loop3A_680, %parallel_loop3A_685, %parallel_loop3A_690 : vector<16xf32>, vector<16xf32>, vector<16xf32>, vector<16xf32>, vector<16xf32>, vector<16xf32>, vector<16xf32>, vector<16xf32>
      } {sc.loop_unroll_factor = 5 : i64, sc.parallel_access}
      %mul3A_570 = arith.constant 9.99999974E-5 : f32
      %mul3A_571 = vector.broadcast %mul3A_570 : f32 to vector<16xf32>
      %mul3A_572 = arith.mulf %parallel_loop3A_569#0, %mul3A_571 : vector<16xf32>
      %swap3A_573 = arith.constant 0 : i32
      %swap3A_574 = arith.index_cast %swap3A_573 : i32 to index
      %swap3A_575 = arith.constant 0 : index
      %swap3A_576 = tpu.vector_load %arg14[%swap3A_574, %swap3A_575] {strides = array<i32>} : memref<1x128xf32, #tpu.memory_space<vmem>>, vector<16xf32>,
      tpu.vector_store %arg14[%swap3A_574, %swap3A_575], %mul3A_572 {strides = array<i32>} : memref<1x128xf32, #tpu.memory_space<vmem>>, vector<16xf32>,
      %mul3A_577 = arith.constant 9.99999974E-5 : f32
      %mul3A_578 = vector.broadcast %mul3A_577 : f32 to vector<16xf32>
      %mul3A_579 = arith.mulf %parallel_loop3A_569#1, %mul3A_578 : vector<16xf32>
      %swap3A_580 = arith.constant 0 : i32
      %swap3A_581 = arith.index_cast %swap3A_580 : i32 to index
      %swap3A_582 = arith.constant 16 : index
      %swap3A_583 = tpu.vector_load %arg14[%swap3A_581, %swap3A_582] {strides = array<i32>} : memref<1x128xf32, #tpu.memory_space<vmem>>, vector<16xf32>,
      tpu.vector_store %arg14[%swap3A_581, %swap3A_582], %mul3A_579 {strides = array<i32>} : memref<1x128xf32, #tpu.memory_space<vmem>>, vector<16xf32>,
      %mul3A_584 = arith.constant 9.99999974E-5 : f32
      %mul3A_585 = vector.broadcast %mul3A_584 : f32 to vector<16xf32>
      %mul3A_586 = arith.mulf %parallel_loop3A_569#2, %mul3A_585 : vector<16xf32>
      %swap3A_587 = arith.constant 0 : i32
      %swap3A_588 = arith.index_cast %swap3A_587 : i32 to index
      %swap3A_589 = arith.constant 32 : index
      %swap3A_590 = tpu.vector_load %arg14[%swap3A_588, %swap3A_589] {strides = array<i32>} : memref<1x128xf32, #tpu.memory_space<vmem>>, vector<16xf32>,
      tpu.vector_store %arg14[%swap3A_588, %swap3A_589], %mul3A_586 {strides = array<i32>} : memref<1x128xf32, #tpu.memory_space<vmem>>, vector<16xf32>,
      %mul3A_591 = arith.constant 9.99999974E-5 : f32
      %mul3A_592 = vector.broadcast %mul3A_591 : f32 to vector<16xf32>
      %mul3A_593 = arith.mulf %parallel_loop3A_569#3, %mul3A_592 : vector<16xf32>
      %swap3A_594 = arith.constant 0 : i32
      %swap3A_595 = arith.index_cast %swap3A_594 : i32 to index
      %swap3A_596 = arith.constant 48 : index
      %swap3A_597 = tpu.vector_load %arg14[%swap3A_595, %swap3A_596] {strides = array<i32>} : memref<1x128xf32, #tpu.memory_space<vmem>>, vector<16xf32>,
      tpu.vector_store %arg14[%swap3A_595, %swap3A_596], %mul3A_593 {strides = array<i32>} : memref<1x128xf32, #tpu.memory_space<vmem>>, vector<16xf32>,
      %mul3A_598 = arith.constant 9.99999974E-5 : f32
      %mul3A_599 = vector.broadcast %mul3A_598 : f32 to vector<16xf32>
      %mul3A_600 = arith.mulf %parallel_loop3A_569#4, %mul3A_599 : vector<16xf32>
      %swap3A_601 = arith.constant 0 : i32
      %swap3A_602 = arith.index_cast %swap3A_601 : i32 to index
      %swap3A_603 = arith.constant 64 : index
      %swap3A_604 = tpu.vector_load %arg14[%swap3A_602, %swap3A_603] {strides = array<i32>} : memref<1x128xf32, #tpu.memory_space<vmem>>, vector<16xf32>,
      tpu.vector_store %arg14[%swap3A_602, %swap3A_603], %mul3A_600 {strides = array<i32>} : memref<1x128xf32, #tpu.memory_space<vmem>>, vector<16xf32>,
      %mul3A_605 = arith.constant 9.99999974E-5 : f32
      %mul3A_606 = vector.broadcast %mul3A_605 : f32 to vector<16xf32>
      %mul3A_607 = arith.mulf %parallel_loop3A_569#5, %mul3A_606 : vector<16xf32>
      %swap3A_608 = arith.constant 0 : i32
      %swap3A_609 = arith.index_cast %swap3A_608 : i32 to index
      %swap3A_610 = arith.constant 80 : index
      %swap3A_611 = tpu.vector_load %arg14[%swap3A_609, %swap3A_610] {strides = array<i32>} : memref<1x128xf32, #tpu.memory_space<vmem>>, vector<16xf32>,
      tpu.vector_store %arg14[%swap3A_609, %swap3A_610], %mul3A_607 {strides = array<i32>} : memref<1x128xf32, #tpu.memory_space<vmem>>, vector<16xf32>,
      %mul3A_612 = arith.constant 9.99999974E-5 : f32
      %mul3A_613 = vector.broadcast %mul3A_612 : f32 to vector<16xf32>
      %mul3A_614 = arith.mulf %parallel_loop3A_569#6, %mul3A_613 : vector<16xf32>
      %swap3A_615 = arith.constant 0 : i32
      %swap3A_616 = arith.index_cast %swap3A_615 : i32 to index
      %swap3A_617 = arith.constant 96 : index
      %swap3A_618 = tpu.vector_load %arg14[%swap3A_616, %swap3A_617] {strides = array<i32>} : memref<1x128xf32, #tpu.memory_space<vmem>>, vector<16xf32>,
      tpu.vector_store %arg14[%swap3A_616, %swap3A_617], %mul3A_614 {strides = array<i32>} : memref<1x128xf32, #tpu.memory_space<vmem>>, vector<16xf32>,
      %mul3A_619 = arith.constant 9.99999974E-5 : f32
      %mul3A_620 = vector.broadcast %mul3A_619 : f32 to vector<16xf32>
      %mul3A_621 = arith.mulf %parallel_loop3A_569#7, %mul3A_620 : vector<16xf32>
      %swap3A_622 = arith.constant 0 : i32
      %swap3A_623 = arith.index_cast %swap3A_622 : i32 to index
      %swap3A_624 = arith.constant 112 : index
      %swap3A_625 = tpu.vector_load %arg14[%swap3A_623, %swap3A_624] {strides = array<i32>} : memref<1x128xf32, #tpu.memory_space<vmem>>, vector<16xf32>,
      tpu.vector_store %arg14[%swap3A_623, %swap3A_624], %mul3A_621 {strides = array<i32>} : memref<1x128xf32, #tpu.memory_space<vmem>>, vector<16xf32>,
      "tpu.region"() ({
        %run_scoped3A = tpu.sem_alloc : memref<!tpu.dma_semaphore, #tpu.memory_space<semaphore_mem>>
        %dma_start3A_632 = arith.constant 0 : i32
        %dma_start3A_633 = tpu.memref_slice %arg18[%arg1, %dma_start3A_632] : memref<16x128xf32, #tpu.memory_space<vmem_shared>> -> memref<1x128xf32, #tpu.memory_space<vmem_shared>>
        %dma_start3A_634 = arith.constant 0 : i32
        %dma_start3A_635 = tpu.memref_slice %arg18[%arg1, %dma_start3A_634] : memref<16x128xf32, #tpu.memory_space<vmem_shared>> -> memref<1x128xf32, #tpu.memory_space<vmem_shared>>
        tpu.enqueue_dma source(%arg14 : memref<1x128xf32, #tpu.memory_space<vmem>>) target(%dma_start3A_635 : memref<1x128xf32, #tpu.memory_space<vmem_shared>>) target_semaphore(%run_scoped3A : memref<!tpu.dma_semaphore, #tpu.memory_space<semaphore_mem>>)
        %dma_wait3A_636 = arith.constant 0 : i32
        %dma_wait3A_637 = tpu.memref_slice %arg18[%arg1, %dma_wait3A_636] : memref<16x128xf32, #tpu.memory_space<vmem_shared>> -> memref<1x128xf32, #tpu.memory_space<vmem_shared>>
        %dma_wait3A_638 = arith.constant 0 : i32
        %dma_wait3A_639 = tpu.memref_slice %arg18[%arg1, %dma_wait3A_638] : memref<16x128xf32, #tpu.memory_space<vmem_shared>> -> memref<1x128xf32, #tpu.memory_space<vmem_shared>>
        tpu.wait_dma2 semaphore(%run_scoped3A : memref<!tpu.dma_semaphore, #tpu.memory_space<semaphore_mem>>) src(%arg14 : memref<1x128xf32, #tpu.memory_space<vmem>>) dst(%dma_wait3A_639 : memref<1x128xf32, #tpu.memory_space<vmem_shared>>)
        tpu.yield
      }) : () -> ()
      %barrier3A_626 = arith.constant 0 : index
      tpu.barrier barrier_id(%barrier3A_626)
      %eq3A_627 = arith.constant 0 : i32
      %eq3A_628 = arith.cmpi eq, %arg1, %eq3A_627 : i32
      %convert_element_type3A_629 = arith.extui %eq3A_628 : i1 to i32
      %cond3A_630 = arith.constant 0 : i32
      %cond3A_631 = arith.cmpi ne, %convert_element_type3A_629, %cond3A_630 : i32
      scf.if %cond3A_631 {
        "tpu.region"() ({
          %run_scoped3A = tpu.sem_alloc : memref<!tpu.dma_semaphore, #tpu.memory_space<semaphore_mem>>
          tpu.enqueue_dma source(%arg18 : memref<16x128xf32, #tpu.memory_space<vmem_shared>>) target(%arg15 : memref<16x128xf32, #tpu.memory_space<vmem>>) target_semaphore(%run_scoped3A : memref<!tpu.dma_semaphore, #tpu.memory_space<semaphore_mem>>)
          tpu.wait_dma2 semaphore(%run_scoped3A : memref<!tpu.dma_semaphore, #tpu.memory_space<semaphore_mem>>) src(%arg18 : memref<16x128xf32, #tpu.memory_space<vmem_shared>>) dst(%arg15 : memref<16x128xf32, #tpu.memory_space<vmem>>)
          tpu.yield
        }) : () -> ()
        %get3A = arith.constant 0 : i32
        %get3A_632 = arith.index_cast %get3A : i32 to index
        %get3A_633 = arith.constant 0 : index
        %get3A_634 = tpu.vector_load %arg15[%get3A_632, %get3A_633] {strides = array<i32>} : memref<16x128xf32, #tpu.memory_space<vmem>>, vector<16xf32>,
        %get3A_635 = arith.constant 1 : i32
        %get3A_636 = arith.index_cast %get3A_635 : i32 to index
        %get3A_637 = arith.constant 0 : index
        %get3A_638 = tpu.vector_load %arg15[%get3A_636, %get3A_637] {strides = array<i32>} : memref<16x128xf32, #tpu.memory_space<vmem>>, vector<16xf32>,
        %add3A_639 = arith.addf %get3A_634, %get3A_638 : vector<16xf32>
        %get3A_640 = arith.constant 2 : i32
        %get3A_641 = arith.index_cast %get3A_640 : i32 to index
        %get3A_642 = arith.constant 0 : index
        %get3A_643 = tpu.vector_load %arg15[%get3A_641, %get3A_642] {strides = array<i32>} : memref<16x128xf32, #tpu.memory_space<vmem>>, vector<16xf32>,
        %add3A_644 = arith.addf %add3A_639, %get3A_643 : vector<16xf32>
        %get3A_645 = arith.constant 3 : i32
        %get3A_646 = arith.index_cast %get3A_645 : i32 to index
        %get3A_647 = arith.constant 0 : index
        %get3A_648 = tpu.vector_load %arg15[%get3A_646, %get3A_647] {strides = array<i32>} : memref<16x128xf32, #tpu.memory_space<vmem>>, vector<16xf32>,
        %add3A_649 = arith.addf %add3A_644, %get3A_648 : vector<16xf32>
        %get3A_650 = arith.constant 4 : i32
        %get3A_651 = arith.index_cast %get3A_650 : i32 to index
        %get3A_652 = arith.constant 0 : index
        %get3A_653 = tpu.vector_load %arg15[%get3A_651, %get3A_652] {strides = array<i32>} : memref<16x128xf32, #tpu.memory_space<vmem>>, vector<16xf32>,
        %add3A_654 = arith.addf %add3A_649, %get3A_653 : vector<16xf32>
        %get3A_655 = arith.constant 5 : i32
        %get3A_656 = arith.index_cast %get3A_655 : i32 to index
        %get3A_657 = arith.constant 0 : index
        %get3A_658 = tpu.vector_load %arg15[%get3A_656, %get3A_657] {strides = array<i32>} : memref<16x128xf32, #tpu.memory_space<vmem>>, vector<16xf32>,
        %add3A_659 = arith.addf %add3A_654, %get3A_658 : vector<16xf32>
        %get3A_660 = arith.constant 6 : i32
        %get3A_661 = arith.index_cast %get3A_660 : i32 to index
        %get3A_662 = arith.constant 0 : index
        %get3A_663 = tpu.vector_load %arg15[%get3A_661, %get3A_662] {strides = array<i32>} : memref<16x128xf32, #tpu.memory_space<vmem>>, vector<16xf32>,
        %add3A_664 = arith.addf %add3A_659, %get3A_663 : vector<16xf32>
        %get3A_665 = arith.constant 7 : i32
        %get3A_666 = arith.index_cast %get3A_665 : i32 to index
        %get3A_667 = arith.constant 0 : index
        %get3A_668 = tpu.vector_load %arg15[%get3A_666, %get3A_667] {strides = array<i32>} : memref<16x128xf32, #tpu.memory_space<vmem>>, vector<16xf32>,
        %add3A_669 = arith.addf %add3A_664, %get3A_668 : vector<16xf32>
        %get3A_670 = arith.constant 8 : i32
        %get3A_671 = arith.index_cast %get3A_670 : i32 to index
        %get3A_672 = arith.constant 0 : index
        %get3A_673 = tpu.vector_load %arg15[%get3A_671, %get3A_672] {strides = array<i32>} : memref<16x128xf32, #tpu.memory_space<vmem>>, vector<16xf32>,
        %add3A_674 = arith.addf %add3A_669, %get3A_673 : vector<16xf32>
        %get3A_675 = arith.constant 9 : i32
        %get3A_676 = arith.index_cast %get3A_675 : i32 to index
        %get3A_677 = arith.constant 0 : index
        %get3A_678 = tpu.vector_load %arg15[%get3A_676, %get3A_677] {strides = array<i32>} : memref<16x128xf32, #tpu.memory_space<vmem>>, vector<16xf32>,
        %add3A_679 = arith.addf %add3A_674, %get3A_678 : vector<16xf32>
        %get3A_680 = arith.constant 10 : i32
        %get3A_681 = arith.index_cast %get3A_680 : i32 to index
        %get3A_682 = arith.constant 0 : index
        %get3A_683 = tpu.vector_load %arg15[%get3A_681, %get3A_682] {strides = array<i32>} : memref<16x128xf32, #tpu.memory_space<vmem>>, vector<16xf32>,
        %add3A_684 = arith.addf %add3A_679, %get3A_683 : vector<16xf32>
        %get3A_685 = arith.constant 11 : i32
        %get3A_686 = arith.index_cast %get3A_685 : i32 to index
        %get3A_687 = arith.constant 0 : index
        %get3A_688 = tpu.vector_load %arg15[%get3A_686, %get3A_687] {strides = array<i32>} : memref<16x128xf32, #tpu.memory_space<vmem>>, vector<16xf32>,
        %add3A_689 = arith.addf %add3A_684, %get3A_688 : vector<16xf32>
        %get3A_690 = arith.constant 12 : i32
        %get3A_691 = arith.index_cast %get3A_690 : i32 to index
        %get3A_692 = arith.constant 0 : index
        %get3A_693 = tpu.vector_load %arg15[%get3A_691, %get3A_692] {strides = array<i32>} : memref<16x128xf32, #tpu.memory_space<vmem>>, vector<16xf32>,
        %add3A_694 = arith.addf %add3A_689, %get3A_693 : vector<16xf32>
        %get3A_695 = arith.constant 13 : i32
        %get3A_696 = arith.index_cast %get3A_695 : i32 to index
        %get3A_697 = arith.constant 0 : index
        %get3A_698 = tpu.vector_load %arg15[%get3A_696, %get3A_697] {strides = array<i32>} : memref<16x128xf32, #tpu.memory_space<vmem>>, vector<16xf32>,
        %add3A_699 = arith.addf %add3A_694, %get3A_698 : vector<16xf32>
        %get3A_700 = arith.constant 14 : i32
        %get3A_701 = arith.index_cast %get3A_700 : i32 to index
        %get3A_702 = arith.constant 0 : index
        %get3A_703 = tpu.vector_load %arg15[%get3A_701, %get3A_702] {strides = array<i32>} : memref<16x128xf32, #tpu.memory_space<vmem>>, vector<16xf32>,
        %add3A_704 = arith.addf %add3A_699, %get3A_703 : vector<16xf32>
        %get3A_705 = arith.constant 15 : i32
        %get3A_706 = arith.index_cast %get3A_705 : i32 to index
        %get3A_707 = arith.constant 0 : index
        %get3A_708 = tpu.vector_load %arg15[%get3A_706, %get3A_707] {strides = array<i32>} : memref<16x128xf32, #tpu.memory_space<vmem>>, vector<16xf32>,
        %add3A_709 = arith.addf %add3A_704, %get3A_708 : vector<16xf32>
        %swap3A_710 = arith.constant 0 : i32
        %swap3A_711 = arith.index_cast %swap3A_710 : i32 to index
        %swap3A_712 = arith.constant 0 : index
        %swap3A_713 = tpu.vector_load %arg14[%swap3A_711, %swap3A_712] {strides = array<i32>} : memref<1x128xf32, #tpu.memory_space<vmem>>, vector<16xf32>,
        tpu.vector_store %arg14[%swap3A_711, %swap3A_712], %add3A_709 {strides = array<i32>} : memref<1x128xf32, #tpu.memory_space<vmem>>, vector<16xf32>,
        %get3A_714 = arith.constant 0 : i32
        %get3A_715 = arith.index_cast %get3A_714 : i32 to index
        %get3A_716 = arith.constant 16 : index
        %get3A_717 = tpu.vector_load %arg15[%get3A_715, %get3A_716] {strides = array<i32>} : memref<16x128xf32, #tpu.memory_space<vmem>>, vector<16xf32>,
        %get3A_718 = arith.constant 1 : i32
        %get3A_719 = arith.index_cast %get3A_718 : i32 to index
        %get3A_720 = arith.constant 16 : index
        %get3A_721 = tpu.vector_load %arg15[%get3A_719, %get3A_720] {strides = array<i32>} : memref<16x128xf32, #tpu.memory_space<vmem>>, vector<16xf32>,
        %add3A_722 = arith.addf %get3A_717, %get3A_721 : vector<16xf32>
        %get3A_723 = arith.constant 2 : i32
        %get3A_724 = arith.index_cast %get3A_723 : i32 to index
        %get3A_725 = arith.constant 16 : index
        %get3A_726 = tpu.vector_load %arg15[%get3A_724, %get3A_725] {strides = array<i32>} : memref<16x128xf32, #tpu.memory_space<vmem>>, vector<16xf32>,
        %add3A_727 = arith.addf %add3A_722, %get3A_726 : vector<16xf32>
        %get3A_728 = arith.constant 3 : i32
        %get3A_729 = arith.index_cast %get3A_728 : i32 to index
        %get3A_730 = arith.constant 16 : index
        %get3A_731 = tpu.vector_load %arg15[%get3A_729, %get3A_730] {strides = array<i32>} : memref<16x128xf32, #tpu.memory_space<vmem>>, vector<16xf32>,
        %add3A_732 = arith.addf %add3A_727, %get3A_731 : vector<16xf32>
        %get3A_733 = arith.constant 4 : i32
        %get3A_734 = arith.index_cast %get3A_733 : i32 to index
        %get3A_735 = arith.constant 16 : index
        %get3A_736 = tpu.vector_load %arg15[%get3A_734, %get3A_735] {strides = array<i32>} : memref<16x128xf32, #tpu.memory_space<vmem>>, vector<16xf32>,
        %add3A_737 = arith.addf %add3A_732, %get3A_736 : vector<16xf32>
        %get3A_738 = arith.constant 5 : i32
        %get3A_739 = arith.index_cast %get3A_738 : i32 to index
        %get3A_740 = arith.constant 16 : index
        %get3A_741 = tpu.vector_load %arg15[%get3A_739, %get3A_740] {strides = array<i32>} : memref<16x128xf32, #tpu.memory_space<vmem>>, vector<16xf32>,
        %add3A_742 = arith.addf %add3A_737, %get3A_741 : vector<16xf32>
        %get3A_743 = arith.constant 6 : i32
        %get3A_744 = arith.index_cast %get3A_743 : i32 to index
        %get3A_745 = arith.constant 16 : index
        %get3A_746 = tpu.vector_load %arg15[%get3A_744, %get3A_745] {strides = array<i32>} : memref<16x128xf32, #tpu.memory_space<vmem>>, vector<16xf32>,
        %add3A_747 = arith.addf %add3A_742, %get3A_746 : vector<16xf32>
        %get3A_748 = arith.constant 7 : i32
        %get3A_749 = arith.index_cast %get3A_748 : i32 to index
        %get3A_750 = arith.constant 16 : index
        %get3A_751 = tpu.vector_load %arg15[%get3A_749, %get3A_750] {strides = array<i32>} : memref<16x128xf32, #tpu.memory_space<vmem>>, vector<16xf32>,
        %add3A_752 = arith.addf %add3A_747, %get3A_751 : vector<16xf32>
        %get3A_753 = arith.constant 8 : i32
        %get3A_754 = arith.index_cast %get3A_753 : i32 to index
        %get3A_755 = arith.constant 16 : index
        %get3A_756 = tpu.vector_load %arg15[%get3A_754, %get3A_755] {strides = array<i32>} : memref<16x128xf32, #tpu.memory_space<vmem>>, vector<16xf32>,
        %add3A_757 = arith.addf %add3A_752, %get3A_756 : vector<16xf32>
        %get3A_758 = arith.constant 9 : i32
        %get3A_759 = arith.index_cast %get3A_758 : i32 to index
        %get3A_760 = arith.constant 16 : index
        %get3A_761 = tpu.vector_load %arg15[%get3A_759, %get3A_760] {strides = array<i32>} : memref<16x128xf32, #tpu.memory_space<vmem>>, vector<16xf32>,
        %add3A_762 = arith.addf %add3A_757, %get3A_761 : vector<16xf32>
        %get3A_763 = arith.constant 10 : i32
        %get3A_764 = arith.index_cast %get3A_763 : i32 to index
        %get3A_765 = arith.constant 16 : index
        %get3A_766 = tpu.vector_load %arg15[%get3A_764, %get3A_765] {strides = array<i32>} : memref<16x128xf32, #tpu.memory_space<vmem>>, vector<16xf32>,
        %add3A_767 = arith.addf %add3A_762, %get3A_766 : vector<16xf32>
        %get3A_768 = arith.constant 11 : i32
        %get3A_769 = arith.index_cast %get3A_768 : i32 to index
        %get3A_770 = arith.constant 16 : index
        %get3A_771 = tpu.vector_load %arg15[%get3A_769, %get3A_770] {strides = array<i32>} : memref<16x128xf32, #tpu.memory_space<vmem>>, vector<16xf32>,
        %add3A_772 = arith.addf %add3A_767, %get3A_771 : vector<16xf32>
        %get3A_773 = arith.constant 12 : i32
        %get3A_774 = arith.index_cast %get3A_773 : i32 to index
        %get3A_775 = arith.constant 16 : index
        %get3A_776 = tpu.vector_load %arg15[%get3A_774, %get3A_775] {strides = array<i32>} : memref<16x128xf32, #tpu.memory_space<vmem>>, vector<16xf32>,
        %add3A_777 = arith.addf %add3A_772, %get3A_776 : vector<16xf32>
        %get3A_778 = arith.constant 13 : i32
        %get3A_779 = arith.index_cast %get3A_778 : i32 to index
        %get3A_780 = arith.constant 16 : index
        %get3A_781 = tpu.vector_load %arg15[%get3A_779, %get3A_780] {strides = array<i32>} : memref<16x128xf32, #tpu.memory_space<vmem>>, vector<16xf32>,
        %add3A_782 = arith.addf %add3A_777, %get3A_781 : vector<16xf32>
        %get3A_783 = arith.constant 14 : i32
        %get3A_784 = arith.index_cast %get3A_783 : i32 to index
        %get3A_785 = arith.constant 16 : index
        %get3A_786 = tpu.vector_load %arg15[%get3A_784, %get3A_785] {strides = array<i32>} : memref<16x128xf32, #tpu.memory_space<vmem>>, vector<16xf32>,
        %add3A_787 = arith.addf %add3A_782, %get3A_786 : vector<16xf32>
        %get3A_788 = arith.constant 15 : i32
        %get3A_789 = arith.index_cast %get3A_788 : i32 to index
        %get3A_790 = arith.constant 16 : index
        %get3A_791 = tpu.vector_load %arg15[%get3A_789, %get3A_790] {strides = array<i32>} : memref<16x128xf32, #tpu.memory_space<vmem>>, vector<16xf32>,
        %add3A_792 = arith.addf %add3A_787, %get3A_791 : vector<16xf32>
        %swap3A_793 = arith.constant 0 : i32
        %swap3A_794 = arith.index_cast %swap3A_793 : i32 to index
        %swap3A_795 = arith.constant 16 : index
        %swap3A_796 = tpu.vector_load %arg14[%swap3A_794, %swap3A_795] {strides = array<i32>} : memref<1x128xf32, #tpu.memory_space<vmem>>, vector<16xf32>,
        tpu.vector_store %arg14[%swap3A_794, %swap3A_795], %add3A_792 {strides = array<i32>} : memref<1x128xf32, #tpu.memory_space<vmem>>, vector<16xf32>,
        %get3A_797 = arith.constant 0 : i32
        %get3A_798 = arith.index_cast %get3A_797 : i32 to index
        %get3A_799 = arith.constant 32 : index
        %get3A_800 = tpu.vector_load %arg15[%get3A_798, %get3A_799] {strides = array<i32>} : memref<16x128xf32, #tpu.memory_space<vmem>>, vector<16xf32>,
        %get3A_801 = arith.constant 1 : i32
        %get3A_802 = arith.index_cast %get3A_801 : i32 to index
        %get3A_803 = arith.constant 32 : index
        %get3A_804 = tpu.vector_load %arg15[%get3A_802, %get3A_803] {strides = array<i32>} : memref<16x128xf32, #tpu.memory_space<vmem>>, vector<16xf32>,
        %add3A_805 = arith.addf %get3A_800, %get3A_804 : vector<16xf32>
        %get3A_806 = arith.constant 2 : i32
        %get3A_807 = arith.index_cast %get3A_806 : i32 to index
        %get3A_808 = arith.constant 32 : index
        %get3A_809 = tpu.vector_load %arg15[%get3A_807, %get3A_808] {strides = array<i32>} : memref<16x128xf32, #tpu.memory_space<vmem>>, vector<16xf32>,
        %add3A_810 = arith.addf %add3A_805, %get3A_809 : vector<16xf32>
        %get3A_811 = arith.constant 3 : i32
        %get3A_812 = arith.index_cast %get3A_811 : i32 to index
        %get3A_813 = arith.constant 32 : index
        %get3A_814 = tpu.vector_load %arg15[%get3A_812, %get3A_813] {strides = array<i32>} : memref<16x128xf32, #tpu.memory_space<vmem>>, vector<16xf32>,
        %add3A_815 = arith.addf %add3A_810, %get3A_814 : vector<16xf32>
        %get3A_816 = arith.constant 4 : i32
        %get3A_817 = arith.index_cast %get3A_816 : i32 to index
        %get3A_818 = arith.constant 32 : index
        %get3A_819 = tpu.vector_load %arg15[%get3A_817, %get3A_818] {strides = array<i32>} : memref<16x128xf32, #tpu.memory_space<vmem>>, vector<16xf32>,
        %add3A_820 = arith.addf %add3A_815, %get3A_819 : vector<16xf32>
        %get3A_821 = arith.constant 5 : i32
        %get3A_822 = arith.index_cast %get3A_821 : i32 to index
        %get3A_823 = arith.constant 32 : index
        %get3A_824 = tpu.vector_load %arg15[%get3A_822, %get3A_823] {strides = array<i32>} : memref<16x128xf32, #tpu.memory_space<vmem>>, vector<16xf32>,
        %add3A_825 = arith.addf %add3A_820, %get3A_824 : vector<16xf32>
        %get3A_826 = arith.constant 6 : i32
        %get3A_827 = arith.index_cast %get3A_826 : i32 to index
        %get3A_828 = arith.constant 32 : index
        %get3A_829 = tpu.vector_load %arg15[%get3A_827, %get3A_828] {strides = array<i32>} : memref<16x128xf32, #tpu.memory_space<vmem>>, vector<16xf32>,
        %add3A_830 = arith.addf %add3A_825, %get3A_829 : vector<16xf32>
        %get3A_831 = arith.constant 7 : i32
        %get3A_832 = arith.index_cast %get3A_831 : i32 to index
        %get3A_833 = arith.constant 32 : index
        %get3A_834 = tpu.vector_load %arg15[%get3A_832, %get3A_833] {strides = array<i32>} : memref<16x128xf32, #tpu.memory_space<vmem>>, vector<16xf32>,
        %add3A_835 = arith.addf %add3A_830, %get3A_834 : vector<16xf32>
        %get3A_836 = arith.constant 8 : i32
        %get3A_837 = arith.index_cast %get3A_836 : i32 to index
        %get3A_838 = arith.constant 32 : index
        %get3A_839 = tpu.vector_load %arg15[%get3A_837, %get3A_838] {strides = array<i32>} : memref<16x128xf32, #tpu.memory_space<vmem>>, vector<16xf32>,
        %add3A_840 = arith.addf %add3A_835, %get3A_839 : vector<16xf32>
        %get3A_841 = arith.constant 9 : i32
        %get3A_842 = arith.index_cast %get3A_841 : i32 to index
        %get3A_843 = arith.constant 32 : index
        %get3A_844 = tpu.vector_load %arg15[%get3A_842, %get3A_843] {strides = array<i32>} : memref<16x128xf32, #tpu.memory_space<vmem>>, vector<16xf32>,
        %add3A_845 = arith.addf %add3A_840, %get3A_844 : vector<16xf32>
        %get3A_846 = arith.constant 10 : i32
        %get3A_847 = arith.index_cast %get3A_846 : i32 to index
        %get3A_848 = arith.constant 32 : index
        %get3A_849 = tpu.vector_load %arg15[%get3A_847, %get3A_848] {strides = array<i32>} : memref<16x128xf32, #tpu.memory_space<vmem>>, vector<16xf32>,
        %add3A_850 = arith.addf %add3A_845, %get3A_849 : vector<16xf32>
        %get3A_851 = arith.constant 11 : i32
        %get3A_852 = arith.index_cast %get3A_851 : i32 to index
        %get3A_853 = arith.constant 32 : index
        %get3A_854 = tpu.vector_load %arg15[%get3A_852, %get3A_853] {strides = array<i32>} : memref<16x128xf32, #tpu.memory_space<vmem>>, vector<16xf32>,
        %add3A_855 = arith.addf %add3A_850, %get3A_854 : vector<16xf32>
        %get3A_856 = arith.constant 12 : i32
        %get3A_857 = arith.index_cast %get3A_856 : i32 to index
        %get3A_858 = arith.constant 32 : index
        %get3A_859 = tpu.vector_load %arg15[%get3A_857, %get3A_858] {strides = array<i32>} : memref<16x128xf32, #tpu.memory_space<vmem>>, vector<16xf32>,
        %add3A_860 = arith.addf %add3A_855, %get3A_859 : vector<16xf32>
        %get3A_861 = arith.constant 13 : i32
        %get3A_862 = arith.index_cast %get3A_861 : i32 to index
        %get3A_863 = arith.constant 32 : index
        %get3A_864 = tpu.vector_load %arg15[%get3A_862, %get3A_863] {strides = array<i32>} : memref<16x128xf32, #tpu.memory_space<vmem>>, vector<16xf32>,
        %add3A_865 = arith.addf %add3A_860, %get3A_864 : vector<16xf32>
        %get3A_866 = arith.constant 14 : i32
        %get3A_867 = arith.index_cast %get3A_866 : i32 to index
        %get3A_868 = arith.constant 32 : index
        %get3A_869 = tpu.vector_load %arg15[%get3A_867, %get3A_868] {strides = array<i32>} : memref<16x128xf32, #tpu.memory_space<vmem>>, vector<16xf32>,
        %add3A_870 = arith.addf %add3A_865, %get3A_869 : vector<16xf32>
        %get3A_871 = arith.constant 15 : i32
        %get3A_872 = arith.index_cast %get3A_871 : i32 to index
        %get3A_873 = arith.constant 32 : index
        %get3A_874 = tpu.vector_load %arg15[%get3A_872, %get3A_873] {strides = array<i32>} : memref<16x128xf32, #tpu.memory_space<vmem>>, vector<16xf32>,
        %add3A_875 = arith.addf %add3A_870, %get3A_874 : vector<16xf32>
        %swap3A_876 = arith.constant 0 : i32
        %swap3A_877 = arith.index_cast %swap3A_876 : i32 to index
        %swap3A_878 = arith.constant 32 : index
        %swap3A_879 = tpu.vector_load %arg14[%swap3A_877, %swap3A_878] {strides = array<i32>} : memref<1x128xf32, #tpu.memory_space<vmem>>, vector<16xf32>,
        tpu.vector_store %arg14[%swap3A_877, %swap3A_878], %add3A_875 {strides = array<i32>} : memref<1x128xf32, #tpu.memory_space<vmem>>, vector<16xf32>,
        %get3A_880 = arith.constant 0 : i32
        %get3A_881 = arith.index_cast %get3A_880 : i32 to index
        %get3A_882 = arith.constant 48 : index
        %get3A_883 = tpu.vector_load %arg15[%get3A_881, %get3A_882] {strides = array<i32>} : memref<16x128xf32, #tpu.memory_space<vmem>>, vector<16xf32>,
        %get3A_884 = arith.constant 1 : i32
        %get3A_885 = arith.index_cast %get3A_884 : i32 to index
        %get3A_886 = arith.constant 48 : index
        %get3A_887 = tpu.vector_load %arg15[%get3A_885, %get3A_886] {strides = array<i32>} : memref<16x128xf32, #tpu.memory_space<vmem>>, vector<16xf32>,
        %add3A_888 = arith.addf %get3A_883, %get3A_887 : vector<16xf32>
        %get3A_889 = arith.constant 2 : i32
        %get3A_890 = arith.index_cast %get3A_889 : i32 to index
        %get3A_891 = arith.constant 48 : index
        %get3A_892 = tpu.vector_load %arg15[%get3A_890, %get3A_891] {strides = array<i32>} : memref<16x128xf32, #tpu.memory_space<vmem>>, vector<16xf32>,
        %add3A_893 = arith.addf %add3A_888, %get3A_892 : vector<16xf32>
        %get3A_894 = arith.constant 3 : i32
        %get3A_895 = arith.index_cast %get3A_894 : i32 to index
        %get3A_896 = arith.constant 48 : index
        %get3A_897 = tpu.vector_load %arg15[%get3A_895, %get3A_896] {strides = array<i32>} : memref<16x128xf32, #tpu.memory_space<vmem>>, vector<16xf32>,
        %add3A_898 = arith.addf %add3A_893, %get3A_897 : vector<16xf32>
        %get3A_899 = arith.constant 4 : i32
        %get3A_900 = arith.index_cast %get3A_899 : i32 to index
        %get3A_901 = arith.constant 48 : index
        %get3A_902 = tpu.vector_load %arg15[%get3A_900, %get3A_901] {strides = array<i32>} : memref<16x128xf32, #tpu.memory_space<vmem>>, vector<16xf32>,
        %add3A_903 = arith.addf %add3A_898, %get3A_902 : vector<16xf32>
        %get3A_904 = arith.constant 5 : i32
        %get3A_905 = arith.index_cast %get3A_904 : i32 to index
        %get3A_906 = arith.constant 48 : index
        %get3A_907 = tpu.vector_load %arg15[%get3A_905, %get3A_906] {strides = array<i32>} : memref<16x128xf32, #tpu.memory_space<vmem>>, vector<16xf32>,
        %add3A_908 = arith.addf %add3A_903, %get3A_907 : vector<16xf32>
        %get3A_909 = arith.constant 6 : i32
        %get3A_910 = arith.index_cast %get3A_909 : i32 to index
        %get3A_911 = arith.constant 48 : index
        %get3A_912 = tpu.vector_load %arg15[%get3A_910, %get3A_911] {strides = array<i32>} : memref<16x128xf32, #tpu.memory_space<vmem>>, vector<16xf32>,
        %add3A_913 = arith.addf %add3A_908, %get3A_912 : vector<16xf32>
        %get3A_914 = arith.constant 7 : i32
        %get3A_915 = arith.index_cast %get3A_914 : i32 to index
        %get3A_916 = arith.constant 48 : index
        %get3A_917 = tpu.vector_load %arg15[%get3A_915, %get3A_916] {strides = array<i32>} : memref<16x128xf32, #tpu.memory_space<vmem>>, vector<16xf32>,
        %add3A_918 = arith.addf %add3A_913, %get3A_917 : vector<16xf32>
        %get3A_919 = arith.constant 8 : i32
        %get3A_920 = arith.index_cast %get3A_919 : i32 to index
        %get3A_921 = arith.constant 48 : index
        %get3A_922 = tpu.vector_load %arg15[%get3A_920, %get3A_921] {strides = array<i32>} : memref<16x128xf32, #tpu.memory_space<vmem>>, vector<16xf32>,
        %add3A_923 = arith.addf %add3A_918, %get3A_922 : vector<16xf32>
        %get3A_924 = arith.constant 9 : i32
        %get3A_925 = arith.index_cast %get3A_924 : i32 to index
        %get3A_926 = arith.constant 48 : index
        %get3A_927 = tpu.vector_load %arg15[%get3A_925, %get3A_926] {strides = array<i32>} : memref<16x128xf32, #tpu.memory_space<vmem>>, vector<16xf32>,
        %add3A_928 = arith.addf %add3A_923, %get3A_927 : vector<16xf32>
        %get3A_929 = arith.constant 10 : i32
        %get3A_930 = arith.index_cast %get3A_929 : i32 to index
        %get3A_931 = arith.constant 48 : index
        %get3A_932 = tpu.vector_load %arg15[%get3A_930, %get3A_931] {strides = array<i32>} : memref<16x128xf32, #tpu.memory_space<vmem>>, vector<16xf32>,
        %add3A_933 = arith.addf %add3A_928, %get3A_932 : vector<16xf32>
        %get3A_934 = arith.constant 11 : i32
        %get3A_935 = arith.index_cast %get3A_934 : i32 to index
        %get3A_936 = arith.constant 48 : index
        %get3A_937 = tpu.vector_load %arg15[%get3A_935, %get3A_936] {strides = array<i32>} : memref<16x128xf32, #tpu.memory_space<vmem>>, vector<16xf32>,
        %add3A_938 = arith.addf %add3A_933, %get3A_937 : vector<16xf32>
        %get3A_939 = arith.constant 12 : i32
        %get3A_940 = arith.index_cast %get3A_939 : i32 to index
        %get3A_941 = arith.constant 48 : index
        %get3A_942 = tpu.vector_load %arg15[%get3A_940, %get3A_941] {strides = array<i32>} : memref<16x128xf32, #tpu.memory_space<vmem>>, vector<16xf32>,
        %add3A_943 = arith.addf %add3A_938, %get3A_942 : vector<16xf32>
        %get3A_944 = arith.constant 13 : i32
        %get3A_945 = arith.index_cast %get3A_944 : i32 to index
        %get3A_946 = arith.constant 48 : index
        %get3A_947 = tpu.vector_load %arg15[%get3A_945, %get3A_946] {strides = array<i32>} : memref<16x128xf32, #tpu.memory_space<vmem>>, vector<16xf32>,
        %add3A_948 = arith.addf %add3A_943, %get3A_947 : vector<16xf32>
        %get3A_949 = arith.constant 14 : i32
        %get3A_950 = arith.index_cast %get3A_949 : i32 to index
        %get3A_951 = arith.constant 48 : index
        %get3A_952 = tpu.vector_load %arg15[%get3A_950, %get3A_951] {strides = array<i32>} : memref<16x128xf32, #tpu.memory_space<vmem>>, vector<16xf32>,
        %add3A_953 = arith.addf %add3A_948, %get3A_952 : vector<16xf32>
        %get3A_954 = arith.constant 15 : i32
        %get3A_955 = arith.index_cast %get3A_954 : i32 to index
        %get3A_956 = arith.constant 48 : index
        %get3A_957 = tpu.vector_load %arg15[%get3A_955, %get3A_956] {strides = array<i32>} : memref<16x128xf32, #tpu.memory_space<vmem>>, vector<16xf32>,
        %add3A_958 = arith.addf %add3A_953, %get3A_957 : vector<16xf32>
        %swap3A_959 = arith.constant 0 : i32
        %swap3A_960 = arith.index_cast %swap3A_959 : i32 to index
        %swap3A_961 = arith.constant 48 : index
        %swap3A_962 = tpu.vector_load %arg14[%swap3A_960, %swap3A_961] {strides = array<i32>} : memref<1x128xf32, #tpu.memory_space<vmem>>, vector<16xf32>,
        tpu.vector_store %arg14[%swap3A_960, %swap3A_961], %add3A_958 {strides = array<i32>} : memref<1x128xf32, #tpu.memory_space<vmem>>, vector<16xf32>,
        %get3A_963 = arith.constant 0 : i32
        %get3A_964 = arith.index_cast %get3A_963 : i32 to index
        %get3A_965 = arith.constant 64 : index
        %get3A_966 = tpu.vector_load %arg15[%get3A_964, %get3A_965] {strides = array<i32>} : memref<16x128xf32, #tpu.memory_space<vmem>>, vector<16xf32>,
        %get3A_967 = arith.constant 1 : i32
        %get3A_968 = arith.index_cast %get3A_967 : i32 to index
        %get3A_969 = arith.constant 64 : index
        %get3A_970 = tpu.vector_load %arg15[%get3A_968, %get3A_969] {strides = array<i32>} : memref<16x128xf32, #tpu.memory_space<vmem>>, vector<16xf32>,
        %add3A_971 = arith.addf %get3A_966, %get3A_970 : vector<16xf32>
        %get3A_972 = arith.constant 2 : i32
        %get3A_973 = arith.index_cast %get3A_972 : i32 to index
        %get3A_974 = arith.constant 64 : index
        %get3A_975 = tpu.vector_load %arg15[%get3A_973, %get3A_974] {strides = array<i32>} : memref<16x128xf32, #tpu.memory_space<vmem>>, vector<16xf32>,
        %add3A_976 = arith.addf %add3A_971, %get3A_975 : vector<16xf32>
        %get3A_977 = arith.constant 3 : i32
        %get3A_978 = arith.index_cast %get3A_977 : i32 to index
        %get3A_979 = arith.constant 64 : index
        %get3A_980 = tpu.vector_load %arg15[%get3A_978, %get3A_979] {strides = array<i32>} : memref<16x128xf32, #tpu.memory_space<vmem>>, vector<16xf32>,
        %add3A_981 = arith.addf %add3A_976, %get3A_980 : vector<16xf32>
        %get3A_982 = arith.constant 4 : i32
        %get3A_983 = arith.index_cast %get3A_982 : i32 to index
        %get3A_984 = arith.constant 64 : index
        %get3A_985 = tpu.vector_load %arg15[%get3A_983, %get3A_984] {strides = array<i32>} : memref<16x128xf32, #tpu.memory_space<vmem>>, vector<16xf32>,
        %add3A_986 = arith.addf %add3A_981, %get3A_985 : vector<16xf32>
        %get3A_987 = arith.constant 5 : i32
        %get3A_988 = arith.index_cast %get3A_987 : i32 to index
        %get3A_989 = arith.constant 64 : index
        %get3A_990 = tpu.vector_load %arg15[%get3A_988, %get3A_989] {strides = array<i32>} : memref<16x128xf32, #tpu.memory_space<vmem>>, vector<16xf32>,
        %add3A_991 = arith.addf %add3A_986, %get3A_990 : vector<16xf32>
        %get3A_992 = arith.constant 6 : i32
        %get3A_993 = arith.index_cast %get3A_992 : i32 to index
        %get3A_994 = arith.constant 64 : index
        %get3A_995 = tpu.vector_load %arg15[%get3A_993, %get3A_994] {strides = array<i32>} : memref<16x128xf32, #tpu.memory_space<vmem>>, vector<16xf32>,
        %add3A_996 = arith.addf %add3A_991, %get3A_995 : vector<16xf32>
        %get3A_997 = arith.constant 7 : i32
        %get3A_998 = arith.index_cast %get3A_997 : i32 to index
        %get3A_999 = arith.constant 64 : index
        %get3A_1000 = tpu.vector_load %arg15[%get3A_998, %get3A_999] {strides = array<i32>} : memref<16x128xf32, #tpu.memory_space<vmem>>, vector<16xf32>,
        %add3A_1001 = arith.addf %add3A_996, %get3A_1000 : vector<16xf32>
        %get3A_1002 = arith.constant 8 : i32
        %get3A_1003 = arith.index_cast %get3A_1002 : i32 to index
        %get3A_1004 = arith.constant 64 : index
        %get3A_1005 = tpu.vector_load %arg15[%get3A_1003, %get3A_1004] {strides = array<i32>} : memref<16x128xf32, #tpu.memory_space<vmem>>, vector<16xf32>,
        %add3A_1006 = arith.addf %add3A_1001, %get3A_1005 : vector<16xf32>
        %get3A_1007 = arith.constant 9 : i32
        %get3A_1008 = arith.index_cast %get3A_1007 : i32 to index
        %get3A_1009 = arith.constant 64 : index
        %get3A_1010 = tpu.vector_load %arg15[%get3A_1008, %get3A_1009] {strides = array<i32>} : memref<16x128xf32, #tpu.memory_space<vmem>>, vector<16xf32>,
        %add3A_1011 = arith.addf %add3A_1006, %get3A_1010 : vector<16xf32>
        %get3A_1012 = arith.constant 10 : i32
        %get3A_1013 = arith.index_cast %get3A_1012 : i32 to index
        %get3A_1014 = arith.constant 64 : index
        %get3A_1015 = tpu.vector_load %arg15[%get3A_1013, %get3A_1014] {strides = array<i32>} : memref<16x128xf32, #tpu.memory_space<vmem>>, vector<16xf32>,
        %add3A_1016 = arith.addf %add3A_1011, %get3A_1015 : vector<16xf32>
        %get3A_1017 = arith.constant 11 : i32
        %get3A_1018 = arith.index_cast %get3A_1017 : i32 to index
        %get3A_1019 = arith.constant 64 : index
        %get3A_1020 = tpu.vector_load %arg15[%get3A_1018, %get3A_1019] {strides = array<i32>} : memref<16x128xf32, #tpu.memory_space<vmem>>, vector<16xf32>,
        %add3A_1021 = arith.addf %add3A_1016, %get3A_1020 : vector<16xf32>
        %get3A_1022 = arith.constant 12 : i32
        %get3A_1023 = arith.index_cast %get3A_1022 : i32 to index
        %get3A_1024 = arith.constant 64 : index
        %get3A_1025 = tpu.vector_load %arg15[%get3A_1023, %get3A_1024] {strides = array<i32>} : memref<16x128xf32, #tpu.memory_space<vmem>>, vector<16xf32>,
        %add3A_1026 = arith.addf %add3A_1021, %get3A_1025 : vector<16xf32>
        %get3A_1027 = arith.constant 13 : i32
        %get3A_1028 = arith.index_cast %get3A_1027 : i32 to index
        %get3A_1029 = arith.constant 64 : index
        %get3A_1030 = tpu.vector_load %arg15[%get3A_1028, %get3A_1029] {strides = array<i32>} : memref<16x128xf32, #tpu.memory_space<vmem>>, vector<16xf32>,
        %add3A_1031 = arith.addf %add3A_1026, %get3A_1030 : vector<16xf32>
        %get3A_1032 = arith.constant 14 : i32
        %get3A_1033 = arith.index_cast %get3A_1032 : i32 to index
        %get3A_1034 = arith.constant 64 : index
        %get3A_1035 = tpu.vector_load %arg15[%get3A_1033, %get3A_1034] {strides = array<i32>} : memref<16x128xf32, #tpu.memory_space<vmem>>, vector<16xf32>,
        %add3A_1036 = arith.addf %add3A_1031, %get3A_1035 : vector<16xf32>
        %get3A_1037 = arith.constant 15 : i32
        %get3A_1038 = arith.index_cast %get3A_1037 : i32 to index
        %get3A_1039 = arith.constant 64 : index
        %get3A_1040 = tpu.vector_load %arg15[%get3A_1038, %get3A_1039] {strides = array<i32>} : memref<16x128xf32, #tpu.memory_space<vmem>>, vector<16xf32>,
        %add3A_1041 = arith.addf %add3A_1036, %get3A_1040 : vector<16xf32>
        %swap3A_1042 = arith.constant 0 : i32
        %swap3A_1043 = arith.index_cast %swap3A_1042 : i32 to index
        %swap3A_1044 = arith.constant 64 : index
        %swap3A_1045 = tpu.vector_load %arg14[%swap3A_1043, %swap3A_1044] {strides = array<i32>} : memref<1x128xf32, #tpu.memory_space<vmem>>, vector<16xf32>,
        tpu.vector_store %arg14[%swap3A_1043, %swap3A_1044], %add3A_1041 {strides = array<i32>} : memref<1x128xf32, #tpu.memory_space<vmem>>, vector<16xf32>,
        %get3A_1046 = arith.constant 0 : i32
        %get3A_1047 = arith.index_cast %get3A_1046 : i32 to index
        %get3A_1048 = arith.constant 80 : index
        %get3A_1049 = tpu.vector_load %arg15[%get3A_1047, %get3A_1048] {strides = array<i32>} : memref<16x128xf32, #tpu.memory_space<vmem>>, vector<16xf32>,
        %get3A_1050 = arith.constant 1 : i32
        %get3A_1051 = arith.index_cast %get3A_1050 : i32 to index
        %get3A_1052 = arith.constant 80 : index
        %get3A_1053 = tpu.vector_load %arg15[%get3A_1051, %get3A_1052] {strides = array<i32>} : memref<16x128xf32, #tpu.memory_space<vmem>>, vector<16xf32>,
        %add3A_1054 = arith.addf %get3A_1049, %get3A_1053 : vector<16xf32>
        %get3A_1055 = arith.constant 2 : i32
        %get3A_1056 = arith.index_cast %get3A_1055 : i32 to index
        %get3A_1057 = arith.constant 80 : index
        %get3A_1058 = tpu.vector_load %arg15[%get3A_1056, %get3A_1057] {strides = array<i32>} : memref<16x128xf32, #tpu.memory_space<vmem>>, vector<16xf32>,
        %add3A_1059 = arith.addf %add3A_1054, %get3A_1058 : vector<16xf32>
        %get3A_1060 = arith.constant 3 : i32
        %get3A_1061 = arith.index_cast %get3A_1060 : i32 to index
        %get3A_1062 = arith.constant 80 : index
        %get3A_1063 = tpu.vector_load %arg15[%get3A_1061, %get3A_1062] {strides = array<i32>} : memref<16x128xf32, #tpu.memory_space<vmem>>, vector<16xf32>,
        %add3A_1064 = arith.addf %add3A_1059, %get3A_1063 : vector<16xf32>
        %get3A_1065 = arith.constant 4 : i32
        %get3A_1066 = arith.index_cast %get3A_1065 : i32 to index
        %get3A_1067 = arith.constant 80 : index
        %get3A_1068 = tpu.vector_load %arg15[%get3A_1066, %get3A_1067] {strides = array<i32>} : memref<16x128xf32, #tpu.memory_space<vmem>>, vector<16xf32>,
        %add3A_1069 = arith.addf %add3A_1064, %get3A_1068 : vector<16xf32>
        %get3A_1070 = arith.constant 5 : i32
        %get3A_1071 = arith.index_cast %get3A_1070 : i32 to index
        %get3A_1072 = arith.constant 80 : index
        %get3A_1073 = tpu.vector_load %arg15[%get3A_1071, %get3A_1072] {strides = array<i32>} : memref<16x128xf32, #tpu.memory_space<vmem>>, vector<16xf32>,
        %add3A_1074 = arith.addf %add3A_1069, %get3A_1073 : vector<16xf32>
        %get3A_1075 = arith.constant 6 : i32
        %get3A_1076 = arith.index_cast %get3A_1075 : i32 to index
        %get3A_1077 = arith.constant 80 : index
        %get3A_1078 = tpu.vector_load %arg15[%get3A_1076, %get3A_1077] {strides = array<i32>} : memref<16x128xf32, #tpu.memory_space<vmem>>, vector<16xf32>,
        %add3A_1079 = arith.addf %add3A_1074, %get3A_1078 : vector<16xf32>
        %get3A_1080 = arith.constant 7 : i32
        %get3A_1081 = arith.index_cast %get3A_1080 : i32 to index
        %get3A_1082 = arith.constant 80 : index
        %get3A_1083 = tpu.vector_load %arg15[%get3A_1081, %get3A_1082] {strides = array<i32>} : memref<16x128xf32, #tpu.memory_space<vmem>>, vector<16xf32>,
        %add3A_1084 = arith.addf %add3A_1079, %get3A_1083 : vector<16xf32>
        %get3A_1085 = arith.constant 8 : i32
        %get3A_1086 = arith.index_cast %get3A_1085 : i32 to index
        %get3A_1087 = arith.constant 80 : index
        %get3A_1088 = tpu.vector_load %arg15[%get3A_1086, %get3A_1087] {strides = array<i32>} : memref<16x128xf32, #tpu.memory_space<vmem>>, vector<16xf32>,
        %add3A_1089 = arith.addf %add3A_1084, %get3A_1088 : vector<16xf32>
        %get3A_1090 = arith.constant 9 : i32
        %get3A_1091 = arith.index_cast %get3A_1090 : i32 to index
        %get3A_1092 = arith.constant 80 : index
        %get3A_1093 = tpu.vector_load %arg15[%get3A_1091, %get3A_1092] {strides = array<i32>} : memref<16x128xf32, #tpu.memory_space<vmem>>, vector<16xf32>,
        %add3A_1094 = arith.addf %add3A_1089, %get3A_1093 : vector<16xf32>
        %get3A_1095 = arith.constant 10 : i32
        %get3A_1096 = arith.index_cast %get3A_1095 : i32 to index
        %get3A_1097 = arith.constant 80 : index
        %get3A_1098 = tpu.vector_load %arg15[%get3A_1096, %get3A_1097] {strides = array<i32>} : memref<16x128xf32, #tpu.memory_space<vmem>>, vector<16xf32>,
        %add3A_1099 = arith.addf %add3A_1094, %get3A_1098 : vector<16xf32>
        %get3A_1100 = arith.constant 11 : i32
        %get3A_1101 = arith.index_cast %get3A_1100 : i32 to index
        %get3A_1102 = arith.constant 80 : index
        %get3A_1103 = tpu.vector_load %arg15[%get3A_1101, %get3A_1102] {strides = array<i32>} : memref<16x128xf32, #tpu.memory_space<vmem>>, vector<16xf32>,
        %add3A_1104 = arith.addf %add3A_1099, %get3A_1103 : vector<16xf32>
        %get3A_1105 = arith.constant 12 : i32
        %get3A_1106 = arith.index_cast %get3A_1105 : i32 to index
        %get3A_1107 = arith.constant 80 : index
        %get3A_1108 = tpu.vector_load %arg15[%get3A_1106, %get3A_1107] {strides = array<i32>} : memref<16x128xf32, #tpu.memory_space<vmem>>, vector<16xf32>,
        %add3A_1109 = arith.addf %add3A_1104, %get3A_1108 : vector<16xf32>
        %get3A_1110 = arith.constant 13 : i32
        %get3A_1111 = arith.index_cast %get3A_1110 : i32 to index
        %get3A_1112 = arith.constant 80 : index
        %get3A_1113 = tpu.vector_load %arg15[%get3A_1111, %get3A_1112] {strides = array<i32>} : memref<16x128xf32, #tpu.memory_space<vmem>>, vector<16xf32>,
        %add3A_1114 = arith.addf %add3A_1109, %get3A_1113 : vector<16xf32>
        %get3A_1115 = arith.constant 14 : i32
        %get3A_1116 = arith.index_cast %get3A_1115 : i32 to index
        %get3A_1117 = arith.constant 80 : index
        %get3A_1118 = tpu.vector_load %arg15[%get3A_1116, %get3A_1117] {strides = array<i32>} : memref<16x128xf32, #tpu.memory_space<vmem>>, vector<16xf32>,
        %add3A_1119 = arith.addf %add3A_1114, %get3A_1118 : vector<16xf32>
        %get3A_1120 = arith.constant 15 : i32
        %get3A_1121 = arith.index_cast %get3A_1120 : i32 to index
        %get3A_1122 = arith.constant 80 : index
        %get3A_1123 = tpu.vector_load %arg15[%get3A_1121, %get3A_1122] {strides = array<i32>} : memref<16x128xf32, #tpu.memory_space<vmem>>, vector<16xf32>,
        %add3A_1124 = arith.addf %add3A_1119, %get3A_1123 : vector<16xf32>
        %swap3A_1125 = arith.constant 0 : i32
        %swap3A_1126 = arith.index_cast %swap3A_1125 : i32 to index
        %swap3A_1127 = arith.constant 80 : index
        %swap3A_1128 = tpu.vector_load %arg14[%swap3A_1126, %swap3A_1127] {strides = array<i32>} : memref<1x128xf32, #tpu.memory_space<vmem>>, vector<16xf32>,
        tpu.vector_store %arg14[%swap3A_1126, %swap3A_1127], %add3A_1124 {strides = array<i32>} : memref<1x128xf32, #tpu.memory_space<vmem>>, vector<16xf32>,
        %get3A_1129 = arith.constant 0 : i32
        %get3A_1130 = arith.index_cast %get3A_1129 : i32 to index
        %get3A_1131 = arith.constant 96 : index
        %get3A_1132 = tpu.vector_load %arg15[%get3A_1130, %get3A_1131] {strides = array<i32>} : memref<16x128xf32, #tpu.memory_space<vmem>>, vector<16xf32>,
        %get3A_1133 = arith.constant 1 : i32
        %get3A_1134 = arith.index_cast %get3A_1133 : i32 to index
        %get3A_1135 = arith.constant 96 : index
        %get3A_1136 = tpu.vector_load %arg15[%get3A_1134, %get3A_1135] {strides = array<i32>} : memref<16x128xf32, #tpu.memory_space<vmem>>, vector<16xf32>,
        %add3A_1137 = arith.addf %get3A_1132, %get3A_1136 : vector<16xf32>
        %get3A_1138 = arith.constant 2 : i32
        %get3A_1139 = arith.index_cast %get3A_1138 : i32 to index
        %get3A_1140 = arith.constant 96 : index
        %get3A_1141 = tpu.vector_load %arg15[%get3A_1139, %get3A_1140] {strides = array<i32>} : memref<16x128xf32, #tpu.memory_space<vmem>>, vector<16xf32>,
        %add3A_1142 = arith.addf %add3A_1137, %get3A_1141 : vector<16xf32>
        %get3A_1143 = arith.constant 3 : i32
        %get3A_1144 = arith.index_cast %get3A_1143 : i32 to index
        %get3A_1145 = arith.constant 96 : index
        %get3A_1146 = tpu.vector_load %arg15[%get3A_1144, %get3A_1145] {strides = array<i32>} : memref<16x128xf32, #tpu.memory_space<vmem>>, vector<16xf32>,
        %add3A_1147 = arith.addf %add3A_1142, %get3A_1146 : vector<16xf32>
        %get3A_1148 = arith.constant 4 : i32
        %get3A_1149 = arith.index_cast %get3A_1148 : i32 to index
        %get3A_1150 = arith.constant 96 : index
        %get3A_1151 = tpu.vector_load %arg15[%get3A_1149, %get3A_1150] {strides = array<i32>} : memref<16x128xf32, #tpu.memory_space<vmem>>, vector<16xf32>,
        %add3A_1152 = arith.addf %add3A_1147, %get3A_1151 : vector<16xf32>
        %get3A_1153 = arith.constant 5 : i32
        %get3A_1154 = arith.index_cast %get3A_1153 : i32 to index
        %get3A_1155 = arith.constant 96 : index
        %get3A_1156 = tpu.vector_load %arg15[%get3A_1154, %get3A_1155] {strides = array<i32>} : memref<16x128xf32, #tpu.memory_space<vmem>>, vector<16xf32>,
        %add3A_1157 = arith.addf %add3A_1152, %get3A_1156 : vector<16xf32>
        %get3A_1158 = arith.constant 6 : i32
        %get3A_1159 = arith.index_cast %get3A_1158 : i32 to index
        %get3A_1160 = arith.constant 96 : index
        %get3A_1161 = tpu.vector_load %arg15[%get3A_1159, %get3A_1160] {strides = array<i32>} : memref<16x128xf32, #tpu.memory_space<vmem>>, vector<16xf32>,
        %add3A_1162 = arith.addf %add3A_1157, %get3A_1161 : vector<16xf32>
        %get3A_1163 = arith.constant 7 : i32
        %get3A_1164 = arith.index_cast %get3A_1163 : i32 to index
        %get3A_1165 = arith.constant 96 : index
        %get3A_1166 = tpu.vector_load %arg15[%get3A_1164, %get3A_1165] {strides = array<i32>} : memref<16x128xf32, #tpu.memory_space<vmem>>, vector<16xf32>,
        %add3A_1167 = arith.addf %add3A_1162, %get3A_1166 : vector<16xf32>
        %get3A_1168 = arith.constant 8 : i32
        %get3A_1169 = arith.index_cast %get3A_1168 : i32 to index
        %get3A_1170 = arith.constant 96 : index
        %get3A_1171 = tpu.vector_load %arg15[%get3A_1169, %get3A_1170] {strides = array<i32>} : memref<16x128xf32, #tpu.memory_space<vmem>>, vector<16xf32>,
        %add3A_1172 = arith.addf %add3A_1167, %get3A_1171 : vector<16xf32>
        %get3A_1173 = arith.constant 9 : i32
        %get3A_1174 = arith.index_cast %get3A_1173 : i32 to index
        %get3A_1175 = arith.constant 96 : index
        %get3A_1176 = tpu.vector_load %arg15[%get3A_1174, %get3A_1175] {strides = array<i32>} : memref<16x128xf32, #tpu.memory_space<vmem>>, vector<16xf32>,
        %add3A_1177 = arith.addf %add3A_1172, %get3A_1176 : vector<16xf32>
        %get3A_1178 = arith.constant 10 : i32
        %get3A_1179 = arith.index_cast %get3A_1178 : i32 to index
        %get3A_1180 = arith.constant 96 : index
        %get3A_1181 = tpu.vector_load %arg15[%get3A_1179, %get3A_1180] {strides = array<i32>} : memref<16x128xf32, #tpu.memory_space<vmem>>, vector<16xf32>,
        %add3A_1182 = arith.addf %add3A_1177, %get3A_1181 : vector<16xf32>
        %get3A_1183 = arith.constant 11 : i32
        %get3A_1184 = arith.index_cast %get3A_1183 : i32 to index
        %get3A_1185 = arith.constant 96 : index
        %get3A_1186 = tpu.vector_load %arg15[%get3A_1184, %get3A_1185] {strides = array<i32>} : memref<16x128xf32, #tpu.memory_space<vmem>>, vector<16xf32>,
        %add3A_1187 = arith.addf %add3A_1182, %get3A_1186 : vector<16xf32>
        %get3A_1188 = arith.constant 12 : i32
        %get3A_1189 = arith.index_cast %get3A_1188 : i32 to index
        %get3A_1190 = arith.constant 96 : index
        %get3A_1191 = tpu.vector_load %arg15[%get3A_1189, %get3A_1190] {strides = array<i32>} : memref<16x128xf32, #tpu.memory_space<vmem>>, vector<16xf32>,
        %add3A_1192 = arith.addf %add3A_1187, %get3A_1191 : vector<16xf32>
        %get3A_1193 = arith.constant 13 : i32
        %get3A_1194 = arith.index_cast %get3A_1193 : i32 to index
        %get3A_1195 = arith.constant 96 : index
        %get3A_1196 = tpu.vector_load %arg15[%get3A_1194, %get3A_1195] {strides = array<i32>} : memref<16x128xf32, #tpu.memory_space<vmem>>, vector<16xf32>,
        %add3A_1197 = arith.addf %add3A_1192, %get3A_1196 : vector<16xf32>
        %get3A_1198 = arith.constant 14 : i32
        %get3A_1199 = arith.index_cast %get3A_1198 : i32 to index
        %get3A_1200 = arith.constant 96 : index
        %get3A_1201 = tpu.vector_load %arg15[%get3A_1199, %get3A_1200] {strides = array<i32>} : memref<16x128xf32, #tpu.memory_space<vmem>>, vector<16xf32>,
        %add3A_1202 = arith.addf %add3A_1197, %get3A_1201 : vector<16xf32>
        %get3A_1203 = arith.constant 15 : i32
        %get3A_1204 = arith.index_cast %get3A_1203 : i32 to index
        %get3A_1205 = arith.constant 96 : index
        %get3A_1206 = tpu.vector_load %arg15[%get3A_1204, %get3A_1205] {strides = array<i32>} : memref<16x128xf32, #tpu.memory_space<vmem>>, vector<16xf32>,
        %add3A_1207 = arith.addf %add3A_1202, %get3A_1206 : vector<16xf32>
        %swap3A_1208 = arith.constant 0 : i32
        %swap3A_1209 = arith.index_cast %swap3A_1208 : i32 to index
        %swap3A_1210 = arith.constant 96 : index
        %swap3A_1211 = tpu.vector_load %arg14[%swap3A_1209, %swap3A_1210] {strides = array<i32>} : memref<1x128xf32, #tpu.memory_space<vmem>>, vector<16xf32>,
        tpu.vector_store %arg14[%swap3A_1209, %swap3A_1210], %add3A_1207 {strides = array<i32>} : memref<1x128xf32, #tpu.memory_space<vmem>>, vector<16xf32>,
        %get3A_1212 = arith.constant 0 : i32
        %get3A_1213 = arith.index_cast %get3A_1212 : i32 to index
        %get3A_1214 = arith.constant 112 : index
        %get3A_1215 = tpu.vector_load %arg15[%get3A_1213, %get3A_1214] {strides = array<i32>} : memref<16x128xf32, #tpu.memory_space<vmem>>, vector<16xf32>,
        %get3A_1216 = arith.constant 1 : i32
        %get3A_1217 = arith.index_cast %get3A_1216 : i32 to index
        %get3A_1218 = arith.constant 112 : index
        %get3A_1219 = tpu.vector_load %arg15[%get3A_1217, %get3A_1218] {strides = array<i32>} : memref<16x128xf32, #tpu.memory_space<vmem>>, vector<16xf32>,
        %add3A_1220 = arith.addf %get3A_1215, %get3A_1219 : vector<16xf32>
        %get3A_1221 = arith.constant 2 : i32
        %get3A_1222 = arith.index_cast %get3A_1221 : i32 to index
        %get3A_1223 = arith.constant 112 : index
        %get3A_1224 = tpu.vector_load %arg15[%get3A_1222, %get3A_1223] {strides = array<i32>} : memref<16x128xf32, #tpu.memory_space<vmem>>, vector<16xf32>,
        %add3A_1225 = arith.addf %add3A_1220, %get3A_1224 : vector<16xf32>
        %get3A_1226 = arith.constant 3 : i32
        %get3A_1227 = arith.index_cast %get3A_1226 : i32 to index
        %get3A_1228 = arith.constant 112 : index
        %get3A_1229 = tpu.vector_load %arg15[%get3A_1227, %get3A_1228] {strides = array<i32>} : memref<16x128xf32, #tpu.memory_space<vmem>>, vector<16xf32>,
        %add3A_1230 = arith.addf %add3A_1225, %get3A_1229 : vector<16xf32>
        %get3A_1231 = arith.constant 4 : i32
        %get3A_1232 = arith.index_cast %get3A_1231 : i32 to index
        %get3A_1233 = arith.constant 112 : index
        %get3A_1234 = tpu.vector_load %arg15[%get3A_1232, %get3A_1233] {strides = array<i32>} : memref<16x128xf32, #tpu.memory_space<vmem>>, vector<16xf32>,
        %add3A_1235 = arith.addf %add3A_1230, %get3A_1234 : vector<16xf32>
        %get3A_1236 = arith.constant 5 : i32
        %get3A_1237 = arith.index_cast %get3A_1236 : i32 to index
        %get3A_1238 = arith.constant 112 : index
        %get3A_1239 = tpu.vector_load %arg15[%get3A_1237, %get3A_1238] {strides = array<i32>} : memref<16x128xf32, #tpu.memory_space<vmem>>, vector<16xf32>,
        %add3A_1240 = arith.addf %add3A_1235, %get3A_1239 : vector<16xf32>
        %get3A_1241 = arith.constant 6 : i32
        %get3A_1242 = arith.index_cast %get3A_1241 : i32 to index
        %get3A_1243 = arith.constant 112 : index
        %get3A_1244 = tpu.vector_load %arg15[%get3A_1242, %get3A_1243] {strides = array<i32>} : memref<16x128xf32, #tpu.memory_space<vmem>>, vector<16xf32>,
        %add3A_1245 = arith.addf %add3A_1240, %get3A_1244 : vector<16xf32>
        %get3A_1246 = arith.constant 7 : i32
        %get3A_1247 = arith.index_cast %get3A_1246 : i32 to index
        %get3A_1248 = arith.constant 112 : index
        %get3A_1249 = tpu.vector_load %arg15[%get3A_1247, %get3A_1248] {strides = array<i32>} : memref<16x128xf32, #tpu.memory_space<vmem>>, vector<16xf32>,
        %add3A_1250 = arith.addf %add3A_1245, %get3A_1249 : vector<16xf32>
        %get3A_1251 = arith.constant 8 : i32
        %get3A_1252 = arith.index_cast %get3A_1251 : i32 to index
        %get3A_1253 = arith.constant 112 : index
        %get3A_1254 = tpu.vector_load %arg15[%get3A_1252, %get3A_1253] {strides = array<i32>} : memref<16x128xf32, #tpu.memory_space<vmem>>, vector<16xf32>,
        %add3A_1255 = arith.addf %add3A_1250, %get3A_1254 : vector<16xf32>
        %get3A_1256 = arith.constant 9 : i32
        %get3A_1257 = arith.index_cast %get3A_1256 : i32 to index
        %get3A_1258 = arith.constant 112 : index
        %get3A_1259 = tpu.vector_load %arg15[%get3A_1257, %get3A_1258] {strides = array<i32>} : memref<16x128xf32, #tpu.memory_space<vmem>>, vector<16xf32>,
        %add3A_1260 = arith.addf %add3A_1255, %get3A_1259 : vector<16xf32>
        %get3A_1261 = arith.constant 10 : i32
        %get3A_1262 = arith.index_cast %get3A_1261 : i32 to index
        %get3A_1263 = arith.constant 112 : index
        %get3A_1264 = tpu.vector_load %arg15[%get3A_1262, %get3A_1263] {strides = array<i32>} : memref<16x128xf32, #tpu.memory_space<vmem>>, vector<16xf32>,
        %add3A_1265 = arith.addf %add3A_1260, %get3A_1264 : vector<16xf32>
        %get3A_1266 = arith.constant 11 : i32
        %get3A_1267 = arith.index_cast %get3A_1266 : i32 to index
        %get3A_1268 = arith.constant 112 : index
        %get3A_1269 = tpu.vector_load %arg15[%get3A_1267, %get3A_1268] {strides = array<i32>} : memref<16x128xf32, #tpu.memory_space<vmem>>, vector<16xf32>,
        %add3A_1270 = arith.addf %add3A_1265, %get3A_1269 : vector<16xf32>
        %get3A_1271 = arith.constant 12 : i32
        %get3A_1272 = arith.index_cast %get3A_1271 : i32 to index
        %get3A_1273 = arith.constant 112 : index
        %get3A_1274 = tpu.vector_load %arg15[%get3A_1272, %get3A_1273] {strides = array<i32>} : memref<16x128xf32, #tpu.memory_space<vmem>>, vector<16xf32>,
        %add3A_1275 = arith.addf %add3A_1270, %get3A_1274 : vector<16xf32>
        %get3A_1276 = arith.constant 13 : i32
        %get3A_1277 = arith.index_cast %get3A_1276 : i32 to index
        %get3A_1278 = arith.constant 112 : index
        %get3A_1279 = tpu.vector_load %arg15[%get3A_1277, %get3A_1278] {strides = array<i32>} : memref<16x128xf32, #tpu.memory_space<vmem>>, vector<16xf32>,
        %add3A_1280 = arith.addf %add3A_1275, %get3A_1279 : vector<16xf32>
        %get3A_1281 = arith.constant 14 : i32
        %get3A_1282 = arith.index_cast %get3A_1281 : i32 to index
        %get3A_1283 = arith.constant 112 : index
        %get3A_1284 = tpu.vector_load %arg15[%get3A_1282, %get3A_1283] {strides = array<i32>} : memref<16x128xf32, #tpu.memory_space<vmem>>, vector<16xf32>,
        %add3A_1285 = arith.addf %add3A_1280, %get3A_1284 : vector<16xf32>
        %get3A_1286 = arith.constant 15 : i32
        %get3A_1287 = arith.index_cast %get3A_1286 : i32 to index
        %get3A_1288 = arith.constant 112 : index
        %get3A_1289 = tpu.vector_load %arg15[%get3A_1287, %get3A_1288] {strides = array<i32>} : memref<16x128xf32, #tpu.memory_space<vmem>>, vector<16xf32>,
        %add3A_1290 = arith.addf %add3A_1285, %get3A_1289 : vector<16xf32>
        %swap3A_1291 = arith.constant 0 : i32
        %swap3A_1292 = arith.index_cast %swap3A_1291 : i32 to index
        %swap3A_1293 = arith.constant 112 : index
        %swap3A_1294 = tpu.vector_load %arg14[%swap3A_1292, %swap3A_1293] {strides = array<i32>} : memref<1x128xf32, #tpu.memory_space<vmem>>, vector<16xf32>,
        tpu.vector_store %arg14[%swap3A_1292, %swap3A_1293], %add3A_1290 {strides = array<i32>} : memref<1x128xf32, #tpu.memory_space<vmem>>, vector<16xf32>,
        "tpu.region"() ({
          %run_scoped3A = tpu.sem_alloc : memref<!tpu.dma_semaphore, #tpu.memory_space<semaphore_mem>>
          tpu.enqueue_dma source(%arg14 : memref<1x128xf32, #tpu.memory_space<vmem>>) target(%arg5 : memref<1x128xf32, #tpu.memory_space<hbm>>) target_semaphore(%run_scoped3A : memref<!tpu.dma_semaphore, #tpu.memory_space<semaphore_mem>>)
          tpu.wait_dma2 semaphore(%run_scoped3A : memref<!tpu.dma_semaphore, #tpu.memory_space<semaphore_mem>>) src(%arg14 : memref<1x128xf32, #tpu.memory_space<vmem>>) dst(%arg5 : memref<1x128xf32, #tpu.memory_space<hbm>>)
          tpu.yield
        }) : () -> ()
      } else {
      }
    } else {
    }
    return
  }
}

</mosaic_0001>

<sc_bundles>
// kernel: kernel.3.cloned.1.call-start
scs
__scs_entry_jumppad:
0x0: {  	(pc) =	sbr.rel $0x88, $3  }
0x1: {  	(tag) =	ssettag $0x0;
	lr =	simm.s32 $0x1  }
0x2: {  	[smem:$0x3F9E] =	sst lr;
	_ =	strace $0xD0000000  }
0x3: {  	_ = 	snop  }
0x4: {  	_ = 	snop  }
0x5: {  	_ = 	snop  }
0x6: {  	_ = 	snop  }
0x7: {  	_ = 	snop  }
__scs_overlays_trampoline_lowered:
0x8: {  	[smem:$0x3FAD] =	sst s0  }
0x9: {  	[smem:$0x3FAE] =	sst s1  }
0xa: {  	[smem:$0x3FAF] =	sst s2  }
0xb: {  	[smem:$0x3FB0] =	sst s3  }
0xc: {  	[smem:$0x3FB1] =	sst s4  }
0xd: {  	[smem:$0x3FB2] =	sst s5  }
0xe: {  	[smem:$0x3FB3] =	sst s6  }
0xf: {  	[smem:$0x3FB4] =	sst s7  }
0x10: {  	[smem:$0x3FB5] =	sst s8  }
0x11: {  	[smem:$0x3FB6] =	sst s9;
	s0 =	simm.s32 @!p0 $0x0  }
0x12: {  	s1 =	sld [smem:$0x3F9C];
	s0 =	simm.s32 @p0 $0x1  }
0x13: {  	[smem:$0x3FB7] =	sst s0;
	s0 =	simm.s32 @!p1 $0x0  }
0x14: {  	s2 =	sld [smem:$0x3F9B];
	s0 =	simm.s32 @p1 $0x1  }
0x15: {  	[smem:$0x3FB8] =	sst s0;
	s0 =	simm.s32 @!p2 $0x0  }
0x16: {  	s3 =	sld [smem:$0x3FDB];
	s0 =	simm.s32 @p2 $0x1  }
0x17: {  	s4 =	simm.s32 $0x1BF5;
	[smem:$0x3FBA] =	sst s0  }
0x18: {  	s0 =	sld [smem:$0x3F9D];
	_ =	swait.ge [sflag:s4], $0x0  }
0x19: {  	s7 =	sld [smem:$0x3F9E]  }
0x1a: {  	s8 =	sadd.s32 $0xFFFFE003, lr  }
0x1b: {  	s9 =	sadd.s32 $0xFFFFFEF7, lr;
	s5 =	simm.s32 $0xFFFFFFFF;
	p2 =	slt.u32 s8, $0xFFFFF086  }
0x1c: {  	p1 =	slt.u32 s9, $0xF7A;
	s5 =	simm.s32 @!p2 $0x0  }
0x1d: {  	s5 =	simm.s32 @p1 $0x1;
	p0 =	seq.s32 s7, s2  }
0x1e: {  	s7 =	smul.u32 @!p0 $0xF7A, s2;
	p2 =	seq.s32 @!p0 s5, $0x0  }
0x1f: {  	s9 =	smul.u32 $0xF7A, s1;
	s8 =	simm.s32 @!p0 $0x1BF5;
	p2 =	por !p2, p0  }
0x20: {  	[sflag:s8] =	ssyncset.s32 @!p0 $0xFFFFF086;
	s6 =	sadd.s32 @!p0 s3, s7;
	s7 =	simm.s32 @!p0 $0x108  }
0x21: {  	s3 =	sadd.s32 s3, s9;
	s6 =	sadd.s32 @!p0 $0x88, s6;
	s7 =	simm.s32 @p2 $0x1082  }
0x22: {  	[simem:s7], [sflag:s8] =	dma.local @!p0 [hbm:s6], $0xF7A  }
0x23: {  	s9 =	sor.u32 $0xD0000000, s2;
	s6 =	simm.s32 $0x108;
	_ =	swait.ge @!p0 [sflag:s8], $0x0  }
0x24: {  	s3 =	sadd.s32 $0x88, s3;
	s6 =	simm.s32 @!p1 $0x1082;
	[sflag:s4] =	ssyncset.s32 $0xFFFFF086  }
0x25: {  	[simem:s6], [sflag:s4] =	dma.local [hbm:s3], $0xF7A  }
0x26: {  	[smem:$0x3F9E] =	sst s1;
	(tag) =	ssettag s2;
	_ =	strace s9  }
0x27: {  	s1 =	sld [smem:$0x3FAE]  }
0x28: {  	s2 =	sld [smem:$0x3FAF]  }
0x29: {  	s4 =	sld [smem:$0x3FB1]  }
0x2a: {  	p0 =	seq.s32 s5, $0x0;
	s5 =	sld [smem:$0x3FB2]  }
0x2b: {  	s6 =	sld [smem:$0x3FB3]  }
0x2c: {  	s7 =	sld [smem:$0x3FB4]  }
0x2d: {  	s3 =	simm.s32 $0x108;
	s8 =	sld [smem:$0x3FB5]  }
0x2e: {  	s3 =	simm.s32 @!p0 $0x1082;
	s9 =	sld [smem:$0x3FB6]  }
0x2f: {  	lr =	sadd.s32 s0, s3;
	s0 =	sld [smem:$0x3FAD]  }
0x30: {  	s3 =	sld [smem:$0x3FB0]  }
0x31: {  	[smem:$0x3FB9] =	sst s10  }
0x32: {  	s10 =	sld [smem:$0x3FB7];
	_ =	sdelay $0x3  }
0x33: {  	p0 =	seq.s32 s10, $0x1;
	s10 =	sld [smem:$0x3FB9];
	_ =	sdelay $0x3  }
0x34: {  	[smem:$0x3FB9] =	sst s10  }
0x35: {  	s10 =	sld [smem:$0x3FB8];
	_ =	sdelay $0x3  }
0x36: {  	p1 =	seq.s32 s10, $0x1;
	s10 =	sld [smem:$0x3FB9];
	_ =	sdelay $0x3  }
0x37: {  	[smem:$0x3FB9] =	sst s10  }
0x38: {  	s10 =	sld [smem:$0x3FBA]  }
0x39: {  	_ = 	snop;
	(pc) =	sbr.ind lr, $3  }
0x3a: {  	_ = 	snop  }
0x3b: {  	_ = 	snop  }
0x3c: {  	p2 =	seq.s32 s10, $0x1;
	s10 =	sld [smem:$0x3FB9]  }
0x3d: {  	_ =	shalt  }
0x3e: {  	_ =	shalt  }
0x3f: {  	_ =	shalt  }
0x40: {  	_ =	shalt  }
0x41: {  	_ =	shalt  }
0x42: {  	_ =	shalt  }
0x43: {  	_ =	shalt  }
0x44: {  	_ =	shalt  }
0x45: {  	_ =	shalt  }
0x46: {  	_ =	shalt  }
0x47: {  	_ =	shalt  }
0x48: {  	_ =	shalt  }
0x49: {  	_ =	shalt  }
0x4a: {  	_ =	shalt  }
0x4b: {  	_ =	shalt  }
0x4c: {  	_ =	shalt  }
0x4d: {  	_ =	shalt  }
0x4e: {  	_ =	shalt  }
0x4f: {  	_ =	shalt  }
0x50: {  	_ =	shalt  }
0x51: {  	_ =	shalt  }
0x52: {  	_ =	shalt  }
0x53: {  	_ =	shalt  }
0x54: {  	_ =	shalt  }
0x55: {  	_ =	shalt  }
0x56: {  	_ =	shalt  }
0x57: {  	_ =	shalt  }
0x58: {  	_ =	shalt  }
0x59: {  	_ =	shalt  }
0x5a: {  	_ =	shalt  }
0x5b: {  	_ =	shalt  }
0x5c: {  	_ =	shalt  }
0x5d: {  	_ =	shalt  }
0x5e: {  	_ =	shalt  }
0x5f: {  	_ =	shalt  }
0x60: {  	_ =	shalt  }
0x61: {  	_ =	shalt  }
0x62: {  	_ =	shalt  }
0x63: {  	_ =	shalt  }
0x64: {  	_ =	shalt  }
0x65: {  	_ =	shalt  }
0x66: {  	_ =	shalt  }
0x67: {  	_ =	shalt  }
0x68: {  	_ =	shalt  }
0x69: {  	_ =	shalt  }
0x6a: {  	_ =	shalt  }
0x6b: {  	_ =	shalt  }
0x6c: {  	_ =	shalt  }
0x6d: {  	_ =	shalt  }
0x6e: {  	_ =	shalt  }
0x6f: {  	_ =	shalt  }
0x70: {  	_ =	shalt  }
0x71: {  	_ =	shalt  }
0x72: {  	_ =	shalt  }
0x73: {  	_ =	shalt  }
0x74: {  	_ =	shalt  }
0x75: {  	_ =	shalt  }
0x76: {  	_ =	shalt  }
0x77: {  	_ =	shalt  }
0x78: {  	_ =	shalt  }
0x79: {  	_ =	shalt  }
0x7a: {  	_ =	shalt  }
0x7b: {  	_ =	shalt  }
0x7c: {  	_ =	shalt  }
0x7d: {  	_ =	shalt  }
0x7e: {  	_ =	shalt  }
0x7f: {  	_ =	shalt  }
0x80: {  	_ =	shalt  }
0x81: {  	_ =	shalt  }
0x82: {  	_ =	shalt  }
0x83: {  	_ =	shalt  }
0x84: {  	_ =	shalt  }
0x85: {  	_ =	shalt  }
0x86: {  	_ =	shalt  }
0x87: {  	_ =	shalt  }
.Lfunc_end0:
.L_simem_size_0:
called_computation_lowered:
.L_overlay_start_0:
0x88: {  	s2 =	sld [smem:$0x3FD9]  }
0x89: {  	s3 =	sld [smem:$0x3FFE];
	_ =	sdelay $0x1  }
0x8a: {  	s1 =	srdreg.scid  }
0x8b: {  	s0 =	sand.u32 $0x1, s1  }
0x8c: {  	s17 =	sshll.u32 s0, $0xA;
	s2 =	sadd.s32 s3, s2  }
0x8d: {  	s2 =	sadd.s32 s2, s17  }
0x8e: {  	[smem:$0x3FC5] =	sst s2  }
0x8f: {  	_ = 	snop  }
0x90: {  	s2 =	sld [smem:$0x3FC9]  }
0x91: {  	s18 =	sld [smem:$0x3FC7]  }
0x92: {  	s4 =	sld [smem:$0x3FD0];
	(tm) =	ssettm $0x1  }
0x93: {  	s5 =	sld [smem:$0x3FFB];
	_ =	sdelay $0x3  }
0x94: {  	_ =	strace s5  }
0x95: {  	s5 =	sld [smem:$0x3FFC];
	_ =	sdelay $0x3  }
0x96: {  	_ =	strace s5  }
0x97: {  	s5 =	sld [smem:$0x3FFD];
	_ =	sdelay $0x3  }
0x98: {  	_ =	strace s5  }
0x99: {  	_ =	strace $0x8FFFFFFF  }
0x9a: {  	s19 =	sld [smem:$0x3FDB];
	_ =	sdelay $0x1  }
0x9b: {  	s6 =	simm.s32 $_scs_section_size  }
0x9c: {  	s7 =	simm.s32 $_size__tile_overlayer_lowered;
	s8 =	simm.s32 $_tile_overlayer_lowered  }
0x9d: {  	s22 =	simm.s32 $0x1BFF;
	s21 =	sshll.u32 s8, $0x1;
	s5 =	sadd.s32 s6, s19  }
0x9e: {  	s9 =	simm.s32 $0x0;
	s20 =	sshll.u32 s7, $0x1;
	s7 =	sadd.s32 s21, s5  }
0x9f: {  	[timem:s9], [sflag:s22] =	dma.local [hbm:s7], s20  }
0xa0: {  	_ =	swait.ge [sflag:s22], s20  }
0xa1: {  	s6 =	ssub.s32 $0x0, s20;
	[sflag:s22] =	ssyncset.done $0x0  }
0xa2: {  	[sflag:s22] =	ssyncadd.s32 s6;
	_ =	sdelay $0x1  }
0xa3: {  	s23 =	simm.s32 $0x1B8B  }
0xa4: {  	_ =	swait.ge [sflag:s23], $0x1  }
0xa5: {  	[sflag:s23] =	ssyncset.done $0x0  }
0xa6: {  	s25 =	simm.s32 $0x1B8E;
	s24 =	sld [smem:$0x3FFE];
	[sflag:s23] =	ssyncadd.s32 $0xFFFFFFFF  }
0xa7: {  	s26 =	simm.s32 $execute0_lowered;
	[smem:$0x3FD2] =	sst s25  }
0xa8: {  	s7 =	sshll.u32 s26, $0x1;
	_ =	strace $0x80000046;
	[dreg:$0x1] =	wrdreg $0xFFFFFFFF  }
0xa9: {  	s28 =	simm.s32 $_size_execute0_lowered;
	s5 =	sadd.s32 s5, s7;
	[dreg:$0x0] =	wrdreg $0x0  }
0xaa: {  	s7 =	sshll.u32 s28, $0x1;
	[dreg:$0x2] =	wrdreg s5  }
0xab: {  	[dreg:$0x3] =	wrdreg s7  }
0xac: {  	[dreg:$0x4] =	wrdreg $0xC0  }
0xad: {  	_ =	task [dreg:s9], $0x5FFFF  }
0xae: {  	[dreg:$0x1] =	wrdreg $0xFFFFFFFF  }
0xaf: {  	[dreg:$0x0] =	wrdreg $0x60  }
0xb0: {  	[dreg:$0x2] =	wrdreg s2  }
0xb1: {  	[dreg:$0x3] =	wrdreg s24  }
0xb2: {  	[dreg:$0x4] =	wrdreg s18  }
0xb3: {  	[dreg:$0x5] =	wrdreg s4  }
0xb4: {  	[dreg:$0x6] =	wrdreg $0x1C4E00  }
0xb5: {  	[dreg:$0x7] =	wrdreg $0x1C7600  }
0xb6: {  	[dreg:$0x8] =	wrdreg $0x9  }
0xb7: {  	_ =	task.clear_ibuf [dreg:s9], $0x9FFFF;
	_ =	strace $0x90000046  }
0xb8: {  	s29 =	simm.s32 $0x9;
	_ =	strace $0x80000048  }
0xb9: {  	_ =	swait.ge [sflag:s29], $0x1  }
0xba: {  	[sflag:s29] =	ssyncadd.s32 $0xFFFFFFFF  }
0xbb: {  	_ =	strace $0x90000048  }
0xbc: {  	_ =	sfence  }
0xbd: {  	s30 =	sld [smem:$0x0];
	_ =	sdelay $0x2  }
0xbe: {  	s31 =	sshll.u32 s1, $0xD;
	s1 =	sshrl.u32 s1, $0x2  }
0xbf: {  	s3 =	sand.u32 $0x4000, s31;
	s1 =	sadd.s32 s1, s30  }
0xc0: {  	s0 =	sor.u32 s3, s0;
	s1 =	sshll.u32 s1, $0x11  }
0xc1: {  	s0 =	sor.u32 s1, s0  }
0xc2: {  	s0 =	sadd.s32 $0x8F2B, s0  }
0xc3: {  	[sflag:s0] =	ssyncadd.remote.s32 $0x1  }
0xc4: {  	_ =	sfence.sel $0xFFFF  }
0xc5: {  	[dreg:$0x0] =	wrdreg $0xFFFFFFFF;
	(pc) =	sbr.abs _section_cstart, $3  }
0xc6: {  	[dreg:$0x1] =	wrdreg $0xFFFFFFFF  }
0xc7: {  	_ =	task.clear_ibuf [dreg:s9], $0x2FFFF;
	_ =	strace $0x9FFFFFFF  }
0xc8: {  	(tm) =	ssettm $0x7FFFFFFF  }
0xc9: {  	_ =	shalt  }
tec
execute0_lowered:
.L_overlay_start_1:
0x0: {  	(tag) =	ssettag $0x1  }
0x1: {  	s5 =	rddreg [dreg:$0x0];
	s2 =	srdreg.scid  }
0x2: {  	s7 =	rddreg [dreg:$0x1];
	s2 =	sand.u32 $0x1, s2  }
0x3: {  	s4 =	rddreg [dreg:$0x2];
	p0 =	seq.s32 s2, $0x1  }
.Ltmp0:
0x4: {  	s1 =	rddreg [dreg:$0x3];
	(pc) =	sbr.rel @p0 .LBB2_33-.Ltmp0, $4  }
0x5: {  	s9 =	rddreg [dreg:$0x4]  }
0x6: {  	s3 =	rddreg [dreg:$0x5];
	s6 =	simm.s32 $0x0  }
0x7: {  	[smem:$0x7FF] =	sst s6  }
0x8: {  	s0 =	rddreg [dreg:$0x6];
	_ =	strace $0x80000047;
	s2 =	stileid.u32  }
0x9: {  	s8 =	smul.u32 $0x4E20, s2;
	_ =	sdelay $0x1  }
0xa: {  	s7 =	sadd.s32 $0x400, s7;
	s8 =	sshrl.u32 s8, $0x3  }
0xb: {  	s7 =	sadd.s32 s7, s8  }
0xc: {  	[tilespmem:s6], [sflag:$0x1] =	stream.linear.gather [hbm4b:s7+s6], $0x4E20, $0x38;
	[tilespmem:$0x1C7E0] =	vst v63  }
0xd: {  	s15 =	simm.s32 $0x9C40;
	s4 =	sadd.s32 s4, s8  }
0xe: {  	[tilespmem:s15], [sflag:$0x1] =	stream.linear.gather [hbm4b:s4+s6], $0x4E20, $0x38;
	[tilespmem:$0x1C7E0] =	vst v63  }
0xf: {  	s17 =	simm.s32 $0x4E20;
	s16 =	sadd.s32 $0x9C40, s7  }
0x10: {  	v0 =	vlaneseq.u32;
	[tilespmem:s17], [sflag:$0x1] =	stream.linear.gather [hbm4b:s16+s6], $0x4E20, $0x38;
	[tilespmem:$0x1C7E0] =	vst v63  }
0x11: {  	v1 =	vor.u32 $0x10, v0;
	[tilespmem:$0x1B760] =	vst v0  }
0x12: {  	[tilespmem:$0x1B770] =	vst v1;
	v1 =	vor.u32 $0x20, v0  }
0x13: {  	[tilespmem:$0x1B780] =	vst v1;
	v1 =	vor.u32 $0x30, v0  }
0x14: {  	[tilespmem:$0x1B790] =	vst v1;
	v1 =	vor.u32 $0x40, v0  }
0x15: {  	[tilespmem:$0x1B7A0] =	vst v1;
	v1 =	vor.u32 $0x50, v0  }
0x16: {  	[tilespmem:$0x1B7B0] =	vst v1;
	v1 =	vor.u32 $0x60, v0  }
0x17: {  	[tilespmem:$0x1B7C0] =	vst v1;
	v1 =	vor.u32 $0x70, v0  }
0x18: {  	[tilespmem:$0x1B7D0] =	vst v1;
	v1 =	vor.u32 $0x80, v0  }
0x19: {  	[tilespmem:$0x1B7E0] =	vst v1;
	v1 =	vor.u32 $0x90, v0  }
0x1a: {  	[tilespmem:$0x1B7F0] =	vst v1;
	v1 =	vor.u32 $0xA0, v0  }
0x1b: {  	[tilespmem:$0x1B800] =	vst v1;
	v1 =	vor.u32 $0xB0, v0  }
0x1c: {  	[tilespmem:$0x1B810] =	vst v1;
	v1 =	vor.u32 $0xC0, v0  }
0x1d: {  	[tilespmem:$0x1B820] =	vst v1;
	v1 =	vor.u32 $0xD0, v0  }
0x1e: {  	[tilespmem:$0x1B830] =	vst v1;
	v1 =	vor.u32 $0xE0, v0  }
0x1f: {  	[tilespmem:$0x1B840] =	vst v1;
	v1 =	vor.u32 $0xF0, v0  }
0x20: {  	[tilespmem:$0x1B850] =	vst v1;
	v1 =	vor.u32 $0x100, v0  }
0x21: {  	[tilespmem:$0x1B860] =	vst v1;
	v1 =	vor.u32 $0x110, v0  }
0x22: {  	[tilespmem:$0x1B870] =	vst v1;
	v1 =	vor.u32 $0x120, v0  }
0x23: {  	[tilespmem:$0x1B880] =	vst v1;
	v1 =	vor.u32 $0x130, v0  }
0x24: {  	[tilespmem:$0x1B890] =	vst v1;
	v1 =	vor.u32 $0x140, v0  }
0x25: {  	[tilespmem:$0x1B8A0] =	vst v1;
	v1 =	vor.u32 $0x150, v0  }
0x26: {  	[tilespmem:$0x1B8B0] =	vst v1;
	v1 =	vor.u32 $0x160, v0  }
0x27: {  	[tilespmem:$0x1B8C0] =	vst v1;
	v1 =	vor.u32 $0x170, v0  }
0x28: {  	[tilespmem:$0x1B8D0] =	vst v1;
	v1 =	vor.u32 $0x180, v0  }
0x29: {  	[tilespmem:$0x1B8E0] =	vst v1;
	v1 =	vor.u32 $0x190, v0  }
0x2a: {  	[tilespmem:$0x1B8F0] =	vst v1;
	v1 =	vor.u32 $0x1A0, v0  }
0x2b: {  	[tilespmem:$0x1B900] =	vst v1;
	v1 =	vor.u32 $0x1B0, v0  }
0x2c: {  	s18 =	smul.u32 $0x34, s2;
	[tilespmem:$0x1B910] =	vst v1;
	v1 =	vor.u32 $0x1C0, v0  }
0x2d: {  	s19 =	smul.u32 $0xA00, s2;
	[tilespmem:$0x1B920] =	vst v1;
	v1 =	vor.u32 $0x1D0, v0  }
0x2e: {  	s30 =	smul.u32 $0x2710, s2;
	[tilespmem:$0x1B930] =	vst v1;
	v1 =	vor.u32 $0x1E0, v0  }
0x2f: {  	s31 =	sshll.u32 s2, $0x7;
	s20 =	sshrl.u32 s18, $0x8;
	s10 =	sadd.s32 $0x34, s18;
	[tilespmem:$0x1B940] =	vst v1;
	v1 =	vor.u32 $0x1F0, v0  }
0x30: {  	s22 =	sadd.s32 $0x68, s18;
	s26 =	sadd.s32 $0x9C, s18;
	s8 =	smul.u32 $0x5, s20;
	[tilespmem:$0x1B950] =	vst v1;
	v1 =	vor.u32 $0x200, v0  }
0x31: {  	s10 =	sshrl.u32 s10, $0x8;
	s20 =	sadd.s32 s5, s30;
	s7 =	sshrl.u32 s19, $0x2;
	[tilespmem:$0x1B960] =	vst v1;
	v1 =	vor.u32 $0x210, v0  }
0x32: {  	s11 =	smul.u32 $0x5, s10;
	s10 =	sadd.s32 s7, s9;
	s21 =	ssub.s32 s2, s8;
	[tilespmem:$0x1B970] =	vst v1;
	v1 =	vor.u32 $0x220, v0  }
0x33: {  	s8 =	sshrl.u32 s22, $0x8;
	s4 =	smul.u32 $0x271, s2;
	s7 =	sand.u32 $0xFF, s21;
	[tilespmem:$0x1B980] =	vst v1;
	v1 =	vor.u32 $0x230, v0  }
0x34: {  	s11 =	ssub.s32 s2, s11;
	s8 =	smul.u32 $0x5, s8;
	s12 =	sshll.u32 s7, $0xB;
	[tilespmem:$0x1B990] =	vst v1;
	v1 =	vor.u32 $0x240, v0  }
0x35: {  	s13 =	sadd.s32 $0x1, s11;
	s7 =	sshll.u32 s7, $0x7;
	s11 =	sadd.s32 $0x11260, s12;
	[tilespmem:$0x1B9A0] =	vst v1;
	v1 =	vor.u32 $0x250, v0  }
0x36: {  	s14 =	sand.u32 $0xFF, s13;
	s12 =	sadd.s32 $0x1B760, s7;
	s8 =	ssub.s32 s2, s8;
	[tilespmem:$0x1B9B0] =	vst v1;
	v1 =	vor.u32 $0x260, v0  }
0x37: {  	s17 =	simm.s32 $0x1;
	s6 =	sadd.s32 $0xD0, s18;
	s19 =	sshll.u32 s4, $0x4;
	v0 =	vor.u32 $0x270, v0;
	[tilespmem:$0x1B9C0] =	vst v1  }
0x38: {  	s23 =	sshll.u32 s14, $0xB;
	s24 =	sshll.u32 s14, $0x7;
	s8 =	sadd.s32 $0x2, s8;
	[tilespmem:$0x1B9D0] =	vst v0  }
0x39: {  	s6 =	sshrl.u32 s6, $0x8;
	s13 =	sadd.s32 $0x11260, s23;
	_ =	swait.ge [sflag:s17], $0x4E20  }
0x3a: {  	s14 =	sadd.s32 $0x1B760, s24;
	s25 =	sand.u32 $0xFF, s8;
	[sflag:s17] =	ssyncset.done $0x0  }
0x3b: {  	s8 =	sshrl.u32 s26, $0x8;
	s6 =	smul.u32 $0x5, s6;
	[sflag:s17] =	ssyncadd.s32 $0xFFFFB1E0  }
0x3c: {  	s23 =	simm.s32 $0x1C2A0;
	s24 =	sadd.s32 s5, s19;
	_ =	swait.ge [sflag:s17], $0x4E20  }
0x3d: {  	s5 =	sadd.s32 s31, s3;
	s8 =	smul.u32 $0x5, s8;
	[sflag:s17] =	ssyncset.done $0x0  }
0x3e: {  	s15 =	sshll.u32 s25, $0xB;
	s7 =	sshll.u32 s25, $0x7;
	v0 =	vimm.f32 $0.0e+00;
	[sflag:s17] =	ssyncadd.s32 $0xFFFFB1E0  }
0x3f: {  	s19 =	sadd.s32 $0x7D0, s24;
	s6 =	ssub.s32 s2, s6;
	s8 =	ssub.s32 s2, s8;
	[tilespmem:s23+$0xFFFFFFC0] =	vst v0  }
0x40: {  	s15 =	sadd.s32 $0x11260, s15;
	s6 =	sadd.s32 $0x4, s6;
	s8 =	sadd.s32 $0x3, s8;
	[tilespmem:s23+$0x30] =	vst v0  }
0x41: {  	s16 =	sadd.s32 $0x1B760, s7;
	s6 =	sand.u32 $0xFF, s6;
	s28 =	sand.u32 $0xFF, s8;
	[tilespmem:s23+$0x20] =	vst v0  }
0x42: {  	s29 =	sshll.u32 s6, $0xB;
	s6 =	sshll.u32 s6, $0x7;
	s8 =	sshll.u32 s28, $0xB;
	[tilespmem:s23+$0x10] =	vst v0  }
0x43: {  	s7 =	sshll.u32 s28, $0x7;
	s21 =	sadd.s32 $0x11260, s29;
	s22 =	sadd.s32 $0x1B760, s6;
	[tilespmem:s23+$0x0] =	vst v0  }
0x44: {  	s6 =	sadd.s32 $0x1F40, s24;
	s18 =	sadd.s32 $0x1B760, s7;
	s7 =	sadd.s32 $0x1770, s24;
	[tilespmem:s23+$0xFFFFFFF0] =	vst v0  }
0x45: {  	s17 =	sadd.s32 $0x11260, s8;
	s8 =	sadd.s32 $0xFA0, s24;
	s24 =	simm.s32 $0x0;
	[tilespmem:s23+$0xFFFFFFE0] =	vst v0  }
.LBB2_2:
0x46: {  	s24 =	sadd.s32 $0x8, s24;
	[tilespmem:s23+$0xFFFFFFD0] =	vst v0;
	s23 =	sadd.s32 $0x80, s23  }
0x47: {  	[tilespmem:s23+$0xFFFFFFC0] =	vst v0;
	p0 =	slt.u32 s24, $0x20  }
0x48: {  	[tilespmem:s23+$0x30] =	vst v0  }
.Ltmp1:
0x49: {  	[tilespmem:s23+$0x20] =	vst v0;
	(pc) =	sbr.rel @p0 .LBB2_2-.Ltmp1, $4  }
0x4a: {  	[tilespmem:s23+$0x10] =	vst v0  }
0x4b: {  	[tilespmem:s23+$0x0] =	vst v0  }
0x4c: {  	[tilespmem:s23+$0xFFFFFFF0] =	vst v0  }
0x4d: {  	[tilespmem:s23+$0xFFFFFFE0] =	vst v0  }
0x4e: {  	[tilespmem:s23+$0xFFFFFFD0] =	vst v0;
	s23 =	simm.s32 $0x112A0;
	v0 =	vimm.f32 $0.0e+00  }
0x4f: {  	[tilespmem:s23+$0xFFFFFFC0] =	vst v0  }
0x50: {  	[tilespmem:s23+$0x30] =	vst v0  }
0x51: {  	[tilespmem:s23+$0x20] =	vst v0  }
0x52: {  	[tilespmem:s23+$0x10] =	vst v0  }
0x53: {  	[tilespmem:s23+$0x0] =	vst v0  }
0x54: {  	[tilespmem:s23+$0xFFFFFFF0] =	vst v0  }
0x55: {  	s24 =	simm.s32 $0x0;
	[tilespmem:s23+$0xFFFFFFE0] =	vst v0  }
.LBB2_4:
0x56: {  	s24 =	sadd.s32 $0x8, s24;
	[tilespmem:s23+$0xFFFFFFD0] =	vst v0;
	s23 =	sadd.s32 $0x80, s23  }
0x57: {  	[tilespmem:s23+$0xFFFFFFC0] =	vst v0;
	p0 =	slt.u32 s24, $0x278  }
0x58: {  	[tilespmem:s23+$0x30] =	vst v0  }
.Ltmp2:
0x59: {  	[tilespmem:s23+$0x20] =	vst v0;
	(pc) =	sbr.rel @p0 .LBB2_4-.Ltmp2, $4  }
0x5a: {  	[tilespmem:s23+$0x10] =	vst v0  }
0x5b: {  	[tilespmem:s23+$0x0] =	vst v0  }
0x5c: {  	[tilespmem:s23+$0xFFFFFFF0] =	vst v0  }
0x5d: {  	[tilespmem:s23+$0xFFFFFFE0] =	vst v0  }
0x5e: {  	[tilespmem:s23+$0xFFFFFFD0] =	vst v0;
	s24 =	simm.s32 $0x20  }
0x5f: {  	v4 =	vld [tilespmem:s24+$0x10]  }
0x60: {  	v5 =	vld [tilespmem:s24+$0xFFFFFFF0]  }
0x61: {  	s23 =	simm.s32 $0x9C60;
	v0 =	vld [tilespmem:s24+$0x0]  }
0x62: {  	v6 =	vld [tilespmem:s23+$0x10]  }
0x63: {  	v7 =	vld [tilespmem:s23+$0xFFFFFFF0]  }
0x64: {  	v3 =	vld [tilespmem:s23+$0x0]  }
0x65: {  	v1 =	vld [tilespmem:s24+$0xFFFFFFE0]  }
0x66: {  	v2 =	vld [tilespmem:s23+$0xFFFFFFE0];
	s24 =	simm.s32 $0x11260  }
0x67: {  	[tilespmem:v4+s24+$0x0] =	vst.idx.add.f32.msk $0xffff, v6  }
0x68: {  	s25 =	simm.s32 $0x0;
	s26 =	simm.s32 $0x60;
	[tilespmem:v5+s24+$0x0] =	vst.idx.add.f32.msk $0xffff, v7  }
.LBB2_6:
0x69: {  	v4 =	vld [tilespmem:s26+$0x10];
	s25 =	sadd.s32 $0x4, s25;
	v5 =	vmov v3  }
0x6a: {  	v6 =	vld [tilespmem:s26+$0xFFFFFFF0];
	p0 =	slt.u32 s25, $0x4DC  }
0x6b: {  	s23 =	sadd.s32 $0x40, s23;
	v7 =	vld [tilespmem:s26+$0x0]  }
0x6c: {  	v8 =	vld [tilespmem:s23+$0x10]  }
0x6d: {  	v9 =	vld [tilespmem:s26+$0xFFFFFFE0]  }
0x6e: {  	v10 =	vld [tilespmem:s23+$0xFFFFFFE0]  }
0x6f: {  	v11 =	vld [tilespmem:s23+$0xFFFFFFF0]  }
.Ltmp3:
0x70: {  	v3 =	vld [tilespmem:s23+$0x0];
	(pc) =	sbr.rel @p0 .LBB2_6-.Ltmp3, $4  }
0x71: {  	[tilespmem:v4+s24+$0x0] =	vst.idx.add.f32.msk $0xffff, v8  }
0x72: {  	[tilespmem:v1+s24+$0x0] =	vst.idx.add.f32.msk $0xffff, v2;
	v1 =	vmov v9  }
0x73: {  	[tilespmem:v0+s24+$0x0] =	vst.idx.add.f32.msk $0xffff, v5;
	v0 =	vmov v7;
	v2 =	vmov v10  }
0x74: {  	s26 =	sadd.s32 $0x40, s26;
	[tilespmem:v6+s24+$0x0] =	vst.idx.add.f32.msk $0xffff, v11  }
0x75: {  	_ =	sdelay $0x3  }
0x76: {  	[tilespmem:v1+s24+$0x0] =	vst.idx.add.f32.msk $0xffff, v2  }
0x77: {  	[tilespmem:v0+s24+$0x0] =	vst.idx.add.f32.msk $0xffff, v3;
	s23 =	simm.s32 $0x0;
	s24 =	simm.s32 $0x11260  }
.LBB2_8:
0x78: {  	s25 =	sshra.s32 s23, $0x2  }
0x79: {  	v0 =	vld [tilespmem:s25+$0x4E00];
	_ =	sdelay $0x2  }
0x7a: {  	p0 =	sne.s32 s23, $0x40;
	v1 =	vld [tilespmem:s25+$0xEA40]  }
.Ltmp4:
0x7b: {  	_ = 	snop;
	(pc) =	sbr.rel @p0 .LBB2_8-.Ltmp4, $2  }
0x7c: {  	_ =	sdelay $0x2  }
0x7d: {  	s23 =	sadd.s32 $0x40, s23;
	[tilespmem:v0+s24+$0x0] =	vst.idx.add.f32.msk $0xffff, v1  }
0x7e: {  	s23 =	simm.s32 $0x1  }
0x7f: {  	_ =	swait.ge [sflag:s23], $0x4E20  }
0x80: {  	[sflag:s23] =	ssyncset.done $0x0  }
0x81: {  	s30 =	simm.s32 $0x1C260;
	s31 =	simm.s32 $0x2;
	[sflag:s23] =	ssyncadd.s32 $0xFFFFB1E0  }
0x82: {  	[spmem:s10] =	stream.linear.scatter [tilespmem:s30], [sflag:$0x2], $0x280, $0x38;
	[tilespmem:$0x1C7E0] =	vst v63  }
0x83: {  	_ =	swait.ge [sflag:s31], $0x280  }
0x84: {  	[sflag:s31] =	ssyncset.done $0x0  }
0x85: {  	[sflag:s31] =	ssyncadd.s32 $0xFFFFFD80  }
0x86: {  	s24 =	simm.s32 $0x80;
	[bflag:$0x0] =	sbarrier.arrive $0xFFFF  }
0x87: {  	[spmem:s9] =	stream.indirect.scatter.add.f32 [tilespmem:s11], [sflag:$0x2], $0x10, s12, s24, $0xb8;
	[tilespmem:$0x1C7E0] =	vst v63  }
0x88: {  	_ =	swait.ge [sflag:s31], $0x800  }
0x89: {  	[sflag:s31] =	ssyncset.done $0x0  }
0x8a: {  	[sflag:s31] =	ssyncadd.s32 $0xFFFFF800  }
0x8b: {  	[spmem:s9] =	stream.indirect.scatter.add.f32 [tilespmem:s13], [sflag:$0x2], $0x10, s14, s24, $0xb8;
	[tilespmem:$0x1C7E0] =	vst v63  }
0x8c: {  	_ =	swait.ge [sflag:s31], $0x800  }
0x8d: {  	[sflag:s31] =	ssyncset.done $0x0  }
0x8e: {  	[sflag:s31] =	ssyncadd.s32 $0xFFFFF800  }
0x8f: {  	[spmem:s9] =	stream.indirect.scatter.add.f32 [tilespmem:s15], [sflag:$0x2], $0x10, s16, s24, $0xb8;
	[tilespmem:$0x1C7E0] =	vst v63  }
0x90: {  	_ =	swait.ge [sflag:s31], $0x800  }
0x91: {  	[sflag:s31] =	ssyncset.done $0x0  }
0x92: {  	[sflag:s31] =	ssyncadd.s32 $0xFFFFF800  }
0x93: {  	[spmem:s9] =	stream.indirect.scatter.add.f32 [tilespmem:s17], [sflag:$0x2], $0x10, s18, s24, $0xb8;
	[tilespmem:$0x1C7E0] =	vst v63  }
0x94: {  	_ =	swait.ge [sflag:s31], $0x800  }
0x95: {  	[sflag:s31] =	ssyncset.done $0x0  }
0x96: {  	[sflag:s31] =	ssyncadd.s32 $0xFFFFF800  }
0x97: {  	[spmem:s9] =	stream.indirect.scatter.add.f32 [tilespmem:s21], [sflag:$0x2], $0x10, s22, s24, $0xb8;
	[tilespmem:$0x1C7E0] =	vst v63  }
0x98: {  	_ =	swait.ge [sflag:s31], $0x800  }
0x99: {  	[sflag:s31] =	ssyncset.done $0x0  }
0x9a: {  	v0 =	vimm.f32 $0.0e+00;
	s23 =	simm.s32 $0x112A0;
	[sflag:s31] =	ssyncadd.s32 $0xFFFFF800  }
0x9b: {  	[tilespmem:s23+$0xFFFFFFC0] =	vst v0  }
0x9c: {  	[tilespmem:s23+$0x30] =	vst v0  }
0x9d: {  	[tilespmem:s23+$0x20] =	vst v0  }
0x9e: {  	[tilespmem:s23+$0x10] =	vst v0  }
0x9f: {  	[tilespmem:s23+$0x0] =	vst v0  }
0xa0: {  	[tilespmem:s23+$0xFFFFFFF0] =	vst v0  }
0xa1: {  	s24 =	simm.s32 $0x0;
	[tilespmem:s23+$0xFFFFFFE0] =	vst v0  }
.LBB2_10:
0xa2: {  	s24 =	sadd.s32 $0x8, s24;
	[tilespmem:s23+$0xFFFFFFD0] =	vst v0;
	s23 =	sadd.s32 $0x80, s23  }
0xa3: {  	[tilespmem:s23+$0xFFFFFFC0] =	vst v0;
	p0 =	slt.u32 s24, $0x278  }
0xa4: {  	[tilespmem:s23+$0x30] =	vst v0  }
.Ltmp5:
0xa5: {  	[tilespmem:s23+$0x20] =	vst v0;
	(pc) =	sbr.rel @p0 .LBB2_10-.Ltmp5, $4  }
0xa6: {  	[tilespmem:s23+$0x10] =	vst v0  }
0xa7: {  	[tilespmem:s23+$0x0] =	vst v0  }
0xa8: {  	[tilespmem:s23+$0xFFFFFFF0] =	vst v0  }
0xa9: {  	[tilespmem:s23+$0xFFFFFFE0] =	vst v0  }
0xaa: {  	[tilespmem:s23+$0xFFFFFFD0] =	vst v0  }
0xab: {  	s23 =	simm.s32 $0xEA60;
	s24 =	simm.s32 $0x2;
	[bflag:$0x0] =	sbarrier.arrive $0xFFFF  }
0xac: {  	[tilespmem:s23], [sflag:$0x2] =	stream.linear.gather [spmem:s9], $0x2800, $0x38;
	[tilespmem:$0x1C7E0] =	vst v63  }
0xad: {  	_ =	swait.ge [sflag:s24], $0x2800  }
0xae: {  	[sflag:s24] =	ssyncset.done $0x0  }
0xaf: {  	[sflag:s24] =	ssyncadd.s32 $0xFFFFD800  }
0xb0: {  	s31 =	simm.s32 $0x4E40;
	[bflag:$0x0] =	sbarrier.arrive $0xFFFF  }
0xb1: {  	v0 =	vld [tilespmem:s31+$0x10]  }
0xb2: {  	v1 =	vld [tilespmem:s31+$0xFFFFFFE0]  }
0xb3: {  	v2 =	vld [tilespmem:s31+$0xFFFFFFF0]  }
0xb4: {  	s28 =	simm.s32 $0x20;
	v3 =	vld [tilespmem:s31+$0x0]  }
0xb5: {  	s25 =	simm.s32 $0x9C60;
	v4 =	vld [tilespmem:s28+$0x10]  }
0xb6: {  	s26 =	simm.s32 $0x4E80;
	v5 =	vld [tilespmem:s25+$0x10]  }
0xb7: {  	v9 =	vld [tilespmem:s26+$0xFFFFFFE0]  }
0xb8: {  	v6 =	vld [tilespmem:s25+$0xFFFFFFF0]  }
0xb9: {  	v7 =	vld [tilespmem:s25+$0x0]  }
0xba: {  	v0 =	vld.idx.msk [tilespmem:v0+s23+$0x0], $0xffff  }
0xbb: {  	v8 =	vld [tilespmem:s28+$0x0]  }
0xbc: {  	v1 =	vld.idx.msk [tilespmem:v1+s23+$0x0], $0xffff  }
0xbd: {  	v2 =	vld.idx.msk [tilespmem:v2+s23+$0x0], $0xffff  }
0xbe: {  	v3 =	vld.idx.msk [tilespmem:v3+s23+$0x0], $0xffff  }
0xbf: {  	v9 =	vld.idx.msk [tilespmem:v9+s23+$0x0], $0xffff;
	v0 =	vmul.f32 v0, v5  }
0xc0: {  	s24 =	simm.s32 $0x11260;
	v5 =	vld [tilespmem:s28+$0xFFFFFFF0]  }
0xc1: {  	[tilespmem:v4+s24+$0x0] =	vst.idx.add.f32.msk $0xffff, v0  }
0xc2: {  	v0 =	vld [tilespmem:s26+$0x10]  }
0xc3: {  	v2 =	vmul.f32 v2, v6;
	v6 =	vld [tilespmem:s26+$0xFFFFFFF0]  }
0xc4: {  	v3 =	vmul.f32 v3, v7;
	v7 =	vld [tilespmem:s26+$0x0]  }
0xc5: {  	v4 =	vld [tilespmem:s25+$0xFFFFFFE0]  }
0xc6: {  	[tilespmem:v8+s24+$0x0] =	vst.idx.add.f32.msk $0xffff, v3;
	s25 =	simm.s32 $0x60  }
0xc7: {  	s26 =	simm.s32 $0x9CA0;
	v3 =	vld [tilespmem:s25+$0x10]  }
0xc8: {  	v8 =	vld [tilespmem:s26+$0x10]  }
0xc9: {  	[tilespmem:v5+s24+$0x0] =	vst.idx.add.f32.msk $0xffff, v2  }
0xca: {  	v5 =	vld.idx.msk [tilespmem:v0+s23+$0x0], $0xffff  }
0xcb: {  	v10 =	vld.idx.msk [tilespmem:v6+s23+$0x0], $0xffff  }
0xcc: {  	v2 =	vld.idx.msk [tilespmem:v7+s23+$0x0], $0xffff  }
0xcd: {  	v7 =	vld [tilespmem:s26+$0xFFFFFFE0]  }
0xce: {  	v6 =	vld [tilespmem:s26+$0x0]  }
0xcf: {  	v5 =	vmul.f32 v5, v8;
	v8 =	vld [tilespmem:s26+$0xFFFFFFF0]  }
0xd0: {  	v0 =	vld [tilespmem:s28+$0xFFFFFFE0]  }
0xd1: {  	[tilespmem:v3+s24+$0x0] =	vst.idx.add.f32.msk $0xffff, v5  }
0xd2: {  	v3 =	vld [tilespmem:s25+$0xFFFFFFF0]  }
0xd3: {  	v1 =	vmul.f32 v1, v4;
	v4 =	vld [tilespmem:s25+$0x0]  }
0xd4: {  	s29 =	simm.s32 $0x4EC0;
	s28 =	simm.s32 $0x4;
	v5 =	vmul.f32 v9, v7;
	v7 =	vld [tilespmem:s25+$0xFFFFFFE0];
	v8 =	vmul.f32 v10, v8  }
.LBB2_12:
0xd5: {  	v9 =	vld [tilespmem:s29+$0x10];
	s28 =	sadd.s32 $0x4, s28;
	v2 =	vmul.f32 v2, v6  }
0xd6: {  	v6 =	vld [tilespmem:s29+$0xFFFFFFE0];
	p0 =	slt.u32 s28, $0x4DC  }
0xd7: {  	v10 =	vld [tilespmem:s29+$0xFFFFFFF0]  }
0xd8: {  	v11 =	vld [tilespmem:s29+$0x0]  }
0xd9: {  	[tilespmem:v0+s24+$0x0] =	vst.idx.add.f32.msk $0xffff, v1;
	v1 =	vmov v5;
	v0 =	vmov v7  }
0xda: {  	[tilespmem:v3+s24+$0x0] =	vst.idx.add.f32.msk $0xffff, v8  }
0xdb: {  	s25 =	sadd.s32 $0x40, s25;
	[tilespmem:v4+s24+$0x0] =	vst.idx.add.f32.msk $0xffff, v2  }
0xdc: {  	v3 =	vld [tilespmem:s25+$0x10]  }
0xdd: {  	s26 =	sadd.s32 $0x40, s26;
	v4 =	vld.idx.msk [tilespmem:v9+s23+$0x0], $0xffff  }
0xde: {  	v5 =	vld [tilespmem:s26+$0x10]  }
0xdf: {  	v7 =	vld.idx.msk [tilespmem:v6+s23+$0x0], $0xffff  }
0xe0: {  	v8 =	vld.idx.msk [tilespmem:v10+s23+$0x0], $0xffff  }
0xe1: {  	v2 =	vld.idx.msk [tilespmem:v11+s23+$0x0], $0xffff  }
0xe2: {  	v9 =	vld [tilespmem:s26+$0xFFFFFFE0]  }
0xe3: {  	v10 =	vld [tilespmem:s26+$0xFFFFFFF0];
	v4 =	vmul.f32 v4, v5  }
.Ltmp6:
0xe4: {  	v6 =	vld [tilespmem:s26+$0x0];
	(pc) =	sbr.rel @p0 .LBB2_12-.Ltmp6, $4  }
0xe5: {  	[tilespmem:v3+s24+$0x0] =	vst.idx.add.f32.msk $0xffff, v4  }
0xe6: {  	v3 =	vld [tilespmem:s25+$0xFFFFFFF0]  }
0xe7: {  	v5 =	vmul.f32 v7, v9;
	v4 =	vld [tilespmem:s25+$0x0]  }
0xe8: {  	s29 =	sadd.s32 $0x40, s29;
	v7 =	vld [tilespmem:s25+$0xFFFFFFE0];
	v8 =	vmul.f32 v8, v10  }
0xe9: {  	_ =	sdelay $0x4  }
0xea: {  	v2 =	vmul.f32 v2, v6;
	[tilespmem:v0+s24+$0x0] =	vst.idx.add.f32.msk $0xffff, v1  }
0xeb: {  	[tilespmem:v3+s24+$0x0] =	vst.idx.add.f32.msk $0xffff, v8  }
0xec: {  	[tilespmem:v4+s24+$0x0] =	vst.idx.add.f32.msk $0xffff, v2  }
0xed: {  	s23 =	simm.s32 $0x0;
	s25 =	simm.s32 $0x11260;
	[tilespmem:v7+s24+$0x0] =	vst.idx.add.f32.msk $0xffff, v5;
	s24 =	simm.s32 $0xEA60  }
.LBB2_14:
0xee: {  	s26 =	sshra.s32 s23, $0x2  }
0xef: {  	v0 =	vld [tilespmem:s26+$0x9C20];
	_ =	sdelay $0x5  }
0xf0: {  	v1 =	vld [tilespmem:s26+$0x4E00]  }
0xf1: {  	v2 =	vld [tilespmem:s26+$0xEA40]  }
0xf2: {  	v0 =	vld.idx.msk [tilespmem:v0+s24+$0x0], $0xffff;
	_ =	sdelay $0x1  }
0xf3: {  	p0 =	sne.s32 s23, $0x40  }
.Ltmp7:
0xf4: {  	_ = 	snop;
	(pc) =	sbr.rel @p0 .LBB2_14-.Ltmp7, $3  }
0xf5: {  	_ = 	snop  }
0xf6: {  	v0 =	vmul.f32 v0, v2;
	_ =	sdelay $0x1  }
0xf7: {  	s23 =	sadd.s32 $0x40, s23;
	[tilespmem:v1+s25+$0x0] =	vst.idx.add.f32.msk $0xffff, v0  }
0xf8: {  	s23 =	simm.s32 $0x1C260;
	s31 =	simm.s32 $0x2  }
0xf9: {  	[spmem:s10] =	stream.linear.scatter [tilespmem:s23], [sflag:$0x2], $0x280, $0x38;
	[tilespmem:$0x1C7E0] =	vst v63  }
0xfa: {  	_ =	swait.ge [sflag:s31], $0x280  }
0xfb: {  	[sflag:s31] =	ssyncset.done $0x0  }
0xfc: {  	[sflag:s31] =	ssyncadd.s32 $0xFFFFFD80  }
0xfd: {  	s24 =	simm.s32 $0x80;
	[bflag:$0x0] =	sbarrier.arrive $0xFFFF  }
0xfe: {  	[spmem:s9] =	stream.indirect.scatter.add.f32 [tilespmem:s11], [sflag:$0x2], $0x10, s12, s24, $0xb8;
	[tilespmem:$0x1C7E0] =	vst v63  }
0xff: {  	_ =	swait.ge [sflag:s31], $0x800  }
0x100: {  	[sflag:s31] =	ssyncset.done $0x0  }
0x101: {  	[sflag:s31] =	ssyncadd.s32 $0xFFFFF800  }
0x102: {  	[spmem:s9] =	stream.indirect.scatter.add.f32 [tilespmem:s13], [sflag:$0x2], $0x10, s14, s24, $0xb8;
	[tilespmem:$0x1C7E0] =	vst v63  }
0x103: {  	_ =	swait.ge [sflag:s31], $0x800  }
0x104: {  	[sflag:s31] =	ssyncset.done $0x0  }
0x105: {  	[sflag:s31] =	ssyncadd.s32 $0xFFFFF800  }
0x106: {  	[spmem:s9] =	stream.indirect.scatter.add.f32 [tilespmem:s15], [sflag:$0x2], $0x10, s16, s24, $0xb8;
	[tilespmem:$0x1C7E0] =	vst v63  }
0x107: {  	_ =	swait.ge [sflag:s31], $0x800  }
0x108: {  	[sflag:s31] =	ssyncset.done $0x0  }
0x109: {  	[sflag:s31] =	ssyncadd.s32 $0xFFFFF800  }
0x10a: {  	[spmem:s9] =	stream.indirect.scatter.add.f32 [tilespmem:s17], [sflag:$0x2], $0x10, s18, s24, $0xb8;
	[tilespmem:$0x1C7E0] =	vst v63  }
0x10b: {  	_ =	swait.ge [sflag:s31], $0x800  }
0x10c: {  	[sflag:s31] =	ssyncset.done $0x0  }
0x10d: {  	[sflag:s31] =	ssyncadd.s32 $0xFFFFF800  }
0x10e: {  	[spmem:s9] =	stream.indirect.scatter.add.f32 [tilespmem:s21], [sflag:$0x2], $0x10, s22, s24, $0xb8;
	[tilespmem:$0x1C7E0] =	vst v63  }
0x10f: {  	_ =	swait.ge [sflag:s31], $0x800  }
0x110: {  	[sflag:s31] =	ssyncset.done $0x0  }
0x111: {  	v0 =	vimm.f32 $0.0e+00;
	s23 =	simm.s32 $0x112A0;
	[sflag:s31] =	ssyncadd.s32 $0xFFFFF800  }
0x112: {  	[tilespmem:s23+$0xFFFFFFC0] =	vst v0  }
0x113: {  	[tilespmem:s23+$0x30] =	vst v0  }
0x114: {  	[tilespmem:s23+$0x20] =	vst v0  }
0x115: {  	[tilespmem:s23+$0x10] =	vst v0  }
0x116: {  	[tilespmem:s23+$0x0] =	vst v0  }
0x117: {  	[tilespmem:s23+$0xFFFFFFF0] =	vst v0  }
0x118: {  	s24 =	simm.s32 $0x0;
	[tilespmem:s23+$0xFFFFFFE0] =	vst v0  }
.LBB2_16:
0x119: {  	s24 =	sadd.s32 $0x8, s24;
	[tilespmem:s23+$0xFFFFFFD0] =	vst v0;
	s23 =	sadd.s32 $0x80, s23  }
0x11a: {  	[tilespmem:s23+$0xFFFFFFC0] =	vst v0;
	p0 =	slt.u32 s24, $0x278  }
0x11b: {  	[tilespmem:s23+$0x30] =	vst v0  }
.Ltmp8:
0x11c: {  	[tilespmem:s23+$0x20] =	vst v0;
	(pc) =	sbr.rel @p0 .LBB2_16-.Ltmp8, $4  }
0x11d: {  	[tilespmem:s23+$0x10] =	vst v0  }
0x11e: {  	[tilespmem:s23+$0x0] =	vst v0  }
0x11f: {  	[tilespmem:s23+$0xFFFFFFF0] =	vst v0  }
0x120: {  	[tilespmem:s23+$0xFFFFFFE0] =	vst v0  }
0x121: {  	[tilespmem:s23+$0xFFFFFFD0] =	vst v0  }
0x122: {  	s23 =	simm.s32 $0xEA60;
	s24 =	simm.s32 $0x2;
	[bflag:$0x0] =	sbarrier.arrive $0xFFFF  }
0x123: {  	[tilespmem:s23], [sflag:$0x2] =	stream.linear.gather [spmem:s9], $0x2800, $0x38;
	[tilespmem:$0x1C7E0] =	vst v63  }
0x124: {  	_ =	swait.ge [sflag:s24], $0x2800  }
0x125: {  	[sflag:s24] =	ssyncset.done $0x0  }
0x126: {  	[sflag:s24] =	ssyncadd.s32 $0xFFFFD800  }
0x127: {  	s31 =	simm.s32 $0x4E40;
	[bflag:$0x0] =	sbarrier.arrive $0xFFFF  }
0x128: {  	v0 =	vld [tilespmem:s31+$0x10]  }
0x129: {  	v1 =	vld [tilespmem:s31+$0xFFFFFFE0]  }
0x12a: {  	v2 =	vld [tilespmem:s31+$0xFFFFFFF0]  }
0x12b: {  	s28 =	simm.s32 $0x20;
	v3 =	vld [tilespmem:s31+$0x0]  }
0x12c: {  	s25 =	simm.s32 $0x9C60;
	v4 =	vld [tilespmem:s28+$0x10]  }
0x12d: {  	s26 =	simm.s32 $0x4E80;
	v5 =	vld [tilespmem:s25+$0x10]  }
0x12e: {  	v9 =	vld [tilespmem:s26+$0xFFFFFFE0]  }
0x12f: {  	v6 =	vld [tilespmem:s25+$0xFFFFFFF0]  }
0x130: {  	v7 =	vld [tilespmem:s25+$0x0]  }
0x131: {  	v0 =	vld.idx.msk [tilespmem:v0+s23+$0x0], $0xffff  }
0x132: {  	v8 =	vld [tilespmem:s28+$0x0]  }
0x133: {  	v1 =	vld.idx.msk [tilespmem:v1+s23+$0x0], $0xffff  }
0x134: {  	v2 =	vld.idx.msk [tilespmem:v2+s23+$0x0], $0xffff  }
0x135: {  	v3 =	vld.idx.msk [tilespmem:v3+s23+$0x0], $0xffff  }
0x136: {  	v9 =	vld.idx.msk [tilespmem:v9+s23+$0x0], $0xffff;
	v0 =	vmul.f32 v0, v5  }
0x137: {  	s24 =	simm.s32 $0x11260;
	v5 =	vld [tilespmem:s28+$0xFFFFFFF0]  }
0x138: {  	[tilespmem:v4+s24+$0x0] =	vst.idx.add.f32.msk $0xffff, v0  }
0x139: {  	v0 =	vld [tilespmem:s26+$0x10]  }
0x13a: {  	v2 =	vmul.f32 v2, v6;
	v6 =	vld [tilespmem:s26+$0xFFFFFFF0]  }
0x13b: {  	v3 =	vmul.f32 v3, v7;
	v7 =	vld [tilespmem:s26+$0x0]  }
0x13c: {  	v4 =	vld [tilespmem:s25+$0xFFFFFFE0]  }
0x13d: {  	[tilespmem:v8+s24+$0x0] =	vst.idx.add.f32.msk $0xffff, v3;
	s25 =	simm.s32 $0x60  }
0x13e: {  	s26 =	simm.s32 $0x9CA0;
	v3 =	vld [tilespmem:s25+$0x10]  }
0x13f: {  	v8 =	vld [tilespmem:s26+$0x10]  }
0x140: {  	[tilespmem:v5+s24+$0x0] =	vst.idx.add.f32.msk $0xffff, v2  }
0x141: {  	v5 =	vld.idx.msk [tilespmem:v0+s23+$0x0], $0xffff  }
0x142: {  	v10 =	vld.idx.msk [tilespmem:v6+s23+$0x0], $0xffff  }
0x143: {  	v2 =	vld.idx.msk [tilespmem:v7+s23+$0x0], $0xffff  }
0x144: {  	v7 =	vld [tilespmem:s26+$0xFFFFFFE0]  }
0x145: {  	v6 =	vld [tilespmem:s26+$0x0]  }
0x146: {  	v5 =	vmul.f32 v5, v8;
	v8 =	vld [tilespmem:s26+$0xFFFFFFF0]  }
0x147: {  	v0 =	vld [tilespmem:s28+$0xFFFFFFE0]  }
0x148: {  	[tilespmem:v3+s24+$0x0] =	vst.idx.add.f32.msk $0xffff, v5  }
0x149: {  	v3 =	vld [tilespmem:s25+$0xFFFFFFF0]  }
0x14a: {  	v1 =	vmul.f32 v1, v4;
	v4 =	vld [tilespmem:s25+$0x0]  }
0x14b: {  	s29 =	simm.s32 $0x4EC0;
	s28 =	simm.s32 $0x4;
	v5 =	vmul.f32 v9, v7;
	v7 =	vld [tilespmem:s25+$0xFFFFFFE0];
	v8 =	vmul.f32 v10, v8  }
.LBB2_18:
0x14c: {  	v9 =	vld [tilespmem:s29+$0x10];
	s28 =	sadd.s32 $0x4, s28;
	v2 =	vmul.f32 v2, v6  }
0x14d: {  	v6 =	vld [tilespmem:s29+$0xFFFFFFE0];
	p0 =	slt.u32 s28, $0x4DC  }
0x14e: {  	v10 =	vld [tilespmem:s29+$0xFFFFFFF0]  }
0x14f: {  	v11 =	vld [tilespmem:s29+$0x0]  }
0x150: {  	[tilespmem:v0+s24+$0x0] =	vst.idx.add.f32.msk $0xffff, v1;
	v1 =	vmov v5;
	v0 =	vmov v7  }
0x151: {  	[tilespmem:v3+s24+$0x0] =	vst.idx.add.f32.msk $0xffff, v8  }
0x152: {  	s25 =	sadd.s32 $0x40, s25;
	[tilespmem:v4+s24+$0x0] =	vst.idx.add.f32.msk $0xffff, v2  }
0x153: {  	v3 =	vld [tilespmem:s25+$0x10]  }
0x154: {  	s26 =	sadd.s32 $0x40, s26;
	v4 =	vld.idx.msk [tilespmem:v9+s23+$0x0], $0xffff  }
0x155: {  	v5 =	vld [tilespmem:s26+$0x10]  }
0x156: {  	v7 =	vld.idx.msk [tilespmem:v6+s23+$0x0], $0xffff  }
0x157: {  	v8 =	vld.idx.msk [tilespmem:v10+s23+$0x0], $0xffff  }
0x158: {  	v2 =	vld.idx.msk [tilespmem:v11+s23+$0x0], $0xffff  }
0x159: {  	v9 =	vld [tilespmem:s26+$0xFFFFFFE0]  }
0x15a: {  	v10 =	vld [tilespmem:s26+$0xFFFFFFF0];
	v4 =	vmul.f32 v4, v5  }
.Ltmp9:
0x15b: {  	v6 =	vld [tilespmem:s26+$0x0];
	(pc) =	sbr.rel @p0 .LBB2_18-.Ltmp9, $4  }
0x15c: {  	[tilespmem:v3+s24+$0x0] =	vst.idx.add.f32.msk $0xffff, v4  }
0x15d: {  	v3 =	vld [tilespmem:s25+$0xFFFFFFF0]  }
0x15e: {  	v5 =	vmul.f32 v7, v9;
	v4 =	vld [tilespmem:s25+$0x0]  }
0x15f: {  	s29 =	sadd.s32 $0x40, s29;
	v7 =	vld [tilespmem:s25+$0xFFFFFFE0];
	v8 =	vmul.f32 v8, v10  }
0x160: {  	_ =	sdelay $0x4  }
0x161: {  	v2 =	vmul.f32 v2, v6;
	[tilespmem:v0+s24+$0x0] =	vst.idx.add.f32.msk $0xffff, v1  }
0x162: {  	[tilespmem:v3+s24+$0x0] =	vst.idx.add.f32.msk $0xffff, v8  }
0x163: {  	[tilespmem:v4+s24+$0x0] =	vst.idx.add.f32.msk $0xffff, v2  }
0x164: {  	s23 =	simm.s32 $0x0;
	s25 =	simm.s32 $0x11260;
	[tilespmem:v7+s24+$0x0] =	vst.idx.add.f32.msk $0xffff, v5;
	s24 =	simm.s32 $0xEA60  }
.LBB2_20:
0x165: {  	s26 =	sshra.s32 s23, $0x2  }
0x166: {  	v0 =	vld [tilespmem:s26+$0x9C20];
	_ =	sdelay $0x5  }
0x167: {  	v1 =	vld [tilespmem:s26+$0x4E00]  }
0x168: {  	v2 =	vld [tilespmem:s26+$0xEA40]  }
0x169: {  	v0 =	vld.idx.msk [tilespmem:v0+s24+$0x0], $0xffff;
	_ =	sdelay $0x1  }
0x16a: {  	p0 =	sne.s32 s23, $0x40  }
.Ltmp10:
0x16b: {  	_ = 	snop;
	(pc) =	sbr.rel @p0 .LBB2_20-.Ltmp10, $3  }
0x16c: {  	_ = 	snop  }
0x16d: {  	v0 =	vmul.f32 v0, v2;
	_ =	sdelay $0x1  }
0x16e: {  	s23 =	sadd.s32 $0x40, s23;
	[tilespmem:v1+s25+$0x0] =	vst.idx.add.f32.msk $0xffff, v0  }
0x16f: {  	s23 =	simm.s32 $0x1C260;
	s30 =	simm.s32 $0x2  }
0x170: {  	[spmem:s10] =	stream.linear.scatter [tilespmem:s23], [sflag:$0x2], $0x280, $0x38;
	[tilespmem:$0x1C7E0] =	vst v63  }
0x171: {  	_ =	swait.ge [sflag:s30], $0x280  }
0x172: {  	[sflag:s30] =	ssyncset.done $0x0  }
0x173: {  	[sflag:s30] =	ssyncadd.s32 $0xFFFFFD80  }
0x174: {  	s31 =	simm.s32 $0x80;
	[bflag:$0x0] =	sbarrier.arrive $0xFFFF  }
0x175: {  	[spmem:s9] =	stream.indirect.scatter.add.f32 [tilespmem:s11], [sflag:$0x2], $0x10, s12, s31, $0xb8;
	[tilespmem:$0x1C7E0] =	vst v63  }
0x176: {  	_ =	swait.ge [sflag:s30], $0x800  }
0x177: {  	[sflag:s30] =	ssyncset.done $0x0  }
0x178: {  	[sflag:s30] =	ssyncadd.s32 $0xFFFFF800  }
0x179: {  	[spmem:s9] =	stream.indirect.scatter.add.f32 [tilespmem:s13], [sflag:$0x2], $0x10, s14, s31, $0xb8;
	[tilespmem:$0x1C7E0] =	vst v63  }
0x17a: {  	_ =	swait.ge [sflag:s30], $0x800  }
0x17b: {  	[sflag:s30] =	ssyncset.done $0x0  }
0x17c: {  	[sflag:s30] =	ssyncadd.s32 $0xFFFFF800  }
0x17d: {  	[spmem:s9] =	stream.indirect.scatter.add.f32 [tilespmem:s15], [sflag:$0x2], $0x10, s16, s31, $0xb8;
	[tilespmem:$0x1C7E0] =	vst v63  }
0x17e: {  	_ =	swait.ge [sflag:s30], $0x800  }
0x17f: {  	[sflag:s30] =	ssyncset.done $0x0  }
0x180: {  	[sflag:s30] =	ssyncadd.s32 $0xFFFFF800  }
0x181: {  	[spmem:s9] =	stream.indirect.scatter.add.f32 [tilespmem:s17], [sflag:$0x2], $0x10, s18, s31, $0xb8;
	[tilespmem:$0x1C7E0] =	vst v63  }
0x182: {  	_ =	swait.ge [sflag:s30], $0x800  }
0x183: {  	[sflag:s30] =	ssyncset.done $0x0  }
0x184: {  	[sflag:s30] =	ssyncadd.s32 $0xFFFFF800  }
0x185: {  	[spmem:s9] =	stream.indirect.scatter.add.f32 [tilespmem:s21], [sflag:$0x2], $0x10, s22, s31, $0xb8;
	[tilespmem:$0x1C7E0] =	vst v63  }
0x186: {  	_ =	swait.ge [sflag:s30], $0x800  }
0x187: {  	[sflag:s30] =	ssyncset.done $0x0  }
0x188: {  	[sflag:s30] =	ssyncadd.s32 $0xFFFFF800  }
0x189: {  	s18 =	simm.s32 $0x0;
	s21 =	simm.s32 $0x13A60;
	[bflag:$0x0] =	sbarrier.arrive $0xFFFF  }
0x18a: {  	[tilespmem:s21], [sflag:$0x1] =	stream.linear.gather [hbm4b:s20+s18], $0x3E80, $0x38;
	[tilespmem:$0x1C7E0] =	vst v63  }
0x18b: {  	s22 =	simm.s32 $0x178E0  }
0x18c: {  	[tilespmem:s22], [sflag:$0x1] =	stream.linear.gather [hbm4b:s19+s18], $0x3E80, $0x38;
	[tilespmem:$0x1C7E0] =	vst v63  }
0x18d: {  	s10 =	simm.s32 $0xEA60  }
0x18e: {  	[tilespmem:s10], [sflag:$0x2] =	stream.linear.gather [spmem:s9], $0x2800, $0x38;
	[tilespmem:$0x1C7E0] =	vst v63  }
0x18f: {  	_ =	swait.ge [sflag:s30], $0x2800  }
0x190: {  	[sflag:s30] =	ssyncset.done $0x0  }
0x191: {  	[sflag:s30] =	ssyncadd.s32 $0xFFFFD800  }
0x192: {  	s23 =	simm.s32 $0x1;
	[bflag:$0x0] =	sbarrier.arrive $0xFFFF  }
0x193: {  	_ =	swait.ge [sflag:s23], $0x3E80  }
0x194: {  	[sflag:s23] =	ssyncset.done $0x0  }
0x195: {  	s24 =	simm.s32 $0x13BA0;
	[sflag:s23] =	ssyncadd.s32 $0xFFFFC180  }
0x196: {  	v0 =	vld [tilespmem:s24+$0xC0]  }
0x197: {  	v3 =	vld [tilespmem:s24+$0xD0]  }
0x198: {  	v5 =	vld [tilespmem:s24+$0xE0]  }
0x199: {  	v6 =	vld [tilespmem:s24+$0xF0]  }
0x19a: {  	s25 =	sadd.s32 $0xFFFFFFFB, s4;
	v7 =	vld [tilespmem:s24+$0x100]  }
0x19b: {  	s26 =	sadd.s32 $0x9, s25;
	v8 =	vld [tilespmem:s24+$0x110]  }
0x19c: {  	v1 =	vmov s26;
	v9 =	vld [tilespmem:s24+$0x40]  }
0x19d: {  	s28 =	sadd.s32 $0x8, s25;
	v1 =	vand.u32 $0xF, v1;
	s12 =	sand.u32 $0xFFFFFFF0, s26;
	v10 =	vld [tilespmem:s24+$0x50]  }
0x19e: {  	v2 =	vmov s28;
	v1 =	vor.u32 s12, v1;
	v11 =	vld [tilespmem:s24+$0x60]  }
0x19f: {  	s29 =	sand.u32 $0xFFFFFFF0, s28;
	v2 =	vand.u32 $0xF, v2;
	v1 =	vbroadcast v1, $0x0;
	v12 =	vld [tilespmem:s24+$0x70]  }
0x1a0: {  	v2 =	vor.u32 s29, v2;
	v13 =	vld [tilespmem:s24+$0x80]  }
0x1a1: {  	v2 =	vbroadcast v2, $0x0;
	s31 =	sadd.s32 $0x6, s25;
	v14 =	vld [tilespmem:s24+$0x90]  }
0x1a2: {  	v17 =	vmov s31;
	v15 =	vld [tilespmem:s24+$0xFFFFFFC0]  }
0x1a3: {  	s12 =	sand.u32 $0xFFFFFFF0, s31;
	v17 =	vand.u32 $0xF, v17;
	s9 =	sadd.s32 $0x5, s25;
	v16 =	vld [tilespmem:s24+$0xFFFFFFD0]  }
0x1a4: {  	v17 =	vor.u32 s12, v17;
	v19 =	vmov s9;
	v18 =	vld [tilespmem:s24+$0xFFFFFFE0]  }
0x1a5: {  	v17 =	vbroadcast v17, $0x0;
	s9 =	sand.u32 $0xFFFFFFF0, s9;
	v19 =	vand.u32 $0xF, v19;
	s30 =	sadd.s32 $0x7, s25;
	v1 =	vld.idx.msk [tilespmem:v1+s10+$0x0], $0xffff  }
0x1a6: {  	v19 =	vor.u32 s9, v19;
	v4 =	vmov s30;
	v21 =	vld [tilespmem:s24+$0xFFFFFF40]  }
0x1a7: {  	s13 =	sand.u32 $0xFFFFFFF0, s30;
	v19 =	vbroadcast v19, $0x0;
	v4 =	vand.u32 $0xF, v4;
	v2 =	vld.idx.msk [tilespmem:v2+s10+$0x0], $0xffff  }
0x1a8: {  	v4 =	vor.u32 s13, v4;
	v22 =	vld [tilespmem:s24+$0xFFFFFF50]  }
0x1a9: {  	v4 =	vbroadcast v4, $0x0;
	v23 =	vld [tilespmem:s24+$0xFFFFFEC0]  }
0x1aa: {  	v25 =	vld [tilespmem:s24+$0xFFFFFED0]  }
0x1ab: {  	v27 =	vld.idx.msk [tilespmem:v17+s10+$0x0], $0xffff;
	v0 =	vmul.f32 v0, v1  }
0x1ac: {  	v28 =	vld [tilespmem:s24+$0xFFFFFF70];
	v24 =	vmul.f32 v3, v1;
	v26 =	vmul.f32 v5, v1  }
0x1ad: {  	v19 =	vld.idx.msk [tilespmem:v19+s10+$0x0], $0xffff;
	v6 =	vmul.f32 v6, v1;
	v5 =	vmul.f32 v7, v1  }
0x1ae: {  	v32 =	vld [tilespmem:s24+$0xFFFFFF80];
	v3 =	vmul.f32 v8, v1;
	v7 =	vmul.f32 v9, v2  }
0x1af: {  	v4 =	vld.idx.msk [tilespmem:v4+s10+$0x0], $0xffff;
	v8 =	vmul.f32 v10, v2;
	v10 =	vmul.f32 v11, v2  }
0x1b0: {  	v9 =	vld [tilespmem:s24+$0xFFFFFEE0];
	v17 =	vmul.f32 v12, v2;
	v13 =	vmul.f32 v13, v2  }
0x1b1: {  	v12 =	vld [tilespmem:s24+$0xFFFFFEF0];
	v11 =	vmul.f32 v14, v2;
	v21 =	vmul.f32 v21, v27  }
0x1b2: {  	v20 =	vld [tilespmem:s24+$0xFFFFFFF0];
	v22 =	vmul.f32 v22, v27;
	v23 =	vmul.f32 v23, v19  }
0x1b3: {  	v31 =	vimm.f32 $0.0e+00;
	v14 =	vld [tilespmem:s24+$0xFFFFFF60];
	v28 =	vmul.f32 v28, v27;
	v25 =	vmul.f32 v25, v19  }
0x1b4: {  	v29 =	vld [tilespmem:s24+$0x0];
	v62 =	vmul.f32 v32, v27;
	v23 =	vadd.f32 v23, v31;
	v15 =	vmul.f32 v15, v4  }
0x1b5: {  	v33 =	vld [tilespmem:s24+$0xFFFFFF90];
	v25 =	vadd.f32 v25, v31;
	v16 =	vmul.f32 v16, v4;
	v18 =	vmul.f32 v18, v4  }
0x1b6: {  	v30 =	vld [tilespmem:s24+$0x10];
	v9 =	vmul.f32 v9, v19;
	v12 =	vmul.f32 v12, v19  }
0x1b7: {  	v35 =	vld [tilespmem:s24+$0xFFFFFF00];
	v20 =	vmul.f32 v20, v4;
	v21 =	vadd.f32 v21, v23;
	v22 =	vadd.f32 v22, v25  }
0x1b8: {  	v14 =	vmul.f32 v14, v27;
	v23 =	vld [tilespmem:s24+$0xFFFFFF20];
	v9 =	vadd.f32 v9, v31;
	v34 =	vadd.f32 v12, v31  }
0x1b9: {  	v36 =	vld [tilespmem:s24+$0xFFFFFF10];
	v12 =	vmul.f32 v29, v4;
	v15 =	vadd.f32 v15, v21;
	v16 =	vadd.f32 v16, v22  }
0x1ba: {  	v61 =	vld [tilespmem:s24+$0xFFFFFF30];
	v21 =	vmul.f32 v33, v27;
	v9 =	vadd.f32 v14, v9;
	v25 =	vadd.f32 v28, v34  }
0x1bb: {  	v63 =	vld [tilespmem:s24+$0xFFFFFFB0];
	v14 =	vmul.f32 v30, v4;
	v7 =	vadd.f32 v7, v15;
	v8 =	vadd.f32 v8, v16  }
0x1bc: {  	v22 =	vld [tilespmem:s24+$0xFFFFFFA0];
	v9 =	vadd.f32 v18, v9;
	v18 =	vadd.f32 v20, v25;
	v20 =	vmul.f32 v35, v19  }
0x1bd: {  	v16 =	vld [tilespmem:s24+$0x20];
	v23 =	vmul.f32 v23, v19;
	v7 =	vadd.f32 v0, v7;
	v8 =	vadd.f32 v24, v8  }
0x1be: {  	v15 =	vmul.f32 v36, v19;
	v9 =	vadd.f32 v10, v9;
	v10 =	vadd.f32 v17, v18;
	v17 =	vld [tilespmem:s24+$0x30]  }
0x1bf: {  	v0 =	vmul.f32 v61, v19;
	v18 =	vld [tilespmem:s24+$0xA0];
	v20 =	vadd.f32 v20, v31;
	v25 =	vadd.f32 v23, v31  }
0x1c0: {  	v19 =	vld [tilespmem:s24+$0xB0];
	v24 =	vmul.f32 v63, v27;
	v9 =	vadd.f32 v26, v9;
	v26 =	vadd.f32 v15, v31  }
0x1c1: {  	v10 =	vadd.f32 v6, v10;
	v6 =	vmul.f32 v22, v27;
	v22 =	vadd.f32 v0, v31;
	v15 =	vld [tilespmem:s24+$0x120]  }
0x1c2: {  	s11 =	simm.s32 $0x13E20;
	s9 =	simm.s32 $0x0;
	v23 =	vadd.f32 v62, v20;
	v20 =	vmul.f32 v16, v4;
	v16 =	vld [tilespmem:s24+$0x130];
	v21 =	vadd.f32 v21, v26  }
.LBB2_22:
0x1c3: {  	v26 =	vld [tilespmem:s11+$0xC0];
	v0 =	vadd.f32 v6, v25;
	v6 =	vadd.f32 v24, v22;
	v4 =	vmul.f32 v17, v4  }
0x1c4: {  	v17 =	vld [tilespmem:s11+$0xD0];
	v12 =	vadd.f32 v12, v23;
	v14 =	vadd.f32 v14, v21;
	v18 =	vmul.f32 v18, v2  }
0x1c5: {  	v21 =	vld [tilespmem:s11+$0xE0];
	v0 =	vadd.f32 v20, v0;
	v4 =	vadd.f32 v4, v6;
	v2 =	vmul.f32 v19, v2  }
0x1c6: {  	v19 =	vld [tilespmem:s11+$0xF0];
	v6 =	vadd.f32 v13, v12;
	v11 =	vadd.f32 v11, v14;
	v12 =	vmul.f32 v15, v1  }
0x1c7: {  	s12 =	sadd.s32 s9, s4;
	v13 =	vld [tilespmem:s11+$0x100];
	v14 =	vadd.f32 v18, v0;
	v2 =	vadd.f32 v2, v4;
	v1 =	vmul.f32 v16, v1  }
0x1c8: {  	s13 =	sadd.s32 $0x9, s12;
	v18 =	vld [tilespmem:s11+$0x110];
	v0 =	vadd.f32 v5, v6;
	v6 =	vadd.f32 v3, v11  }
0x1c9: {  	v3 =	vmov s13;
	v11 =	vld [tilespmem:s11+$0x40];
	v15 =	vadd.f32 v12, v14;
	v16 =	vadd.f32 v1, v2  }
0x1ca: {  	s13 =	sand.u32 $0xFFFFFFF0, s13;
	v1 =	vand.u32 $0xF, v3;
	v12 =	vld [tilespmem:s11+$0x50]  }
0x1cb: {  	s14 =	sadd.s32 $0x8, s12;
	v1 =	vor.u32 s13, v1;
	v14 =	vld [tilespmem:s11+$0x60]  }
0x1cc: {  	v2 =	vmov s14;
	v1 =	vbroadcast v1, $0x0;
	v20 =	vld [tilespmem:s11+$0x70]  }
0x1cd: {  	s13 =	sand.u32 $0xFFFFFFF0, s14;
	v2 =	vand.u32 $0xF, v2;
	v22 =	vld [tilespmem:s11+$0x80]  }
0x1ce: {  	s14 =	sadd.s32 $0x7, s12;
	v2 =	vor.u32 s13, v2;
	v23 =	vld [tilespmem:s11+$0x90]  }
0x1cf: {  	v3 =	vmov s14;
	v2 =	vbroadcast v2, $0x0;
	v24 =	vld [tilespmem:s11+$0xFFFFFFC0]  }
0x1d0: {  	s13 =	sadd.s32 $0x6, s12;
	s14 =	sand.u32 $0xFFFFFFF0, s14;
	v3 =	vand.u32 $0xF, v3;
	v25 =	vld [tilespmem:s11+$0xFFFFFFD0]  }
0x1d1: {  	s12 =	sadd.s32 $0x5, s12;
	v4 =	vmov s13;
	v3 =	vor.u32 s14, v3;
	v27 =	vld [tilespmem:s11+$0xFFFFFFE0]  }
0x1d2: {  	v5 =	vmov s12;
	s13 =	sand.u32 $0xFFFFFFF0, s13;
	v4 =	vand.u32 $0xF, v4;
	v3 =	vbroadcast v3, $0x0;
	v1 =	vld.idx.msk [tilespmem:v1+s10+$0x0], $0xffff  }
0x1d3: {  	s12 =	sand.u32 $0xFFFFFFF0, s12;
	v5 =	vand.u32 $0xF, v5;
	v4 =	vor.u32 s13, v4;
	v28 =	vld [tilespmem:s11+$0xFFFFFFF0]  }
0x1d4: {  	v5 =	vor.u32 s12, v5;
	v29 =	vbroadcast v4, $0x0;
	v30 =	vld [tilespmem:s11+$0xFFFFFF40]  }
0x1d5: {  	v31 =	vbroadcast v5, $0x0;
	v2 =	vld.idx.msk [tilespmem:v2+s10+$0x0], $0xffff  }
0x1d6: {  	v32 =	vld [tilespmem:s11+$0xFFFFFF50]  }
0x1d7: {  	v33 =	vld [tilespmem:s11+$0xFFFFFEC0]  }
0x1d8: {  	v26 =	vmul.f32 v26, v1;
	v34 =	vmul.f32 v17, v1;
	v4 =	vld.idx.msk [tilespmem:v3+s10+$0x0], $0xffff  }
0x1d9: {  	v21 =	vmul.f32 v21, v1;
	v19 =	vmul.f32 v19, v1;
	v17 =	vld [tilespmem:s11+$0xFFFFFED0]  }
0x1da: {  	v5 =	vmul.f32 v13, v1;
	v3 =	vmul.f32 v18, v1;
	v29 =	vld.idx.msk [tilespmem:v29+s10+$0x0], $0xffff  }
0x1db: {  	s9 =	sadd.s32 $0x5, s9;
	v35 =	vmul.f32 v12, v2;
	v18 =	vld.idx.msk [tilespmem:v31+s10+$0x0], $0xffff;
	v31 =	vmul.f32 v11, v2  }
0x1dc: {  	p0 =	slt.u32 s9, $0x78;
	v36 =	vmul.f32 v14, v2;
	v20 =	vmul.f32 v20, v2;
	v12 =	vld [tilespmem:s11+$0xFFFFFEE0]  }
0x1dd: {  	v13 =	vmul.f32 v22, v2;
	v11 =	vmul.f32 v23, v2;
	v14 =	vld [tilespmem:s11+$0xFFFFFEF0]  }
0x1de: {  	v23 =	vmul.f32 v24, v4;
	v24 =	vmul.f32 v25, v4;
	v22 =	vld [tilespmem:s11+$0xFFFFFF60]  }
0x1df: {  	v27 =	vmul.f32 v27, v4;
	v28 =	vmul.f32 v28, v4;
	v25 =	vld [tilespmem:s11+$0xFFFFFF70]  }
0x1e0: {  	v30 =	vmul.f32 v30, v29;
	v32 =	vmul.f32 v32, v29;
	v37 =	vld [tilespmem:s11+$0x0]  }
0x1e1: {  	v33 =	vmul.f32 v33, v18;
	v17 =	vmul.f32 v17, v18;
	v38 =	vld [tilespmem:s11+$0x10]  }
0x1e2: {  	v12 =	vmul.f32 v12, v18;
	v14 =	vmul.f32 v14, v18;
	v39 =	vld [tilespmem:s11+$0xFFFFFF80]  }
0x1e3: {  	v7 =	vadd.f32 v33, v7;
	v8 =	vadd.f32 v17, v8;
	v17 =	vmul.f32 v22, v29;
	v22 =	vld [tilespmem:s11+$0xFFFFFF90]  }
0x1e4: {  	v9 =	vadd.f32 v12, v9;
	v10 =	vadd.f32 v14, v10;
	v33 =	vld [tilespmem:s11+$0xFFFFFF00];
	v14 =	vmul.f32 v25, v29  }
0x1e5: {  	v7 =	vadd.f32 v30, v7;
	v8 =	vadd.f32 v32, v8;
	v25 =	vld [tilespmem:s11+$0xFFFFFF10];
	v12 =	vmul.f32 v37, v4  }
0x1e6: {  	v9 =	vadd.f32 v17, v9;
	v30 =	vld [tilespmem:s11+$0xFFFFFF20];
	v10 =	vadd.f32 v14, v10;
	v14 =	vmul.f32 v38, v4  }
0x1e7: {  	v7 =	vadd.f32 v23, v7;
	v8 =	vadd.f32 v24, v8;
	v32 =	vld [tilespmem:s11+$0xFFFFFF30];
	v37 =	vmul.f32 v39, v29  }
0x1e8: {  	v9 =	vadd.f32 v27, v9;
	v38 =	vmul.f32 v22, v29;
	v22 =	vld [tilespmem:s11+$0xFFFFFFA0];
	v10 =	vadd.f32 v28, v10  }
0x1e9: {  	v7 =	vadd.f32 v31, v7;
	v8 =	vadd.f32 v35, v8;
	v23 =	vmul.f32 v33, v18;
	v24 =	vld [tilespmem:s11+$0xFFFFFFB0]  }
0x1ea: {  	v9 =	vadd.f32 v36, v9;
	v25 =	vmul.f32 v25, v18;
	v27 =	vld [tilespmem:s11+$0x20];
	v10 =	vadd.f32 v20, v10  }
.Ltmp11:
0x1eb: {  	v7 =	vadd.f32 v26, v7;
	v8 =	vadd.f32 v34, v8;
	v20 =	vmul.f32 v30, v18;
	v17 =	vld [tilespmem:s11+$0x30];
	(pc) =	sbr.rel @p0 .LBB2_22-.Ltmp11, $4  }
0x1ec: {  	v9 =	vadd.f32 v21, v9;
	v26 =	vmul.f32 v32, v18;
	v18 =	vld [tilespmem:s11+$0xA0];
	v10 =	vadd.f32 v19, v10  }
0x1ed: {  	v0 =	vadd.f32 v23, v0;
	v21 =	vadd.f32 v25, v6;
	v6 =	vmul.f32 v22, v29;
	v19 =	vld [tilespmem:s11+$0xB0]  }
0x1ee: {  	v25 =	vadd.f32 v20, v15;
	v22 =	vadd.f32 v26, v16;
	v24 =	vmul.f32 v24, v29;
	v15 =	vld [tilespmem:s11+$0x120]  }
0x1ef: {  	v23 =	vadd.f32 v37, v0;
	v21 =	vadd.f32 v38, v21;
	v20 =	vmul.f32 v27, v4;
	v16 =	vld [tilespmem:s11+$0x130];
	s11 =	sadd.s32 $0x280, s11  }
0x1f0: {  	s9 =	simm.s32 $0x0;
	s10 =	simm.s32 $0x13A60;
	s24 =	simm.s32 $0x1  }
0x1f1: {  	[tilespmem:s10], [sflag:$0x1] =	stream.linear.gather [hbm4b:s8+s9], $0x3E80, $0x38;
	[tilespmem:$0x1C7E0] =	vst v63  }
0x1f2: {  	_ =	swait.ge [sflag:s24], $0x3E80  }
0x1f3: {  	[sflag:s24] =	ssyncset.done $0x0  }
0x1f4: {  	s25 =	simm.s32 $0x17A20;
	[sflag:s24] =	ssyncadd.s32 $0xFFFFC180  }
0x1f5: {  	v26 =	vld [tilespmem:s25+$0xC0]  }
0x1f6: {  	v27 =	vld [tilespmem:s25+$0xD0]  }
0x1f7: {  	v28 =	vld [tilespmem:s25+$0xE0]  }
0x1f8: {  	v29 =	vld [tilespmem:s25+$0xF0]  }
0x1f9: {  	v30 =	vld [tilespmem:s25+$0x100]  }
0x1fa: {  	s26 =	sadd.s32 $0xFFFFFFFB, s4;
	v31 =	vld [tilespmem:s25+$0x110]  }
0x1fb: {  	s28 =	sadd.s32 $0x86, s26;
	v32 =	vld [tilespmem:s25+$0x40]  }
0x1fc: {  	v0 =	vmov s28;
	v33 =	vld [tilespmem:s25+$0x50]  }
0x1fd: {  	s8 =	sand.u32 $0xFFFFFFF0, s28;
	v0 =	vand.u32 $0xF, v0;
	v34 =	vld [tilespmem:s25+$0x60]  }
0x1fe: {  	s11 =	sadd.s32 $0x85, s26;
	v0 =	vor.u32 s8, v0;
	v36 =	vld [tilespmem:s25+$0x70]  }
0x1ff: {  	v35 =	vmov s11;
	v0 =	vbroadcast v0, $0x0;
	v37 =	vld [tilespmem:s25+$0x80]  }
0x200: {  	s29 =	sand.u32 $0xFFFFFFF0, s11;
	v35 =	vand.u32 $0xF, v35;
	v38 =	vld [tilespmem:s25+$0x90]  }
0x201: {  	s30 =	sadd.s32 $0x84, s26;
	v35 =	vor.u32 s29, v35;
	v40 =	vld [tilespmem:s25+$0xFFFFFFC0]  }
0x202: {  	s12 =	sadd.s32 $0x83, s26;
	v39 =	vmov s30;
	v35 =	vbroadcast v35, $0x0;
	v41 =	vld [tilespmem:s25+$0xFFFFFFD0]  }
0x203: {  	s9 =	sadd.s32 $0x82, s26;
	s11 =	sand.u32 $0xFFFFFFF0, s30;
	v42 =	vmov s12;
	v39 =	vand.u32 $0xF, v39;
	v43 =	vld [tilespmem:s25+$0xFFFFFFE0]  }
0x204: {  	v44 =	vmov s9;
	s31 =	sand.u32 $0xFFFFFFF0, s12;
	v42 =	vand.u32 $0xF, v42;
	s8 =	simm.s32 $0xEA60;
	v39 =	vor.u32 s11, v39;
	v45 =	vld [tilespmem:s25+$0xFFFFFFF0]  }
0x205: {  	s9 =	sand.u32 $0xFFFFFFF0, s9;
	v44 =	vand.u32 $0xF, v44;
	v42 =	vor.u32 s31, v42;
	v39 =	vbroadcast v39, $0x0;
	v0 =	vld.idx.msk [tilespmem:v0+s8+$0x0], $0xffff  }
0x206: {  	v44 =	vor.u32 s9, v44;
	v42 =	vbroadcast v42, $0x0;
	v46 =	vld [tilespmem:s25+$0xFFFFFF40]  }
0x207: {  	v4 =	vmul.f32 v17, v4;
	v22 =	vadd.f32 v24, v22;
	v17 =	vbroadcast v44, $0x0;
	v24 =	vld [tilespmem:s25+$0xFFFFFF50]  }
0x208: {  	v25 =	vadd.f32 v6, v25;
	v18 =	vmul.f32 v18, v2;
	v19 =	vmul.f32 v19, v2;
	v6 =	vld.idx.msk [tilespmem:v35+s8+$0x0], $0xffff  }
0x209: {  	v14 =	vadd.f32 v14, v21;
	v15 =	vmul.f32 v15, v1;
	v1 =	vmul.f32 v16, v1;
	v16 =	vld [tilespmem:s25+$0xFFFFFEC0]  }
0x20a: {  	v20 =	vadd.f32 v20, v25;
	v25 =	vld [tilespmem:s25+$0xFFFFFED0];
	v21 =	vmul.f32 v26, v0;
	v26 =	vmul.f32 v27, v0  }
0x20b: {  	v23 =	vadd.f32 v12, v23;
	v12 =	vld.idx.msk [tilespmem:v39+s8+$0x0], $0xffff;
	v27 =	vmul.f32 v28, v0;
	v47 =	vmul.f32 v29, v0  }
0x20c: {  	v22 =	vadd.f32 v4, v22;
	v48 =	vld.idx.msk [tilespmem:v42+s8+$0x0], $0xffff;
	v4 =	vmul.f32 v30, v0;
	v2 =	vmul.f32 v31, v0  }
0x20d: {  	v23 =	vadd.f32 v13, v23;
	v49 =	vld.idx.msk [tilespmem:v17+s8+$0x0], $0xffff;
	v17 =	vmul.f32 v32, v6;
	v50 =	vmul.f32 v33, v6  }
0x20e: {  	v11 =	vadd.f32 v11, v14;
	v51 =	vld [tilespmem:s25+$0xFFFFFEE0];
	v52 =	vmul.f32 v34, v6;
	v53 =	vmul.f32 v36, v6  }
0x20f: {  	v18 =	vadd.f32 v18, v20;
	v20 =	vld [tilespmem:s25+$0xFFFFFEF0];
	v14 =	vmul.f32 v37, v6;
	v13 =	vmul.f32 v38, v6  }
0x210: {  	v23 =	vadd.f32 v5, v23;
	v5 =	vld [tilespmem:s25+$0xFFFFFF70];
	v54 =	vmul.f32 v40, v12;
	v55 =	vmul.f32 v41, v12  }
0x211: {  	v19 =	vadd.f32 v19, v22;
	v22 =	vld [tilespmem:s25+$0xFFFFFF60];
	v56 =	vmul.f32 v43, v12;
	v57 =	vmul.f32 v45, v12  }
0x212: {  	v58 =	vadd.f32 v3, v11;
	v59 =	vld [tilespmem:s25+$0xFFFFFF80];
	v3 =	vmul.f32 v46, v48;
	v11 =	vmul.f32 v24, v48  }
0x213: {  	v15 =	vadd.f32 v15, v18;
	v24 =	vld [tilespmem:s25+$0x0];
	v16 =	vmul.f32 v16, v49;
	v18 =	vmul.f32 v25, v49  }
0x214: {  	v1 =	vadd.f32 v1, v19;
	v25 =	vld [tilespmem:s25+$0x10];
	v19 =	vmul.f32 v51, v49;
	v20 =	vmul.f32 v20, v49  }
0x215: {  	v5 =	vmul.f32 v5, v48;
	v7 =	vadd.f32 v16, v7;
	v8 =	vadd.f32 v18, v8;
	v18 =	vld [tilespmem:s25+$0xFFFFFF90]  }
0x216: {  	v16 =	vmul.f32 v22, v48;
	v9 =	vadd.f32 v19, v9;
	v10 =	vadd.f32 v20, v10;
	v20 =	vld [tilespmem:s25+$0xFFFFFF10]  }
0x217: {  	v32 =	vmul.f32 v59, v48;
	v19 =	vld [tilespmem:s25+$0xFFFFFF00];
	v7 =	vadd.f32 v3, v7;
	v8 =	vadd.f32 v11, v8  }
0x218: {  	v11 =	vld [tilespmem:s25+$0xFFFFFF20];
	v9 =	vadd.f32 v16, v9;
	v10 =	vadd.f32 v5, v10;
	v3 =	vmul.f32 v24, v12  }
0x219: {  	v16 =	vld [tilespmem:s25+$0xFFFFFF30];
	v5 =	vmul.f32 v25, v12;
	v7 =	vadd.f32 v54, v7;
	v8 =	vadd.f32 v55, v8  }
0x21a: {  	v22 =	vld [tilespmem:s25+$0xFFFFFFA0];
	v9 =	vadd.f32 v56, v9;
	v10 =	vadd.f32 v57, v10;
	v60 =	vmul.f32 v18, v48  }
0x21b: {  	v24 =	vld [tilespmem:s25+$0xFFFFFFB0];
	v20 =	vmul.f32 v20, v49;
	v7 =	vadd.f32 v17, v7;
	v18 =	vadd.f32 v50, v8  }
0x21c: {  	v61 =	vld [tilespmem:s25+$0x20];
	v19 =	vmul.f32 v19, v49;
	v25 =	vadd.f32 v52, v9;
	v62 =	vadd.f32 v53, v10  }
0x21d: {  	v17 =	vld [tilespmem:s25+$0x30];
	v63 =	vmul.f32 v11, v49;
	v20 =	vadd.f32 v20, v58;
	v8 =	vadd.f32 v21, v7  }
0x21e: {  	v16 =	vmul.f32 v16, v49;
	v9 =	vadd.f32 v26, v18;
	v18 =	vld [tilespmem:s25+$0xA0];
	v10 =	vadd.f32 v27, v25  }
0x21f: {  	v11 =	vadd.f32 v47, v62;
	v21 =	vadd.f32 v19, v23;
	v7 =	vmul.f32 v22, v48;
	v19 =	vld [tilespmem:s25+$0xB0]  }
0x220: {  	v24 =	vmul.f32 v24, v48;
	v25 =	vadd.f32 v63, v15;
	v22 =	vadd.f32 v16, v1;
	v15 =	vld [tilespmem:s25+$0x120]  }
0x221: {  	s10 =	simm.s32 $0x17CA0;
	s9 =	simm.s32 $0x0;
	v16 =	vld [tilespmem:s25+$0x130];
	v23 =	vadd.f32 v32, v21;
	v21 =	vadd.f32 v60, v20;
	v20 =	vmul.f32 v61, v12  }
.LBB2_24:
0x222: {  	v26 =	vld [tilespmem:s10+$0xC0];
	v1 =	vadd.f32 v7, v25;
	v7 =	vadd.f32 v24, v22;
	v12 =	vmul.f32 v17, v12  }
0x223: {  	v17 =	vld [tilespmem:s10+$0xD0];
	v3 =	vadd.f32 v3, v23;
	v5 =	vadd.f32 v5, v21;
	v18 =	vmul.f32 v18, v6  }
0x224: {  	v21 =	vld [tilespmem:s10+$0xE0];
	v1 =	vadd.f32 v20, v1;
	v7 =	vadd.f32 v12, v7;
	v6 =	vmul.f32 v19, v6  }
0x225: {  	v19 =	vld [tilespmem:s10+$0xF0];
	v3 =	vadd.f32 v14, v3;
	v5 =	vadd.f32 v13, v5;
	v12 =	vmul.f32 v15, v0  }
0x226: {  	s11 =	sadd.s32 s9, s4;
	v13 =	vld [tilespmem:s10+$0x100];
	v14 =	vadd.f32 v18, v1;
	v6 =	vadd.f32 v6, v7;
	v0 =	vmul.f32 v16, v0  }
0x227: {  	s12 =	sadd.s32 $0x86, s11;
	v18 =	vld [tilespmem:s10+$0x110];
	v1 =	vadd.f32 v4, v3;
	v7 =	vadd.f32 v2, v5  }
0x228: {  	v2 =	vmov s12;
	v3 =	vld [tilespmem:s10+$0x40];
	v15 =	vadd.f32 v12, v14;
	v16 =	vadd.f32 v0, v6  }
0x229: {  	s12 =	sand.u32 $0xFFFFFFF0, s12;
	v0 =	vand.u32 $0xF, v2;
	v5 =	vld [tilespmem:s10+$0x50]  }
0x22a: {  	s13 =	sadd.s32 $0x85, s11;
	v0 =	vor.u32 s12, v0;
	v14 =	vld [tilespmem:s10+$0x60]  }
0x22b: {  	v2 =	vmov s13;
	v0 =	vbroadcast v0, $0x0;
	v20 =	vld [tilespmem:s10+$0x70]  }
0x22c: {  	s12 =	sand.u32 $0xFFFFFFF0, s13;
	v2 =	vand.u32 $0xF, v2;
	v22 =	vld [tilespmem:s10+$0x80]  }
0x22d: {  	s13 =	sadd.s32 $0x84, s11;
	v2 =	vor.u32 s12, v2;
	v23 =	vld [tilespmem:s10+$0x90]  }
0x22e: {  	v4 =	vmov s13;
	v2 =	vbroadcast v2, $0x0;
	v24 =	vld [tilespmem:s10+$0xFFFFFFC0]  }
0x22f: {  	s12 =	sadd.s32 $0x83, s11;
	s13 =	sand.u32 $0xFFFFFFF0, s13;
	v4 =	vand.u32 $0xF, v4;
	v25 =	vld [tilespmem:s10+$0xFFFFFFD0]  }
0x230: {  	s11 =	sadd.s32 $0x82, s11;
	v6 =	vmov s12;
	v4 =	vor.u32 s13, v4;
	v27 =	vld [tilespmem:s10+$0xFFFFFFE0]  }
0x231: {  	v12 =	vmov s11;
	s12 =	sand.u32 $0xFFFFFFF0, s12;
	v6 =	vand.u32 $0xF, v6;
	v4 =	vbroadcast v4, $0x0;
	v0 =	vld.idx.msk [tilespmem:v0+s8+$0x0], $0xffff  }
0x232: {  	s11 =	sand.u32 $0xFFFFFFF0, s11;
	v12 =	vand.u32 $0xF, v12;
	v6 =	vor.u32 s12, v6;
	v28 =	vld [tilespmem:s10+$0xFFFFFFF0]  }
0x233: {  	v12 =	vor.u32 s11, v12;
	v29 =	vbroadcast v6, $0x0;
	v30 =	vld [tilespmem:s10+$0xFFFFFF40]  }
0x234: {  	v31 =	vbroadcast v12, $0x0;
	v6 =	vld.idx.msk [tilespmem:v2+s8+$0x0], $0xffff  }
0x235: {  	v32 =	vld [tilespmem:s10+$0xFFFFFF50]  }
0x236: {  	v33 =	vld [tilespmem:s10+$0xFFFFFEC0]  }
0x237: {  	v26 =	vmul.f32 v26, v0;
	v34 =	vmul.f32 v17, v0;
	v12 =	vld.idx.msk [tilespmem:v4+s8+$0x0], $0xffff  }
0x238: {  	v21 =	vmul.f32 v21, v0;
	v19 =	vmul.f32 v19, v0;
	v17 =	vld [tilespmem:s10+$0xFFFFFED0]  }
0x239: {  	v2 =	vmul.f32 v18, v0;
	v4 =	vmul.f32 v13, v0;
	v29 =	vld.idx.msk [tilespmem:v29+s8+$0x0], $0xffff  }
0x23a: {  	s9 =	sadd.s32 $0x5, s9;
	v35 =	vmul.f32 v5, v6;
	v18 =	vld.idx.msk [tilespmem:v31+s8+$0x0], $0xffff;
	v31 =	vmul.f32 v3, v6  }
0x23b: {  	p0 =	slt.u32 s9, $0x78;
	v36 =	vmul.f32 v14, v6;
	v20 =	vmul.f32 v20, v6;
	v3 =	vld [tilespmem:s10+$0xFFFFFEE0]  }
0x23c: {  	v14 =	vmul.f32 v22, v6;
	v13 =	vmul.f32 v23, v6;
	v5 =	vld [tilespmem:s10+$0xFFFFFEF0]  }
0x23d: {  	v23 =	vmul.f32 v24, v12;
	v24 =	vmul.f32 v25, v12;
	v22 =	vld [tilespmem:s10+$0xFFFFFF60]  }
0x23e: {  	v27 =	vmul.f32 v27, v12;
	v28 =	vmul.f32 v28, v12;
	v25 =	vld [tilespmem:s10+$0xFFFFFF70]  }
0x23f: {  	v30 =	vmul.f32 v30, v29;
	v32 =	vmul.f32 v32, v29;
	v37 =	vld [tilespmem:s10+$0x0]  }
0x240: {  	v33 =	vmul.f32 v33, v18;
	v17 =	vmul.f32 v17, v18;
	v38 =	vld [tilespmem:s10+$0x10]  }
0x241: {  	v3 =	vmul.f32 v3, v18;
	v5 =	vmul.f32 v5, v18;
	v39 =	vld [tilespmem:s10+$0xFFFFFF80]  }
0x242: {  	v8 =	vadd.f32 v33, v8;
	v9 =	vadd.f32 v17, v9;
	v17 =	vmul.f32 v22, v29;
	v22 =	vld [tilespmem:s10+$0xFFFFFF90]  }
0x243: {  	v10 =	vadd.f32 v3, v10;
	v5 =	vadd.f32 v5, v11;
	v11 =	vld [tilespmem:s10+$0xFFFFFF00];
	v25 =	vmul.f32 v25, v29  }
0x244: {  	v8 =	vadd.f32 v30, v8;
	v9 =	vadd.f32 v32, v9;
	v33 =	vld [tilespmem:s10+$0xFFFFFF10];
	v3 =	vmul.f32 v37, v12  }
0x245: {  	v10 =	vadd.f32 v17, v10;
	v30 =	vld [tilespmem:s10+$0xFFFFFF20];
	v17 =	vadd.f32 v25, v5;
	v5 =	vmul.f32 v38, v12  }
0x246: {  	v8 =	vadd.f32 v23, v8;
	v9 =	vadd.f32 v24, v9;
	v25 =	vld [tilespmem:s10+$0xFFFFFF30];
	v32 =	vmul.f32 v39, v29  }
0x247: {  	v10 =	vadd.f32 v27, v10;
	v37 =	vmul.f32 v22, v29;
	v22 =	vld [tilespmem:s10+$0xFFFFFFA0];
	v17 =	vadd.f32 v28, v17  }
0x248: {  	v8 =	vadd.f32 v31, v8;
	v9 =	vadd.f32 v35, v9;
	v23 =	vmul.f32 v11, v18;
	v24 =	vld [tilespmem:s10+$0xFFFFFFB0]  }
0x249: {  	v10 =	vadd.f32 v36, v10;
	v27 =	vmul.f32 v33, v18;
	v28 =	vld [tilespmem:s10+$0x20];
	v11 =	vadd.f32 v20, v17  }
.Ltmp12:
0x24a: {  	v8 =	vadd.f32 v26, v8;
	v9 =	vadd.f32 v34, v9;
	v20 =	vmul.f32 v30, v18;
	v17 =	vld [tilespmem:s10+$0x30];
	(pc) =	sbr.rel @p0 .LBB2_24-.Ltmp12, $4  }
0x24b: {  	v10 =	vadd.f32 v21, v10;
	v26 =	vmul.f32 v25, v18;
	v18 =	vld [tilespmem:s10+$0xA0];
	v11 =	vadd.f32 v19, v11  }
0x24c: {  	v1 =	vadd.f32 v23, v1;
	v21 =	vadd.f32 v27, v7;
	v7 =	vmul.f32 v22, v29;
	v19 =	vld [tilespmem:s10+$0xB0]  }
0x24d: {  	v25 =	vadd.f32 v20, v15;
	v22 =	vadd.f32 v26, v16;
	v24 =	vmul.f32 v24, v29;
	v15 =	vld [tilespmem:s10+$0x120]  }
0x24e: {  	v23 =	vadd.f32 v32, v1;
	v21 =	vadd.f32 v37, v21;
	v20 =	vmul.f32 v28, v12;
	v16 =	vld [tilespmem:s10+$0x130];
	s10 =	sadd.s32 $0x280, s10  }
0x24f: {  	s8 =	simm.s32 $0x0;
	s9 =	simm.s32 $0x178E0;
	s24 =	simm.s32 $0x1  }
0x250: {  	[tilespmem:s9], [sflag:$0x1] =	stream.linear.gather [hbm4b:s7+s8], $0x3E80, $0x38;
	[tilespmem:$0x1C7E0] =	vst v63  }
0x251: {  	_ =	swait.ge [sflag:s24], $0x3E80  }
0x252: {  	[sflag:s24] =	ssyncset.done $0x0  }
0x253: {  	s25 =	simm.s32 $0x13BA0;
	[sflag:s24] =	ssyncadd.s32 $0xFFFFC180  }
0x254: {  	v26 =	vld [tilespmem:s25+$0xC0]  }
0x255: {  	v27 =	vld [tilespmem:s25+$0xD0]  }
0x256: {  	v28 =	vld [tilespmem:s25+$0xE0]  }
0x257: {  	v29 =	vld [tilespmem:s25+$0xF0]  }
0x258: {  	v30 =	vld [tilespmem:s25+$0x100]  }
0x259: {  	s26 =	sadd.s32 $0xFFFFFFFB, s4;
	v31 =	vld [tilespmem:s25+$0x110]  }
0x25a: {  	s28 =	sadd.s32 $0x103, s26;
	v32 =	vld [tilespmem:s25+$0x40]  }
0x25b: {  	v1 =	vmov s28;
	v33 =	vld [tilespmem:s25+$0x50]  }
0x25c: {  	s7 =	sand.u32 $0xFFFFFFF0, s28;
	v1 =	vand.u32 $0xF, v1;
	v34 =	vld [tilespmem:s25+$0x60]  }
0x25d: {  	s10 =	sadd.s32 $0x102, s26;
	v1 =	vor.u32 s7, v1;
	v36 =	vld [tilespmem:s25+$0x70]  }
0x25e: {  	v35 =	vmov s10;
	v1 =	vbroadcast v1, $0x0;
	v37 =	vld [tilespmem:s25+$0x80]  }
0x25f: {  	s29 =	sand.u32 $0xFFFFFFF0, s10;
	v35 =	vand.u32 $0xF, v35;
	v38 =	vld [tilespmem:s25+$0x90]  }
0x260: {  	s30 =	sadd.s32 $0x101, s26;
	v35 =	vor.u32 s29, v35;
	v40 =	vld [tilespmem:s25+$0xFFFFFFC0]  }
0x261: {  	s11 =	sadd.s32 $0x100, s26;
	v39 =	vmov s30;
	v35 =	vbroadcast v35, $0x0;
	v41 =	vld [tilespmem:s25+$0xFFFFFFD0]  }
0x262: {  	s8 =	sadd.s32 $0xFF, s26;
	s10 =	sand.u32 $0xFFFFFFF0, s30;
	v42 =	vmov s11;
	v39 =	vand.u32 $0xF, v39;
	v43 =	vld [tilespmem:s25+$0xFFFFFFE0]  }
0x263: {  	v44 =	vmov s8;
	s31 =	sand.u32 $0xFFFFFFF0, s11;
	v42 =	vand.u32 $0xF, v42;
	s7 =	simm.s32 $0xEA60;
	v39 =	vor.u32 s10, v39;
	v45 =	vld [tilespmem:s25+$0xFFFFFFF0]  }
0x264: {  	s8 =	sand.u32 $0xFFFFFFF0, s8;
	v44 =	vand.u32 $0xF, v44;
	v42 =	vor.u32 s31, v42;
	v39 =	vbroadcast v39, $0x0;
	v1 =	vld.idx.msk [tilespmem:v1+s7+$0x0], $0xffff  }
0x265: {  	v15 =	vmul.f32 v15, v0;
	v44 =	vor.u32 s8, v44;
	v42 =	vbroadcast v42, $0x0;
	v46 =	vld [tilespmem:s25+$0xFFFFFF40]  }
0x266: {  	v25 =	vadd.f32 v7, v25;
	v0 =	vmul.f32 v16, v0;
	v44 =	vbroadcast v44, $0x0;
	v16 =	vld [tilespmem:s25+$0xFFFFFEC0]  }
0x267: {  	v17 =	vmul.f32 v17, v12;
	v22 =	vadd.f32 v24, v22;
	v7 =	vld.idx.msk [tilespmem:v35+s7+$0x0], $0xffff  }
0x268: {  	v18 =	vmul.f32 v18, v6;
	v23 =	vadd.f32 v3, v23;
	v20 =	vadd.f32 v20, v25;
	v25 =	vld [tilespmem:s25+$0xFFFFFED0]  }
0x269: {  	v21 =	vadd.f32 v5, v21;
	v6 =	vmul.f32 v19, v6;
	v50 =	vld [tilespmem:s25+$0xFFFFFEE0];
	v24 =	vmul.f32 v26, v1  }
0x26a: {  	v17 =	vadd.f32 v17, v22;
	v12 =	vld.idx.msk [tilespmem:v39+s7+$0x0], $0xffff;
	v26 =	vmul.f32 v27, v1;
	v27 =	vmul.f32 v28, v1  }
0x26b: {  	v22 =	vadd.f32 v14, v23;
	v47 =	vld.idx.msk [tilespmem:v42+s7+$0x0], $0xffff;
	v28 =	vmul.f32 v29, v1;
	v5 =	vmul.f32 v30, v1  }
0x26c: {  	v21 =	vadd.f32 v13, v21;
	v23 =	vld.idx.msk [tilespmem:v44+s7+$0x0], $0xffff;
	v3 =	vmul.f32 v31, v1;
	v48 =	vmul.f32 v32, v7  }
0x26d: {  	v18 =	vadd.f32 v18, v20;
	v20 =	vld [tilespmem:s25+$0xFFFFFEF0];
	v49 =	vmul.f32 v33, v7;
	v51 =	vmul.f32 v34, v7  }
0x26e: {  	v6 =	vadd.f32 v6, v17;
	v17 =	vld [tilespmem:s25+$0xFFFFFF60];
	v52 =	vmul.f32 v36, v7;
	v14 =	vmul.f32 v37, v7  }
0x26f: {  	v19 =	vld [tilespmem:s25+$0xFFFFFF50];
	v4 =	vadd.f32 v4, v22;
	v13 =	vmul.f32 v38, v7;
	v53 =	vmul.f32 v40, v12  }
0x270: {  	v22 =	vld [tilespmem:s25+$0xFFFFFF70];
	v21 =	vadd.f32 v2, v21;
	v54 =	vmul.f32 v41, v12;
	v55 =	vmul.f32 v43, v12  }
0x271: {  	v58 =	vld [tilespmem:s25+$0xFFFFFF80];
	v15 =	vadd.f32 v15, v18;
	v2 =	vmul.f32 v46, v47;
	v16 =	vmul.f32 v16, v23  }
0x272: {  	v0 =	vadd.f32 v0, v6;
	v18 =	vmul.f32 v25, v23;
	v25 =	vld [tilespmem:s25+$0x10];
	v6 =	vmul.f32 v50, v23  }
0x273: {  	v20 =	vmul.f32 v20, v23;
	v8 =	vadd.f32 v16, v8;
	v16 =	vmul.f32 v17, v47;
	v17 =	vld [tilespmem:s25+$0xFFFFFF90]  }
0x274: {  	v19 =	vmul.f32 v19, v47;
	v9 =	vadd.f32 v18, v9;
	v6 =	vadd.f32 v6, v10;
	v18 =	vld [tilespmem:s25+$0xFFFFFF00]  }
0x275: {  	v10 =	vadd.f32 v20, v11;
	v11 =	vmul.f32 v22, v47;
	v20 =	vld [tilespmem:s25+$0xFFFFFF10];
	v8 =	vadd.f32 v2, v8  }
0x276: {  	v56 =	vmul.f32 v45, v12;
	v9 =	vadd.f32 v19, v9;
	v19 =	vld [tilespmem:s25+$0xFFFFFF20];
	v6 =	vadd.f32 v16, v6  }
0x277: {  	v32 =	vmul.f32 v58, v47;
	v10 =	vadd.f32 v11, v10;
	v16 =	vld [tilespmem:s25+$0xFFFFFF30];
	v8 =	vadd.f32 v53, v8  }
0x278: {  	v57 =	vld [tilespmem:s25+$0x0];
	v11 =	vmul.f32 v25, v12;
	v9 =	vadd.f32 v54, v9;
	v6 =	vadd.f32 v55, v6  }
0x279: {  	v22 =	vld [tilespmem:s25+$0xFFFFFFA0];
	v10 =	vadd.f32 v56, v10;
	v59 =	vmul.f32 v17, v47;
	v25 =	vmul.f32 v18, v23  }
0x27a: {  	v60 =	vld [tilespmem:s25+$0xFFFFFFB0];
	v20 =	vmul.f32 v20, v23;
	v8 =	vadd.f32 v48, v8;
	v9 =	vadd.f32 v49, v9  }
0x27b: {  	v61 =	vld [tilespmem:s25+$0x20];
	v62 =	vadd.f32 v51, v6;
	v10 =	vadd.f32 v52, v10;
	v63 =	vmul.f32 v19, v23  }
0x27c: {  	v17 =	vld [tilespmem:s25+$0x30];
	v16 =	vmul.f32 v16, v23;
	v23 =	vadd.f32 v25, v4;
	v20 =	vadd.f32 v20, v21  }
0x27d: {  	v2 =	vmul.f32 v57, v12;
	v18 =	vld [tilespmem:s25+$0xA0];
	v6 =	vadd.f32 v24, v8;
	v8 =	vadd.f32 v26, v9  }
0x27e: {  	v4 =	vmul.f32 v22, v47;
	v19 =	vld [tilespmem:s25+$0xB0];
	v9 =	vadd.f32 v27, v62;
	v10 =	vadd.f32 v28, v10  }
0x27f: {  	v24 =	vmul.f32 v60, v47;
	v25 =	vadd.f32 v63, v15;
	v22 =	vadd.f32 v16, v0;
	v15 =	vld [tilespmem:s25+$0x120]  }
0x280: {  	s9 =	simm.s32 $0x13E20;
	s8 =	simm.s32 $0x0;
	v23 =	vadd.f32 v32, v23;
	v21 =	vadd.f32 v59, v20;
	v20 =	vmul.f32 v61, v12;
	v16 =	vld [tilespmem:s25+$0x130]  }
.LBB2_26:
0x281: {  	v26 =	vld [tilespmem:s9+$0xC0];
	v0 =	vadd.f32 v4, v25;
	v4 =	vadd.f32 v24, v22;
	v12 =	vmul.f32 v17, v12  }
0x282: {  	v17 =	vld [tilespmem:s9+$0xD0];
	v2 =	vadd.f32 v2, v23;
	v11 =	vadd.f32 v11, v21;
	v18 =	vmul.f32 v18, v7  }
0x283: {  	v21 =	vld [tilespmem:s9+$0xE0];
	v0 =	vadd.f32 v20, v0;
	v4 =	vadd.f32 v12, v4;
	v7 =	vmul.f32 v19, v7  }
0x284: {  	v19 =	vld [tilespmem:s9+$0xF0];
	v2 =	vadd.f32 v14, v2;
	v11 =	vadd.f32 v13, v11;
	v12 =	vmul.f32 v15, v1  }
0x285: {  	s10 =	sadd.s32 s8, s4;
	v13 =	vld [tilespmem:s9+$0x100];
	v14 =	vadd.f32 v18, v0;
	v7 =	vadd.f32 v7, v4;
	v1 =	vmul.f32 v16, v1  }
0x286: {  	s11 =	sadd.s32 $0x103, s10;
	v18 =	vld [tilespmem:s9+$0x110];
	v0 =	vadd.f32 v5, v2;
	v4 =	vadd.f32 v3, v11  }
0x287: {  	v3 =	vmov s11;
	v2 =	vld [tilespmem:s9+$0x40];
	v15 =	vadd.f32 v12, v14;
	v16 =	vadd.f32 v1, v7  }
0x288: {  	s11 =	sand.u32 $0xFFFFFFF0, s11;
	v1 =	vand.u32 $0xF, v3;
	v11 =	vld [tilespmem:s9+$0x50]  }
0x289: {  	s12 =	sadd.s32 $0x102, s10;
	v1 =	vor.u32 s11, v1;
	v14 =	vld [tilespmem:s9+$0x60]  }
0x28a: {  	v3 =	vmov s12;
	v1 =	vbroadcast v1, $0x0;
	v20 =	vld [tilespmem:s9+$0x70]  }
0x28b: {  	s11 =	sand.u32 $0xFFFFFFF0, s12;
	v3 =	vand.u32 $0xF, v3;
	v22 =	vld [tilespmem:s9+$0x80]  }
0x28c: {  	s12 =	sadd.s32 $0x101, s10;
	v3 =	vor.u32 s11, v3;
	v23 =	vld [tilespmem:s9+$0x90]  }
0x28d: {  	v5 =	vmov s12;
	v3 =	vbroadcast v3, $0x0;
	v24 =	vld [tilespmem:s9+$0xFFFFFFC0]  }
0x28e: {  	s11 =	sadd.s32 $0x100, s10;
	s12 =	sand.u32 $0xFFFFFFF0, s12;
	v5 =	vand.u32 $0xF, v5;
	v25 =	vld [tilespmem:s9+$0xFFFFFFD0]  }
0x28f: {  	s10 =	sadd.s32 $0xFF, s10;
	v7 =	vmov s11;
	v5 =	vor.u32 s12, v5;
	v27 =	vld [tilespmem:s9+$0xFFFFFFE0]  }
0x290: {  	v12 =	vmov s10;
	s11 =	sand.u32 $0xFFFFFFF0, s11;
	v7 =	vand.u32 $0xF, v7;
	v5 =	vbroadcast v5, $0x0;
	v1 =	vld.idx.msk [tilespmem:v1+s7+$0x0], $0xffff  }
0x291: {  	s10 =	sand.u32 $0xFFFFFFF0, s10;
	v12 =	vand.u32 $0xF, v12;
	v7 =	vor.u32 s11, v7;
	v28 =	vld [tilespmem:s9+$0xFFFFFFF0]  }
0x292: {  	v12 =	vor.u32 s10, v12;
	v29 =	vbroadcast v7, $0x0;
	v30 =	vld [tilespmem:s9+$0xFFFFFF40]  }
0x293: {  	v31 =	vbroadcast v12, $0x0;
	v7 =	vld.idx.msk [tilespmem:v3+s7+$0x0], $0xffff  }
0x294: {  	v32 =	vld [tilespmem:s9+$0xFFFFFF50]  }
0x295: {  	v33 =	vld [tilespmem:s9+$0xFFFFFEC0]  }
0x296: {  	v26 =	vmul.f32 v26, v1;
	v34 =	vmul.f32 v17, v1;
	v12 =	vld.idx.msk [tilespmem:v5+s7+$0x0], $0xffff  }
0x297: {  	v21 =	vmul.f32 v21, v1;
	v19 =	vmul.f32 v19, v1;
	v17 =	vld [tilespmem:s9+$0xFFFFFED0]  }
0x298: {  	v3 =	vmul.f32 v18, v1;
	v5 =	vmul.f32 v13, v1;
	v29 =	vld.idx.msk [tilespmem:v29+s7+$0x0], $0xffff  }
0x299: {  	s8 =	sadd.s32 $0x5, s8;
	v35 =	vmul.f32 v11, v7;
	v18 =	vld.idx.msk [tilespmem:v31+s7+$0x0], $0xffff;
	v31 =	vmul.f32 v2, v7  }
0x29a: {  	p0 =	slt.u32 s8, $0x78;
	v36 =	vmul.f32 v14, v7;
	v20 =	vmul.f32 v20, v7;
	v2 =	vld [tilespmem:s9+$0xFFFFFEE0]  }
0x29b: {  	v14 =	vmul.f32 v22, v7;
	v13 =	vmul.f32 v23, v7;
	v11 =	vld [tilespmem:s9+$0xFFFFFEF0]  }
0x29c: {  	v23 =	vmul.f32 v24, v12;
	v24 =	vmul.f32 v25, v12;
	v22 =	vld [tilespmem:s9+$0xFFFFFF60]  }
0x29d: {  	v27 =	vmul.f32 v27, v12;
	v28 =	vmul.f32 v28, v12;
	v25 =	vld [tilespmem:s9+$0xFFFFFF70]  }
0x29e: {  	v30 =	vmul.f32 v30, v29;
	v32 =	vmul.f32 v32, v29;
	v37 =	vld [tilespmem:s9+$0x0]  }
0x29f: {  	v33 =	vmul.f32 v33, v18;
	v17 =	vmul.f32 v17, v18;
	v38 =	vld [tilespmem:s9+$0x10]  }
0x2a0: {  	v2 =	vmul.f32 v2, v18;
	v11 =	vmul.f32 v11, v18;
	v39 =	vld [tilespmem:s9+$0xFFFFFF80]  }
0x2a1: {  	v6 =	vadd.f32 v33, v6;
	v8 =	vadd.f32 v17, v8;
	v17 =	vmul.f32 v22, v29;
	v22 =	vld [tilespmem:s9+$0xFFFFFF90]  }
0x2a2: {  	v9 =	vadd.f32 v2, v9;
	v10 =	vadd.f32 v11, v10;
	v33 =	vld [tilespmem:s9+$0xFFFFFF00];
	v11 =	vmul.f32 v25, v29  }
0x2a3: {  	v6 =	vadd.f32 v30, v6;
	v8 =	vadd.f32 v32, v8;
	v25 =	vld [tilespmem:s9+$0xFFFFFF10];
	v2 =	vmul.f32 v37, v12  }
0x2a4: {  	v9 =	vadd.f32 v17, v9;
	v30 =	vld [tilespmem:s9+$0xFFFFFF20];
	v10 =	vadd.f32 v11, v10;
	v11 =	vmul.f32 v38, v12  }
0x2a5: {  	v6 =	vadd.f32 v23, v6;
	v8 =	vadd.f32 v24, v8;
	v32 =	vld [tilespmem:s9+$0xFFFFFF30];
	v37 =	vmul.f32 v39, v29  }
0x2a6: {  	v9 =	vadd.f32 v27, v9;
	v38 =	vmul.f32 v22, v29;
	v22 =	vld [tilespmem:s9+$0xFFFFFFA0];
	v10 =	vadd.f32 v28, v10  }
0x2a7: {  	v6 =	vadd.f32 v31, v6;
	v8 =	vadd.f32 v35, v8;
	v23 =	vmul.f32 v33, v18;
	v24 =	vld [tilespmem:s9+$0xFFFFFFB0]  }
0x2a8: {  	v9 =	vadd.f32 v36, v9;
	v25 =	vmul.f32 v25, v18;
	v27 =	vld [tilespmem:s9+$0x20];
	v10 =	vadd.f32 v20, v10  }
.Ltmp13:
0x2a9: {  	v6 =	vadd.f32 v26, v6;
	v8 =	vadd.f32 v34, v8;
	v20 =	vmul.f32 v30, v18;
	v17 =	vld [tilespmem:s9+$0x30];
	(pc) =	sbr.rel @p0 .LBB2_26-.Ltmp13, $4  }
0x2aa: {  	v9 =	vadd.f32 v21, v9;
	v26 =	vmul.f32 v32, v18;
	v18 =	vld [tilespmem:s9+$0xA0];
	v10 =	vadd.f32 v19, v10  }
0x2ab: {  	v0 =	vadd.f32 v23, v0;
	v21 =	vadd.f32 v25, v4;
	v4 =	vmul.f32 v22, v29;
	v19 =	vld [tilespmem:s9+$0xB0]  }
0x2ac: {  	v25 =	vadd.f32 v20, v15;
	v22 =	vadd.f32 v26, v16;
	v24 =	vmul.f32 v24, v29;
	v15 =	vld [tilespmem:s9+$0x120]  }
0x2ad: {  	v23 =	vadd.f32 v37, v0;
	v21 =	vadd.f32 v38, v21;
	v20 =	vmul.f32 v27, v12;
	v16 =	vld [tilespmem:s9+$0x130];
	s9 =	sadd.s32 $0x280, s9  }
0x2ae: {  	s7 =	simm.s32 $0x0;
	s8 =	simm.s32 $0x13A60;
	s24 =	simm.s32 $0x1  }
0x2af: {  	[tilespmem:s8], [sflag:$0x1] =	stream.linear.gather [hbm4b:s6+s7], $0x3E80, $0x38;
	[tilespmem:$0x1C7E0] =	vst v63  }
0x2b0: {  	_ =	swait.ge [sflag:s24], $0x3E80  }
0x2b1: {  	[sflag:s24] =	ssyncset.done $0x0  }
0x2b2: {  	s25 =	simm.s32 $0x17A20;
	[sflag:s24] =	ssyncadd.s32 $0xFFFFC180  }
0x2b3: {  	v26 =	vld [tilespmem:s25+$0xC0]  }
0x2b4: {  	v27 =	vld [tilespmem:s25+$0xD0]  }
0x2b5: {  	v28 =	vld [tilespmem:s25+$0xE0]  }
0x2b6: {  	v29 =	vld [tilespmem:s25+$0xF0]  }
0x2b7: {  	v30 =	vld [tilespmem:s25+$0x100]  }
0x2b8: {  	s26 =	sadd.s32 $0xFFFFFFFB, s4;
	v31 =	vld [tilespmem:s25+$0x110]  }
0x2b9: {  	s28 =	sadd.s32 $0x180, s26;
	v32 =	vld [tilespmem:s25+$0x40]  }
0x2ba: {  	v0 =	vmov s28;
	v33 =	vld [tilespmem:s25+$0x50]  }
0x2bb: {  	s6 =	sand.u32 $0xFFFFFFF0, s28;
	v0 =	vand.u32 $0xF, v0;
	v34 =	vld [tilespmem:s25+$0x60]  }
0x2bc: {  	s9 =	sadd.s32 $0x17F, s26;
	v0 =	vor.u32 s6, v0;
	v36 =	vld [tilespmem:s25+$0x70]  }
0x2bd: {  	v35 =	vmov s9;
	v0 =	vbroadcast v0, $0x0;
	v37 =	vld [tilespmem:s25+$0x80]  }
0x2be: {  	s29 =	sand.u32 $0xFFFFFFF0, s9;
	v35 =	vand.u32 $0xF, v35;
	v38 =	vld [tilespmem:s25+$0x90]  }
0x2bf: {  	s30 =	sadd.s32 $0x17E, s26;
	v35 =	vor.u32 s29, v35;
	v40 =	vld [tilespmem:s25+$0xFFFFFFC0]  }
0x2c0: {  	v25 =	vadd.f32 v4, v25;
	s10 =	sadd.s32 $0x17D, s26;
	v39 =	vmov s30;
	v35 =	vbroadcast v35, $0x0;
	v41 =	vld [tilespmem:s25+$0xFFFFFFD0]  }
0x2c1: {  	s7 =	sadd.s32 $0x17C, s26;
	v18 =	vmul.f32 v18, v7;
	s9 =	sand.u32 $0xFFFFFFF0, s30;
	v42 =	vmov s10;
	v39 =	vand.u32 $0xF, v39;
	v43 =	vld [tilespmem:s25+$0xFFFFFFE0]  }
0x2c2: {  	v44 =	vmov s7;
	s31 =	sand.u32 $0xFFFFFFF0, s10;
	v42 =	vand.u32 $0xF, v42;
	s6 =	simm.s32 $0xEA60;
	v39 =	vor.u32 s9, v39;
	v46 =	vld [tilespmem:s25+$0xFFFFFF40]  }
0x2c3: {  	s7 =	sand.u32 $0xFFFFFFF0, s7;
	v44 =	vand.u32 $0xF, v44;
	v42 =	vor.u32 s31, v42;
	v39 =	vbroadcast v39, $0x0;
	v0 =	vld.idx.msk [tilespmem:v0+s6+$0x0], $0xffff  }
0x2c4: {  	v7 =	vmul.f32 v19, v7;
	v44 =	vor.u32 s7, v44;
	v42 =	vbroadcast v42, $0x0;
	v19 =	vld [tilespmem:s25+$0xFFFFFF50]  }
0x2c5: {  	v12 =	vmul.f32 v17, v12;
	v22 =	vadd.f32 v24, v22;
	v17 =	vbroadcast v44, $0x0;
	v24 =	vld [tilespmem:s25+$0xFFFFFEC0]  }
0x2c6: {  	v4 =	vld.idx.msk [tilespmem:v35+s6+$0x0], $0xffff  }
0x2c7: {  	v23 =	vadd.f32 v2, v23;
	v20 =	vadd.f32 v20, v25;
	v15 =	vmul.f32 v15, v1;
	v25 =	vld [tilespmem:s25+$0xFFFFFED0]  }
0x2c8: {  	v21 =	vadd.f32 v11, v21;
	v16 =	vmul.f32 v16, v1;
	v53 =	vld [tilespmem:s25+$0xFFFFFEE0];
	v26 =	vmul.f32 v26, v0  }
0x2c9: {  	v22 =	vadd.f32 v12, v22;
	v11 =	vld.idx.msk [tilespmem:v39+s6+$0x0], $0xffff;
	v27 =	vmul.f32 v27, v0;
	v28 =	vmul.f32 v28, v0  }
0x2ca: {  	v14 =	vadd.f32 v14, v23;
	v51 =	vld.idx.msk [tilespmem:v42+s6+$0x0], $0xffff;
	v29 =	vmul.f32 v29, v0;
	v2 =	vmul.f32 v30, v0  }
0x2cb: {  	v21 =	vadd.f32 v13, v21;
	v23 =	vld.idx.msk [tilespmem:v17+s6+$0x0], $0xffff;
	v1 =	vmul.f32 v31, v0;
	v17 =	vmul.f32 v32, v4  }
0x2cc: {  	v18 =	vadd.f32 v18, v20;
	v20 =	vld [tilespmem:s25+$0xFFFFFEF0];
	v52 =	vmul.f32 v33, v4;
	v54 =	vmul.f32 v34, v4  }
0x2cd: {  	v7 =	vadd.f32 v7, v22;
	v22 =	vld [tilespmem:s25+$0xFFFFFF60];
	v55 =	vmul.f32 v36, v4;
	v13 =	vmul.f32 v37, v4  }
0x2ce: {  	v45 =	vld [tilespmem:s25+$0xFFFFFFF0];
	v58 =	vadd.f32 v5, v14;
	v12 =	vmul.f32 v38, v4;
	v56 =	vmul.f32 v40, v11  }
0x2cf: {  	v5 =	vld [tilespmem:s25+$0xFFFFFF70];
	v21 =	vadd.f32 v3, v21;
	v3 =	vmul.f32 v46, v51;
	v14 =	vmul.f32 v19, v51  }
0x2d0: {  	v60 =	vld [tilespmem:s25+$0xFFFFFF80];
	v15 =	vadd.f32 v15, v18;
	v18 =	vmul.f32 v24, v23;
	v24 =	vmul.f32 v25, v23  }
0x2d1: {  	v16 =	vadd.f32 v16, v7;
	v19 =	vld [tilespmem:s25+$0x0];
	v7 =	vmul.f32 v53, v23;
	v20 =	vmul.f32 v20, v23  }
0x2d2: {  	v6 =	vadd.f32 v18, v6;
	v8 =	vadd.f32 v24, v8;
	v18 =	vmul.f32 v22, v51;
	v22 =	vld [tilespmem:s25+$0xFFFFFF90]  }
0x2d3: {  	v57 =	vmul.f32 v41, v11;
	v7 =	vadd.f32 v7, v9;
	v9 =	vadd.f32 v20, v10;
	v20 =	vld [tilespmem:s25+$0xFFFFFF00]  }
0x2d4: {  	v59 =	vmul.f32 v43, v11;
	v5 =	vmul.f32 v5, v51;
	v24 =	vld [tilespmem:s25+$0xFFFFFF10];
	v3 =	vadd.f32 v3, v6  }
0x2d5: {  	v39 =	vmul.f32 v45, v11;
	v25 =	vld [tilespmem:s25+$0x10];
	v6 =	vadd.f32 v14, v8;
	v7 =	vadd.f32 v18, v7  }
0x2d6: {  	v31 =	vmul.f32 v60, v51;
	v8 =	vld [tilespmem:s25+$0xFFFFFF20];
	v5 =	vadd.f32 v5, v9;
	v3 =	vadd.f32 v56, v3  }
0x2d7: {  	v9 =	vld [tilespmem:s25+$0xFFFFFF30];
	v10 =	vmul.f32 v19, v11;
	v6 =	vadd.f32 v57, v6;
	v7 =	vadd.f32 v59, v7  }
0x2d8: {  	v19 =	vld [tilespmem:s25+$0xFFFFFFA0];
	v5 =	vadd.f32 v39, v5;
	v61 =	vmul.f32 v22, v51;
	v20 =	vmul.f32 v20, v23  }
0x2d9: {  	v62 =	vld [tilespmem:s25+$0xFFFFFFB0];
	v22 =	vmul.f32 v24, v23;
	v3 =	vadd.f32 v17, v3;
	v6 =	vadd.f32 v52, v6  }
0x2da: {  	v63 =	vld [tilespmem:s25+$0x20];
	v14 =	vmul.f32 v25, v11;
	v7 =	vadd.f32 v54, v7;
	v24 =	vadd.f32 v55, v5  }
0x2db: {  	v17 =	vld [tilespmem:s25+$0x30];
	v8 =	vmul.f32 v8, v23;
	v20 =	vadd.f32 v20, v58;
	v21 =	vadd.f32 v22, v21  }
0x2dc: {  	v18 =	vld [tilespmem:s25+$0xA0];
	v23 =	vmul.f32 v9, v23;
	v3 =	vadd.f32 v26, v3;
	v5 =	vadd.f32 v27, v6  }
0x2dd: {  	v6 =	vadd.f32 v28, v7;
	v7 =	vadd.f32 v29, v24;
	v9 =	vmul.f32 v19, v51;
	v19 =	vld [tilespmem:s25+$0xB0]  }
0x2de: {  	v24 =	vmul.f32 v62, v51;
	v25 =	vadd.f32 v8, v15;
	v22 =	vadd.f32 v23, v16;
	v15 =	vld [tilespmem:s25+$0x120]  }
0x2df: {  	s8 =	simm.s32 $0x17CA0;
	s7 =	simm.s32 $0x0;
	v23 =	vadd.f32 v31, v20;
	v21 =	vadd.f32 v61, v21;
	v20 =	vmul.f32 v63, v11;
	v16 =	vld [tilespmem:s25+$0x130]  }
.LBB2_28:
0x2e0: {  	v26 =	vld [tilespmem:s8+$0xC0];
	v8 =	vadd.f32 v9, v25;
	v9 =	vadd.f32 v24, v22;
	v11 =	vmul.f32 v17, v11  }
0x2e1: {  	v17 =	vld [tilespmem:s8+$0xD0];
	v10 =	vadd.f32 v10, v23;
	v14 =	vadd.f32 v14, v21;
	v18 =	vmul.f32 v18, v4  }
0x2e2: {  	v21 =	vld [tilespmem:s8+$0xE0];
	v8 =	vadd.f32 v20, v8;
	v9 =	vadd.f32 v11, v9;
	v4 =	vmul.f32 v19, v4  }
0x2e3: {  	v19 =	vld [tilespmem:s8+$0xF0];
	v10 =	vadd.f32 v13, v10;
	v11 =	vadd.f32 v12, v14;
	v12 =	vmul.f32 v15, v0  }
0x2e4: {  	s9 =	sadd.s32 s7, s4;
	v13 =	vld [tilespmem:s8+$0x100];
	v14 =	vadd.f32 v18, v8;
	v4 =	vadd.f32 v4, v9;
	v0 =	vmul.f32 v16, v0  }
0x2e5: {  	s10 =	sadd.s32 $0x180, s9;
	v18 =	vld [tilespmem:s8+$0x110];
	v8 =	vadd.f32 v2, v10;
	v9 =	vadd.f32 v1, v11  }
0x2e6: {  	v1 =	vmov s10;
	v10 =	vld [tilespmem:s8+$0x40];
	v15 =	vadd.f32 v12, v14;
	v16 =	vadd.f32 v0, v4  }
0x2e7: {  	s10 =	sand.u32 $0xFFFFFFF0, s10;
	v0 =	vand.u32 $0xF, v1;
	v12 =	vld [tilespmem:s8+$0x50]  }
0x2e8: {  	s11 =	sadd.s32 $0x17F, s9;
	v0 =	vor.u32 s10, v0;
	v14 =	vld [tilespmem:s8+$0x60]  }
0x2e9: {  	v1 =	vmov s11;
	v0 =	vbroadcast v0, $0x0;
	v20 =	vld [tilespmem:s8+$0x70]  }
0x2ea: {  	s10 =	sand.u32 $0xFFFFFFF0, s11;
	v1 =	vand.u32 $0xF, v1;
	v22 =	vld [tilespmem:s8+$0x80]  }
0x2eb: {  	s11 =	sadd.s32 $0x17E, s9;
	v1 =	vor.u32 s10, v1;
	v23 =	vld [tilespmem:s8+$0x90]  }
0x2ec: {  	v2 =	vmov s11;
	v1 =	vbroadcast v1, $0x0;
	v24 =	vld [tilespmem:s8+$0xFFFFFFC0]  }
0x2ed: {  	s10 =	sadd.s32 $0x17D, s9;
	s11 =	sand.u32 $0xFFFFFFF0, s11;
	v2 =	vand.u32 $0xF, v2;
	v25 =	vld [tilespmem:s8+$0xFFFFFFD0]  }
0x2ee: {  	s9 =	sadd.s32 $0x17C, s9;
	v4 =	vmov s10;
	v2 =	vor.u32 s11, v2;
	v27 =	vld [tilespmem:s8+$0xFFFFFFE0]  }
0x2ef: {  	v11 =	vmov s9;
	s10 =	sand.u32 $0xFFFFFFF0, s10;
	v4 =	vand.u32 $0xF, v4;
	v2 =	vbroadcast v2, $0x0;
	v0 =	vld.idx.msk [tilespmem:v0+s6+$0x0], $0xffff  }
0x2f0: {  	s9 =	sand.u32 $0xFFFFFFF0, s9;
	v11 =	vand.u32 $0xF, v11;
	v4 =	vor.u32 s10, v4;
	v28 =	vld [tilespmem:s8+$0xFFFFFFF0]  }
0x2f1: {  	v11 =	vor.u32 s9, v11;
	v29 =	vbroadcast v4, $0x0;
	v30 =	vld [tilespmem:s8+$0xFFFFFF40]  }
0x2f2: {  	v31 =	vbroadcast v11, $0x0;
	v4 =	vld.idx.msk [tilespmem:v1+s6+$0x0], $0xffff  }
0x2f3: {  	v32 =	vld [tilespmem:s8+$0xFFFFFF50]  }
0x2f4: {  	v33 =	vld [tilespmem:s8+$0xFFFFFEC0]  }
0x2f5: {  	v26 =	vmul.f32 v26, v0;
	v34 =	vmul.f32 v17, v0;
	v11 =	vld.idx.msk [tilespmem:v2+s6+$0x0], $0xffff  }
0x2f6: {  	v21 =	vmul.f32 v21, v0;
	v19 =	vmul.f32 v19, v0;
	v17 =	vld [tilespmem:s8+$0xFFFFFED0]  }
0x2f7: {  	v1 =	vmul.f32 v18, v0;
	v2 =	vmul.f32 v13, v0;
	v29 =	vld.idx.msk [tilespmem:v29+s6+$0x0], $0xffff  }
0x2f8: {  	s7 =	sadd.s32 $0x5, s7;
	v35 =	vmul.f32 v12, v4;
	v18 =	vld.idx.msk [tilespmem:v31+s6+$0x0], $0xffff;
	v31 =	vmul.f32 v10, v4  }
0x2f9: {  	p0 =	slt.u32 s7, $0x78;
	v36 =	vmul.f32 v14, v4;
	v20 =	vmul.f32 v20, v4;
	v10 =	vld [tilespmem:s8+$0xFFFFFEE0]  }
0x2fa: {  	v13 =	vmul.f32 v22, v4;
	v12 =	vmul.f32 v23, v4;
	v14 =	vld [tilespmem:s8+$0xFFFFFEF0]  }
0x2fb: {  	v23 =	vmul.f32 v24, v11;
	v24 =	vmul.f32 v25, v11;
	v22 =	vld [tilespmem:s8+$0xFFFFFF60]  }
0x2fc: {  	v27 =	vmul.f32 v27, v11;
	v28 =	vmul.f32 v28, v11;
	v25 =	vld [tilespmem:s8+$0xFFFFFF70]  }
0x2fd: {  	v30 =	vmul.f32 v30, v29;
	v32 =	vmul.f32 v32, v29;
	v37 =	vld [tilespmem:s8+$0x0]  }
0x2fe: {  	v33 =	vmul.f32 v33, v18;
	v17 =	vmul.f32 v17, v18;
	v38 =	vld [tilespmem:s8+$0x10]  }
0x2ff: {  	v10 =	vmul.f32 v10, v18;
	v14 =	vmul.f32 v14, v18;
	v39 =	vld [tilespmem:s8+$0xFFFFFF80]  }
0x300: {  	v3 =	vadd.f32 v33, v3;
	v5 =	vadd.f32 v17, v5;
	v17 =	vmul.f32 v22, v29;
	v22 =	vld [tilespmem:s8+$0xFFFFFF90]  }
0x301: {  	v6 =	vadd.f32 v10, v6;
	v7 =	vadd.f32 v14, v7;
	v33 =	vld [tilespmem:s8+$0xFFFFFF00];
	v14 =	vmul.f32 v25, v29  }
0x302: {  	v3 =	vadd.f32 v30, v3;
	v5 =	vadd.f32 v32, v5;
	v25 =	vld [tilespmem:s8+$0xFFFFFF10];
	v10 =	vmul.f32 v37, v11  }
0x303: {  	v6 =	vadd.f32 v17, v6;
	v30 =	vld [tilespmem:s8+$0xFFFFFF20];
	v7 =	vadd.f32 v14, v7;
	v14 =	vmul.f32 v38, v11  }
0x304: {  	v3 =	vadd.f32 v23, v3;
	v5 =	vadd.f32 v24, v5;
	v32 =	vld [tilespmem:s8+$0xFFFFFF30];
	v37 =	vmul.f32 v39, v29  }
0x305: {  	v6 =	vadd.f32 v27, v6;
	v38 =	vmul.f32 v22, v29;
	v22 =	vld [tilespmem:s8+$0xFFFFFFA0];
	v7 =	vadd.f32 v28, v7  }
0x306: {  	v3 =	vadd.f32 v31, v3;
	v5 =	vadd.f32 v35, v5;
	v23 =	vmul.f32 v33, v18;
	v24 =	vld [tilespmem:s8+$0xFFFFFFB0]  }
0x307: {  	v6 =	vadd.f32 v36, v6;
	v25 =	vmul.f32 v25, v18;
	v27 =	vld [tilespmem:s8+$0x20];
	v7 =	vadd.f32 v20, v7  }
.Ltmp14:
0x308: {  	v3 =	vadd.f32 v26, v3;
	v5 =	vadd.f32 v34, v5;
	v20 =	vmul.f32 v30, v18;
	v17 =	vld [tilespmem:s8+$0x30];
	(pc) =	sbr.rel @p0 .LBB2_28-.Ltmp14, $4  }
0x309: {  	v6 =	vadd.f32 v21, v6;
	v26 =	vmul.f32 v32, v18;
	v18 =	vld [tilespmem:s8+$0xA0];
	v7 =	vadd.f32 v19, v7  }
0x30a: {  	v8 =	vadd.f32 v23, v8;
	v21 =	vadd.f32 v25, v9;
	v9 =	vmul.f32 v22, v29;
	v19 =	vld [tilespmem:s8+$0xB0]  }
0x30b: {  	v25 =	vadd.f32 v20, v15;
	v22 =	vadd.f32 v26, v16;
	v24 =	vmul.f32 v24, v29;
	v15 =	vld [tilespmem:s8+$0x120]  }
0x30c: {  	v23 =	vadd.f32 v37, v8;
	v21 =	vadd.f32 v38, v21;
	v20 =	vmul.f32 v27, v11;
	v16 =	vld [tilespmem:s8+$0x130];
	s8 =	sadd.s32 $0x280, s8  }
0x30d: {  	s6 =	simm.s32 $0x1  }
0x30e: {  	_ =	swait.ge [sflag:s6], $0x3E80  }
0x30f: {  	[sflag:s6] =	ssyncset.done $0x0  }
0x310: {  	s8 =	simm.s32 $0x13BA0;
	[sflag:s6] =	ssyncadd.s32 $0xFFFFC180  }
0x311: {  	v26 =	vld [tilespmem:s8+$0xC0]  }
0x312: {  	v27 =	vld [tilespmem:s8+$0xD0]  }
0x313: {  	v28 =	vld [tilespmem:s8+$0xE0]  }
0x314: {  	v29 =	vld [tilespmem:s8+$0xF0]  }
0x315: {  	v30 =	vld [tilespmem:s8+$0x100]  }
0x316: {  	s7 =	sadd.s32 $0xFFFFFFFB, s4;
	v31 =	vld [tilespmem:s8+$0x110]  }
0x317: {  	s28 =	sadd.s32 $0x1FD, s7;
	v32 =	vld [tilespmem:s8+$0x40]  }
0x318: {  	v8 =	vmov s28;
	v33 =	vld [tilespmem:s8+$0x50]  }
0x319: {  	s6 =	sand.u32 $0xFFFFFFF0, s28;
	v8 =	vand.u32 $0xF, v8;
	v34 =	vld [tilespmem:s8+$0x60]  }
0x31a: {  	s9 =	sadd.s32 $0x1FC, s7;
	v8 =	vor.u32 s6, v8;
	v36 =	vld [tilespmem:s8+$0x70]  }
0x31b: {  	v35 =	vmov s9;
	v37 =	vld [tilespmem:s8+$0x80];
	v8 =	vbroadcast v8, $0x0  }
0x31c: {  	s29 =	sand.u32 $0xFFFFFFF0, s9;
	v35 =	vand.u32 $0xF, v35;
	v38 =	vld [tilespmem:s8+$0x90]  }
0x31d: {  	s30 =	sadd.s32 $0x1FB, s7;
	v35 =	vor.u32 s29, v35;
	v40 =	vld [tilespmem:s8+$0xFFFFFFC0]  }
0x31e: {  	s10 =	sadd.s32 $0x1FA, s7;
	v39 =	vmov s30;
	v41 =	vld [tilespmem:s8+$0xFFFFFFD0];
	v35 =	vbroadcast v35, $0x0  }
0x31f: {  	s7 =	sadd.s32 $0x1F9, s7;
	s9 =	sand.u32 $0xFFFFFFF0, s30;
	v42 =	vmov s10;
	v39 =	vand.u32 $0xF, v39;
	v43 =	vld [tilespmem:s8+$0xFFFFFFE0]  }
0x320: {  	v44 =	vmov s7;
	s31 =	sand.u32 $0xFFFFFFF0, s10;
	v42 =	vand.u32 $0xF, v42;
	s6 =	simm.s32 $0xEA60;
	v39 =	vor.u32 s9, v39;
	v45 =	vld [tilespmem:s8+$0xFFFFFFF0]  }
0x321: {  	s7 =	sand.u32 $0xFFFFFFF0, s7;
	v44 =	vand.u32 $0xF, v44;
	v42 =	vor.u32 s31, v42;
	v39 =	vbroadcast v39, $0x0;
	v8 =	vld.idx.msk [tilespmem:v8+s6+$0x0], $0xffff  }
0x322: {  	v44 =	vor.u32 s7, v44;
	v46 =	vld [tilespmem:s8+$0xFFFFFF40];
	v42 =	vbroadcast v42, $0x0  }
0x323: {  	v11 =	vmul.f32 v17, v11;
	v22 =	vadd.f32 v24, v22;
	v24 =	vld [tilespmem:s8+$0xFFFFFF50];
	v17 =	vbroadcast v44, $0x0  }
0x324: {  	v25 =	vadd.f32 v9, v25;
	v18 =	vmul.f32 v18, v4;
	v19 =	vmul.f32 v19, v4;
	v9 =	vld.idx.msk [tilespmem:v35+s6+$0x0], $0xffff  }
0x325: {  	v14 =	vadd.f32 v14, v21;
	v15 =	vmul.f32 v15, v0;
	v16 =	vmul.f32 v16, v0;
	v63 =	vld [tilespmem:s8+$0xFFFFFEC0]  }
0x326: {  	v20 =	vadd.f32 v20, v25;
	v25 =	vld [tilespmem:s8+$0xFFFFFED0];
	v21 =	vmul.f32 v26, v8;
	v26 =	vmul.f32 v27, v8  }
0x327: {  	v23 =	vadd.f32 v10, v23;
	v10 =	vld.idx.msk [tilespmem:v39+s6+$0x0], $0xffff;
	v27 =	vmul.f32 v28, v8;
	v44 =	vmul.f32 v29, v8  }
0x328: {  	v22 =	vadd.f32 v11, v22;
	v47 =	vld.idx.msk [tilespmem:v42+s6+$0x0], $0xffff;
	v4 =	vmul.f32 v30, v8;
	v0 =	vmul.f32 v31, v8  }
0x329: {  	v13 =	vadd.f32 v13, v23;
	v23 =	vld.idx.msk [tilespmem:v17+s6+$0x0], $0xffff;
	v17 =	vmul.f32 v32, v9;
	v48 =	vmul.f32 v33, v9  }
0x32a: {  	v14 =	vadd.f32 v12, v14;
	v49 =	vld [tilespmem:s8+$0xFFFFFEE0];
	v50 =	vmul.f32 v34, v9;
	v51 =	vmul.f32 v36, v9  }
0x32b: {  	v18 =	vadd.f32 v18, v20;
	v20 =	vld [tilespmem:s8+$0xFFFFFEF0];
	v11 =	vmul.f32 v37, v9;
	v12 =	vmul.f32 v38, v9  }
0x32c: {  	v19 =	vadd.f32 v19, v22;
	v59 =	vld [tilespmem:s8+$0xFFFFFF10];
	v52 =	vmul.f32 v40, v10;
	v53 =	vmul.f32 v41, v10  }
0x32d: {  	v22 =	vld [tilespmem:s8+$0xFFFFFF60];
	v13 =	vadd.f32 v2, v13;
	v54 =	vmul.f32 v43, v10;
	v55 =	vmul.f32 v45, v10  }
0x32e: {  	v2 =	vld [tilespmem:s8+$0xFFFFFF70];
	v14 =	vadd.f32 v1, v14;
	v1 =	vmul.f32 v46, v47;
	v24 =	vmul.f32 v24, v47  }
0x32f: {  	v56 =	vld [tilespmem:s8+$0x0];
	v57 =	vadd.f32 v15, v18;
	v15 =	vmul.f32 v63, v23;
	v18 =	vmul.f32 v25, v23  }
0x330: {  	v58 =	vadd.f32 v16, v19;
	v25 =	vld [tilespmem:s8+$0x10];
	v16 =	vmul.f32 v49, v23;
	v19 =	vmul.f32 v20, v23  }
0x331: {  	v20 =	vld [tilespmem:s8+$0xFFFFFF80];
	v60 =	vmul.f32 v59, v23;
	v3 =	vadd.f32 v15, v3;
	v5 =	vadd.f32 v18, v5  }
0x332: {  	v18 =	vmul.f32 v22, v47;
	v22 =	vld [tilespmem:s8+$0xFFFFFF90];
	v6 =	vadd.f32 v16, v6;
	v7 =	vadd.f32 v19, v7  }
0x333: {  	v2 =	vmul.f32 v2, v47;
	v19 =	vld [tilespmem:s8+$0xFFFFFF00];
	v14 =	vadd.f32 v60, v14;
	v1 =	vadd.f32 v1, v3  }
0x334: {  	v15 =	vmul.f32 v56, v10;
	v3 =	vadd.f32 v24, v5;
	v5 =	vld [tilespmem:s8+$0xFFFFFF20];
	v6 =	vadd.f32 v18, v6  }
0x335: {  	v2 =	vadd.f32 v2, v7;
	v7 =	vld [tilespmem:s8+$0xFFFFFF30];
	v16 =	vmul.f32 v25, v10;
	v1 =	vadd.f32 v52, v1  }
0x336: {  	v24 =	vmul.f32 v20, v47;
	v20 =	vld [tilespmem:s8+$0xFFFFFFA0];
	v3 =	vadd.f32 v53, v3;
	v6 =	vadd.f32 v54, v6  }
0x337: {  	v2 =	vadd.f32 v55, v2;
	v25 =	vmul.f32 v22, v47;
	v22 =	vld [tilespmem:s8+$0xFFFFFFB0];
	v1 =	vadd.f32 v17, v1  }
0x338: {  	v61 =	vld [tilespmem:s8+$0x20];
	v19 =	vmul.f32 v19, v23;
	v3 =	vadd.f32 v48, v3;
	v6 =	vadd.f32 v50, v6  }
0x339: {  	v62 =	vadd.f32 v51, v2;
	v17 =	vld [tilespmem:s8+$0x30];
	v63 =	vmul.f32 v5, v23;
	v5 =	vadd.f32 v21, v1  }
0x33a: {  	v18 =	vld [tilespmem:s8+$0xA0];
	v3 =	vadd.f32 v26, v3;
	v21 =	vmul.f32 v7, v23;
	v2 =	vadd.f32 v27, v6  }
0x33b: {  	v1 =	vadd.f32 v44, v62;
	v6 =	vadd.f32 v19, v13;
	v19 =	vmul.f32 v20, v47;
	v7 =	vld [tilespmem:s8+$0xB0]  }
0x33c: {  	v13 =	vld [tilespmem:s8+$0x120];
	v20 =	vadd.f32 v63, v57;
	v21 =	vadd.f32 v21, v58;
	v22 =	vmul.f32 v22, v47  }
0x33d: {  	s7 =	simm.s32 $0x0;
	v23 =	vadd.f32 v24, v6;
	v24 =	vadd.f32 v25, v14;
	v14 =	vmul.f32 v61, v10;
	v6 =	vld [tilespmem:s8+$0x130];
	s8 =	simm.s32 $0x13E20  }
.LBB2_30:
0x33e: {  	v25 =	vld [tilespmem:s8+$0xC0];
	v19 =	vadd.f32 v19, v20;
	v20 =	vadd.f32 v22, v21;
	v10 =	vmul.f32 v17, v10  }
0x33f: {  	v17 =	vld [tilespmem:s8+$0xD0];
	v15 =	vadd.f32 v15, v23;
	v16 =	vadd.f32 v16, v24;
	v18 =	vmul.f32 v18, v9  }
0x340: {  	v21 =	vld [tilespmem:s8+$0xE0];
	v14 =	vadd.f32 v14, v19;
	v10 =	vadd.f32 v10, v20;
	v7 =	vmul.f32 v7, v9  }
0x341: {  	v19 =	vld [tilespmem:s8+$0xF0];
	v9 =	vadd.f32 v11, v15;
	v11 =	vadd.f32 v12, v16;
	v12 =	vmul.f32 v13, v8  }
0x342: {  	s9 =	sadd.s32 s7, s4;
	v15 =	vld [tilespmem:s8+$0x100];
	v13 =	vadd.f32 v18, v14;
	v10 =	vadd.f32 v7, v10;
	v8 =	vmul.f32 v6, v8  }
0x343: {  	s10 =	sadd.s32 $0x1FD, s9;
	v16 =	vld [tilespmem:s8+$0x110];
	v6 =	vadd.f32 v4, v9;
	v7 =	vadd.f32 v0, v11  }
0x344: {  	v0 =	vmov s10;
	v11 =	vld [tilespmem:s8+$0x40];
	v13 =	vadd.f32 v12, v13;
	v14 =	vadd.f32 v8, v10  }
0x345: {  	s10 =	sand.u32 $0xFFFFFFF0, s10;
	v0 =	vand.u32 $0xF, v0;
	v12 =	vld [tilespmem:s8+$0x50]  }
0x346: {  	s11 =	sadd.s32 $0x1FC, s9;
	v0 =	vor.u32 s10, v0;
	v18 =	vld [tilespmem:s8+$0x60]  }
0x347: {  	v4 =	vmov s11;
	v0 =	vbroadcast v0, $0x0;
	v20 =	vld [tilespmem:s8+$0x70]  }
0x348: {  	v4 =	vand.u32 $0xF, v4;
	s10 =	sand.u32 $0xFFFFFFF0, s11;
	v22 =	vld [tilespmem:s8+$0x80]  }
0x349: {  	s11 =	sadd.s32 $0x1FB, s9;
	v4 =	vor.u32 s10, v4;
	v23 =	vld [tilespmem:s8+$0x90]  }
0x34a: {  	v8 =	vmov s11;
	v4 =	vbroadcast v4, $0x0;
	v24 =	vld [tilespmem:s8+$0xFFFFFFC0]  }
0x34b: {  	s10 =	sadd.s32 $0x1FA, s9;
	s11 =	sand.u32 $0xFFFFFFF0, s11;
	v8 =	vand.u32 $0xF, v8;
	v26 =	vld [tilespmem:s8+$0xFFFFFFD0]  }
0x34c: {  	s9 =	sadd.s32 $0x1F9, s9;
	v9 =	vmov s10;
	v8 =	vor.u32 s11, v8;
	v27 =	vld [tilespmem:s8+$0xFFFFFFE0]  }
0x34d: {  	v10 =	vmov s9;
	s10 =	sand.u32 $0xFFFFFFF0, s10;
	v9 =	vand.u32 $0xF, v9;
	v28 =	vbroadcast v8, $0x0;
	v8 =	vld.idx.msk [tilespmem:v0+s6+$0x0], $0xffff  }
0x34e: {  	s9 =	sand.u32 $0xFFFFFFF0, s9;
	v9 =	vor.u32 s10, v9;
	v0 =	vand.u32 $0xF, v10;
	v29 =	vld [tilespmem:s8+$0xFFFFFFF0]  }
0x34f: {  	v30 =	vbroadcast v9, $0x0;
	v0 =	vor.u32 s9, v0;
	v31 =	vld [tilespmem:s8+$0xFFFFFF40]  }
0x350: {  	v32 =	vbroadcast v0, $0x0;
	v9 =	vld.idx.msk [tilespmem:v4+s6+$0x0], $0xffff  }
0x351: {  	v33 =	vld [tilespmem:s8+$0xFFFFFF50]  }
0x352: {  	v34 =	vld [tilespmem:s8+$0xFFFFFEC0]  }
0x353: {  	v25 =	vmul.f32 v25, v8;
	v10 =	vld.idx.msk [tilespmem:v28+s6+$0x0], $0xffff;
	v28 =	vmul.f32 v17, v8  }
0x354: {  	v21 =	vmul.f32 v21, v8;
	v19 =	vmul.f32 v19, v8;
	v17 =	vld [tilespmem:s8+$0xFFFFFED0]  }
0x355: {  	v4 =	vmul.f32 v15, v8;
	v0 =	vmul.f32 v16, v8;
	v30 =	vld.idx.msk [tilespmem:v30+s6+$0x0], $0xffff  }
0x356: {  	s7 =	sadd.s32 $0x5, s7;
	v35 =	vmul.f32 v11, v9;
	v36 =	vmul.f32 v12, v9;
	v32 =	vld.idx.msk [tilespmem:v32+s6+$0x0], $0xffff  }
0x357: {  	p0 =	slt.u32 s7, $0x78;
	v18 =	vmul.f32 v18, v9;
	v20 =	vmul.f32 v20, v9;
	v15 =	vld [tilespmem:s8+$0xFFFFFEE0]  }
0x358: {  	v11 =	vmul.f32 v22, v9;
	v12 =	vmul.f32 v23, v9;
	v16 =	vld [tilespmem:s8+$0xFFFFFEF0]  }
0x359: {  	v23 =	vmul.f32 v24, v10;
	v24 =	vmul.f32 v26, v10;
	v22 =	vld [tilespmem:s8+$0xFFFFFF60]  }
0x35a: {  	v27 =	vmul.f32 v27, v10;
	v29 =	vmul.f32 v29, v10;
	v26 =	vld [tilespmem:s8+$0xFFFFFF70]  }
0x35b: {  	v31 =	vmul.f32 v31, v30;
	v33 =	vmul.f32 v33, v30;
	v37 =	vld [tilespmem:s8+$0x0]  }
0x35c: {  	v34 =	vmul.f32 v34, v32;
	v17 =	vmul.f32 v17, v32;
	v38 =	vld [tilespmem:s8+$0x10]  }
0x35d: {  	v15 =	vmul.f32 v15, v32;
	v16 =	vmul.f32 v16, v32;
	v39 =	vld [tilespmem:s8+$0xFFFFFF80]  }
0x35e: {  	v5 =	vadd.f32 v34, v5;
	v3 =	vadd.f32 v17, v3;
	v17 =	vmul.f32 v22, v30;
	v22 =	vld [tilespmem:s8+$0xFFFFFF90]  }
0x35f: {  	v2 =	vadd.f32 v15, v2;
	v1 =	vadd.f32 v16, v1;
	v34 =	vld [tilespmem:s8+$0xFFFFFF00];
	v16 =	vmul.f32 v26, v30  }
0x360: {  	v5 =	vadd.f32 v31, v5;
	v3 =	vadd.f32 v33, v3;
	v26 =	vld [tilespmem:s8+$0xFFFFFF10];
	v15 =	vmul.f32 v37, v10  }
0x361: {  	v2 =	vadd.f32 v17, v2;
	v31 =	vld [tilespmem:s8+$0xFFFFFF20];
	v1 =	vadd.f32 v16, v1;
	v16 =	vmul.f32 v38, v10  }
0x362: {  	v5 =	vadd.f32 v23, v5;
	v3 =	vadd.f32 v24, v3;
	v33 =	vld [tilespmem:s8+$0xFFFFFF30];
	v37 =	vmul.f32 v39, v30  }
0x363: {  	v2 =	vadd.f32 v27, v2;
	v24 =	vmul.f32 v22, v30;
	v22 =	vld [tilespmem:s8+$0xFFFFFFA0];
	v1 =	vadd.f32 v29, v1  }
0x364: {  	v5 =	vadd.f32 v35, v5;
	v3 =	vadd.f32 v36, v3;
	v23 =	vmul.f32 v34, v32;
	v27 =	vld [tilespmem:s8+$0xFFFFFFB0]  }
0x365: {  	v2 =	vadd.f32 v18, v2;
	v26 =	vmul.f32 v26, v32;
	v29 =	vld [tilespmem:s8+$0x20];
	v1 =	vadd.f32 v20, v1  }
.Ltmp15:
0x366: {  	v5 =	vadd.f32 v25, v5;
	v3 =	vadd.f32 v28, v3;
	v20 =	vmul.f32 v31, v32;
	v17 =	vld [tilespmem:s8+$0x30];
	(pc) =	sbr.rel @p0 .LBB2_30-.Ltmp15, $4  }
0x367: {  	v2 =	vadd.f32 v21, v2;
	v25 =	vmul.f32 v33, v32;
	v18 =	vld [tilespmem:s8+$0xA0];
	v1 =	vadd.f32 v19, v1  }
0x368: {  	v6 =	vadd.f32 v23, v6;
	v26 =	vadd.f32 v26, v7;
	v19 =	vmul.f32 v22, v30;
	v7 =	vld [tilespmem:s8+$0xB0]  }
0x369: {  	v20 =	vadd.f32 v20, v13;
	v21 =	vadd.f32 v25, v14;
	v22 =	vmul.f32 v27, v30;
	v13 =	vld [tilespmem:s8+$0x120]  }
0x36a: {  	v23 =	vadd.f32 v37, v6;
	v24 =	vadd.f32 v24, v26;
	v14 =	vmul.f32 v29, v10;
	v6 =	vld [tilespmem:s8+$0x130];
	s8 =	sadd.s32 $0x280, s8  }
0x36b: {  	v19 =	vadd.f32 v19, v20;
	v52 =	vadd.f32 v22, v21;
	v10 =	vmul.f32 v17, v10  }
0x36c: {  	v5 =	vmul.f32 $9.999999740e-05, v5;
	v3 =	vmul.f32 $9.999999740e-05, v3;
	v15 =	vadd.f32 v15, v23  }
0x36d: {  	v2 =	vmul.f32 $9.999999740e-05, v2;
	v1 =	vmul.f32 $9.999999740e-05, v1;
	v16 =	vadd.f32 v16, v24  }
0x36e: {  	v53 =	vmul.f32 v18, v9;
	v14 =	vadd.f32 v14, v19;
	v54 =	vadd.f32 v11, v15  }
0x36f: {  	v10 =	vadd.f32 v10, v52;
	v7 =	vmul.f32 v7, v9;
	v55 =	vadd.f32 v12, v16  }
0x370: {  	[tilespmem:$0x1B9E0] =	vst v5;
	v56 =	vmul.f32 v13, v8;
	v57 =	vadd.f32 v53, v14;
	v4 =	vadd.f32 v4, v54  }
0x371: {  	[tilespmem:$0x1B9F0] =	vst v3;
	v7 =	vadd.f32 v7, v10;
	v58 =	vmul.f32 v6, v8;
	v0 =	vadd.f32 v0, v55  }
0x372: {  	[tilespmem:$0x1BA00] =	vst v2;
	v59 =	vadd.f32 v56, v57;
	v60 =	vmul.f32 $9.999999740e-05, v4  }
0x373: {  	[tilespmem:$0x1BA10] =	vst v1;
	v61 =	vadd.f32 v58, v7;
	v0 =	vmul.f32 $9.999999740e-05, v0  }
0x374: {  	v62 =	vmul.f32 $9.999999740e-05, v59;
	[tilespmem:$0x1BA20] =	vst v60  }
0x375: {  	v63 =	vmul.f32 $9.999999740e-05, v61;
	[tilespmem:$0x1BA30] =	vst v0  }
0x376: {  	[tilespmem:$0x1BA40] =	vst v62  }
0x377: {  	s6 =	simm.s32 $0x1B9E0;
	s4 =	simm.s32 $0x2;
	p0 =	sne.s32 s2, $0x0;
	[tilespmem:$0x1BA50] =	vst v63  }
0x378: {  	[spmem:s5] =	stream.linear.scatter [tilespmem:s6], [sflag:$0x2], $0x80, $0x38;
	[tilespmem:$0x1C7E0] =	vst v63  }
.Ltmp16:
0x379: {  	_ =	swait.ge [sflag:s4], $0x80;
	(pc) =	sbr.rel @p0 .LBB2_33-.Ltmp16, $3  }
0x37a: {  	[sflag:s4] =	ssyncset.done $0x0  }
0x37b: {  	[sflag:s4] =	ssyncadd.s32 $0xFFFFFF80  }
0x37c: {  	[bflag:$0x0] =	sbarrier.arrive $0xFFFF;
	_ =	sdelay $0x1  }
0x37d: {  	s5 =	simm.s32 $0x1BA60  }
0x37e: {  	[tilespmem:s5], [sflag:$0x2] =	stream.linear.gather [spmem:s3], $0x800, $0x38;
	[tilespmem:$0x1C7E0] =	vst v63  }
0x37f: {  	_ =	swait.ge [sflag:s4], $0x800  }
0x380: {  	[sflag:s4] =	ssyncset.done $0x0  }
0x381: {  	[sflag:s4] =	ssyncadd.s32 $0xFFFFF800  }
0x382: {  	v0 =	vld [tilespmem:$0x1BA60]  }
0x383: {  	v1 =	vld [tilespmem:$0x1BAE0]  }
0x384: {  	v2 =	vld [tilespmem:$0x1BB60]  }
0x385: {  	v3 =	vld [tilespmem:$0x1BBE0]  }
0x386: {  	v9 =	vld [tilespmem:$0x1BC60]  }
0x387: {  	v10 =	vld [tilespmem:$0x1BCE0]  }
0x388: {  	v11 =	vld [tilespmem:$0x1BD60]  }
0x389: {  	v12 =	vld [tilespmem:$0x1BDE0]  }
0x38a: {  	v14 =	vld [tilespmem:$0x1BE60]  }
0x38b: {  	v16 =	vld [tilespmem:$0x1BEE0]  }
0x38c: {  	v18 =	vld [tilespmem:$0x1BF60]  }
0x38d: {  	v4 =	vld [tilespmem:$0x1BFE0]  }
0x38e: {  	v44 =	vld [tilespmem:$0x1C060]  }
0x38f: {  	v45 =	vld [tilespmem:$0x1C0E0]  }
0x390: {  	v46 =	vld [tilespmem:$0x1C160]  }
0x391: {  	v47 =	vld [tilespmem:$0x1C1E0]  }
0x392: {  	v5 =	vld [tilespmem:$0x1BA70]  }
0x393: {  	v7 =	vld [tilespmem:$0x1BAF0]  }
0x394: {  	v19 =	vld [tilespmem:$0x1BB70]  }
0x395: {  	v20 =	vld [tilespmem:$0x1BBF0]  }
0x396: {  	v21 =	vld [tilespmem:$0x1BC70]  }
0x397: {  	v22 =	vld [tilespmem:$0x1BCF0]  }
0x398: {  	v23 =	vld [tilespmem:$0x1BD70]  }
0x399: {  	v24 =	vld [tilespmem:$0x1BDF0]  }
0x39a: {  	v25 =	vld [tilespmem:$0x1BE70]  }
0x39b: {  	v26 =	vld [tilespmem:$0x1BEF0]  }
0x39c: {  	v27 =	vld [tilespmem:$0x1BF70]  }
0x39d: {  	v28 =	vld [tilespmem:$0x1BFF0]  }
0x39e: {  	v29 =	vld [tilespmem:$0x1C070]  }
0x39f: {  	v31 =	vld [tilespmem:$0x1C0F0]  }
0x3a0: {  	v48 =	vld [tilespmem:$0x1C170]  }
0x3a1: {  	v49 =	vld [tilespmem:$0x1C1F0]  }
0x3a2: {  	v8 =	vld [tilespmem:$0x1BA80]  }
0x3a3: {  	v33 =	vld [tilespmem:$0x1BB00]  }
0x3a4: {  	v34 =	vld [tilespmem:$0x1BB80]  }
0x3a5: {  	v35 =	vld [tilespmem:$0x1BC00]  }
0x3a6: {  	v36 =	vld [tilespmem:$0x1BC80]  }
0x3a7: {  	v37 =	vld [tilespmem:$0x1BD00]  }
0x3a8: {  	v38 =	vld [tilespmem:$0x1BD80]  }
0x3a9: {  	v39 =	vld [tilespmem:$0x1BE00]  }
0x3aa: {  	v40 =	vld [tilespmem:$0x1BE80]  }
0x3ab: {  	v41 =	vld [tilespmem:$0x1BF00]  }
0x3ac: {  	v42 =	vld [tilespmem:$0x1BF80]  }
0x3ad: {  	v43 =	vld [tilespmem:$0x1C000]  }
0x3ae: {  	v50 =	vld [tilespmem:$0x1BB90]  }
0x3af: {  	v51 =	vld [tilespmem:$0x1BC10]  }
0x3b0: {  	v52 =	vld [tilespmem:$0x1BC90]  }
0x3b1: {  	v53 =	vld [tilespmem:$0x1BD10]  }
0x3b2: {  	v54 =	vld [tilespmem:$0x1BD90]  }
0x3b3: {  	v55 =	vld [tilespmem:$0x1BE10]  }
0x3b4: {  	v56 =	vld [tilespmem:$0x1BE90]  }
0x3b5: {  	v57 =	vld [tilespmem:$0x1BF10]  }
0x3b6: {  	v58 =	vld [tilespmem:$0x1BF90]  }
0x3b7: {  	v59 =	vld [tilespmem:$0x1C010]  }
0x3b8: {  	v60 =	vld [tilespmem:$0x1C090]  }
0x3b9: {  	v61 =	vld [tilespmem:$0x1C110]  }
0x3ba: {  	v62 =	vld [tilespmem:$0x1C190]  }
0x3bb: {  	v63 =	vld [tilespmem:$0x1C210]  }
0x3bc: {  	v6 =	vld [tilespmem:$0x1BAA0]  }
0x3bd: {  	v13 =	vld [tilespmem:$0x1BBA0]  }
0x3be: {  	v15 =	vld [tilespmem:$0x1BC20]  }
0x3bf: {  	v17 =	vld [tilespmem:$0x1BCA0]  }
0x3c0: {  	v30 =	vld [tilespmem:$0x1BD20]  }
0x3c1: {  	v32 =	vld [tilespmem:$0x1BDA0]  }
0x3c2: {  	[tilespmem:$0x1FF90] =	vst v44;
	v44 =	vld [tilespmem:$0x1C080]  }
0x3c3: {  	[tilespmem:$0x1FFA0] =	vst v45;
	v45 =	vld [tilespmem:$0x1C100]  }
0x3c4: {  	[tilespmem:$0x1FFB0] =	vst v46;
	v46 =	vld [tilespmem:$0x1C180]  }
0x3c5: {  	[tilespmem:$0x1FFD0] =	vst v47;
	v47 =	vld [tilespmem:$0x1C200]  }
0x3c6: {  	[tilespmem:$0x1FFC0] =	vst v48;
	v48 =	vld [tilespmem:$0x1BA90]  }
0x3c7: {  	[tilespmem:$0x1FFE0] =	vst v49;
	v49 =	vld [tilespmem:$0x1BB10]  }
0x3c8: {  	[tilespmem:$0x1FF80] =	vst v4;
	v4 =	vld [tilespmem:$0x1BB20]  }
0x3c9: {  	v0 =	vadd.f32 v1, v0;
	v1 =	vld [tilespmem:$0x1BE20]  }
0x3ca: {  	v5 =	vadd.f32 v7, v5;
	v7 =	vld [tilespmem:$0x1BEA0]  }
0x3cb: {  	[tilespmem:$0x1FFF0] =	vst v32;
	v32 =	vld [tilespmem:$0x1C030]  }
0x3cc: {  	v0 =	vadd.f32 v2, v0;
	v2 =	vadd.f32 v33, v8;
	v8 =	vld [tilespmem:$0x1BF20]  }
0x3cd: {  	v33 =	vadd.f32 v19, v5;
	v19 =	vld [tilespmem:$0x1BFA0]  }
0x3ce: {  	v5 =	vld [tilespmem:$0x1C020]  }
0x3cf: {  	v0 =	vadd.f32 v3, v0;
	v3 =	vld [tilespmem:$0x1C0A0]  }
0x3d0: {  	v2 =	vadd.f32 v34, v2;
	v20 =	vadd.f32 v20, v33;
	v33 =	vld [tilespmem:$0x1BB30]  }
0x3d1: {  	v48 =	vadd.f32 v49, v48;
	v49 =	vld [tilespmem:$0x1FFC0]  }
0x3d2: {  	v34 =	vadd.f32 v35, v2;
	v2 =	vld [tilespmem:$0x1C120]  }
0x3d3: {  	v0 =	vadd.f32 v9, v0;
	v9 =	vld [tilespmem:$0x1C1A0]  }
0x3d4: {  	v35 =	vld [tilespmem:$0x1C230]  }
0x3d5: {  	v20 =	vadd.f32 v21, v20;
	v50 =	vadd.f32 v50, v48;
	v48 =	vld [tilespmem:$0x1BB40]  }
0x3d6: {  	v10 =	vadd.f32 v10, v0;
	v0 =	vld [tilespmem:$0x1C220]  }
0x3d7: {  	v4 =	vadd.f32 v4, v6;
	v20 =	vadd.f32 v22, v20;
	v22 =	vld [tilespmem:$0x1BAB0]  }
0x3d8: {  	v36 =	vadd.f32 v36, v34;
	v34 =	vld [tilespmem:$0x1C130]  }
0x3d9: {  	v4 =	vadd.f32 v13, v4;
	v51 =	vadd.f32 v51, v50;
	v50 =	vld [tilespmem:$0x1BAD0]  }
0x3da: {  	v20 =	vadd.f32 v23, v20;
	v23 =	vld [tilespmem:$0x1BBB0]  }
0x3db: {  	v4 =	vadd.f32 v15, v4;
	v37 =	vadd.f32 v37, v36;
	v36 =	vld [tilespmem:$0x1BDD0]  }
0x3dc: {  	v10 =	vadd.f32 v11, v10;
	v21 =	vadd.f32 v52, v51;
	v51 =	vld [tilespmem:$0x1FFD0]  }
0x3dd: {  	v52 =	vld [tilespmem:$0x1BB50]  }
0x3de: {  	v4 =	vadd.f32 v17, v4;
	v10 =	vadd.f32 v12, v10;
	v12 =	vld [tilespmem:$0x1BC30]  }
0x3df: {  	v11 =	vadd.f32 v38, v37;
	v20 =	vadd.f32 v24, v20;
	v24 =	vld [tilespmem:$0x1BCB0]  }
0x3e0: {  	v37 =	vld [tilespmem:$0x1BE40];
	v21 =	vadd.f32 v53, v21;
	v22 =	vadd.f32 v33, v22  }
0x3e1: {  	v38 =	vld [tilespmem:$0x1FFF0];
	v4 =	vadd.f32 v30, v4;
	v10 =	vadd.f32 v14, v10  }
0x3e2: {  	v53 =	vld [tilespmem:$0x1FFE0];
	v11 =	vadd.f32 v39, v11;
	v20 =	vadd.f32 v25, v20  }
0x3e3: {  	v33 =	vld [tilespmem:$0x1BDC0];
	v21 =	vadd.f32 v54, v21;
	v22 =	vadd.f32 v23, v22  }
0x3e4: {  	v14 =	vld [tilespmem:$0x1BD30];
	v10 =	vadd.f32 v16, v10;
	v11 =	vadd.f32 v40, v11  }
0x3e5: {  	v25 =	vld [tilespmem:$0x1BDB0];
	v20 =	vadd.f32 v26, v20;
	v21 =	vadd.f32 v55, v21  }
0x3e6: {  	v39 =	vld [tilespmem:$0x1BE50];
	v12 =	vadd.f32 v12, v22;
	v4 =	vadd.f32 v38, v4  }
0x3e7: {  	v40 =	vld [tilespmem:$0x1FF80];
	v10 =	vadd.f32 v18, v10;
	v21 =	vadd.f32 v56, v21  }
0x3e8: {  	v54 =	vld [tilespmem:$0x1BBC0];
	v11 =	vadd.f32 v41, v11;
	v20 =	vadd.f32 v27, v20  }
0x3e9: {  	v16 =	vld [tilespmem:$0x1BE30];
	v12 =	vadd.f32 v24, v12;
	v21 =	vadd.f32 v57, v21  }
0x3ea: {  	v41 =	vld [tilespmem:$0x1FF90];
	v1 =	vadd.f32 v1, v4;
	v11 =	vadd.f32 v42, v11  }
0x3eb: {  	v26 =	vld [tilespmem:$0x1BEB0];
	v20 =	vadd.f32 v28, v20;
	v21 =	vadd.f32 v58, v21  }
0x3ec: {  	v10 =	vadd.f32 v40, v10;
	v11 =	vadd.f32 v43, v11;
	v43 =	vld [tilespmem:$0x1BAC0]  }
0x3ed: {  	v55 =	vld [tilespmem:$0x1BBD0];
	v12 =	vadd.f32 v14, v12;
	v21 =	vadd.f32 v59, v21  }
0x3ee: {  	v18 =	vld [tilespmem:$0x1BF30];
	v1 =	vadd.f32 v7, v1;
	v20 =	vadd.f32 v29, v20  }
0x3ef: {  	v56 =	vld [tilespmem:$0x1BC40];
	v10 =	vadd.f32 v41, v10;
	v21 =	vadd.f32 v60, v21  }
0x3f0: {  	v42 =	vld [tilespmem:$0x1FFA0];
	v12 =	vadd.f32 v25, v12;
	v1 =	vadd.f32 v8, v1  }
0x3f1: {  	v58 =	vld [tilespmem:$0x1BC50];
	v57 =	vadd.f32 v48, v43;
	v21 =	vadd.f32 v61, v21  }
0x3f2: {  	v11 =	vadd.f32 v44, v11;
	v59 =	vadd.f32 v52, v50;
	v60 =	vld [tilespmem:$0x1BCC0]  }
0x3f3: {  	v13 =	vadd.f32 v54, v57;
	v61 =	vld [tilespmem:$0x1BCD0];
	v21 =	vadd.f32 v62, v21  }
0x3f4: {  	v20 =	vadd.f32 v31, v20;
	v6 =	vadd.f32 v55, v59;
	v62 =	vld [tilespmem:$0x1BD40]  }
0x3f5: {  	v13 =	vadd.f32 v56, v13;
	v21 =	vadd.f32 v63, v21;
	v63 =	vld [tilespmem:$0x1BD50]  }
0x3f6: {  	v27 =	vld [tilespmem:$0x1BFB0];
	v10 =	vadd.f32 v42, v10;
	v6 =	vadd.f32 v58, v6  }
0x3f7: {  	v28 =	vld [tilespmem:$0x1C0B0];
	v12 =	vadd.f32 v16, v12;
	v13 =	vadd.f32 v60, v13  }
0x3f8: {  	v44 =	vld [tilespmem:$0x1FFB0];
	v1 =	vadd.f32 v19, v1;
	v6 =	vadd.f32 v61, v6  }
0x3f9: {  	v40 =	vld [tilespmem:$0x1BEC0];
	v11 =	vadd.f32 v45, v11;
	v13 =	vadd.f32 v62, v13  }
0x3fa: {  	v29 =	vld [tilespmem:$0x1C1B0];
	v20 =	vadd.f32 v49, v20;
	v6 =	vadd.f32 v63, v6  }
0x3fb: {  	v42 =	vld [tilespmem:$0x1BED0];
	v12 =	vadd.f32 v26, v12;
	v41 =	vadd.f32 v33, v13  }
0x3fc: {  	v43 =	vld [tilespmem:$0x1BF40];
	v1 =	vadd.f32 v5, v1;
	v6 =	vadd.f32 v36, v6  }
0x3fd: {  	v10 =	vadd.f32 v44, v10;
	v44 =	vld [tilespmem:$0x1BF50];
	v4 =	vadd.f32 v37, v41  }
0x3fe: {  	v45 =	vld [tilespmem:$0x1BFC0];
	v11 =	vadd.f32 v46, v11;
	v6 =	vadd.f32 v39, v6  }
0x3ff: {  	v46 =	vld [tilespmem:$0x1BFD0];
	v12 =	vadd.f32 v18, v12;
	v4 =	vadd.f32 v40, v4  }
0x400: {  	v11 =	vadd.f32 v47, v11;
	v47 =	vld [tilespmem:$0x1C040];
	v6 =	vadd.f32 v42, v6  }
0x401: {  	v48 =	vld [tilespmem:$0x1C050];
	v20 =	vadd.f32 v53, v20;
	v4 =	vadd.f32 v43, v4  }
0x402: {  	v49 =	vld [tilespmem:$0x1C0C0];
	v12 =	vadd.f32 v27, v12;
	v6 =	vadd.f32 v44, v6  }
0x403: {  	v50 =	vld [tilespmem:$0x1C0D0];
	v10 =	vadd.f32 v51, v10;
	v4 =	vadd.f32 v45, v4  }
0x404: {  	v51 =	vld [tilespmem:$0x1C140];
	v12 =	vadd.f32 v32, v12;
	v6 =	vadd.f32 v46, v6  }
0x405: {  	v53 =	vld [tilespmem:$0x1C150];
	v1 =	vadd.f32 v3, v1;
	v52 =	vadd.f32 v47, v4  }
0x406: {  	v54 =	vld [tilespmem:$0x1C1C0];
	v12 =	vadd.f32 v28, v12;
	v6 =	vadd.f32 v48, v6  }
0x407: {  	v1 =	vadd.f32 v2, v1;
	v56 =	vld [tilespmem:$0x1C1D0];
	v55 =	vadd.f32 v49, v52  }
0x408: {  	v58 =	vld [tilespmem:$0x1C240];
	v57 =	vadd.f32 v34, v12;
	v5 =	vadd.f32 v50, v6  }
0x409: {  	v59 =	vld [tilespmem:$0x1C250];
	[tilespmem:$0x1B9F0] =	vst v20;
	v1 =	vadd.f32 v9, v1;
	v2 =	vadd.f32 v51, v55  }
0x40a: {  	[tilespmem:$0x1BA00] =	vst v11;
	v7 =	vadd.f32 v29, v57;
	v4 =	vadd.f32 v53, v5  }
0x40b: {  	[tilespmem:$0x1B9E0] =	vst v10;
	v0 =	vadd.f32 v0, v1;
	v60 =	vadd.f32 v54, v2  }
0x40c: {  	[tilespmem:$0x1BA10] =	vst v21;
	v61 =	vadd.f32 v35, v7;
	v3 =	vadd.f32 v56, v4  }
0x40d: {  	[tilespmem:$0x1BA20] =	vst v0;
	v62 =	vadd.f32 v58, v60  }
0x40e: {  	[tilespmem:$0x1BA30] =	vst v61;
	v63 =	vadd.f32 v59, v3  }
0x40f: {  	[tilespmem:$0x1BA40] =	vst v62  }
0x410: {  	s31 =	simm.s32 $0x0;
	[tilespmem:$0x1BA50] =	vst v63  }
0x411: {  	[hbm4b:s1+s31] =	stream.linear.scatter [tilespmem:s6], [sflag:$0x2], $0x80, $0x38;
	[tilespmem:$0x1C7E0] =	vst v63  }
0x412: {  	_ =	swait.ge [sflag:s4], $0x80  }
0x413: {  	[sflag:s4] =	ssyncset.done $0x0  }
0x414: {  	[sflag:s4] =	ssyncadd.s32 $0xFFFFFF80  }
.LBB2_33:
0x415: {  	_ =	sfence.sel $0x180000  }
0x416: {  	[bflag:$0x0] =	sbarrier.arrive $0xFFFF  }
0x417: {  	p0 =	sne.s32 s2, $0x0;
	_ =	strace $0x90000047  }
0x418: {  	s0 =	sadd.s32 @!p0 $0x100000, s0;
	[bflag:$0x2] =	sbarrier.arrive $0xFFFF  }
0x419: {  	[sflag:s0] =	ssyncadd.tile.s32 @!p0 $0x1;
	_ =	shalt  }
.Lfunc_end2:
_tile_overlayer_lowered:
.L_overlay_start_2:
0x41a: {  	(tag) =	ssettag $0x2  }
0x41b: {  	s0 =	rddreg [dreg:$0x0];
	s2 =	stileid.u32  }
0x41c: {  	s1 =	rddreg [dreg:$0x1];
	p0 =	sne.s32 s2, $0x0  }
0x41d: {  	s3 =	rddreg [dreg:$0x2];
	[bflag:$0x3] =	sbarrier.arrive $0xFFFF;
	s2 =	simm.s32 @!p0 $0x1C02  }
0x41e: {  	[timem:s3], [sflag:s2] =	dma.local @!p0 [hbm:s0], s1  }
0x41f: {  	s0 =	simm.s32 @!p0 $0x2  }
0x420: {  	_ =	swait.ge @!p0 [sflag:s0], s1  }
0x421: {  	s1 =	ssub.s32 @!p0 $0x0, s1;
	[sflag:s0] =	ssyncset.done @!p0 $0x0  }
0x422: {  	[sflag:s0] =	ssyncadd.s32 @!p0 s1  }
0x423: {  	[bflag:$0x3] =	sbarrier.arrive $0xFFFF  }
0x424: {  	_ =	shalt  }

</sc_bundles>
